<compile_context>
chip_gen: v7x
topology: tpu7x:2x2x1
jax: 0.10.2.dev20260603
libtpu: 0.0.44.dev20260713+nightly
codegen_flags: <defaults>
</compile_context>

<pallas_src>
import functools

import jax
import jax.numpy as jnp
from jax import lax
from jax.experimental import pallas as pl
from jax.experimental.pallas import tpu as pltpu
from jax.experimental.pallas import tpu_sc as plsc

N = 10000
E = 320000
EL = 200000
ELP = 204800
H = 128

NC = 2
NS = 16
NW = NC * NS
ZR = 40
NRC = N // ZR

_MESH = plsc.VectorSubcoreMesh(core_axis_name="c", subcore_axis_name="s")


def _fill_vmem(ref, rows, width, value):
    per_row = width // 16

    def body(i, _):
        ref[i // per_row, pl.ds((i % per_row) * 16, 16)] = jnp.full(
            (16,), value, jnp.float32)
        return 0

    lax.fori_loop(0, rows * per_row, body, 0)


def _row_chunk_loop(s, fn):

    def body(j, _):
        fn(pl.multiple_of((j * NS + s) * ZR, 8))
        return 0

    lax.fori_loop(0, NRC // NS, body, 0)

    @pl.when(s < NRC % NS)
    def _():
        fn(pl.multiple_of(((NRC // NS) * NS + s) * ZR, 8))


CA = 64
EP = 321536
FULL = EP // CA // NW
CD = 80
DFULL = ELP // CD // NW
NB = 4
NBD = 4
NI = 8


def _sc_aggregate(x, src, dst):

    @functools.partial(
        pl.kernel,
        out_type=jax.ShapeDtypeStruct((NC, N, H), jnp.float32),
        mesh=_MESH,
        scratch_types=[
            pltpu.VMEM((NI, CA), jnp.int32),
            pltpu.VMEM((NI, CA), jnp.int32),
            pltpu.VMEM((NB, CA, H), jnp.float32),
            pltpu.VMEM((ZR, H), jnp.float32),
            pltpu.VMEM_SHARED((N + 64, H), jnp.float32),
            pltpu.SemaphoreType.DMA((NB,)),
            pltpu.SemaphoreType.DMA((NB,)),
            pltpu.SemaphoreType.DMA((NB,)),
        ])
    def k(x_hbm, src_hbm, dst_hbm, p_hbm, sidx, didx, bufs, zbuf, acc_sh,
          sem_i, sem_g, sem_s):
        c = lax.axis_index("c")
        s = lax.axis_index("s")
        wid = s * NC + c

        _fill_vmem(zbuf, ZR, H, 0.0)
        _row_chunk_loop(
            s, lambda r: pltpu.sync_copy(zbuf, acc_sh.at[pl.ds(r, ZR)]))
        plsc.subcore_barrier()

        cb = wid * FULL

        def issue_idx(j):
            off = pl.multiple_of((cb + j) * CA, 8)
            pltpu.async_copy(src_hbm.at[pl.ds(off, CA)], sidx.at[j % NI],
                             sem_i.at[j % NB])
            pltpu.async_copy(dst_hbm.at[pl.ds(off, CA)], didx.at[j % NI],
                             sem_i.at[j % NB])

        def wait_idx(j):
            pltpu.make_async_copy(src_hbm.at[pl.ds(0, CA)], sidx.at[0],
                                  sem_i.at[j % NB]).wait()
            pltpu.make_async_copy(dst_hbm.at[pl.ds(0, CA)], didx.at[0],
                                  sem_i.at[j % NB]).wait()

        def start_gather(j):
            pltpu.async_copy(x_hbm.at[sidx.at[j % NI]], bufs.at[j % NB],
                             sem_g.at[j % NB])

        def wait_gather(j):
            pltpu.make_async_copy(x_hbm.at[sidx.at[j % NI]], bufs.at[j % NB],
                                  sem_g.at[j % NB]).wait()

        def start_scatter(j):
            pltpu.async_copy(bufs.at[j % NB], acc_sh.at[didx.at[j % NI]],
                             sem_s.at[j % NB], add=True)

        def wait_scatter(j):
            pltpu.make_async_copy(bufs.at[j % NB],
                                  acc_sh.at[didx.at[j % NI]],
                                  sem_s.at[j % NB]).wait()

        issue_idx(0)
        issue_idx(1)

        def body(i, _):
            @pl.when(i + 2 < FULL)
            def _():
                issue_idx(i + 2)

            @pl.when(i >= NB)
            def _():
                wait_scatter(i - NB)

            wait_idx(i)
            start_gather(i)

            @pl.when(i >= 2)
            def _():
                wait_gather(i - 2)
                start_scatter(i - 2)

            return 0

        lax.fori_loop(0, FULL, body, 0)
        for j in (FULL - 2, FULL - 1):
            wait_gather(j)
            start_scatter(j)
        for j in range(FULL - NB, FULL):
            wait_scatter(j)
        plsc.subcore_barrier()

        def dump(r):
            pltpu.sync_copy(acc_sh.at[pl.ds(r, ZR)], zbuf)
            pltpu.sync_copy(zbuf, p_hbm.at[c, pl.ds(r, ZR)])

        _row_chunk_loop(s, dump)

    return k(x, src, dst)


def _sc_degree(dst):

    @functools.partial(
        pl.kernel,
        out_type=jax.ShapeDtypeStruct((NC, N, H), jnp.float32),
        mesh=_MESH,
        scratch_types=[
            pltpu.VMEM((NI, CA), jnp.int32),
            pltpu.VMEM((CA, H), jnp.float32),
            pltpu.VMEM((ZR, H), jnp.float32),
            pltpu.VMEM_SHARED((N + 64, H), jnp.float32),
            pltpu.SemaphoreType.DMA((NB,)),
            pltpu.SemaphoreType.DMA((NB,)),
        ])
    def k(dst_hbm, d_hbm, didx, ones, zbuf, acc_sh, sem_i, sem_s):
        c = lax.axis_index("c")
        s = lax.axis_index("s")
        wid = s * NC + c

        _fill_vmem(zbuf, ZR, H, 0.0)
        _row_chunk_loop(
            s, lambda r: pltpu.sync_copy(zbuf, acc_sh.at[pl.ds(r, ZR)]))
        _fill_vmem(ones, CA, H, 1.0)
        plsc.subcore_barrier()

        cb = wid * FULL

        def issue_idx(j):
            off = pl.multiple_of((cb + j) * CA, 8)
            pltpu.async_copy(dst_hbm.at[pl.ds(off, CA)], didx.at[j % NI],
                             sem_i.at[j % NB])

        def wait_idx(j):
            pltpu.make_async_copy(dst_hbm.at[pl.ds(0, CA)], didx.at[0],
                                  sem_i.at[j % NB]).wait()

        def start_scatter(j):
            pltpu.async_copy(ones, acc_sh.at[didx.at[j % NI]],
                             sem_s.at[j % NB], add=True)

        def wait_scatter(j):
            pltpu.make_async_copy(ones, acc_sh.at[didx.at[j % NI]],
                                  sem_s.at[j % NB]).wait()

        issue_idx(0)
        issue_idx(1)

        def body(i, _):
            @pl.when(i + 2 < FULL)
            def _():
                issue_idx(i + 2)

            @pl.when(i >= NB)
            def _():
                wait_scatter(i - NB)

            wait_idx(i)
            start_scatter(i)
            return 0

        lax.fori_loop(0, FULL, body, 0)
        for j in range(FULL - NB, FULL):
            wait_scatter(j)
        plsc.subcore_barrier()

        def dump(r):
            pltpu.sync_copy(acc_sh.at[pl.ds(r, ZR)], zbuf)
            pltpu.sync_copy(zbuf, d_hbm.at[c, pl.ds(r, ZR)])

        _row_chunk_loop(s, dump)

    return k(dst)


def _sc_decoder_gather(a, b, ls, ld):

    @functools.partial(
        pl.kernel,
        out_type=jax.ShapeDtypeStruct((ELP, H), jnp.float32),
        mesh=_MESH,
        scratch_types=[
            pltpu.VMEM((NI, CD), jnp.int32),
            pltpu.VMEM((NI, CD), jnp.int32),
            pltpu.VMEM((NBD, CD, H), jnp.float32),
            pltpu.SemaphoreType.DMA((NBD,)),
            pltpu.SemaphoreType.DMA((NBD,)),
            pltpu.SemaphoreType.DMA((NBD,)),
            pltpu.SemaphoreType.DMA((NBD,)),
        ])
    def k(a_hbm, b_hbm, ls_hbm, ld_hbm, s_hbm, lidx, didx, bufs,
          sem_i, sem_a, sem_b, sem_o):
        c = lax.axis_index("c")
        s = lax.axis_index("s")
        wid = s * NC + c

        def chunk_off(j):
            return pl.multiple_of((j * NW + wid) * CD, 8)

        def issue_idx(j):
            off = chunk_off(j)
            pltpu.async_copy(ls_hbm.at[pl.ds(off, CD)], lidx.at[j % NI],
                             sem_i.at[j % NBD])
            pltpu.async_copy(ld_hbm.at[pl.ds(off, CD)], didx.at[j % NI],
                             sem_i.at[j % NBD])

        def wait_idx(j):
            pltpu.make_async_copy(ls_hbm.at[pl.ds(0, CD)], lidx.at[0],
                                  sem_i.at[j % NBD]).wait()
            pltpu.make_async_copy(ld_hbm.at[pl.ds(0, CD)], didx.at[0],
                                  sem_i.at[j % NBD]).wait()

        def start_a(j):
            pltpu.async_copy(a_hbm.at[lidx.at[j % NI]], bufs.at[j % NBD],
                             sem_a.at[j % NBD])

        def wait_a(j):
            pltpu.make_async_copy(a_hbm.at[lidx.at[j % NI]], bufs.at[j % NBD],
                                  sem_a.at[j % NBD]).wait()

        def start_b(j):
            pltpu.async_copy(b_hbm.at[didx.at[j % NI]], bufs.at[j % NBD],
                             sem_b.at[j % NBD], add=True)

        def wait_b(j):
            pltpu.make_async_copy(b_hbm.at[didx.at[j % NI]], bufs.at[j % NBD],
                                  sem_b.at[j % NBD]).wait()

        def start_store(j):
            pltpu.async_copy(bufs.at[j % NBD],
                             s_hbm.at[pl.ds(chunk_off(j), CD)],
                             sem_o.at[j % NBD])

        def wait_store(j):
            pltpu.make_async_copy(bufs.at[j % NBD],
                                  s_hbm.at[pl.ds(chunk_off(j), CD)],
                                  sem_o.at[j % NBD]).wait()

        issue_idx(0)
        issue_idx(1)

        def body(i, _):
            @pl.when(i + 2 < DFULL)
            def _():
                issue_idx(i + 2)

            @pl.when(i >= NBD)
            def _():
                wait_store(i - NBD)

            wait_idx(i)
            start_a(i)

            @pl.when(i >= 1)
            def _():
                wait_a(i - 1)
                start_b(i - 1)

            @pl.when(i >= 2)
            def _():
                wait_b(i - 2)
                start_store(i - 2)

            return 0

        lax.fori_loop(0, DFULL, body, 0)
        wait_a(DFULL - 1)
        start_b(DFULL - 1)
        for j in (DFULL - 2, DFULL - 1):
            wait_b(j)
            start_store(j)
        for j in range(DFULL - NBD, DFULL):
            wait_store(j)

    return k(a, b, ls, ld)


_ROWS = 2000


def _tc_layer1(P, Dp, x, Wl, Wr, bias, gamma, beta, mean, var):

    def body(p0, p1, d0, d1, xb, wl, wr, bv, gv, bev, mv, vv, ob, rd):
        deg = jnp.maximum(d0[0][:, 0:1] + d1[0][:, 0:1], 1.0)
        rdeg = 1.0 / deg
        agg = (p0[0] + p1[0]) * rdeg
        h = (lax.dot_general(agg, wl[...], (((1,), (1,)), ((), ())))
             + lax.dot_general(xb[...], wr[...], (((1,), (1,)), ((), ())))
             + bv[...])
        h = (h - mv[...]) * lax.rsqrt(vv[...] + 1e-5) * gv[...] + bev[...]
        ob[...] = jnp.maximum(h, 0.0)
        rd[...] = jnp.broadcast_to(rdeg, (rdeg.shape[0], 16))

    vec = pl.BlockSpec((1, H), lambda i: (0, 0))
    return pl.pallas_call(
        body,
        grid=(N // _ROWS,),
        in_specs=[
            pl.BlockSpec((1, _ROWS, H), lambda i: (0, i, 0)),
            pl.BlockSpec((1, _ROWS, H), lambda i: (1, i, 0)),
            pl.BlockSpec((1, _ROWS, H), lambda i: (0, i, 0)),
            pl.BlockSpec((1, _ROWS, H), lambda i: (1, i, 0)),
            pl.BlockSpec((_ROWS, H), lambda i: (i, 0)),
            pl.BlockSpec((H, H), lambda i: (0, 0)),
            pl.BlockSpec((H, H), lambda i: (0, 0)),
            vec, vec, vec, vec, vec,
        ],
        out_specs=[
            pl.BlockSpec((_ROWS, H), lambda i: (i, 0)),
            pl.BlockSpec((_ROWS, 16), lambda i: (i, 0)),
        ],
        out_shape=[
            jax.ShapeDtypeStruct((N, H), jnp.float32),
            jax.ShapeDtypeStruct((N, 16), jnp.float32),
        ],
    )(P, P, Dp, Dp, x, Wl, Wr, bias, gamma, beta, mean, var)


def _tc_layer2(P, rdeg, x, Wl, Wr, bias, gamma, beta, mean, var):

    def body(p0, p1, rd, xb, wl, wr, bv, gv, bev, mv, vv, ob):
        agg = (p0[0] + p1[0]) * rd[:, 0:1]
        h = (lax.dot_general(agg, wl[...], (((1,), (1,)), ((), ())))
             + lax.dot_general(xb[...], wr[...], (((1,), (1,)), ((), ())))
             + bv[...])
        h = (h - mv[...]) * lax.rsqrt(vv[...] + 1e-5) * gv[...] + bev[...]
        ob[...] = jnp.maximum(h, 0.0)

    vec = pl.BlockSpec((1, H), lambda i: (0, 0))
    return pl.pallas_call(
        body,
        grid=(N // _ROWS,),
        in_specs=[
            pl.BlockSpec((1, _ROWS, H), lambda i: (0, i, 0)),
            pl.BlockSpec((1, _ROWS, H), lambda i: (1, i, 0)),
            pl.BlockSpec((_ROWS, 16), lambda i: (i, 0)),
            pl.BlockSpec((_ROWS, H), lambda i: (i, 0)),
            pl.BlockSpec((H, H), lambda i: (0, 0)),
            pl.BlockSpec((H, H), lambda i: (0, 0)),
            vec, vec, vec, vec, vec,
        ],
        out_specs=pl.BlockSpec((_ROWS, H), lambda i: (i, 0)),
        out_shape=jax.ShapeDtypeStruct((N, H), jnp.float32),
    )(P, P, rdeg, x, Wl, Wr, bias, gamma, beta, mean, var)


def _tc_layer3_fused(P, rdeg, x, W3l, W3r, b3, Wd1a, Wd1b, bd1):

    def body(p0, p1, rd, xb, wl, wr, bv, wa, wb, bdv, a_ref, b_ref):
        agg = (p0[0] + p1[0]) * rd[:, 0:1]
        z = (lax.dot_general(agg, wl[...], (((1,), (1,)), ((), ())))
             + lax.dot_general(xb[...], wr[...], (((1,), (1,)), ((), ())))
             + bv[...])
        a_ref[...] = lax.dot_general(z, wa[...], (((1,), (1,)), ((), ()))) + bdv[...]
        b_ref[...] = lax.dot_general(z, wb[...], (((1,), (1,)), ((), ())))

    vec = pl.BlockSpec((1, H), lambda i: (0, 0))
    mat = pl.BlockSpec((H, H), lambda i: (0, 0))
    return pl.pallas_call(
        body,
        grid=(N // _ROWS,),
        in_specs=[
            pl.BlockSpec((1, _ROWS, H), lambda i: (0, i, 0)),
            pl.BlockSpec((1, _ROWS, H), lambda i: (1, i, 0)),
            pl.BlockSpec((_ROWS, 16), lambda i: (i, 0)),
            pl.BlockSpec((_ROWS, H), lambda i: (i, 0)),
            mat, mat, vec, mat, mat, vec,
        ],
        out_specs=[
            pl.BlockSpec((_ROWS, H), lambda i: (i, 0)),
            pl.BlockSpec((_ROWS, H), lambda i: (i, 0)),
        ],
        out_shape=[
            jax.ShapeDtypeStruct((N, H), jnp.float32),
            jax.ShapeDtypeStruct((N, H), jnp.float32),
        ],
    )(P, P, rdeg, x, W3l, W3r, b3, Wd1a, Wd1b, bd1)


_EROWS = 8192


def _tc_decoder_out(S, wd2, bd2):
    nb = ELP // _EROWS

    def body(sb, wv, b2, ob):
        h = jnp.maximum(sb[...], 0.0)
        ob[...] = jnp.sum(h * wv[...], axis=1) + b2[0, 0]

    out2 = pl.pallas_call(
        body,
        grid=(nb,),
        in_specs=[
            pl.BlockSpec((_EROWS, H), lambda i: (i, 0)),
            pl.BlockSpec((1, H), lambda i: (0, 0)),
            pl.BlockSpec((1, 1), lambda i: (0, 0)),
        ],
        out_specs=pl.BlockSpec((_EROWS,), lambda i: (i,)),
        out_shape=jax.ShapeDtypeStruct((ELP,), jnp.float32),
    )(S, wd2, bd2)
    return out2[:EL]


def kernel(x, edge_index, edge_label_index, W1l, W1r, b1, g1, be1, m1, v1,
           W2l, W2r, b2, g2, be2, m2, v2, W3l, W3r, b3, Wd1, bd1, Wd2, bd2):
    zpad = jnp.zeros((EP - E,), jnp.int32)
    src = jnp.concatenate([edge_index[0], zpad])
    dpad = N + (jnp.arange(EP - E, dtype=jnp.int32) % 64)
    dst = jnp.concatenate([edge_index[1], dpad])
    lpad = jnp.arange(ELP - EL, dtype=jnp.int32) % N
    ls = jnp.concatenate([edge_label_index[0], lpad])
    ld = jnp.concatenate([edge_label_index[1], lpad])
    row = lambda v: v.reshape(1, H)
    Wd1a, Wd1b = Wd1[:, :H], Wd1[:, H:]

    Dp = _sc_degree(dst)
    P1 = _sc_aggregate(x, src, dst)
    h1, rdeg = _tc_layer1(P1, Dp, x, W1l, W1r, row(b1), row(g1), row(be1),
                          row(m1), row(v1))
    P2 = _sc_aggregate(h1, src, dst)
    h2 = _tc_layer2(P2, rdeg, h1, W2l, W2r, row(b2), row(g2), row(be2),
                    row(m2), row(v2))
    P3 = _sc_aggregate(h2, src, dst)
    A, B = _tc_layer3_fused(P3, rdeg, h2, W3l, W3r, row(b3), Wd1a, Wd1b,
                            row(bd1))
    S = _sc_decoder_gather(A, B, ls, ld)
    return _tc_decoder_out(S, Wd2.reshape(1, H), bd2.reshape(1, 1))

# --- scband reference (transcript-rebuilt; emitter-appended) ---
"""Pipeline reference for scband-simple-graph-sage-33947421508071 (READ-ONLY COPY).

The authoritative reference and input builder live on the scoring server;
editing this copy changes nothing except your own understanding.
"""

import jax, jax.numpy as jnp
import numpy as np

N = 10000
E = 320000
EL = 200000
D = 128
H = 128


def _sage_conv(x, src, dst, Wl, Wr, b):
    n = x.shape[0]
    msg = jnp.take(x, src, axis=0)
    agg = jax.ops.segment_sum(msg, dst, num_segments=n)
    deg = jax.ops.segment_sum(jnp.ones((src.shape[0],), x.dtype), dst, num_segments=n)
    agg = agg / jnp.clip(deg, 1.0, None)[:, None]
    return agg @ Wl.T + x @ Wr.T + b


def _bn(h, gamma, beta, mean, var):
    return (h - mean) / jnp.sqrt(var + 1e-5) * gamma + beta


def setup_inputs(seed: int = 0):
    key = jax.random.key(seed)
    ks = jax.random.split(key, 24)
    s = 0.05
    inp = {}
    inp["x"] = jax.random.normal(ks[0], (N, D), dtype=jnp.float32)
    inp["edge_index"] = jax.random.randint(ks[1], (2, E), 0, N, dtype=jnp.int32)
    inp["edge_label_index"] = jax.random.randint(ks[2], (2, EL), 0, N, dtype=jnp.int32)
    inp["W1l"] = jax.random.normal(ks[3], (H, D), dtype=jnp.float32) * s
    inp["W1r"] = jax.random.normal(ks[4], (H, D), dtype=jnp.float32) * s
    inp["b1"] = jnp.zeros((H,), jnp.float32)
    inp["g1"] = jnp.ones((H,), jnp.float32)
    inp["be1"] = jnp.zeros((H,), jnp.float32)
    inp["m1"] = jnp.zeros((H,), jnp.float32)
    inp["v1"] = jnp.ones((H,), jnp.float32)
    inp["W2l"] = jax.random.normal(ks[5], (H, H), dtype=jnp.float32) * s
    inp["W2r"] = jax.random.normal(ks[6], (H, H), dtype=jnp.float32) * s
    inp["b2"] = jnp.zeros((H,), jnp.float32)
    inp["g2"] = jnp.ones((H,), jnp.float32)
    inp["be2"] = jnp.zeros((H,), jnp.float32)
    inp["m2"] = jnp.zeros((H,), jnp.float32)
    inp["v2"] = jnp.ones((H,), jnp.float32)
    inp["W3l"] = jax.random.normal(ks[7], (H, H), dtype=jnp.float32) * s
    inp["W3r"] = jax.random.normal(ks[8], (H, H), dtype=jnp.float32) * s
    inp["b3"] = jnp.zeros((H,), jnp.float32)
    inp["Wd1"] = jax.random.normal(ks[9], (H, 2 * H), dtype=jnp.float32) * s
    inp["bd1"] = jnp.zeros((H,), jnp.float32)
    inp["Wd2"] = jax.random.normal(ks[10], (1, H), dtype=jnp.float32) * s
    inp["bd2"] = jnp.zeros((1,), jnp.float32)
    return inp


def reference(x, edge_index, edge_label_index, W1l, W1r, b1, g1, be1, m1, v1, W2l, W2r, b2, g2, be2, m2, v2, W3l, W3r, b3, Wd1, bd1, Wd2, bd2):
    src, dst = edge_index[0], edge_index[1]
    h1 = jax.nn.relu(_bn(_sage_conv(x, src, dst, W1l, W1r, b1), g1, be1, m1, v1))
    h2 = jax.nn.relu(_bn(_sage_conv(h1, src, dst, W2l, W2r, b2), g2, be2, m2, v2))
    z = _sage_conv(h2, src, dst, W3l, W3r, b3)
    ls, ld = edge_label_index[0], edge_label_index[1]
    h = jnp.concatenate([jnp.take(z, ls, axis=0), jnp.take(z, ld, axis=0)], axis=1)
    h = jax.nn.relu(h @ Wd1.T + bd1)
    out = h @ Wd2.T + bd2
    return out.reshape(-1)

if __name__ == "__main__":
    import jax
    _d = setup_inputs()
    print(jax.jit(kernel)(*tuple(_d.values())))

</pallas_src>

<mosaic_0001>
#map = affine_map<(d0, d1) -> (0, 0)>
#map1 = affine_map<(d0, d1) -> (0)>
#map2 = affine_map<(d0, d1) -> (0, 0, 0)>
module attributes {stable_mosaic.version = 14 : i64} {
  func.func @k(%arg0: i32, %arg1: i32, %arg2: memref<10000x128xf32, #tpu.memory_space<hbm>>, %arg3: memref<321536xi32, #tpu.memory_space<hbm>>, %arg4: memref<321536xi32, #tpu.memory_space<hbm>>, %arg5: memref<2x10000x128xf32, #tpu.memory_space<hbm>>, %arg6: memref<8x64xi32, #tpu.memory_space<vmem>>, %arg7: memref<8x64xi32, #tpu.memory_space<vmem>>, %arg8: memref<4x64x128xf32, #tpu.memory_space<vmem>>, %arg9: memref<40x128xf32, #tpu.memory_space<vmem>>, %arg10: memref<10064x128xf32, #tpu.memory_space<vmem_shared>>, %arg11: memref<4x!tpu.dma_semaphore, #tpu.memory_space<semaphore_mem>>, %arg12: memref<4x!tpu.dma_semaphore, #tpu.memory_space<semaphore_mem>>, %arg13: memref<4x!tpu.dma_semaphore, #tpu.memory_space<semaphore_mem>>) attributes {dimension_semantics = [#tpu.dimension_semantics<core_parallel>, #tpu.dimension_semantics<subcore_parallel>], iteration_bounds = array<i64: 2, 16>, scalar_prefetch = 0 : i64, scratch_operands = 8 : i64, tpu.core_type = #tpu.core_type<sc_vector_subcore>, window_params = [{transform_indices = #map}, {transform_indices = #map1}, {transform_indices = #map1}, {transform_indices = #map2}]} {
    %mul3A = arith.constant 2 : i32
    %mul3A_0 = arith.muli %arg1, %mul3A : i32
    %add3A = arith.addi %mul3A_0, %arg0 : i32
    %scan3A = arith.constant 0 : i32
    %scan3A_1 = arith.constant 0 : i32
    %scan3A_2 = arith.constant 320 : i32
    %scan3A_3 = arith.addi %scan3A_1, %scan3A_2 : i32
    %scan3A_4 = arith.constant 1 : i32
    %scan3A_5 = scf.for %scan3A_213 = %scan3A_1 to %scan3A_3 step %scan3A_4 iter_args(%scan3A_214 = %scan3A) -> (i32)  : i32 {
      %broadcast_in_dim3A = arith.constant 0.000000e+00 : f32
      %broadcast_in_dim3A_215 = vector.broadcast %broadcast_in_dim3A : f32 to vector<16xf32>
      %jit3A = arith.constant 8 : i32
      %div3A = arith.divsi %scan3A_213, %jit3A : i32
      %sign3A = arith.constant 0 : i32
      %sign3A_216 = arith.cmpi sgt, %scan3A_213, %sign3A : i32
      %sign3A_217 = arith.extui %sign3A_216 : i1 to i32
      %sign3A_218 = arith.constant 0 : i32
      %sign3A_219 = arith.cmpi slt, %scan3A_213, %sign3A_218 : i32
      %sign3A_220 = arith.extui %sign3A_219 : i1 to i32
      %sign3A_221 = arith.subi %sign3A_217, %sign3A_220 : i32
      %sign3A_222 = arith.constant 0 : i32
      %sign3A_223 = arith.cmpi sgt, %jit3A, %sign3A_222 : i32
      %sign3A_224 = arith.extui %sign3A_223 : i1 to i32
      %sign3A_225 = arith.constant 0 : i32
      %sign3A_226 = arith.cmpi slt, %jit3A, %sign3A_225 : i32
      %sign3A_227 = arith.extui %sign3A_226 : i1 to i32
      %sign3A_228 = arith.subi %sign3A_224, %sign3A_227 : i32
      %ne3A = arith.cmpi ne, %sign3A_221, %sign3A_228 : i32
      %rem3A = arith.remsi %scan3A_213, %jit3A : i32
      %ne3A_229 = arith.constant 0 : i32
      %ne3A_230 = arith.cmpi ne, %rem3A, %ne3A_229 : i32
      %and3A = arith.andi %ne3A, %ne3A_230 : i1
      %sub3A = arith.constant 1 : i32
      %sub3A_231 = arith.subi %div3A, %sub3A : i32
      %select_n3A = arith.select %and3A, %sub3A_231, %div3A : i32
      %jit3A_232 = arith.constant 8 : i32
      %eq3A = arith.constant 0 : i32
      %eq3A_233 = arith.cmpi eq, %jit3A_232, %eq3A : i32
      %jit3A_234 = arith.constant 1 : i32
      %select_n3A_235 = arith.select %eq3A_233, %jit3A_234, %jit3A_232 : i32
      %rem3A_236 = arith.remsi %scan3A_213, %select_n3A_235 : i32
      %ne3A_237 = arith.constant 0 : i32
      %ne3A_238 = arith.cmpi ne, %rem3A_236, %ne3A_237 : i32
      %lt3A_239 = arith.constant 0 : i32
      %lt3A_240 = arith.cmpi slt, %rem3A_236, %lt3A_239 : i32
      %lt3A_241 = arith.constant 0 : i32
      %lt3A_242 = arith.cmpi slt, %select_n3A_235, %lt3A_241 : i32
      %ne3A_243 = arith.xori %lt3A_240, %lt3A_242 : i1
      %and3A_244 = arith.andi %ne3A_243, %ne3A_238 : i1
      %add3A_245 = arith.addi %rem3A_236, %select_n3A_235 : i32
      %select_n3A_246 = arith.select %and3A_244, %add3A_245, %rem3A_236 : i32
      %mul3A_247 = arith.constant 16 : i32
      %mul3A_248 = arith.muli %select_n3A_246, %mul3A_247 : i32
      %swap3A = arith.index_cast %select_n3A : i32 to index
      %swap3A_249 = arith.index_cast %mul3A_248 : i32 to index
      %swap3A_250 = tpu.vector_load %arg9[%swap3A, %swap3A_249] {strides = array<i32>} : memref<40x128xf32, #tpu.memory_space<vmem>>, vector<1x16xf32>,
      %swap3A_251 = vector.shape_cast %swap3A_250 : vector<1x16xf32> to vector<16xf32>
      %swap3A_252 = vector.shape_cast %broadcast_in_dim3A_215 : vector<16xf32> to vector<1x16xf32>
      tpu.vector_store %arg9[%swap3A, %swap3A_249], %swap3A_252 {strides = array<i32>} : memref<40x128xf32, #tpu.memory_space<vmem>>, vector<1x16xf32>,
      %scan3A_253 = arith.constant 0 : i32
      scf.yield %scan3A_253 : i32
    }
    %scan3A_6 = arith.constant 320 : i32
    %scan3A_7 = arith.constant 0 : i32
    %scan3A_8 = arith.constant 0 : i32
    %scan3A_9 = arith.constant 15 : i32
    %scan3A_10 = arith.addi %scan3A_8, %scan3A_9 : i32
    %scan3A_11 = arith.constant 1 : i32
    %scan3A_12 = scf.for %scan3A_213 = %scan3A_8 to %scan3A_10 step %scan3A_11 iter_args(%scan3A_214 = %scan3A_7) -> (i32)  : i32 {
      %mul3A_215 = arith.constant 16 : i32
      %mul3A_216 = arith.muli %scan3A_213, %mul3A_215 : i32
      %add3A_217 = arith.addi %mul3A_216, %arg1 : i32
      %mul3A_218 = arith.constant 40 : i32
      %mul3A_219 = arith.muli %add3A_217, %mul3A_218 : i32
      %multiple_of3A_220 = tpu.assume_multiple %mul3A_219, 8 : i32
      "tpu.region"() ({
        %run_scoped3A = tpu.sem_alloc : memref<!tpu.dma_semaphore, #tpu.memory_space<semaphore_mem>>
        %dma_start3A_222 = arith.constant 0 : i32
        %dma_start3A_223 = tpu.memref_slice %arg10[%multiple_of3A_220, %dma_start3A_222] : memref<10064x128xf32, #tpu.memory_space<vmem_shared>> -> memref<40x128xf32, #tpu.memory_space<vmem_shared>>
        %dma_start3A_224 = arith.constant 0 : i32
        %dma_start3A_225 = tpu.memref_slice %arg10[%multiple_of3A_220, %dma_start3A_224] : memref<10064x128xf32, #tpu.memory_space<vmem_shared>> -> memref<40x128xf32, #tpu.memory_space<vmem_shared>>
        tpu.enqueue_dma source(%arg9 : memref<40x128xf32, #tpu.memory_space<vmem>>) target(%dma_start3A_225 : memref<40x128xf32, #tpu.memory_space<vmem_shared>>) target_semaphore(%run_scoped3A : memref<!tpu.dma_semaphore, #tpu.memory_space<semaphore_mem>>)
        %dma_wait3A_226 = arith.constant 0 : i32
        %dma_wait3A_227 = tpu.memref_slice %arg10[%multiple_of3A_220, %dma_wait3A_226] : memref<10064x128xf32, #tpu.memory_space<vmem_shared>> -> memref<40x128xf32, #tpu.memory_space<vmem_shared>>
        %dma_wait3A_228 = arith.constant 0 : i32
        %dma_wait3A_229 = tpu.memref_slice %arg10[%multiple_of3A_220, %dma_wait3A_228] : memref<10064x128xf32, #tpu.memory_space<vmem_shared>> -> memref<40x128xf32, #tpu.memory_space<vmem_shared>>
        tpu.wait_dma2 semaphore(%run_scoped3A : memref<!tpu.dma_semaphore, #tpu.memory_space<semaphore_mem>>) src(%arg9 : memref<40x128xf32, #tpu.memory_space<vmem>>) dst(%dma_wait3A_229 : memref<40x128xf32, #tpu.memory_space<vmem_shared>>)
        tpu.yield
      }) : () -> ()
      %scan3A_221 = arith.constant 0 : i32
      scf.yield %scan3A_221 : i32
    }
    %scan3A_13 = arith.constant 15 : i32
    %lt3A = arith.constant 10 : i32
    %lt3A_14 = arith.cmpi slt, %arg1, %lt3A : i32
    %convert_element_type3A = arith.extui %lt3A_14 : i1 to i32
    %cond3A = arith.constant 0 : i32
    %cond3A_15 = arith.cmpi ne, %convert_element_type3A, %cond3A : i32
    scf.if %cond3A_15 {
      %add3A_213 = arith.constant 240 : i32
      %add3A_214 = arith.addi %add3A_213, %arg1 : i32
      %mul3A_215 = arith.constant 40 : i32
      %mul3A_216 = arith.muli %add3A_214, %mul3A_215 : i32
      %multiple_of3A_217 = tpu.assume_multiple %mul3A_216, 8 : i32
      "tpu.region"() ({
        %run_scoped3A = tpu.sem_alloc : memref<!tpu.dma_semaphore, #tpu.memory_space<semaphore_mem>>
        %dma_start3A_218 = arith.constant 0 : i32
        %dma_start3A_219 = tpu.memref_slice %arg10[%multiple_of3A_217, %dma_start3A_218] : memref<10064x128xf32, #tpu.memory_space<vmem_shared>> -> memref<40x128xf32, #tpu.memory_space<vmem_shared>>
        %dma_start3A_220 = arith.constant 0 : i32
        %dma_start3A_221 = tpu.memref_slice %arg10[%multiple_of3A_217, %dma_start3A_220] : memref<10064x128xf32, #tpu.memory_space<vmem_shared>> -> memref<40x128xf32, #tpu.memory_space<vmem_shared>>
        tpu.enqueue_dma source(%arg9 : memref<40x128xf32, #tpu.memory_space<vmem>>) target(%dma_start3A_221 : memref<40x128xf32, #tpu.memory_space<vmem_shared>>) target_semaphore(%run_scoped3A : memref<!tpu.dma_semaphore, #tpu.memory_space<semaphore_mem>>)
        %dma_wait3A_222 = arith.constant 0 : i32
        %dma_wait3A_223 = tpu.memref_slice %arg10[%multiple_of3A_217, %dma_wait3A_222] : memref<10064x128xf32, #tpu.memory_space<vmem_shared>> -> memref<40x128xf32, #tpu.memory_space<vmem_shared>>
        %dma_wait3A_224 = arith.constant 0 : i32
        %dma_wait3A_225 = tpu.memref_slice %arg10[%multiple_of3A_217, %dma_wait3A_224] : memref<10064x128xf32, #tpu.memory_space<vmem_shared>> -> memref<40x128xf32, #tpu.memory_space<vmem_shared>>
        tpu.wait_dma2 semaphore(%run_scoped3A : memref<!tpu.dma_semaphore, #tpu.memory_space<semaphore_mem>>) src(%arg9 : memref<40x128xf32, #tpu.memory_space<vmem>>) dst(%dma_wait3A_225 : memref<40x128xf32, #tpu.memory_space<vmem_shared>>)
        tpu.yield
      }) : () -> ()
    } else {
    }
    %barrier3A = arith.constant 0 : index
    tpu.barrier barrier_id(%barrier3A)
    %mul3A_16 = arith.constant 157 : i32
    %mul3A_17 = arith.muli %add3A, %mul3A_16 : i32
    %add3A_18 = arith.constant 0 : i32
    %add3A_19 = arith.addi %mul3A_17, %add3A_18 : i32
    %mul3A_20 = arith.constant 64 : i32
    %mul3A_21 = arith.muli %add3A_19, %mul3A_20 : i32
    %multiple_of3A = tpu.assume_multiple %mul3A_21, 8 : i32
    %dma_start3A = arith.constant 0 : i32
    %dma_start3A_22 = arith.constant 0 : i32
    %dma_start3A_23 = arith.constant 0 : i32
    %dma_start3A_24 = tpu.memref_slice %arg6[%dma_start3A, %dma_start3A_23] : memref<8x64xi32, #tpu.memory_space<vmem>> -> memref<1x64xi32, #tpu.memory_space<vmem>>
    %dma_start3A_25 = tpu.memref_squeeze %dma_start3A_24 : memref<1x64xi32, #tpu.memory_space<vmem>> -> memref<64xi32, #tpu.memory_space<vmem>>
    %dma_start3A_26 = tpu.memref_slice %arg3[%multiple_of3A] : memref<321536xi32, #tpu.memory_space<hbm>> -> memref<64xi32, #tpu.memory_space<hbm>>
    %dma_start3A_27 = tpu.memref_slice %arg11[%dma_start3A_22] : memref<4x!tpu.dma_semaphore, #tpu.memory_space<semaphore_mem>> -> memref<1x!tpu.dma_semaphore, #tpu.memory_space<semaphore_mem>>
    %dma_start3A_28 = tpu.memref_squeeze %dma_start3A_27 : memref<1x!tpu.dma_semaphore, #tpu.memory_space<semaphore_mem>> -> memref<!tpu.dma_semaphore, #tpu.memory_space<semaphore_mem>>
    %dma_start3A_29 = arith.constant 0 : i32
    %dma_start3A_30 = tpu.memref_slice %arg6[%dma_start3A, %dma_start3A_29] : memref<8x64xi32, #tpu.memory_space<vmem>> -> memref<1x64xi32, #tpu.memory_space<vmem>>
    %dma_start3A_31 = tpu.memref_squeeze %dma_start3A_30 : memref<1x64xi32, #tpu.memory_space<vmem>> -> memref<64xi32, #tpu.memory_space<vmem>>
    %dma_start3A_32 = tpu.memref_slice %arg3[%multiple_of3A] : memref<321536xi32, #tpu.memory_space<hbm>> -> memref<64xi32, #tpu.memory_space<hbm>>
    tpu.enqueue_dma source(%dma_start3A_32 : memref<64xi32, #tpu.memory_space<hbm>>) target(%dma_start3A_31 : memref<64xi32, #tpu.memory_space<vmem>>) target_semaphore(%dma_start3A_28 : memref<!tpu.dma_semaphore, #tpu.memory_space<semaphore_mem>>)
    %dma_start3A_33 = arith.constant 0 : i32
    %dma_start3A_34 = arith.constant 0 : i32
    %dma_start3A_35 = arith.constant 0 : i32
    %dma_start3A_36 = tpu.memref_slice %arg7[%dma_start3A_33, %dma_start3A_35] : memref<8x64xi32, #tpu.memory_space<vmem>> -> memref<1x64xi32, #tpu.memory_space<vmem>>
    %dma_start3A_37 = tpu.memref_squeeze %dma_start3A_36 : memref<1x64xi32, #tpu.memory_space<vmem>> -> memref<64xi32, #tpu.memory_space<vmem>>
    %dma_start3A_38 = tpu.memref_slice %arg4[%multiple_of3A] : memref<321536xi32, #tpu.memory_space<hbm>> -> memref<64xi32, #tpu.memory_space<hbm>>
    %dma_start3A_39 = tpu.memref_slice %arg11[%dma_start3A_34] : memref<4x!tpu.dma_semaphore, #tpu.memory_space<semaphore_mem>> -> memref<1x!tpu.dma_semaphore, #tpu.memory_space<semaphore_mem>>
    %dma_start3A_40 = tpu.memref_squeeze %dma_start3A_39 : memref<1x!tpu.dma_semaphore, #tpu.memory_space<semaphore_mem>> -> memref<!tpu.dma_semaphore, #tpu.memory_space<semaphore_mem>>
    %dma_start3A_41 = arith.constant 0 : i32
    %dma_start3A_42 = tpu.memref_slice %arg7[%dma_start3A_33, %dma_start3A_41] : memref<8x64xi32, #tpu.memory_space<vmem>> -> memref<1x64xi32, #tpu.memory_space<vmem>>
    %dma_start3A_43 = tpu.memref_squeeze %dma_start3A_42 : memref<1x64xi32, #tpu.memory_space<vmem>> -> memref<64xi32, #tpu.memory_space<vmem>>
    %dma_start3A_44 = tpu.memref_slice %arg4[%multiple_of3A] : memref<321536xi32, #tpu.memory_space<hbm>> -> memref<64xi32, #tpu.memory_space<hbm>>
    tpu.enqueue_dma source(%dma_start3A_44 : memref<64xi32, #tpu.memory_space<hbm>>) target(%dma_start3A_43 : memref<64xi32, #tpu.memory_space<vmem>>) target_semaphore(%dma_start3A_40 : memref<!tpu.dma_semaphore, #tpu.memory_space<semaphore_mem>>)
    %add3A_45 = arith.constant 1 : i32
    %add3A_46 = arith.addi %mul3A_17, %add3A_45 : i32
    %mul3A_47 = arith.constant 64 : i32
    %mul3A_48 = arith.muli %add3A_46, %mul3A_47 : i32
    %multiple_of3A_49 = tpu.assume_multiple %mul3A_48, 8 : i32
    %dma_start3A_50 = arith.constant 1 : i32
    %dma_start3A_51 = arith.constant 1 : i32
    %dma_start3A_52 = arith.constant 0 : i32
    %dma_start3A_53 = tpu.memref_slice %arg6[%dma_start3A_50, %dma_start3A_52] : memref<8x64xi32, #tpu.memory_space<vmem>> -> memref<1x64xi32, #tpu.memory_space<vmem>>
    %dma_start3A_54 = tpu.memref_squeeze %dma_start3A_53 : memref<1x64xi32, #tpu.memory_space<vmem>> -> memref<64xi32, #tpu.memory_space<vmem>>
    %dma_start3A_55 = tpu.memref_slice %arg3[%multiple_of3A_49] : memref<321536xi32, #tpu.memory_space<hbm>> -> memref<64xi32, #tpu.memory_space<hbm>>
    %dma_start3A_56 = tpu.memref_slice %arg11[%dma_start3A_51] : memref<4x!tpu.dma_semaphore, #tpu.memory_space<semaphore_mem>> -> memref<1x!tpu.dma_semaphore, #tpu.memory_space<semaphore_mem>>
    %dma_start3A_57 = tpu.memref_squeeze %dma_start3A_56 : memref<1x!tpu.dma_semaphore, #tpu.memory_space<semaphore_mem>> -> memref<!tpu.dma_semaphore, #tpu.memory_space<semaphore_mem>>
    %dma_start3A_58 = arith.constant 0 : i32
    %dma_start3A_59 = tpu.memref_slice %arg6[%dma_start3A_50, %dma_start3A_58] : memref<8x64xi32, #tpu.memory_space<vmem>> -> memref<1x64xi32, #tpu.memory_space<vmem>>
    %dma_start3A_60 = tpu.memref_squeeze %dma_start3A_59 : memref<1x64xi32, #tpu.memory_space<vmem>> -> memref<64xi32, #tpu.memory_space<vmem>>
    %dma_start3A_61 = tpu.memref_slice %arg3[%multiple_of3A_49] : memref<321536xi32, #tpu.memory_space<hbm>> -> memref<64xi32, #tpu.memory_space<hbm>>
    tpu.enqueue_dma source(%dma_start3A_61 : memref<64xi32, #tpu.memory_space<hbm>>) target(%dma_start3A_60 : memref<64xi32, #tpu.memory_space<vmem>>) target_semaphore(%dma_start3A_57 : memref<!tpu.dma_semaphore, #tpu.memory_space<semaphore_mem>>)
    %dma_start3A_62 = arith.constant 1 : i32
    %dma_start3A_63 = arith.constant 1 : i32
    %dma_start3A_64 = arith.constant 0 : i32
    %dma_start3A_65 = tpu.memref_slice %arg7[%dma_start3A_62, %dma_start3A_64] : memref<8x64xi32, #tpu.memory_space<vmem>> -> memref<1x64xi32, #tpu.memory_space<vmem>>
    %dma_start3A_66 = tpu.memref_squeeze %dma_start3A_65 : memref<1x64xi32, #tpu.memory_space<vmem>> -> memref<64xi32, #tpu.memory_space<vmem>>
    %dma_start3A_67 = tpu.memref_slice %arg4[%multiple_of3A_49] : memref<321536xi32, #tpu.memory_space<hbm>> -> memref<64xi32, #tpu.memory_space<hbm>>
    %dma_start3A_68 = tpu.memref_slice %arg11[%dma_start3A_63] : memref<4x!tpu.dma_semaphore, #tpu.memory_space<semaphore_mem>> -> memref<1x!tpu.dma_semaphore, #tpu.memory_space<semaphore_mem>>
    %dma_start3A_69 = tpu.memref_squeeze %dma_start3A_68 : memref<1x!tpu.dma_semaphore, #tpu.memory_space<semaphore_mem>> -> memref<!tpu.dma_semaphore, #tpu.memory_space<semaphore_mem>>
    %dma_start3A_70 = arith.constant 0 : i32
    %dma_start3A_71 = tpu.memref_slice %arg7[%dma_start3A_62, %dma_start3A_70] : memref<8x64xi32, #tpu.memory_space<vmem>> -> memref<1x64xi32, #tpu.memory_space<vmem>>
    %dma_start3A_72 = tpu.memref_squeeze %dma_start3A_71 : memref<1x64xi32, #tpu.memory_space<vmem>> -> memref<64xi32, #tpu.memory_space<vmem>>
    %dma_start3A_73 = tpu.memref_slice %arg4[%multiple_of3A_49] : memref<321536xi32, #tpu.memory_space<hbm>> -> memref<64xi32, #tpu.memory_space<hbm>>
    tpu.enqueue_dma source(%dma_start3A_73 : memref<64xi32, #tpu.memory_space<hbm>>) target(%dma_start3A_72 : memref<64xi32, #tpu.memory_space<vmem>>) target_semaphore(%dma_start3A_69 : memref<!tpu.dma_semaphore, #tpu.memory_space<semaphore_mem>>)
    %scan3A_74 = arith.constant 0 : i32
    %scan3A_75 = arith.constant 0 : i32
    %scan3A_76 = arith.constant 157 : i32
    %scan3A_77 = arith.addi %scan3A_75, %scan3A_76 : i32
    %scan3A_78 = arith.constant 1 : i32
    %scan3A_79 = scf.for %scan3A_213 = %scan3A_75 to %scan3A_77 step %scan3A_78 iter_args(%scan3A_214 = %scan3A_74) -> (i32)  : i32 {
      %add3A_215 = arith.constant 2 : i32
      %add3A_216 = arith.addi %scan3A_213, %add3A_215 : i32
      %lt3A_217 = arith.constant 157 : i32
      %lt3A_218 = arith.cmpi slt, %add3A_216, %lt3A_217 : i32
      %convert_element_type3A_219 = arith.extui %lt3A_218 : i1 to i32
      %cond3A_220 = arith.constant 0 : i32
      %cond3A_221 = arith.cmpi ne, %convert_element_type3A_219, %cond3A_220 : i32
      scf.if %cond3A_221 {
        %add3A_344 = arith.constant 2 : i32
        %add3A_345 = arith.addi %scan3A_213, %add3A_344 : i32
        %add3A_346 = arith.addi %mul3A_17, %add3A_345 : i32
        %mul3A_347 = arith.constant 64 : i32
        %mul3A_348 = arith.muli %add3A_346, %mul3A_347 : i32
        %multiple_of3A_349 = tpu.assume_multiple %mul3A_348, 8 : i32
        %jit3A_350 = arith.constant 8 : i32
        %eq3A_351 = arith.constant 0 : i32
        %eq3A_352 = arith.cmpi eq, %jit3A_350, %eq3A_351 : i32
        %jit3A_353 = arith.constant 1 : i32
        %select_n3A_354 = arith.select %eq3A_352, %jit3A_353, %jit3A_350 : i32
        %rem3A_355 = arith.remsi %add3A_345, %select_n3A_354 : i32
        %ne3A_356 = arith.constant 0 : i32
        %ne3A_357 = arith.cmpi ne, %rem3A_355, %ne3A_356 : i32
        %lt3A_358 = arith.constant 0 : i32
        %lt3A_359 = arith.cmpi slt, %rem3A_355, %lt3A_358 : i32
        %lt3A_360 = arith.constant 0 : i32
        %lt3A_361 = arith.cmpi slt, %select_n3A_354, %lt3A_360 : i32
        %ne3A_362 = arith.xori %lt3A_359, %lt3A_361 : i1
        %and3A_363 = arith.andi %ne3A_362, %ne3A_357 : i1
        %add3A_364 = arith.addi %rem3A_355, %select_n3A_354 : i32
        %select_n3A_365 = arith.select %and3A_363, %add3A_364, %rem3A_355 : i32
        %jit3A_366 = arith.constant 4 : i32
        %eq3A_367 = arith.constant 0 : i32
        %eq3A_368 = arith.cmpi eq, %jit3A_366, %eq3A_367 : i32
        %jit3A_369 = arith.constant 1 : i32
        %select_n3A_370 = arith.select %eq3A_368, %jit3A_369, %jit3A_366 : i32
        %rem3A_371 = arith.remsi %add3A_345, %select_n3A_370 : i32
        %ne3A_372 = arith.constant 0 : i32
        %ne3A_373 = arith.cmpi ne, %rem3A_371, %ne3A_372 : i32
        %lt3A_374 = arith.constant 0 : i32
        %lt3A_375 = arith.cmpi slt, %rem3A_371, %lt3A_374 : i32
        %lt3A_376 = arith.constant 0 : i32
        %lt3A_377 = arith.cmpi slt, %select_n3A_370, %lt3A_376 : i32
        %ne3A_378 = arith.xori %lt3A_375, %lt3A_377 : i1
        %and3A_379 = arith.andi %ne3A_378, %ne3A_373 : i1
        %add3A_380 = arith.addi %rem3A_371, %select_n3A_370 : i32
        %select_n3A_381 = arith.select %and3A_379, %add3A_380, %rem3A_371 : i32
        %dma_start3A_382 = arith.constant 0 : i32
        %dma_start3A_383 = tpu.memref_slice %arg6[%select_n3A_365, %dma_start3A_382] : memref<8x64xi32, #tpu.memory_space<vmem>> -> memref<1x64xi32, #tpu.memory_space<vmem>>
        %dma_start3A_384 = tpu.memref_squeeze %dma_start3A_383 : memref<1x64xi32, #tpu.memory_space<vmem>> -> memref<64xi32, #tpu.memory_space<vmem>>
        %dma_start3A_385 = tpu.memref_slice %arg3[%multiple_of3A_349] : memref<321536xi32, #tpu.memory_space<hbm>> -> memref<64xi32, #tpu.memory_space<hbm>>
        %dma_start3A_386 = tpu.memref_slice %arg11[%select_n3A_381] : memref<4x!tpu.dma_semaphore, #tpu.memory_space<semaphore_mem>> -> memref<1x!tpu.dma_semaphore, #tpu.memory_space<semaphore_mem>>
        %dma_start3A_387 = tpu.memref_squeeze %dma_start3A_386 : memref<1x!tpu.dma_semaphore, #tpu.memory_space<semaphore_mem>> -> memref<!tpu.dma_semaphore, #tpu.memory_space<semaphore_mem>>
        %dma_start3A_388 = arith.constant 0 : i32
        %dma_start3A_389 = tpu.memref_slice %arg6[%select_n3A_365, %dma_start3A_388] : memref<8x64xi32, #tpu.memory_space<vmem>> -> memref<1x64xi32, #tpu.memory_space<vmem>>
        %dma_start3A_390 = tpu.memref_squeeze %dma_start3A_389 : memref<1x64xi32, #tpu.memory_space<vmem>> -> memref<64xi32, #tpu.memory_space<vmem>>
        %dma_start3A_391 = tpu.memref_slice %arg3[%multiple_of3A_349] : memref<321536xi32, #tpu.memory_space<hbm>> -> memref<64xi32, #tpu.memory_space<hbm>>
        tpu.enqueue_dma source(%dma_start3A_391 : memref<64xi32, #tpu.memory_space<hbm>>) target(%dma_start3A_390 : memref<64xi32, #tpu.memory_space<vmem>>) target_semaphore(%dma_start3A_387 : memref<!tpu.dma_semaphore, #tpu.memory_space<semaphore_mem>>)
        %jit3A_392 = arith.constant 8 : i32
        %eq3A_393 = arith.constant 0 : i32
        %eq3A_394 = arith.cmpi eq, %jit3A_392, %eq3A_393 : i32
        %jit3A_395 = arith.constant 1 : i32
        %select_n3A_396 = arith.select %eq3A_394, %jit3A_395, %jit3A_392 : i32
        %rem3A_397 = arith.remsi %add3A_345, %select_n3A_396 : i32
        %ne3A_398 = arith.constant 0 : i32
        %ne3A_399 = arith.cmpi ne, %rem3A_397, %ne3A_398 : i32
        %lt3A_400 = arith.constant 0 : i32
        %lt3A_401 = arith.cmpi slt, %rem3A_397, %lt3A_400 : i32
        %lt3A_402 = arith.constant 0 : i32
        %lt3A_403 = arith.cmpi slt, %select_n3A_396, %lt3A_402 : i32
        %ne3A_404 = arith.xori %lt3A_401, %lt3A_403 : i1
        %and3A_405 = arith.andi %ne3A_404, %ne3A_399 : i1
        %add3A_406 = arith.addi %rem3A_397, %select_n3A_396 : i32
        %select_n3A_407 = arith.select %and3A_405, %add3A_406, %rem3A_397 : i32
        %jit3A_408 = arith.constant 4 : i32
        %eq3A_409 = arith.constant 0 : i32
        %eq3A_410 = arith.cmpi eq, %jit3A_408, %eq3A_409 : i32
        %jit3A_411 = arith.constant 1 : i32
        %select_n3A_412 = arith.select %eq3A_410, %jit3A_411, %jit3A_408 : i32
        %rem3A_413 = arith.remsi %add3A_345, %select_n3A_412 : i32
        %ne3A_414 = arith.constant 0 : i32
        %ne3A_415 = arith.cmpi ne, %rem3A_413, %ne3A_414 : i32
        %lt3A_416 = arith.constant 0 : i32
        %lt3A_417 = arith.cmpi slt, %rem3A_413, %lt3A_416 : i32
        %lt3A_418 = arith.constant 0 : i32
        %lt3A_419 = arith.cmpi slt, %select_n3A_412, %lt3A_418 : i32
        %ne3A_420 = arith.xori %lt3A_417, %lt3A_419 : i1
        %and3A_421 = arith.andi %ne3A_420, %ne3A_415 : i1
        %add3A_422 = arith.addi %rem3A_413, %select_n3A_412 : i32
        %select_n3A_423 = arith.select %and3A_421, %add3A_422, %rem3A_413 : i32
        %dma_start3A_424 = arith.constant 0 : i32
        %dma_start3A_425 = tpu.memref_slice %arg7[%select_n3A_407, %dma_start3A_424] : memref<8x64xi32, #tpu.memory_space<vmem>> -> memref<1x64xi32, #tpu.memory_space<vmem>>
        %dma_start3A_426 = tpu.memref_squeeze %dma_start3A_425 : memref<1x64xi32, #tpu.memory_space<vmem>> -> memref<64xi32, #tpu.memory_space<vmem>>
        %dma_start3A_427 = tpu.memref_slice %arg4[%multiple_of3A_349] : memref<321536xi32, #tpu.memory_space<hbm>> -> memref<64xi32, #tpu.memory_space<hbm>>
        %dma_start3A_428 = tpu.memref_slice %arg11[%select_n3A_423] : memref<4x!tpu.dma_semaphore, #tpu.memory_space<semaphore_mem>> -> memref<1x!tpu.dma_semaphore, #tpu.memory_space<semaphore_mem>>
        %dma_start3A_429 = tpu.memref_squeeze %dma_start3A_428 : memref<1x!tpu.dma_semaphore, #tpu.memory_space<semaphore_mem>> -> memref<!tpu.dma_semaphore, #tpu.memory_space<semaphore_mem>>
        %dma_start3A_430 = arith.constant 0 : i32
        %dma_start3A_431 = tpu.memref_slice %arg7[%select_n3A_407, %dma_start3A_430] : memref<8x64xi32, #tpu.memory_space<vmem>> -> memref<1x64xi32, #tpu.memory_space<vmem>>
        %dma_start3A_432 = tpu.memref_squeeze %dma_start3A_431 : memref<1x64xi32, #tpu.memory_space<vmem>> -> memref<64xi32, #tpu.memory_space<vmem>>
        %dma_start3A_433 = tpu.memref_slice %arg4[%multiple_of3A_349] : memref<321536xi32, #tpu.memory_space<hbm>> -> memref<64xi32, #tpu.memory_space<hbm>>
        tpu.enqueue_dma source(%dma_start3A_433 : memref<64xi32, #tpu.memory_space<hbm>>) target(%dma_start3A_432 : memref<64xi32, #tpu.memory_space<vmem>>) target_semaphore(%dma_start3A_429 : memref<!tpu.dma_semaphore, #tpu.memory_space<semaphore_mem>>)
      } else {
      }
      %ge3A = arith.constant 4 : i32
      %ge3A_222 = arith.cmpi sge, %scan3A_213, %ge3A : i32
      %convert_element_type3A_223 = arith.extui %ge3A_222 : i1 to i32
      %cond3A_224 = arith.constant 0 : i32
      %cond3A_225 = arith.cmpi ne, %convert_element_type3A_223, %cond3A_224 : i32
      scf.if %cond3A_225 {
        %sub3A = arith.constant 4 : i32
        %sub3A_344 = arith.subi %scan3A_213, %sub3A : i32
        %jit3A_345 = arith.constant 4 : i32
        %eq3A_346 = arith.constant 0 : i32
        %eq3A_347 = arith.cmpi eq, %jit3A_345, %eq3A_346 : i32
        %jit3A_348 = arith.constant 1 : i32
        %select_n3A_349 = arith.select %eq3A_347, %jit3A_348, %jit3A_345 : i32
        %rem3A_350 = arith.remsi %sub3A_344, %select_n3A_349 : i32
        %ne3A_351 = arith.constant 0 : i32
        %ne3A_352 = arith.cmpi ne, %rem3A_350, %ne3A_351 : i32
        %lt3A_353 = arith.constant 0 : i32
        %lt3A_354 = arith.cmpi slt, %rem3A_350, %lt3A_353 : i32
        %lt3A_355 = arith.constant 0 : i32
        %lt3A_356 = arith.cmpi slt, %select_n3A_349, %lt3A_355 : i32
        %ne3A_357 = arith.xori %lt3A_354, %lt3A_356 : i1
        %and3A_358 = arith.andi %ne3A_357, %ne3A_352 : i1
        %add3A_359 = arith.addi %rem3A_350, %select_n3A_349 : i32
        %select_n3A_360 = arith.select %and3A_358, %add3A_359, %rem3A_350 : i32
        %jit3A_361 = arith.constant 8 : i32
        %eq3A_362 = arith.constant 0 : i32
        %eq3A_363 = arith.cmpi eq, %jit3A_361, %eq3A_362 : i32
        %jit3A_364 = arith.constant 1 : i32
        %select_n3A_365 = arith.select %eq3A_363, %jit3A_364, %jit3A_361 : i32
        %rem3A_366 = arith.remsi %sub3A_344, %select_n3A_365 : i32
        %ne3A_367 = arith.constant 0 : i32
        %ne3A_368 = arith.cmpi ne, %rem3A_366, %ne3A_367 : i32
        %lt3A_369 = arith.constant 0 : i32
        %lt3A_370 = arith.cmpi slt, %rem3A_366, %lt3A_369 : i32
        %lt3A_371 = arith.constant 0 : i32
        %lt3A_372 = arith.cmpi slt, %select_n3A_365, %lt3A_371 : i32
        %ne3A_373 = arith.xori %lt3A_370, %lt3A_372 : i1
        %and3A_374 = arith.andi %ne3A_373, %ne3A_368 : i1
        %add3A_375 = arith.addi %rem3A_366, %select_n3A_365 : i32
        %select_n3A_376 = arith.select %and3A_374, %add3A_375, %rem3A_366 : i32
        %jit3A_377 = arith.constant 4 : i32
        %eq3A_378 = arith.constant 0 : i32
        %eq3A_379 = arith.cmpi eq, %jit3A_377, %eq3A_378 : i32
        %jit3A_380 = arith.constant 1 : i32
        %select_n3A_381 = arith.select %eq3A_379, %jit3A_380, %jit3A_377 : i32
        %rem3A_382 = arith.remsi %sub3A_344, %select_n3A_381 : i32
        %ne3A_383 = arith.constant 0 : i32
        %ne3A_384 = arith.cmpi ne, %rem3A_382, %ne3A_383 : i32
        %lt3A_385 = arith.constant 0 : i32
        %lt3A_386 = arith.cmpi slt, %rem3A_382, %lt3A_385 : i32
        %lt3A_387 = arith.constant 0 : i32
        %lt3A_388 = arith.cmpi slt, %select_n3A_381, %lt3A_387 : i32
        %ne3A_389 = arith.xori %lt3A_386, %lt3A_388 : i1
        %and3A_390 = arith.andi %ne3A_389, %ne3A_384 : i1
        %add3A_391 = arith.addi %rem3A_382, %select_n3A_381 : i32
        %select_n3A_392 = arith.select %and3A_390, %add3A_391, %rem3A_382 : i32
        %dma_wait3A_393 = arith.constant 0 : i32
        %dma_wait3A_394 = arith.constant 0 : i32
        %dma_wait3A_395 = tpu.memref_slice %arg8[%select_n3A_360, %dma_wait3A_393, %dma_wait3A_394] : memref<4x64x128xf32, #tpu.memory_space<vmem>> -> memref<1x64x128xf32, #tpu.memory_space<vmem>>
        %dma_wait3A_396 = tpu.memref_squeeze %dma_wait3A_395 : memref<1x64x128xf32, #tpu.memory_space<vmem>> -> memref<64x128xf32, #tpu.memory_space<vmem>>
        %dma_wait3A_397 = arith.constant 0 : i32
        %dma_wait3A_398 = tpu.memref_slice %arg7[%select_n3A_376, %dma_wait3A_397] : memref<8x64xi32, #tpu.memory_space<vmem>> -> memref<1x64xi32, #tpu.memory_space<vmem>>
        %dma_wait3A_399 = tpu.memref_squeeze %dma_wait3A_398 : memref<1x64xi32, #tpu.memory_space<vmem>> -> memref<64xi32, #tpu.memory_space<vmem>>
        %dma_wait3A_400 = arith.constant 0 : i32
        %dma_wait3A_401 = arith.constant 0 : i32
        %dma_wait3A_402 = tpu.memref_slice %arg10[%dma_wait3A_400, %dma_wait3A_401] : memref<10064x128xf32, #tpu.memory_space<vmem_shared>> -> memref<10064x128xf32, #tpu.memory_space<vmem_shared>>
        %dma_wait3A_403 = tpu.memref_slice %arg13[%select_n3A_392] : memref<4x!tpu.dma_semaphore, #tpu.memory_space<semaphore_mem>> -> memref<1x!tpu.dma_semaphore, #tpu.memory_space<semaphore_mem>>
        %dma_wait3A_404 = tpu.memref_squeeze %dma_wait3A_403 : memref<1x!tpu.dma_semaphore, #tpu.memory_space<semaphore_mem>> -> memref<!tpu.dma_semaphore, #tpu.memory_space<semaphore_mem>>
        tpu.wait_indirect_dma semaphore(%dma_wait3A_404 : memref<!tpu.dma_semaphore, #tpu.memory_space<semaphore_mem>>) src(%dma_wait3A_396 : memref<64x128xf32, #tpu.memory_space<vmem>>) dst(%dma_wait3A_402 : memref<10064x128xf32, #tpu.memory_space<vmem_shared>>)
      } else {
      }
      %jit3A = arith.constant 4 : i32
      %eq3A = arith.constant 0 : i32
      %eq3A_226 = arith.cmpi eq, %jit3A, %eq3A : i32
      %jit3A_227 = arith.constant 1 : i32
      %select_n3A = arith.select %eq3A_226, %jit3A_227, %jit3A : i32
      %rem3A = arith.remsi %scan3A_213, %select_n3A : i32
      %ne3A = arith.constant 0 : i32
      %ne3A_228 = arith.cmpi ne, %rem3A, %ne3A : i32
      %lt3A_229 = arith.constant 0 : i32
      %lt3A_230 = arith.cmpi slt, %rem3A, %lt3A_229 : i32
      %lt3A_231 = arith.constant 0 : i32
      %lt3A_232 = arith.cmpi slt, %select_n3A, %lt3A_231 : i32
      %ne3A_233 = arith.xori %lt3A_230, %lt3A_232 : i1
      %and3A = arith.andi %ne3A_233, %ne3A_228 : i1
      %add3A_234 = arith.addi %rem3A, %select_n3A : i32
      %select_n3A_235 = arith.select %and3A, %add3A_234, %rem3A : i32
      %dma_wait3A_236 = arith.constant 0 : i32
      %dma_wait3A_237 = arith.constant 0 : i32
      %dma_wait3A_238 = tpu.memref_slice %arg6[%dma_wait3A_236, %dma_wait3A_237] : memref<8x64xi32, #tpu.memory_space<vmem>> -> memref<1x64xi32, #tpu.memory_space<vmem>>
      %dma_wait3A_239 = tpu.memref_squeeze %dma_wait3A_238 : memref<1x64xi32, #tpu.memory_space<vmem>> -> memref<64xi32, #tpu.memory_space<vmem>>
      %dma_wait3A_240 = arith.constant 0 : i32
      %dma_wait3A_241 = tpu.memref_slice %arg3[%dma_wait3A_240] : memref<321536xi32, #tpu.memory_space<hbm>> -> memref<64xi32, #tpu.memory_space<hbm>>
      %dma_wait3A_242 = tpu.memref_slice %arg11[%select_n3A_235] : memref<4x!tpu.dma_semaphore, #tpu.memory_space<semaphore_mem>> -> memref<1x!tpu.dma_semaphore, #tpu.memory_space<semaphore_mem>>
      %dma_wait3A_243 = tpu.memref_squeeze %dma_wait3A_242 : memref<1x!tpu.dma_semaphore, #tpu.memory_space<semaphore_mem>> -> memref<!tpu.dma_semaphore, #tpu.memory_space<semaphore_mem>>
      %dma_wait3A_244 = arith.constant 0 : i32
      %dma_wait3A_245 = tpu.memref_slice %arg6[%dma_wait3A_236, %dma_wait3A_244] : memref<8x64xi32, #tpu.memory_space<vmem>> -> memref<1x64xi32, #tpu.memory_space<vmem>>
      %dma_wait3A_246 = tpu.memref_squeeze %dma_wait3A_245 : memref<1x64xi32, #tpu.memory_space<vmem>> -> memref<64xi32, #tpu.memory_space<vmem>>
      %dma_wait3A_247 = arith.constant 0 : i32
      %dma_wait3A_248 = tpu.memref_slice %arg3[%dma_wait3A_247] : memref<321536xi32, #tpu.memory_space<hbm>> -> memref<64xi32, #tpu.memory_space<hbm>>
      tpu.wait_dma2 semaphore(%dma_wait3A_243 : memref<!tpu.dma_semaphore, #tpu.memory_space<semaphore_mem>>) src(%dma_wait3A_248 : memref<64xi32, #tpu.memory_space<hbm>>) dst(%dma_wait3A_246 : memref<64xi32, #tpu.memory_space<vmem>>)
      %jit3A_249 = arith.constant 4 : i32
      %eq3A_250 = arith.constant 0 : i32
      %eq3A_251 = arith.cmpi eq, %jit3A_249, %eq3A_250 : i32
      %jit3A_252 = arith.constant 1 : i32
      %select_n3A_253 = arith.select %eq3A_251, %jit3A_252, %jit3A_249 : i32
      %rem3A_254 = arith.remsi %scan3A_213, %select_n3A_253 : i32
      %ne3A_255 = arith.constant 0 : i32
      %ne3A_256 = arith.cmpi ne, %rem3A_254, %ne3A_255 : i32
      %lt3A_257 = arith.constant 0 : i32
      %lt3A_258 = arith.cmpi slt, %rem3A_254, %lt3A_257 : i32
      %lt3A_259 = arith.constant 0 : i32
      %lt3A_260 = arith.cmpi slt, %select_n3A_253, %lt3A_259 : i32
      %ne3A_261 = arith.xori %lt3A_258, %lt3A_260 : i1
      %and3A_262 = arith.andi %ne3A_261, %ne3A_256 : i1
      %add3A_263 = arith.addi %rem3A_254, %select_n3A_253 : i32
      %select_n3A_264 = arith.select %and3A_262, %add3A_263, %rem3A_254 : i32
      %dma_wait3A_265 = arith.constant 0 : i32
      %dma_wait3A_266 = arith.constant 0 : i32
      %dma_wait3A_267 = tpu.memref_slice %arg7[%dma_wait3A_265, %dma_wait3A_266] : memref<8x64xi32, #tpu.memory_space<vmem>> -> memref<1x64xi32, #tpu.memory_space<vmem>>
      %dma_wait3A_268 = tpu.memref_squeeze %dma_wait3A_267 : memref<1x64xi32, #tpu.memory_space<vmem>> -> memref<64xi32, #tpu.memory_space<vmem>>
      %dma_wait3A_269 = arith.constant 0 : i32
      %dma_wait3A_270 = tpu.memref_slice %arg4[%dma_wait3A_269] : memref<321536xi32, #tpu.memory_space<hbm>> -> memref<64xi32, #tpu.memory_space<hbm>>
      %dma_wait3A_271 = tpu.memref_slice %arg11[%select_n3A_264] : memref<4x!tpu.dma_semaphore, #tpu.memory_space<semaphore_mem>> -> memref<1x!tpu.dma_semaphore, #tpu.memory_space<semaphore_mem>>
      %dma_wait3A_272 = tpu.memref_squeeze %dma_wait3A_271 : memref<1x!tpu.dma_semaphore, #tpu.memory_space<semaphore_mem>> -> memref<!tpu.dma_semaphore, #tpu.memory_space<semaphore_mem>>
      %dma_wait3A_273 = arith.constant 0 : i32
      %dma_wait3A_274 = tpu.memref_slice %arg7[%dma_wait3A_265, %dma_wait3A_273] : memref<8x64xi32, #tpu.memory_space<vmem>> -> memref<1x64xi32, #tpu.memory_space<vmem>>
      %dma_wait3A_275 = tpu.memref_squeeze %dma_wait3A_274 : memref<1x64xi32, #tpu.memory_space<vmem>> -> memref<64xi32, #tpu.memory_space<vmem>>
      %dma_wait3A_276 = arith.constant 0 : i32
      %dma_wait3A_277 = tpu.memref_slice %arg4[%dma_wait3A_276] : memref<321536xi32, #tpu.memory_space<hbm>> -> memref<64xi32, #tpu.memory_space<hbm>>
      tpu.wait_dma2 semaphore(%dma_wait3A_272 : memref<!tpu.dma_semaphore, #tpu.memory_space<semaphore_mem>>) src(%dma_wait3A_277 : memref<64xi32, #tpu.memory_space<hbm>>) dst(%dma_wait3A_275 : memref<64xi32, #tpu.memory_space<vmem>>)
      %jit3A_278 = arith.constant 8 : i32
      %eq3A_279 = arith.constant 0 : i32
      %eq3A_280 = arith.cmpi eq, %jit3A_278, %eq3A_279 : i32
      %jit3A_281 = arith.constant 1 : i32
      %select_n3A_282 = arith.select %eq3A_280, %jit3A_281, %jit3A_278 : i32
      %rem3A_283 = arith.remsi %scan3A_213, %select_n3A_282 : i32
      %ne3A_284 = arith.constant 0 : i32
      %ne3A_285 = arith.cmpi ne, %rem3A_283, %ne3A_284 : i32
      %lt3A_286 = arith.constant 0 : i32
      %lt3A_287 = arith.cmpi slt, %rem3A_283, %lt3A_286 : i32
      %lt3A_288 = arith.constant 0 : i32
      %lt3A_289 = arith.cmpi slt, %select_n3A_282, %lt3A_288 : i32
      %ne3A_290 = arith.xori %lt3A_287, %lt3A_289 : i1
      %and3A_291 = arith.andi %ne3A_290, %ne3A_285 : i1
      %add3A_292 = arith.addi %rem3A_283, %select_n3A_282 : i32
      %select_n3A_293 = arith.select %and3A_291, %add3A_292, %rem3A_283 : i32
      %jit3A_294 = arith.constant 4 : i32
      %eq3A_295 = arith.constant 0 : i32
      %eq3A_296 = arith.cmpi eq, %jit3A_294, %eq3A_295 : i32
      %jit3A_297 = arith.constant 1 : i32
      %select_n3A_298 = arith.select %eq3A_296, %jit3A_297, %jit3A_294 : i32
      %rem3A_299 = arith.remsi %scan3A_213, %select_n3A_298 : i32
      %ne3A_300 = arith.constant 0 : i32
      %ne3A_301 = arith.cmpi ne, %rem3A_299, %ne3A_300 : i32
      %lt3A_302 = arith.constant 0 : i32
      %lt3A_303 = arith.cmpi slt, %rem3A_299, %lt3A_302 : i32
      %lt3A_304 = arith.constant 0 : i32
      %lt3A_305 = arith.cmpi slt, %select_n3A_298, %lt3A_304 : i32
      %ne3A_306 = arith.xori %lt3A_303, %lt3A_305 : i1
      %and3A_307 = arith.andi %ne3A_306, %ne3A_301 : i1
      %add3A_308 = arith.addi %rem3A_299, %select_n3A_298 : i32
      %select_n3A_309 = arith.select %and3A_307, %add3A_308, %rem3A_299 : i32
      %jit3A_310 = arith.constant 4 : i32
      %eq3A_311 = arith.constant 0 : i32
      %eq3A_312 = arith.cmpi eq, %jit3A_310, %eq3A_311 : i32
      %jit3A_313 = arith.constant 1 : i32
      %select_n3A_314 = arith.select %eq3A_312, %jit3A_313, %jit3A_310 : i32
      %rem3A_315 = arith.remsi %scan3A_213, %select_n3A_314 : i32
      %ne3A_316 = arith.constant 0 : i32
      %ne3A_317 = arith.cmpi ne, %rem3A_315, %ne3A_316 : i32
      %lt3A_318 = arith.constant 0 : i32
      %lt3A_319 = arith.cmpi slt, %rem3A_315, %lt3A_318 : i32
      %lt3A_320 = arith.constant 0 : i32
      %lt3A_321 = arith.cmpi slt, %select_n3A_314, %lt3A_320 : i32
      %ne3A_322 = arith.xori %lt3A_319, %lt3A_321 : i1
      %and3A_323 = arith.andi %ne3A_322, %ne3A_317 : i1
      %add3A_324 = arith.addi %rem3A_315, %select_n3A_314 : i32
      %select_n3A_325 = arith.select %and3A_323, %add3A_324, %rem3A_315 : i32
      %dma_start3A_326 = arith.constant 0 : i32
      %dma_start3A_327 = arith.constant 0 : i32
      %dma_start3A_328 = tpu.memref_slice %arg8[%select_n3A_309, %dma_start3A_326, %dma_start3A_327] : memref<4x64x128xf32, #tpu.memory_space<vmem>> -> memref<1x64x128xf32, #tpu.memory_space<vmem>>
      %dma_start3A_329 = tpu.memref_squeeze %dma_start3A_328 : memref<1x64x128xf32, #tpu.memory_space<vmem>> -> memref<64x128xf32, #tpu.memory_space<vmem>>
      %dma_start3A_330 = arith.constant 0 : i32
      %dma_start3A_331 = tpu.memref_slice %arg6[%select_n3A_293, %dma_start3A_330] : memref<8x64xi32, #tpu.memory_space<vmem>> -> memref<1x64xi32, #tpu.memory_space<vmem>>
      %dma_start3A_332 = tpu.memref_squeeze %dma_start3A_331 : memref<1x64xi32, #tpu.memory_space<vmem>> -> memref<64xi32, #tpu.memory_space<vmem>>
      %dma_start3A_333 = arith.constant 0 : i32
      %dma_start3A_334 = arith.constant 0 : i32
      %dma_start3A_335 = tpu.memref_slice %arg2[%dma_start3A_333, %dma_start3A_334] : memref<10000x128xf32, #tpu.memory_space<hbm>> -> memref<10000x128xf32, #tpu.memory_space<hbm>>
      %dma_start3A_336 = tpu.memref_slice %arg12[%select_n3A_325] : memref<4x!tpu.dma_semaphore, #tpu.memory_space<semaphore_mem>> -> memref<1x!tpu.dma_semaphore, #tpu.memory_space<semaphore_mem>>
      %dma_start3A_337 = tpu.memref_squeeze %dma_start3A_336 : memref<1x!tpu.dma_semaphore, #tpu.memory_space<semaphore_mem>> -> memref<!tpu.dma_semaphore, #tpu.memory_space<semaphore_mem>>
      tpu.enqueue_indirect_dma source(%dma_start3A_335 : memref<10000x128xf32, #tpu.memory_space<hbm>>) target(%dma_start3A_329 : memref<64x128xf32, #tpu.memory_space<vmem>>) offsets(%dma_start3A_332 : memref<64xi32, #tpu.memory_space<vmem>>) semaphore(%dma_start3A_337 : memref<!tpu.dma_semaphore, #tpu.memory_space<semaphore_mem>>)
      %ge3A_338 = arith.constant 2 : i32
      %ge3A_339 = arith.cmpi sge, %scan3A_213, %ge3A_338 : i32
      %convert_element_type3A_340 = arith.extui %ge3A_339 : i1 to i32
      %cond3A_341 = arith.constant 0 : i32
      %cond3A_342 = arith.cmpi ne, %convert_element_type3A_340, %cond3A_341 : i32
      scf.if %cond3A_342 {
        %sub3A = arith.constant 2 : i32
        %sub3A_344 = arith.subi %scan3A_213, %sub3A : i32
        %jit3A_345 = arith.constant 8 : i32
        %eq3A_346 = arith.constant 0 : i32
        %eq3A_347 = arith.cmpi eq, %jit3A_345, %eq3A_346 : i32
        %jit3A_348 = arith.constant 1 : i32
        %select_n3A_349 = arith.select %eq3A_347, %jit3A_348, %jit3A_345 : i32
        %rem3A_350 = arith.remsi %sub3A_344, %select_n3A_349 : i32
        %ne3A_351 = arith.constant 0 : i32
        %ne3A_352 = arith.cmpi ne, %rem3A_350, %ne3A_351 : i32
        %lt3A_353 = arith.constant 0 : i32
        %lt3A_354 = arith.cmpi slt, %rem3A_350, %lt3A_353 : i32
        %lt3A_355 = arith.constant 0 : i32
        %lt3A_356 = arith.cmpi slt, %select_n3A_349, %lt3A_355 : i32
        %ne3A_357 = arith.xori %lt3A_354, %lt3A_356 : i1
        %and3A_358 = arith.andi %ne3A_357, %ne3A_352 : i1
        %add3A_359 = arith.addi %rem3A_350, %select_n3A_349 : i32
        %select_n3A_360 = arith.select %and3A_358, %add3A_359, %rem3A_350 : i32
        %jit3A_361 = arith.constant 4 : i32
        %eq3A_362 = arith.constant 0 : i32
        %eq3A_363 = arith.cmpi eq, %jit3A_361, %eq3A_362 : i32
        %jit3A_364 = arith.constant 1 : i32
        %select_n3A_365 = arith.select %eq3A_363, %jit3A_364, %jit3A_361 : i32
        %rem3A_366 = arith.remsi %sub3A_344, %select_n3A_365 : i32
        %ne3A_367 = arith.constant 0 : i32
        %ne3A_368 = arith.cmpi ne, %rem3A_366, %ne3A_367 : i32
        %lt3A_369 = arith.constant 0 : i32
        %lt3A_370 = arith.cmpi slt, %rem3A_366, %lt3A_369 : i32
        %lt3A_371 = arith.constant 0 : i32
        %lt3A_372 = arith.cmpi slt, %select_n3A_365, %lt3A_371 : i32
        %ne3A_373 = arith.xori %lt3A_370, %lt3A_372 : i1
        %and3A_374 = arith.andi %ne3A_373, %ne3A_368 : i1
        %add3A_375 = arith.addi %rem3A_366, %select_n3A_365 : i32
        %select_n3A_376 = arith.select %and3A_374, %add3A_375, %rem3A_366 : i32
        %jit3A_377 = arith.constant 4 : i32
        %eq3A_378 = arith.constant 0 : i32
        %eq3A_379 = arith.cmpi eq, %jit3A_377, %eq3A_378 : i32
        %jit3A_380 = arith.constant 1 : i32
        %select_n3A_381 = arith.select %eq3A_379, %jit3A_380, %jit3A_377 : i32
        %rem3A_382 = arith.remsi %sub3A_344, %select_n3A_381 : i32
        %ne3A_383 = arith.constant 0 : i32
        %ne3A_384 = arith.cmpi ne, %rem3A_382, %ne3A_383 : i32
        %lt3A_385 = arith.constant 0 : i32
        %lt3A_386 = arith.cmpi slt, %rem3A_382, %lt3A_385 : i32
        %lt3A_387 = arith.constant 0 : i32
        %lt3A_388 = arith.cmpi slt, %select_n3A_381, %lt3A_387 : i32
        %ne3A_389 = arith.xori %lt3A_386, %lt3A_388 : i1
        %and3A_390 = arith.andi %ne3A_389, %ne3A_384 : i1
        %add3A_391 = arith.addi %rem3A_382, %select_n3A_381 : i32
        %select_n3A_392 = arith.select %and3A_390, %add3A_391, %rem3A_382 : i32
        %dma_wait3A_393 = arith.constant 0 : i32
        %dma_wait3A_394 = arith.constant 0 : i32
        %dma_wait3A_395 = tpu.memref_slice %arg8[%select_n3A_376, %dma_wait3A_393, %dma_wait3A_394] : memref<4x64x128xf32, #tpu.memory_space<vmem>> -> memref<1x64x128xf32, #tpu.memory_space<vmem>>
        %dma_wait3A_396 = tpu.memref_squeeze %dma_wait3A_395 : memref<1x64x128xf32, #tpu.memory_space<vmem>> -> memref<64x128xf32, #tpu.memory_space<vmem>>
        %dma_wait3A_397 = arith.constant 0 : i32
        %dma_wait3A_398 = tpu.memref_slice %arg6[%select_n3A_360, %dma_wait3A_397] : memref<8x64xi32, #tpu.memory_space<vmem>> -> memref<1x64xi32, #tpu.memory_space<vmem>>
        %dma_wait3A_399 = tpu.memref_squeeze %dma_wait3A_398 : memref<1x64xi32, #tpu.memory_space<vmem>> -> memref<64xi32, #tpu.memory_space<vmem>>
        %dma_wait3A_400 = arith.constant 0 : i32
        %dma_wait3A_401 = arith.constant 0 : i32
        %dma_wait3A_402 = tpu.memref_slice %arg2[%dma_wait3A_400, %dma_wait3A_401] : memref<10000x128xf32, #tpu.memory_space<hbm>> -> memref<10000x128xf32, #tpu.memory_space<hbm>>
        %dma_wait3A_403 = tpu.memref_slice %arg12[%select_n3A_392] : memref<4x!tpu.dma_semaphore, #tpu.memory_space<semaphore_mem>> -> memref<1x!tpu.dma_semaphore, #tpu.memory_space<semaphore_mem>>
        %dma_wait3A_404 = tpu.memref_squeeze %dma_wait3A_403 : memref<1x!tpu.dma_semaphore, #tpu.memory_space<semaphore_mem>> -> memref<!tpu.dma_semaphore, #tpu.memory_space<semaphore_mem>>
        tpu.wait_indirect_dma semaphore(%dma_wait3A_404 : memref<!tpu.dma_semaphore, #tpu.memory_space<semaphore_mem>>) src(%dma_wait3A_402 : memref<10000x128xf32, #tpu.memory_space<hbm>>) dst(%dma_wait3A_396 : memref<64x128xf32, #tpu.memory_space<vmem>>)
        %sub3A_405 = arith.constant 2 : i32
        %sub3A_406 = arith.subi %scan3A_213, %sub3A_405 : i32
        %jit3A_407 = arith.constant 4 : i32
        %eq3A_408 = arith.constant 0 : i32
        %eq3A_409 = arith.cmpi eq, %jit3A_407, %eq3A_408 : i32
        %jit3A_410 = arith.constant 1 : i32
        %select_n3A_411 = arith.select %eq3A_409, %jit3A_410, %jit3A_407 : i32
        %rem3A_412 = arith.remsi %sub3A_406, %select_n3A_411 : i32
        %ne3A_413 = arith.constant 0 : i32
        %ne3A_414 = arith.cmpi ne, %rem3A_412, %ne3A_413 : i32
        %lt3A_415 = arith.constant 0 : i32
        %lt3A_416 = arith.cmpi slt, %rem3A_412, %lt3A_415 : i32
        %lt3A_417 = arith.constant 0 : i32
        %lt3A_418 = arith.cmpi slt, %select_n3A_411, %lt3A_417 : i32
        %ne3A_419 = arith.xori %lt3A_416, %lt3A_418 : i1
        %and3A_420 = arith.andi %ne3A_419, %ne3A_414 : i1
        %add3A_421 = arith.addi %rem3A_412, %select_n3A_411 : i32
        %select_n3A_422 = arith.select %and3A_420, %add3A_421, %rem3A_412 : i32
        %jit3A_423 = arith.constant 8 : i32
        %eq3A_424 = arith.constant 0 : i32
        %eq3A_425 = arith.cmpi eq, %jit3A_423, %eq3A_424 : i32
        %jit3A_426 = arith.constant 1 : i32
        %select_n3A_427 = arith.select %eq3A_425, %jit3A_426, %jit3A_423 : i32
        %rem3A_428 = arith.remsi %sub3A_406, %select_n3A_427 : i32
        %ne3A_429 = arith.constant 0 : i32
        %ne3A_430 = arith.cmpi ne, %rem3A_428, %ne3A_429 : i32
        %lt3A_431 = arith.constant 0 : i32
        %lt3A_432 = arith.cmpi slt, %rem3A_428, %lt3A_431 : i32
        %lt3A_433 = arith.constant 0 : i32
        %lt3A_434 = arith.cmpi slt, %select_n3A_427, %lt3A_433 : i32
        %ne3A_435 = arith.xori %lt3A_432, %lt3A_434 : i1
        %and3A_436 = arith.andi %ne3A_435, %ne3A_430 : i1
        %add3A_437 = arith.addi %rem3A_428, %select_n3A_427 : i32
        %select_n3A_438 = arith.select %and3A_436, %add3A_437, %rem3A_428 : i32
        %jit3A_439 = arith.constant 4 : i32
        %eq3A_440 = arith.constant 0 : i32
        %eq3A_441 = arith.cmpi eq, %jit3A_439, %eq3A_440 : i32
        %jit3A_442 = arith.constant 1 : i32
        %select_n3A_443 = arith.select %eq3A_441, %jit3A_442, %jit3A_439 : i32
        %rem3A_444 = arith.remsi %sub3A_406, %select_n3A_443 : i32
        %ne3A_445 = arith.constant 0 : i32
        %ne3A_446 = arith.cmpi ne, %rem3A_444, %ne3A_445 : i32
        %lt3A_447 = arith.constant 0 : i32
        %lt3A_448 = arith.cmpi slt, %rem3A_444, %lt3A_447 : i32
        %lt3A_449 = arith.constant 0 : i32
        %lt3A_450 = arith.cmpi slt, %select_n3A_443, %lt3A_449 : i32
        %ne3A_451 = arith.xori %lt3A_448, %lt3A_450 : i1
        %and3A_452 = arith.andi %ne3A_451, %ne3A_446 : i1
        %add3A_453 = arith.addi %rem3A_444, %select_n3A_443 : i32
        %select_n3A_454 = arith.select %and3A_452, %add3A_453, %rem3A_444 : i32
        %dma_start3A_455 = arith.constant 0 : i32
        %dma_start3A_456 = arith.constant 0 : i32
        %dma_start3A_457 = tpu.memref_slice %arg8[%select_n3A_422, %dma_start3A_455, %dma_start3A_456] : memref<4x64x128xf32, #tpu.memory_space<vmem>> -> memref<1x64x128xf32, #tpu.memory_space<vmem>>
        %dma_start3A_458 = tpu.memref_squeeze %dma_start3A_457 : memref<1x64x128xf32, #tpu.memory_space<vmem>> -> memref<64x128xf32, #tpu.memory_space<vmem>>
        %dma_start3A_459 = arith.constant 0 : i32
        %dma_start3A_460 = tpu.memref_slice %arg7[%select_n3A_438, %dma_start3A_459] : memref<8x64xi32, #tpu.memory_space<vmem>> -> memref<1x64xi32, #tpu.memory_space<vmem>>
        %dma_start3A_461 = tpu.memref_squeeze %dma_start3A_460 : memref<1x64xi32, #tpu.memory_space<vmem>> -> memref<64xi32, #tpu.memory_space<vmem>>
        %dma_start3A_462 = arith.constant 0 : i32
        %dma_start3A_463 = arith.constant 0 : i32
        %dma_start3A_464 = tpu.memref_slice %arg10[%dma_start3A_462, %dma_start3A_463] : memref<10064x128xf32, #tpu.memory_space<vmem_shared>> -> memref<10064x128xf32, #tpu.memory_space<vmem_shared>>
        %dma_start3A_465 = tpu.memref_slice %arg13[%select_n3A_454] : memref<4x!tpu.dma_semaphore, #tpu.memory_space<semaphore_mem>> -> memref<1x!tpu.dma_semaphore, #tpu.memory_space<semaphore_mem>>
        %dma_start3A_466 = tpu.memref_squeeze %dma_start3A_465 : memref<1x!tpu.dma_semaphore, #tpu.memory_space<semaphore_mem>> -> memref<!tpu.dma_semaphore, #tpu.memory_space<semaphore_mem>>
        tpu.enqueue_indirect_dma source(%dma_start3A_458 : memref<64x128xf32, #tpu.memory_space<vmem>>) target(%dma_start3A_464 : memref<10064x128xf32, #tpu.memory_space<vmem_shared>>) offsets(%dma_start3A_461 : memref<64xi32, #tpu.memory_space<vmem>>) semaphore(%dma_start3A_466 : memref<!tpu.dma_semaphore, #tpu.memory_space<semaphore_mem>>) {add = true}
      } else {
      }
      %scan3A_343 = arith.constant 0 : i32
      scf.yield %scan3A_343 : i32
    }
    %scan3A_80 = arith.constant 157 : i32
    %dma_wait3A = arith.constant 3 : i32
    %dma_wait3A_81 = arith.constant 3 : i32
    %dma_wait3A_82 = arith.constant 3 : i32
    %dma_wait3A_83 = arith.constant 0 : i32
    %dma_wait3A_84 = arith.constant 0 : i32
    %dma_wait3A_85 = tpu.memref_slice %arg8[%dma_wait3A_81, %dma_wait3A_83, %dma_wait3A_84] : memref<4x64x128xf32, #tpu.memory_space<vmem>> -> memref<1x64x128xf32, #tpu.memory_space<vmem>>
    %dma_wait3A_86 = tpu.memref_squeeze %dma_wait3A_85 : memref<1x64x128xf32, #tpu.memory_space<vmem>> -> memref<64x128xf32, #tpu.memory_space<vmem>>
    %dma_wait3A_87 = arith.constant 0 : i32
    %dma_wait3A_88 = tpu.memref_slice %arg6[%dma_wait3A, %dma_wait3A_87] : memref<8x64xi32, #tpu.memory_space<vmem>> -> memref<1x64xi32, #tpu.memory_space<vmem>>
    %dma_wait3A_89 = tpu.memref_squeeze %dma_wait3A_88 : memref<1x64xi32, #tpu.memory_space<vmem>> -> memref<64xi32, #tpu.memory_space<vmem>>
    %dma_wait3A_90 = arith.constant 0 : i32
    %dma_wait3A_91 = arith.constant 0 : i32
    %dma_wait3A_92 = tpu.memref_slice %arg2[%dma_wait3A_90, %dma_wait3A_91] : memref<10000x128xf32, #tpu.memory_space<hbm>> -> memref<10000x128xf32, #tpu.memory_space<hbm>>
    %dma_wait3A_93 = tpu.memref_slice %arg12[%dma_wait3A_82] : memref<4x!tpu.dma_semaphore, #tpu.memory_space<semaphore_mem>> -> memref<1x!tpu.dma_semaphore, #tpu.memory_space<semaphore_mem>>
    %dma_wait3A_94 = tpu.memref_squeeze %dma_wait3A_93 : memref<1x!tpu.dma_semaphore, #tpu.memory_space<semaphore_mem>> -> memref<!tpu.dma_semaphore, #tpu.memory_space<semaphore_mem>>
    tpu.wait_indirect_dma semaphore(%dma_wait3A_94 : memref<!tpu.dma_semaphore, #tpu.memory_space<semaphore_mem>>) src(%dma_wait3A_92 : memref<10000x128xf32, #tpu.memory_space<hbm>>) dst(%dma_wait3A_86 : memref<64x128xf32, #tpu.memory_space<vmem>>)
    %dma_start3A_95 = arith.constant 3 : i32
    %dma_start3A_96 = arith.constant 3 : i32
    %dma_start3A_97 = arith.constant 3 : i32
    %dma_start3A_98 = arith.constant 0 : i32
    %dma_start3A_99 = arith.constant 0 : i32
    %dma_start3A_100 = tpu.memref_slice %arg8[%dma_start3A_95, %dma_start3A_98, %dma_start3A_99] : memref<4x64x128xf32, #tpu.memory_space<vmem>> -> memref<1x64x128xf32, #tpu.memory_space<vmem>>
    %dma_start3A_101 = tpu.memref_squeeze %dma_start3A_100 : memref<1x64x128xf32, #tpu.memory_space<vmem>> -> memref<64x128xf32, #tpu.memory_space<vmem>>
    %dma_start3A_102 = arith.constant 0 : i32
    %dma_start3A_103 = tpu.memref_slice %arg7[%dma_start3A_96, %dma_start3A_102] : memref<8x64xi32, #tpu.memory_space<vmem>> -> memref<1x64xi32, #tpu.memory_space<vmem>>
    %dma_start3A_104 = tpu.memref_squeeze %dma_start3A_103 : memref<1x64xi32, #tpu.memory_space<vmem>> -> memref<64xi32, #tpu.memory_space<vmem>>
    %dma_start3A_105 = arith.constant 0 : i32
    %dma_start3A_106 = arith.constant 0 : i32
    %dma_start3A_107 = tpu.memref_slice %arg10[%dma_start3A_105, %dma_start3A_106] : memref<10064x128xf32, #tpu.memory_space<vmem_shared>> -> memref<10064x128xf32, #tpu.memory_space<vmem_shared>>
    %dma_start3A_108 = tpu.memref_slice %arg13[%dma_start3A_97] : memref<4x!tpu.dma_semaphore, #tpu.memory_space<semaphore_mem>> -> memref<1x!tpu.dma_semaphore, #tpu.memory_space<semaphore_mem>>
    %dma_start3A_109 = tpu.memref_squeeze %dma_start3A_108 : memref<1x!tpu.dma_semaphore, #tpu.memory_space<semaphore_mem>> -> memref<!tpu.dma_semaphore, #tpu.memory_space<semaphore_mem>>
    tpu.enqueue_indirect_dma source(%dma_start3A_101 : memref<64x128xf32, #tpu.memory_space<vmem>>) target(%dma_start3A_107 : memref<10064x128xf32, #tpu.memory_space<vmem_shared>>) offsets(%dma_start3A_104 : memref<64xi32, #tpu.memory_space<vmem>>) semaphore(%dma_start3A_109 : memref<!tpu.dma_semaphore, #tpu.memory_space<semaphore_mem>>) {add = true}
    %dma_wait3A_110 = arith.constant 4 : i32
    %dma_wait3A_111 = arith.constant 0 : i32
    %dma_wait3A_112 = arith.constant 0 : i32
    %dma_wait3A_113 = arith.constant 0 : i32
    %dma_wait3A_114 = arith.constant 0 : i32
    %dma_wait3A_115 = tpu.memref_slice %arg8[%dma_wait3A_111, %dma_wait3A_113, %dma_wait3A_114] : memref<4x64x128xf32, #tpu.memory_space<vmem>> -> memref<1x64x128xf32, #tpu.memory_space<vmem>>
    %dma_wait3A_116 = tpu.memref_squeeze %dma_wait3A_115 : memref<1x64x128xf32, #tpu.memory_space<vmem>> -> memref<64x128xf32, #tpu.memory_space<vmem>>
    %dma_wait3A_117 = arith.constant 0 : i32
    %dma_wait3A_118 = tpu.memref_slice %arg6[%dma_wait3A_110, %dma_wait3A_117] : memref<8x64xi32, #tpu.memory_space<vmem>> -> memref<1x64xi32, #tpu.memory_space<vmem>>
    %dma_wait3A_119 = tpu.memref_squeeze %dma_wait3A_118 : memref<1x64xi32, #tpu.memory_space<vmem>> -> memref<64xi32, #tpu.memory_space<vmem>>
    %dma_wait3A_120 = arith.constant 0 : i32
    %dma_wait3A_121 = arith.constant 0 : i32
    %dma_wait3A_122 = tpu.memref_slice %arg2[%dma_wait3A_120, %dma_wait3A_121] : memref<10000x128xf32, #tpu.memory_space<hbm>> -> memref<10000x128xf32, #tpu.memory_space<hbm>>
    %dma_wait3A_123 = tpu.memref_slice %arg12[%dma_wait3A_112] : memref<4x!tpu.dma_semaphore, #tpu.memory_space<semaphore_mem>> -> memref<1x!tpu.dma_semaphore, #tpu.memory_space<semaphore_mem>>
    %dma_wait3A_124 = tpu.memref_squeeze %dma_wait3A_123 : memref<1x!tpu.dma_semaphore, #tpu.memory_space<semaphore_mem>> -> memref<!tpu.dma_semaphore, #tpu.memory_space<semaphore_mem>>
    tpu.wait_indirect_dma semaphore(%dma_wait3A_124 : memref<!tpu.dma_semaphore, #tpu.memory_space<semaphore_mem>>) src(%dma_wait3A_122 : memref<10000x128xf32, #tpu.memory_space<hbm>>) dst(%dma_wait3A_116 : memref<64x128xf32, #tpu.memory_space<vmem>>)
    %dma_start3A_125 = arith.constant 0 : i32
    %dma_start3A_126 = arith.constant 4 : i32
    %dma_start3A_127 = arith.constant 0 : i32
    %dma_start3A_128 = arith.constant 0 : i32
    %dma_start3A_129 = arith.constant 0 : i32
    %dma_start3A_130 = tpu.memref_slice %arg8[%dma_start3A_125, %dma_start3A_128, %dma_start3A_129] : memref<4x64x128xf32, #tpu.memory_space<vmem>> -> memref<1x64x128xf32, #tpu.memory_space<vmem>>
    %dma_start3A_131 = tpu.memref_squeeze %dma_start3A_130 : memref<1x64x128xf32, #tpu.memory_space<vmem>> -> memref<64x128xf32, #tpu.memory_space<vmem>>
    %dma_start3A_132 = arith.constant 0 : i32
    %dma_start3A_133 = tpu.memref_slice %arg7[%dma_start3A_126, %dma_start3A_132] : memref<8x64xi32, #tpu.memory_space<vmem>> -> memref<1x64xi32, #tpu.memory_space<vmem>>
    %dma_start3A_134 = tpu.memref_squeeze %dma_start3A_133 : memref<1x64xi32, #tpu.memory_space<vmem>> -> memref<64xi32, #tpu.memory_space<vmem>>
    %dma_start3A_135 = arith.constant 0 : i32
    %dma_start3A_136 = arith.constant 0 : i32
    %dma_start3A_137 = tpu.memref_slice %arg10[%dma_start3A_135, %dma_start3A_136] : memref<10064x128xf32, #tpu.memory_space<vmem_shared>> -> memref<10064x128xf32, #tpu.memory_space<vmem_shared>>
    %dma_start3A_138 = tpu.memref_slice %arg13[%dma_start3A_127] : memref<4x!tpu.dma_semaphore, #tpu.memory_space<semaphore_mem>> -> memref<1x!tpu.dma_semaphore, #tpu.memory_space<semaphore_mem>>
    %dma_start3A_139 = tpu.memref_squeeze %dma_start3A_138 : memref<1x!tpu.dma_semaphore, #tpu.memory_space<semaphore_mem>> -> memref<!tpu.dma_semaphore, #tpu.memory_space<semaphore_mem>>
    tpu.enqueue_indirect_dma source(%dma_start3A_131 : memref<64x128xf32, #tpu.memory_space<vmem>>) target(%dma_start3A_137 : memref<10064x128xf32, #tpu.memory_space<vmem_shared>>) offsets(%dma_start3A_134 : memref<64xi32, #tpu.memory_space<vmem>>) semaphore(%dma_start3A_139 : memref<!tpu.dma_semaphore, #tpu.memory_space<semaphore_mem>>) {add = true}
    %dma_wait3A_140 = arith.constant 1 : i32
    %dma_wait3A_141 = arith.constant 1 : i32
    %dma_wait3A_142 = arith.constant 1 : i32
    %dma_wait3A_143 = arith.constant 0 : i32
    %dma_wait3A_144 = arith.constant 0 : i32
    %dma_wait3A_145 = tpu.memref_slice %arg8[%dma_wait3A_140, %dma_wait3A_143, %dma_wait3A_144] : memref<4x64x128xf32, #tpu.memory_space<vmem>> -> memref<1x64x128xf32, #tpu.memory_space<vmem>>
    %dma_wait3A_146 = tpu.memref_squeeze %dma_wait3A_145 : memref<1x64x128xf32, #tpu.memory_space<vmem>> -> memref<64x128xf32, #tpu.memory_space<vmem>>
    %dma_wait3A_147 = arith.constant 0 : i32
    %dma_wait3A_148 = tpu.memref_slice %arg7[%dma_wait3A_141, %dma_wait3A_147] : memref<8x64xi32, #tpu.memory_space<vmem>> -> memref<1x64xi32, #tpu.memory_space<vmem>>
    %dma_wait3A_149 = tpu.memref_squeeze %dma_wait3A_148 : memref<1x64xi32, #tpu.memory_space<vmem>> -> memref<64xi32, #tpu.memory_space<vmem>>
    %dma_wait3A_150 = arith.constant 0 : i32
    %dma_wait3A_151 = arith.constant 0 : i32
    %dma_wait3A_152 = tpu.memref_slice %arg10[%dma_wait3A_150, %dma_wait3A_151] : memref<10064x128xf32, #tpu.memory_space<vmem_shared>> -> memref<10064x128xf32, #tpu.memory_space<vmem_shared>>
    %dma_wait3A_153 = tpu.memref_slice %arg13[%dma_wait3A_142] : memref<4x!tpu.dma_semaphore, #tpu.memory_space<semaphore_mem>> -> memref<1x!tpu.dma_semaphore, #tpu.memory_space<semaphore_mem>>
    %dma_wait3A_154 = tpu.memref_squeeze %dma_wait3A_153 : memref<1x!tpu.dma_semaphore, #tpu.memory_space<semaphore_mem>> -> memref<!tpu.dma_semaphore, #tpu.memory_space<semaphore_mem>>
    tpu.wait_indirect_dma semaphore(%dma_wait3A_154 : memref<!tpu.dma_semaphore, #tpu.memory_space<semaphore_mem>>) src(%dma_wait3A_146 : memref<64x128xf32, #tpu.memory_space<vmem>>) dst(%dma_wait3A_152 : memref<10064x128xf32, #tpu.memory_space<vmem_shared>>)
    %dma_wait3A_155 = arith.constant 2 : i32
    %dma_wait3A_156 = arith.constant 2 : i32
    %dma_wait3A_157 = arith.constant 2 : i32
    %dma_wait3A_158 = arith.constant 0 : i32
    %dma_wait3A_159 = arith.constant 0 : i32
    %dma_wait3A_160 = tpu.memref_slice %arg8[%dma_wait3A_155, %dma_wait3A_158, %dma_wait3A_159] : memref<4x64x128xf32, #tpu.memory_space<vmem>> -> memref<1x64x128xf32, #tpu.memory_space<vmem>>
    %dma_wait3A_161 = tpu.memref_squeeze %dma_wait3A_160 : memref<1x64x128xf32, #tpu.memory_space<vmem>> -> memref<64x128xf32, #tpu.memory_space<vmem>>
    %dma_wait3A_162 = arith.constant 0 : i32
    %dma_wait3A_163 = tpu.memref_slice %arg7[%dma_wait3A_156, %dma_wait3A_162] : memref<8x64xi32, #tpu.memory_space<vmem>> -> memref<1x64xi32, #tpu.memory_space<vmem>>
    %dma_wait3A_164 = tpu.memref_squeeze %dma_wait3A_163 : memref<1x64xi32, #tpu.memory_space<vmem>> -> memref<64xi32, #tpu.memory_space<vmem>>
    %dma_wait3A_165 = arith.constant 0 : i32
    %dma_wait3A_166 = arith.constant 0 : i32
    %dma_wait3A_167 = tpu.memref_slice %arg10[%dma_wait3A_165, %dma_wait3A_166] : memref<10064x128xf32, #tpu.memory_space<vmem_shared>> -> memref<10064x128xf32, #tpu.memory_space<vmem_shared>>
    %dma_wait3A_168 = tpu.memref_slice %arg13[%dma_wait3A_157] : memref<4x!tpu.dma_semaphore, #tpu.memory_space<semaphore_mem>> -> memref<1x!tpu.dma_semaphore, #tpu.memory_space<semaphore_mem>>
    %dma_wait3A_169 = tpu.memref_squeeze %dma_wait3A_168 : memref<1x!tpu.dma_semaphore, #tpu.memory_space<semaphore_mem>> -> memref<!tpu.dma_semaphore, #tpu.memory_space<semaphore_mem>>
    tpu.wait_indirect_dma semaphore(%dma_wait3A_169 : memref<!tpu.dma_semaphore, #tpu.memory_space<semaphore_mem>>) src(%dma_wait3A_161 : memref<64x128xf32, #tpu.memory_space<vmem>>) dst(%dma_wait3A_167 : memref<10064x128xf32, #tpu.memory_space<vmem_shared>>)
    %dma_wait3A_170 = arith.constant 3 : i32
    %dma_wait3A_171 = arith.constant 3 : i32
    %dma_wait3A_172 = arith.constant 3 : i32
    %dma_wait3A_173 = arith.constant 0 : i32
    %dma_wait3A_174 = arith.constant 0 : i32
    %dma_wait3A_175 = tpu.memref_slice %arg8[%dma_wait3A_170, %dma_wait3A_173, %dma_wait3A_174] : memref<4x64x128xf32, #tpu.memory_space<vmem>> -> memref<1x64x128xf32, #tpu.memory_space<vmem>>
    %dma_wait3A_176 = tpu.memref_squeeze %dma_wait3A_175 : memref<1x64x128xf32, #tpu.memory_space<vmem>> -> memref<64x128xf32, #tpu.memory_space<vmem>>
    %dma_wait3A_177 = arith.constant 0 : i32
    %dma_wait3A_178 = tpu.memref_slice %arg7[%dma_wait3A_171, %dma_wait3A_177] : memref<8x64xi32, #tpu.memory_space<vmem>> -> memref<1x64xi32, #tpu.memory_space<vmem>>
    %dma_wait3A_179 = tpu.memref_squeeze %dma_wait3A_178 : memref<1x64xi32, #tpu.memory_space<vmem>> -> memref<64xi32, #tpu.memory_space<vmem>>
    %dma_wait3A_180 = arith.constant 0 : i32
    %dma_wait3A_181 = arith.constant 0 : i32
    %dma_wait3A_182 = tpu.memref_slice %arg10[%dma_wait3A_180, %dma_wait3A_181] : memref<10064x128xf32, #tpu.memory_space<vmem_shared>> -> memref<10064x128xf32, #tpu.memory_space<vmem_shared>>
    %dma_wait3A_183 = tpu.memref_slice %arg13[%dma_wait3A_172] : memref<4x!tpu.dma_semaphore, #tpu.memory_space<semaphore_mem>> -> memref<1x!tpu.dma_semaphore, #tpu.memory_space<semaphore_mem>>
    %dma_wait3A_184 = tpu.memref_squeeze %dma_wait3A_183 : memref<1x!tpu.dma_semaphore, #tpu.memory_space<semaphore_mem>> -> memref<!tpu.dma_semaphore, #tpu.memory_space<semaphore_mem>>
    tpu.wait_indirect_dma semaphore(%dma_wait3A_184 : memref<!tpu.dma_semaphore, #tpu.memory_space<semaphore_mem>>) src(%dma_wait3A_176 : memref<64x128xf32, #tpu.memory_space<vmem>>) dst(%dma_wait3A_182 : memref<10064x128xf32, #tpu.memory_space<vmem_shared>>)
    %dma_wait3A_185 = arith.constant 0 : i32
    %dma_wait3A_186 = arith.constant 4 : i32
    %dma_wait3A_187 = arith.constant 0 : i32
    %dma_wait3A_188 = arith.constant 0 : i32
    %dma_wait3A_189 = arith.constant 0 : i32
    %dma_wait3A_190 = tpu.memref_slice %arg8[%dma_wait3A_185, %dma_wait3A_188, %dma_wait3A_189] : memref<4x64x128xf32, #tpu.memory_space<vmem>> -> memref<1x64x128xf32, #tpu.memory_space<vmem>>
    %dma_wait3A_191 = tpu.memref_squeeze %dma_wait3A_190 : memref<1x64x128xf32, #tpu.memory_space<vmem>> -> memref<64x128xf32, #tpu.memory_space<vmem>>
    %dma_wait3A_192 = arith.constant 0 : i32
    %dma_wait3A_193 = tpu.memref_slice %arg7[%dma_wait3A_186, %dma_wait3A_192] : memref<8x64xi32, #tpu.memory_space<vmem>> -> memref<1x64xi32, #tpu.memory_space<vmem>>
    %dma_wait3A_194 = tpu.memref_squeeze %dma_wait3A_193 : memref<1x64xi32, #tpu.memory_space<vmem>> -> memref<64xi32, #tpu.memory_space<vmem>>
    %dma_wait3A_195 = arith.constant 0 : i32
    %dma_wait3A_196 = arith.constant 0 : i32
    %dma_wait3A_197 = tpu.memref_slice %arg10[%dma_wait3A_195, %dma_wait3A_196] : memref<10064x128xf32, #tpu.memory_space<vmem_shared>> -> memref<10064x128xf32, #tpu.memory_space<vmem_shared>>
    %dma_wait3A_198 = tpu.memref_slice %arg13[%dma_wait3A_187] : memref<4x!tpu.dma_semaphore, #tpu.memory_space<semaphore_mem>> -> memref<1x!tpu.dma_semaphore, #tpu.memory_space<semaphore_mem>>
    %dma_wait3A_199 = tpu.memref_squeeze %dma_wait3A_198 : memref<1x!tpu.dma_semaphore, #tpu.memory_space<semaphore_mem>> -> memref<!tpu.dma_semaphore, #tpu.memory_space<semaphore_mem>>
    tpu.wait_indirect_dma semaphore(%dma_wait3A_199 : memref<!tpu.dma_semaphore, #tpu.memory_space<semaphore_mem>>) src(%dma_wait3A_191 : memref<64x128xf32, #tpu.memory_space<vmem>>) dst(%dma_wait3A_197 : memref<10064x128xf32, #tpu.memory_space<vmem_shared>>)
    %barrier3A_200 = arith.constant 0 : index
    tpu.barrier barrier_id(%barrier3A_200)
    %scan3A_201 = arith.constant 0 : i32
    %scan3A_202 = arith.constant 0 : i32
    %scan3A_203 = arith.constant 15 : i32
    %scan3A_204 = arith.addi %scan3A_202, %scan3A_203 : i32
    %scan3A_205 = arith.constant 1 : i32
    %scan3A_206 = scf.for %scan3A_213 = %scan3A_202 to %scan3A_204 step %scan3A_205 iter_args(%scan3A_214 = %scan3A_201) -> (i32)  : i32 {
      %mul3A_215 = arith.constant 16 : i32
      %mul3A_216 = arith.muli %scan3A_213, %mul3A_215 : i32
      %add3A_217 = arith.addi %mul3A_216, %arg1 : i32
      %mul3A_218 = arith.constant 40 : i32
      %mul3A_219 = arith.muli %add3A_217, %mul3A_218 : i32
      %multiple_of3A_220 = tpu.assume_multiple %mul3A_219, 8 : i32
      "tpu.region"() ({
        %run_scoped3A = tpu.sem_alloc : memref<!tpu.dma_semaphore, #tpu.memory_space<semaphore_mem>>
        %dma_start3A_222 = arith.constant 0 : i32
        %dma_start3A_223 = tpu.memref_slice %arg10[%multiple_of3A_220, %dma_start3A_222] : memref<10064x128xf32, #tpu.memory_space<vmem_shared>> -> memref<40x128xf32, #tpu.memory_space<vmem_shared>>
        %dma_start3A_224 = arith.constant 0 : i32
        %dma_start3A_225 = tpu.memref_slice %arg10[%multiple_of3A_220, %dma_start3A_224] : memref<10064x128xf32, #tpu.memory_space<vmem_shared>> -> memref<40x128xf32, #tpu.memory_space<vmem_shared>>
        tpu.enqueue_dma source(%dma_start3A_225 : memref<40x128xf32, #tpu.memory_space<vmem_shared>>) target(%arg9 : memref<40x128xf32, #tpu.memory_space<vmem>>) target_semaphore(%run_scoped3A : memref<!tpu.dma_semaphore, #tpu.memory_space<semaphore_mem>>)
        %dma_wait3A_226 = arith.constant 0 : i32
        %dma_wait3A_227 = tpu.memref_slice %arg10[%multiple_of3A_220, %dma_wait3A_226] : memref<10064x128xf32, #tpu.memory_space<vmem_shared>> -> memref<40x128xf32, #tpu.memory_space<vmem_shared>>
        %dma_wait3A_228 = arith.constant 0 : i32
        %dma_wait3A_229 = tpu.memref_slice %arg10[%multiple_of3A_220, %dma_wait3A_228] : memref<10064x128xf32, #tpu.memory_space<vmem_shared>> -> memref<40x128xf32, #tpu.memory_space<vmem_shared>>
        tpu.wait_dma2 semaphore(%run_scoped3A : memref<!tpu.dma_semaphore, #tpu.memory_space<semaphore_mem>>) src(%dma_wait3A_229 : memref<40x128xf32, #tpu.memory_space<vmem_shared>>) dst(%arg9 : memref<40x128xf32, #tpu.memory_space<vmem>>)
        tpu.yield
      }) : () -> ()
      "tpu.region"() ({
        %run_scoped3A = tpu.sem_alloc : memref<!tpu.dma_semaphore, #tpu.memory_space<semaphore_mem>>
        %dma_start3A_222 = arith.constant 0 : i32
        %dma_start3A_223 = tpu.memref_slice %arg5[%arg0, %multiple_of3A_220, %dma_start3A_222] : memref<2x10000x128xf32, #tpu.memory_space<hbm>> -> memref<1x40x128xf32, #tpu.memory_space<hbm>>
        %dma_start3A_224 = tpu.memref_squeeze %dma_start3A_223 : memref<1x40x128xf32, #tpu.memory_space<hbm>> -> memref<40x128xf32, #tpu.memory_space<hbm>>
        %dma_start3A_225 = arith.constant 0 : i32
        %dma_start3A_226 = tpu.memref_slice %arg5[%arg0, %multiple_of3A_220, %dma_start3A_225] : memref<2x10000x128xf32, #tpu.memory_space<hbm>> -> memref<1x40x128xf32, #tpu.memory_space<hbm>>
        %dma_start3A_227 = tpu.memref_squeeze %dma_start3A_226 : memref<1x40x128xf32, #tpu.memory_space<hbm>> -> memref<40x128xf32, #tpu.memory_space<hbm>>
        tpu.enqueue_dma source(%arg9 : memref<40x128xf32, #tpu.memory_space<vmem>>) target(%dma_start3A_227 : memref<40x128xf32, #tpu.memory_space<hbm>>) target_semaphore(%run_scoped3A : memref<!tpu.dma_semaphore, #tpu.memory_space<semaphore_mem>>)
        %dma_wait3A_228 = arith.constant 0 : i32
        %dma_wait3A_229 = tpu.memref_slice %arg5[%arg0, %multiple_of3A_220, %dma_wait3A_228] : memref<2x10000x128xf32, #tpu.memory_space<hbm>> -> memref<1x40x128xf32, #tpu.memory_space<hbm>>
        %dma_wait3A_230 = tpu.memref_squeeze %dma_wait3A_229 : memref<1x40x128xf32, #tpu.memory_space<hbm>> -> memref<40x128xf32, #tpu.memory_space<hbm>>
        %dma_wait3A_231 = arith.constant 0 : i32
        %dma_wait3A_232 = tpu.memref_slice %arg5[%arg0, %multiple_of3A_220, %dma_wait3A_231] : memref<2x10000x128xf32, #tpu.memory_space<hbm>> -> memref<1x40x128xf32, #tpu.memory_space<hbm>>
        %dma_wait3A_233 = tpu.memref_squeeze %dma_wait3A_232 : memref<1x40x128xf32, #tpu.memory_space<hbm>> -> memref<40x128xf32, #tpu.memory_space<hbm>>
        tpu.wait_dma2 semaphore(%run_scoped3A : memref<!tpu.dma_semaphore, #tpu.memory_space<semaphore_mem>>) src(%arg9 : memref<40x128xf32, #tpu.memory_space<vmem>>) dst(%dma_wait3A_233 : memref<40x128xf32, #tpu.memory_space<hbm>>)
        tpu.yield
      }) : () -> ()
      %scan3A_221 = arith.constant 0 : i32
      scf.yield %scan3A_221 : i32
    }
    %scan3A_207 = arith.constant 15 : i32
    %lt3A_208 = arith.constant 10 : i32
    %lt3A_209 = arith.cmpi slt, %arg1, %lt3A_208 : i32
    %convert_element_type3A_210 = arith.extui %lt3A_209 : i1 to i32
    %cond3A_211 = arith.constant 0 : i32
    %cond3A_212 = arith.cmpi ne, %convert_element_type3A_210, %cond3A_211 : i32
    scf.if %cond3A_212 {
      %add3A_213 = arith.constant 240 : i32
      %add3A_214 = arith.addi %add3A_213, %arg1 : i32
      %mul3A_215 = arith.constant 40 : i32
      %mul3A_216 = arith.muli %add3A_214, %mul3A_215 : i32
      %multiple_of3A_217 = tpu.assume_multiple %mul3A_216, 8 : i32
      "tpu.region"() ({
        %run_scoped3A = tpu.sem_alloc : memref<!tpu.dma_semaphore, #tpu.memory_space<semaphore_mem>>
        %dma_start3A_218 = arith.constant 0 : i32
        %dma_start3A_219 = tpu.memref_slice %arg10[%multiple_of3A_217, %dma_start3A_218] : memref<10064x128xf32, #tpu.memory_space<vmem_shared>> -> memref<40x128xf32, #tpu.memory_space<vmem_shared>>
        %dma_start3A_220 = arith.constant 0 : i32
        %dma_start3A_221 = tpu.memref_slice %arg10[%multiple_of3A_217, %dma_start3A_220] : memref<10064x128xf32, #tpu.memory_space<vmem_shared>> -> memref<40x128xf32, #tpu.memory_space<vmem_shared>>
        tpu.enqueue_dma source(%dma_start3A_221 : memref<40x128xf32, #tpu.memory_space<vmem_shared>>) target(%arg9 : memref<40x128xf32, #tpu.memory_space<vmem>>) target_semaphore(%run_scoped3A : memref<!tpu.dma_semaphore, #tpu.memory_space<semaphore_mem>>)
        %dma_wait3A_222 = arith.constant 0 : i32
        %dma_wait3A_223 = tpu.memref_slice %arg10[%multiple_of3A_217, %dma_wait3A_222] : memref<10064x128xf32, #tpu.memory_space<vmem_shared>> -> memref<40x128xf32, #tpu.memory_space<vmem_shared>>
        %dma_wait3A_224 = arith.constant 0 : i32
        %dma_wait3A_225 = tpu.memref_slice %arg10[%multiple_of3A_217, %dma_wait3A_224] : memref<10064x128xf32, #tpu.memory_space<vmem_shared>> -> memref<40x128xf32, #tpu.memory_space<vmem_shared>>
        tpu.wait_dma2 semaphore(%run_scoped3A : memref<!tpu.dma_semaphore, #tpu.memory_space<semaphore_mem>>) src(%dma_wait3A_225 : memref<40x128xf32, #tpu.memory_space<vmem_shared>>) dst(%arg9 : memref<40x128xf32, #tpu.memory_space<vmem>>)
        tpu.yield
      }) : () -> ()
      "tpu.region"() ({
        %run_scoped3A = tpu.sem_alloc : memref<!tpu.dma_semaphore, #tpu.memory_space<semaphore_mem>>
        %dma_start3A_218 = arith.constant 0 : i32
        %dma_start3A_219 = tpu.memref_slice %arg5[%arg0, %multiple_of3A_217, %dma_start3A_218] : memref<2x10000x128xf32, #tpu.memory_space<hbm>> -> memref<1x40x128xf32, #tpu.memory_space<hbm>>
        %dma_start3A_220 = tpu.memref_squeeze %dma_start3A_219 : memref<1x40x128xf32, #tpu.memory_space<hbm>> -> memref<40x128xf32, #tpu.memory_space<hbm>>
        %dma_start3A_221 = arith.constant 0 : i32
        %dma_start3A_222 = tpu.memref_slice %arg5[%arg0, %multiple_of3A_217, %dma_start3A_221] : memref<2x10000x128xf32, #tpu.memory_space<hbm>> -> memref<1x40x128xf32, #tpu.memory_space<hbm>>
        %dma_start3A_223 = tpu.memref_squeeze %dma_start3A_222 : memref<1x40x128xf32, #tpu.memory_space<hbm>> -> memref<40x128xf32, #tpu.memory_space<hbm>>
        tpu.enqueue_dma source(%arg9 : memref<40x128xf32, #tpu.memory_space<vmem>>) target(%dma_start3A_223 : memref<40x128xf32, #tpu.memory_space<hbm>>) target_semaphore(%run_scoped3A : memref<!tpu.dma_semaphore, #tpu.memory_space<semaphore_mem>>)
        %dma_wait3A_224 = arith.constant 0 : i32
        %dma_wait3A_225 = tpu.memref_slice %arg5[%arg0, %multiple_of3A_217, %dma_wait3A_224] : memref<2x10000x128xf32, #tpu.memory_space<hbm>> -> memref<1x40x128xf32, #tpu.memory_space<hbm>>
        %dma_wait3A_226 = tpu.memref_squeeze %dma_wait3A_225 : memref<1x40x128xf32, #tpu.memory_space<hbm>> -> memref<40x128xf32, #tpu.memory_space<hbm>>
        %dma_wait3A_227 = arith.constant 0 : i32
        %dma_wait3A_228 = tpu.memref_slice %arg5[%arg0, %multiple_of3A_217, %dma_wait3A_227] : memref<2x10000x128xf32, #tpu.memory_space<hbm>> -> memref<1x40x128xf32, #tpu.memory_space<hbm>>
        %dma_wait3A_229 = tpu.memref_squeeze %dma_wait3A_228 : memref<1x40x128xf32, #tpu.memory_space<hbm>> -> memref<40x128xf32, #tpu.memory_space<hbm>>
        tpu.wait_dma2 semaphore(%run_scoped3A : memref<!tpu.dma_semaphore, #tpu.memory_space<semaphore_mem>>) src(%arg9 : memref<40x128xf32, #tpu.memory_space<vmem>>) dst(%dma_wait3A_229 : memref<40x128xf32, #tpu.memory_space<hbm>>)
        tpu.yield
      }) : () -> ()
    } else {
    }
    return
  }
}

#map = affine_map<(d0, d1) -> (0, 0)>
#map1 = affine_map<(d0, d1) -> (0)>
#map2 = affine_map<(d0, d1) -> (0, 0, 0)>
module attributes {stable_mosaic.version = 14 : i64} {
  func.func @k(%arg0: i32, %arg1: i32, %arg2: memref<10000x128xf32, #tpu.memory_space<hbm>>, %arg3: memref<321536xi32, #tpu.memory_space<hbm>>, %arg4: memref<321536xi32, #tpu.memory_space<hbm>>, %arg5: memref<2x10000x128xf32, #tpu.memory_space<hbm>>, %arg6: memref<8x64xi32, #tpu.memory_space<vmem>>, %arg7: memref<8x64xi32, #tpu.memory_space<vmem>>, %arg8: memref<4x64x128xf32, #tpu.memory_space<vmem>>, %arg9: memref<40x128xf32, #tpu.memory_space<vmem>>, %arg10: memref<10064x128xf32, #tpu.memory_space<vmem_shared>>, %arg11: memref<4x!tpu.dma_semaphore, #tpu.memory_space<semaphore_mem>>, %arg12: memref<4x!tpu.dma_semaphore, #tpu.memory_space<semaphore_mem>>, %arg13: memref<4x!tpu.dma_semaphore, #tpu.memory_space<semaphore_mem>>) attributes {dimension_semantics = [#tpu.dimension_semantics<core_parallel>, #tpu.dimension_semantics<subcore_parallel>], iteration_bounds = array<i64: 2, 16>, scalar_prefetch = 0 : i64, scratch_operands = 8 : i64, tpu.core_type = #tpu.core_type<sc_vector_subcore>, window_params = [{transform_indices = #map}, {transform_indices = #map1}, {transform_indices = #map1}, {transform_indices = #map2}]} {
    %mul3A = arith.constant 2 : i32
    %mul3A_0 = arith.muli %arg1, %mul3A : i32
    %add3A = arith.addi %mul3A_0, %arg0 : i32
    %scan3A = arith.constant 0 : i32
    %scan3A_1 = arith.constant 0 : i32
    %scan3A_2 = arith.constant 320 : i32
    %scan3A_3 = arith.addi %scan3A_1, %scan3A_2 : i32
    %scan3A_4 = arith.constant 1 : i32
    %scan3A_5 = scf.for %scan3A_213 = %scan3A_1 to %scan3A_3 step %scan3A_4 iter_args(%scan3A_214 = %scan3A) -> (i32)  : i32 {
      %broadcast_in_dim3A = arith.constant 0.000000e+00 : f32
      %broadcast_in_dim3A_215 = vector.broadcast %broadcast_in_dim3A : f32 to vector<16xf32>
      %jit3A = arith.constant 8 : i32
      %div3A = arith.divsi %scan3A_213, %jit3A : i32
      %sign3A = arith.constant 0 : i32
      %sign3A_216 = arith.cmpi sgt, %scan3A_213, %sign3A : i32
      %sign3A_217 = arith.extui %sign3A_216 : i1 to i32
      %sign3A_218 = arith.constant 0 : i32
      %sign3A_219 = arith.cmpi slt, %scan3A_213, %sign3A_218 : i32
      %sign3A_220 = arith.extui %sign3A_219 : i1 to i32
      %sign3A_221 = arith.subi %sign3A_217, %sign3A_220 : i32
      %sign3A_222 = arith.constant 0 : i32
      %sign3A_223 = arith.cmpi sgt, %jit3A, %sign3A_222 : i32
      %sign3A_224 = arith.extui %sign3A_223 : i1 to i32
      %sign3A_225 = arith.constant 0 : i32
      %sign3A_226 = arith.cmpi slt, %jit3A, %sign3A_225 : i32
      %sign3A_227 = arith.extui %sign3A_226 : i1 to i32
      %sign3A_228 = arith.subi %sign3A_224, %sign3A_227 : i32
      %ne3A = arith.cmpi ne, %sign3A_221, %sign3A_228 : i32
      %rem3A = arith.remsi %scan3A_213, %jit3A : i32
      %ne3A_229 = arith.constant 0 : i32
      %ne3A_230 = arith.cmpi ne, %rem3A, %ne3A_229 : i32
      %and3A = arith.andi %ne3A, %ne3A_230 : i1
      %sub3A = arith.constant 1 : i32
      %sub3A_231 = arith.subi %div3A, %sub3A : i32
      %select_n3A = arith.select %and3A, %sub3A_231, %div3A : i32
      %jit3A_232 = arith.constant 8 : i32
      %eq3A = arith.constant 0 : i32
      %eq3A_233 = arith.cmpi eq, %jit3A_232, %eq3A : i32
      %jit3A_234 = arith.constant 1 : i32
      %select_n3A_235 = arith.select %eq3A_233, %jit3A_234, %jit3A_232 : i32
      %rem3A_236 = arith.remsi %scan3A_213, %select_n3A_235 : i32
      %ne3A_237 = arith.constant 0 : i32
      %ne3A_238 = arith.cmpi ne, %rem3A_236, %ne3A_237 : i32
      %lt3A_239 = arith.constant 0 : i32
      %lt3A_240 = arith.cmpi slt, %rem3A_236, %lt3A_239 : i32
      %lt3A_241 = arith.constant 0 : i32
      %lt3A_242 = arith.cmpi slt, %select_n3A_235, %lt3A_241 : i32
      %ne3A_243 = arith.xori %lt3A_240, %lt3A_242 : i1
      %and3A_244 = arith.andi %ne3A_243, %ne3A_238 : i1
      %add3A_245 = arith.addi %rem3A_236, %select_n3A_235 : i32
      %select_n3A_246 = arith.select %and3A_244, %add3A_245, %rem3A_236 : i32
      %mul3A_247 = arith.constant 16 : i32
      %mul3A_248 = arith.muli %select_n3A_246, %mul3A_247 : i32
      %swap3A = arith.index_cast %select_n3A : i32 to index
      %swap3A_249 = arith.index_cast %mul3A_248 : i32 to index
      %swap3A_250 = tpu.vector_load %arg9[%swap3A, %swap3A_249] {strides = array<i32>} : memref<40x128xf32, #tpu.memory_space<vmem>>, vector<1x16xf32>,
      %swap3A_251 = vector.shape_cast %swap3A_250 : vector<1x16xf32> to vector<16xf32>
      %swap3A_252 = vector.shape_cast %broadcast_in_dim3A_215 : vector<16xf32> to vector<1x16xf32>
      tpu.vector_store %arg9[%swap3A, %swap3A_249], %swap3A_252 {strides = array<i32>} : memref<40x128xf32, #tpu.memory_space<vmem>>, vector<1x16xf32>,
      %scan3A_253 = arith.constant 0 : i32
      scf.yield %scan3A_253 : i32
    }
    %scan3A_6 = arith.constant 320 : i32
    %scan3A_7 = arith.constant 0 : i32
    %scan3A_8 = arith.constant 0 : i32
    %scan3A_9 = arith.constant 15 : i32
    %scan3A_10 = arith.addi %scan3A_8, %scan3A_9 : i32
    %scan3A_11 = arith.constant 1 : i32
    %scan3A_12 = scf.for %scan3A_213 = %scan3A_8 to %scan3A_10 step %scan3A_11 iter_args(%scan3A_214 = %scan3A_7) -> (i32)  : i32 {
      %mul3A_215 = arith.constant 16 : i32
      %mul3A_216 = arith.muli %scan3A_213, %mul3A_215 : i32
      %add3A_217 = arith.addi %mul3A_216, %arg1 : i32
      %mul3A_218 = arith.constant 40 : i32
      %mul3A_219 = arith.muli %add3A_217, %mul3A_218 : i32
      %multiple_of3A_220 = tpu.assume_multiple %mul3A_219, 8 : i32
      "tpu.region"() ({
        %run_scoped3A = tpu.sem_alloc : memref<!tpu.dma_semaphore, #tpu.memory_space<semaphore_mem>>
        %dma_start3A_222 = arith.constant 0 : i32
        %dma_start3A_223 = tpu.memref_slice %arg10[%multiple_of3A_220, %dma_start3A_222] : memref<10064x128xf32, #tpu.memory_space<vmem_shared>> -> memref<40x128xf32, #tpu.memory_space<vmem_shared>>
        %dma_start3A_224 = arith.constant 0 : i32
        %dma_start3A_225 = tpu.memref_slice %arg10[%multiple_of3A_220, %dma_start3A_224] : memref<10064x128xf32, #tpu.memory_space<vmem_shared>> -> memref<40x128xf32, #tpu.memory_space<vmem_shared>>
        tpu.enqueue_dma source(%arg9 : memref<40x128xf32, #tpu.memory_space<vmem>>) target(%dma_start3A_225 : memref<40x128xf32, #tpu.memory_space<vmem_shared>>) target_semaphore(%run_scoped3A : memref<!tpu.dma_semaphore, #tpu.memory_space<semaphore_mem>>)
        %dma_wait3A_226 = arith.constant 0 : i32
        %dma_wait3A_227 = tpu.memref_slice %arg10[%multiple_of3A_220, %dma_wait3A_226] : memref<10064x128xf32, #tpu.memory_space<vmem_shared>> -> memref<40x128xf32, #tpu.memory_space<vmem_shared>>
        %dma_wait3A_228 = arith.constant 0 : i32
        %dma_wait3A_229 = tpu.memref_slice %arg10[%multiple_of3A_220, %dma_wait3A_228] : memref<10064x128xf32, #tpu.memory_space<vmem_shared>> -> memref<40x128xf32, #tpu.memory_space<vmem_shared>>
        tpu.wait_dma2 semaphore(%run_scoped3A : memref<!tpu.dma_semaphore, #tpu.memory_space<semaphore_mem>>) src(%arg9 : memref<40x128xf32, #tpu.memory_space<vmem>>) dst(%dma_wait3A_229 : memref<40x128xf32, #tpu.memory_space<vmem_shared>>)
        tpu.yield
      }) : () -> ()
      %scan3A_221 = arith.constant 0 : i32
      scf.yield %scan3A_221 : i32
    }
    %scan3A_13 = arith.constant 15 : i32
    %lt3A = arith.constant 10 : i32
    %lt3A_14 = arith.cmpi slt, %arg1, %lt3A : i32
    %convert_element_type3A = arith.extui %lt3A_14 : i1 to i32
    %cond3A = arith.constant 0 : i32
    %cond3A_15 = arith.cmpi ne, %convert_element_type3A, %cond3A : i32
    scf.if %cond3A_15 {
      %add3A_213 = arith.constant 240 : i32
      %add3A_214 = arith.addi %add3A_213, %arg1 : i32
      %mul3A_215 = arith.constant 40 : i32
      %mul3A_216 = arith.muli %add3A_214, %mul3A_215 : i32
      %multiple_of3A_217 = tpu.assume_multiple %mul3A_216, 8 : i32
      "tpu.region"() ({
        %run_scoped3A = tpu.sem_alloc : memref<!tpu.dma_semaphore, #tpu.memory_space<semaphore_mem>>
        %dma_start3A_218 = arith.constant 0 : i32
        %dma_start3A_219 = tpu.memref_slice %arg10[%multiple_of3A_217, %dma_start3A_218] : memref<10064x128xf32, #tpu.memory_space<vmem_shared>> -> memref<40x128xf32, #tpu.memory_space<vmem_shared>>
        %dma_start3A_220 = arith.constant 0 : i32
        %dma_start3A_221 = tpu.memref_slice %arg10[%multiple_of3A_217, %dma_start3A_220] : memref<10064x128xf32, #tpu.memory_space<vmem_shared>> -> memref<40x128xf32, #tpu.memory_space<vmem_shared>>
        tpu.enqueue_dma source(%arg9 : memref<40x128xf32, #tpu.memory_space<vmem>>) target(%dma_start3A_221 : memref<40x128xf32, #tpu.memory_space<vmem_shared>>) target_semaphore(%run_scoped3A : memref<!tpu.dma_semaphore, #tpu.memory_space<semaphore_mem>>)
        %dma_wait3A_222 = arith.constant 0 : i32
        %dma_wait3A_223 = tpu.memref_slice %arg10[%multiple_of3A_217, %dma_wait3A_222] : memref<10064x128xf32, #tpu.memory_space<vmem_shared>> -> memref<40x128xf32, #tpu.memory_space<vmem_shared>>
        %dma_wait3A_224 = arith.constant 0 : i32
        %dma_wait3A_225 = tpu.memref_slice %arg10[%multiple_of3A_217, %dma_wait3A_224] : memref<10064x128xf32, #tpu.memory_space<vmem_shared>> -> memref<40x128xf32, #tpu.memory_space<vmem_shared>>
        tpu.wait_dma2 semaphore(%run_scoped3A : memref<!tpu.dma_semaphore, #tpu.memory_space<semaphore_mem>>) src(%arg9 : memref<40x128xf32, #tpu.memory_space<vmem>>) dst(%dma_wait3A_225 : memref<40x128xf32, #tpu.memory_space<vmem_shared>>)
        tpu.yield
      }) : () -> ()
    } else {
    }
    %barrier3A = arith.constant 0 : index
    tpu.barrier barrier_id(%barrier3A)
    %mul3A_16 = arith.constant 157 : i32
    %mul3A_17 = arith.muli %add3A, %mul3A_16 : i32
    %add3A_18 = arith.constant 0 : i32
    %add3A_19 = arith.addi %mul3A_17, %add3A_18 : i32
    %mul3A_20 = arith.constant 64 : i32
    %mul3A_21 = arith.muli %add3A_19, %mul3A_20 : i32
    %multiple_of3A = tpu.assume_multiple %mul3A_21, 8 : i32
    %dma_start3A = arith.constant 0 : i32
    %dma_start3A_22 = arith.constant 0 : i32
    %dma_start3A_23 = arith.constant 0 : i32
    %dma_start3A_24 = tpu.memref_slice %arg6[%dma_start3A, %dma_start3A_23] : memref<8x64xi32, #tpu.memory_space<vmem>> -> memref<1x64xi32, #tpu.memory_space<vmem>>
    %dma_start3A_25 = tpu.memref_squeeze %dma_start3A_24 : memref<1x64xi32, #tpu.memory_space<vmem>> -> memref<64xi32, #tpu.memory_space<vmem>>
    %dma_start3A_26 = tpu.memref_slice %arg3[%multiple_of3A] : memref<321536xi32, #tpu.memory_space<hbm>> -> memref<64xi32, #tpu.memory_space<hbm>>
    %dma_start3A_27 = tpu.memref_slice %arg11[%dma_start3A_22] : memref<4x!tpu.dma_semaphore, #tpu.memory_space<semaphore_mem>> -> memref<1x!tpu.dma_semaphore, #tpu.memory_space<semaphore_mem>>
    %dma_start3A_28 = tpu.memref_squeeze %dma_start3A_27 : memref<1x!tpu.dma_semaphore, #tpu.memory_space<semaphore_mem>> -> memref<!tpu.dma_semaphore, #tpu.memory_space<semaphore_mem>>
    %dma_start3A_29 = arith.constant 0 : i32
    %dma_start3A_30 = tpu.memref_slice %arg6[%dma_start3A, %dma_start3A_29] : memref<8x64xi32, #tpu.memory_space<vmem>> -> memref<1x64xi32, #tpu.memory_space<vmem>>
    %dma_start3A_31 = tpu.memref_squeeze %dma_start3A_30 : memref<1x64xi32, #tpu.memory_space<vmem>> -> memref<64xi32, #tpu.memory_space<vmem>>
    %dma_start3A_32 = tpu.memref_slice %arg3[%multiple_of3A] : memref<321536xi32, #tpu.memory_space<hbm>> -> memref<64xi32, #tpu.memory_space<hbm>>
    tpu.enqueue_dma source(%dma_start3A_32 : memref<64xi32, #tpu.memory_space<hbm>>) target(%dma_start3A_31 : memref<64xi32, #tpu.memory_space<vmem>>) target_semaphore(%dma_start3A_28 : memref<!tpu.dma_semaphore, #tpu.memory_space<semaphore_mem>>)
    %dma_start3A_33 = arith.constant 0 : i32
    %dma_start3A_34 = arith.constant 0 : i32
    %dma_start3A_35 = arith.constant 0 : i32
    %dma_start3A_36 = tpu.memref_slice %arg7[%dma_start3A_33, %dma_start3A_35] : memref<8x64xi32, #tpu.memory_space<vmem>> -> memref<1x64xi32, #tpu.memory_space<vmem>>
    %dma_start3A_37 = tpu.memref_squeeze %dma_start3A_36 : memref<1x64xi32, #tpu.memory_space<vmem>> -> memref<64xi32, #tpu.memory_space<vmem>>
    %dma_start3A_38 = tpu.memref_slice %arg4[%multiple_of3A] : memref<321536xi32, #tpu.memory_space<hbm>> -> memref<64xi32, #tpu.memory_space<hbm>>
    %dma_start3A_39 = tpu.memref_slice %arg11[%dma_start3A_34] : memref<4x!tpu.dma_semaphore, #tpu.memory_space<semaphore_mem>> -> memref<1x!tpu.dma_semaphore, #tpu.memory_space<semaphore_mem>>
    %dma_start3A_40 = tpu.memref_squeeze %dma_start3A_39 : memref<1x!tpu.dma_semaphore, #tpu.memory_space<semaphore_mem>> -> memref<!tpu.dma_semaphore, #tpu.memory_space<semaphore_mem>>
    %dma_start3A_41 = arith.constant 0 : i32
    %dma_start3A_42 = tpu.memref_slice %arg7[%dma_start3A_33, %dma_start3A_41] : memref<8x64xi32, #tpu.memory_space<vmem>> -> memref<1x64xi32, #tpu.memory_space<vmem>>
    %dma_start3A_43 = tpu.memref_squeeze %dma_start3A_42 : memref<1x64xi32, #tpu.memory_space<vmem>> -> memref<64xi32, #tpu.memory_space<vmem>>
    %dma_start3A_44 = tpu.memref_slice %arg4[%multiple_of3A] : memref<321536xi32, #tpu.memory_space<hbm>> -> memref<64xi32, #tpu.memory_space<hbm>>
    tpu.enqueue_dma source(%dma_start3A_44 : memref<64xi32, #tpu.memory_space<hbm>>) target(%dma_start3A_43 : memref<64xi32, #tpu.memory_space<vmem>>) target_semaphore(%dma_start3A_40 : memref<!tpu.dma_semaphore, #tpu.memory_space<semaphore_mem>>)
    %add3A_45 = arith.constant 1 : i32
    %add3A_46 = arith.addi %mul3A_17, %add3A_45 : i32
    %mul3A_47 = arith.constant 64 : i32
    %mul3A_48 = arith.muli %add3A_46, %mul3A_47 : i32
    %multiple_of3A_49 = tpu.assume_multiple %mul3A_48, 8 : i32
    %dma_start3A_50 = arith.constant 1 : i32
    %dma_start3A_51 = arith.constant 1 : i32
    %dma_start3A_52 = arith.constant 0 : i32
    %dma_start3A_53 = tpu.memref_slice %arg6[%dma_start3A_50, %dma_start3A_52] : memref<8x64xi32, #tpu.memory_space<vmem>> -> memref<1x64xi32, #tpu.memory_space<vmem>>
    %dma_start3A_54 = tpu.memref_squeeze %dma_start3A_53 : memref<1x64xi32, #tpu.memory_space<vmem>> -> memref<64xi32, #tpu.memory_space<vmem>>
    %dma_start3A_55 = tpu.memref_slice %arg3[%multiple_of3A_49] : memref<321536xi32, #tpu.memory_space<hbm>> -> memref<64xi32, #tpu.memory_space<hbm>>
    %dma_start3A_56 = tpu.memref_slice %arg11[%dma_start3A_51] : memref<4x!tpu.dma_semaphore, #tpu.memory_space<semaphore_mem>> -> memref<1x!tpu.dma_semaphore, #tpu.memory_space<semaphore_mem>>
    %dma_start3A_57 = tpu.memref_squeeze %dma_start3A_56 : memref<1x!tpu.dma_semaphore, #tpu.memory_space<semaphore_mem>> -> memref<!tpu.dma_semaphore, #tpu.memory_space<semaphore_mem>>
    %dma_start3A_58 = arith.constant 0 : i32
    %dma_start3A_59 = tpu.memref_slice %arg6[%dma_start3A_50, %dma_start3A_58] : memref<8x64xi32, #tpu.memory_space<vmem>> -> memref<1x64xi32, #tpu.memory_space<vmem>>
    %dma_start3A_60 = tpu.memref_squeeze %dma_start3A_59 : memref<1x64xi32, #tpu.memory_space<vmem>> -> memref<64xi32, #tpu.memory_space<vmem>>
    %dma_start3A_61 = tpu.memref_slice %arg3[%multiple_of3A_49] : memref<321536xi32, #tpu.memory_space<hbm>> -> memref<64xi32, #tpu.memory_space<hbm>>
    tpu.enqueue_dma source(%dma_start3A_61 : memref<64xi32, #tpu.memory_space<hbm>>) target(%dma_start3A_60 : memref<64xi32, #tpu.memory_space<vmem>>) target_semaphore(%dma_start3A_57 : memref<!tpu.dma_semaphore, #tpu.memory_space<semaphore_mem>>)
    %dma_start3A_62 = arith.constant 1 : i32
    %dma_start3A_63 = arith.constant 1 : i32
    %dma_start3A_64 = arith.constant 0 : i32
    %dma_start3A_65 = tpu.memref_slice %arg7[%dma_start3A_62, %dma_start3A_64] : memref<8x64xi32, #tpu.memory_space<vmem>> -> memref<1x64xi32, #tpu.memory_space<vmem>>
    %dma_start3A_66 = tpu.memref_squeeze %dma_start3A_65 : memref<1x64xi32, #tpu.memory_space<vmem>> -> memref<64xi32, #tpu.memory_space<vmem>>
    %dma_start3A_67 = tpu.memref_slice %arg4[%multiple_of3A_49] : memref<321536xi32, #tpu.memory_space<hbm>> -> memref<64xi32, #tpu.memory_space<hbm>>
    %dma_start3A_68 = tpu.memref_slice %arg11[%dma_start3A_63] : memref<4x!tpu.dma_semaphore, #tpu.memory_space<semaphore_mem>> -> memref<1x!tpu.dma_semaphore, #tpu.memory_space<semaphore_mem>>
    %dma_start3A_69 = tpu.memref_squeeze %dma_start3A_68 : memref<1x!tpu.dma_semaphore, #tpu.memory_space<semaphore_mem>> -> memref<!tpu.dma_semaphore, #tpu.memory_space<semaphore_mem>>
    %dma_start3A_70 = arith.constant 0 : i32
    %dma_start3A_71 = tpu.memref_slice %arg7[%dma_start3A_62, %dma_start3A_70] : memref<8x64xi32, #tpu.memory_space<vmem>> -> memref<1x64xi32, #tpu.memory_space<vmem>>
    %dma_start3A_72 = tpu.memref_squeeze %dma_start3A_71 : memref<1x64xi32, #tpu.memory_space<vmem>> -> memref<64xi32, #tpu.memory_space<vmem>>
    %dma_start3A_73 = tpu.memref_slice %arg4[%multiple_of3A_49] : memref<321536xi32, #tpu.memory_space<hbm>> -> memref<64xi32, #tpu.memory_space<hbm>>
    tpu.enqueue_dma source(%dma_start3A_73 : memref<64xi32, #tpu.memory_space<hbm>>) target(%dma_start3A_72 : memref<64xi32, #tpu.memory_space<vmem>>) target_semaphore(%dma_start3A_69 : memref<!tpu.dma_semaphore, #tpu.memory_space<semaphore_mem>>)
    %scan3A_74 = arith.constant 0 : i32
    %scan3A_75 = arith.constant 0 : i32
    %scan3A_76 = arith.constant 157 : i32
    %scan3A_77 = arith.addi %scan3A_75, %scan3A_76 : i32
    %scan3A_78 = arith.constant 1 : i32
    %scan3A_79 = scf.for %scan3A_213 = %scan3A_75 to %scan3A_77 step %scan3A_78 iter_args(%scan3A_214 = %scan3A_74) -> (i32)  : i32 {
      %add3A_215 = arith.constant 2 : i32
      %add3A_216 = arith.addi %scan3A_213, %add3A_215 : i32
      %lt3A_217 = arith.constant 157 : i32
      %lt3A_218 = arith.cmpi slt, %add3A_216, %lt3A_217 : i32
      %convert_element_type3A_219 = arith.extui %lt3A_218 : i1 to i32
      %cond3A_220 = arith.constant 0 : i32
      %cond3A_221 = arith.cmpi ne, %convert_element_type3A_219, %cond3A_220 : i32
      scf.if %cond3A_221 {
        %add3A_344 = arith.constant 2 : i32
        %add3A_345 = arith.addi %scan3A_213, %add3A_344 : i32
        %add3A_346 = arith.addi %mul3A_17, %add3A_345 : i32
        %mul3A_347 = arith.constant 64 : i32
        %mul3A_348 = arith.muli %add3A_346, %mul3A_347 : i32
        %multiple_of3A_349 = tpu.assume_multiple %mul3A_348, 8 : i32
        %jit3A_350 = arith.constant 8 : i32
        %eq3A_351 = arith.constant 0 : i32
        %eq3A_352 = arith.cmpi eq, %jit3A_350, %eq3A_351 : i32
        %jit3A_353 = arith.constant 1 : i32
        %select_n3A_354 = arith.select %eq3A_352, %jit3A_353, %jit3A_350 : i32
        %rem3A_355 = arith.remsi %add3A_345, %select_n3A_354 : i32
        %ne3A_356 = arith.constant 0 : i32
        %ne3A_357 = arith.cmpi ne, %rem3A_355, %ne3A_356 : i32
        %lt3A_358 = arith.constant 0 : i32
        %lt3A_359 = arith.cmpi slt, %rem3A_355, %lt3A_358 : i32
        %lt3A_360 = arith.constant 0 : i32
        %lt3A_361 = arith.cmpi slt, %select_n3A_354, %lt3A_360 : i32
        %ne3A_362 = arith.xori %lt3A_359, %lt3A_361 : i1
        %and3A_363 = arith.andi %ne3A_362, %ne3A_357 : i1
        %add3A_364 = arith.addi %rem3A_355, %select_n3A_354 : i32
        %select_n3A_365 = arith.select %and3A_363, %add3A_364, %rem3A_355 : i32
        %jit3A_366 = arith.constant 4 : i32
        %eq3A_367 = arith.constant 0 : i32
        %eq3A_368 = arith.cmpi eq, %jit3A_366, %eq3A_367 : i32
        %jit3A_369 = arith.constant 1 : i32
        %select_n3A_370 = arith.select %eq3A_368, %jit3A_369, %jit3A_366 : i32
        %rem3A_371 = arith.remsi %add3A_345, %select_n3A_370 : i32
        %ne3A_372 = arith.constant 0 : i32
        %ne3A_373 = arith.cmpi ne, %rem3A_371, %ne3A_372 : i32
        %lt3A_374 = arith.constant 0 : i32
        %lt3A_375 = arith.cmpi slt, %rem3A_371, %lt3A_374 : i32
        %lt3A_376 = arith.constant 0 : i32
        %lt3A_377 = arith.cmpi slt, %select_n3A_370, %lt3A_376 : i32
        %ne3A_378 = arith.xori %lt3A_375, %lt3A_377 : i1
        %and3A_379 = arith.andi %ne3A_378, %ne3A_373 : i1
        %add3A_380 = arith.addi %rem3A_371, %select_n3A_370 : i32
        %select_n3A_381 = arith.select %and3A_379, %add3A_380, %rem3A_371 : i32
        %dma_start3A_382 = arith.constant 0 : i32
        %dma_start3A_383 = tpu.memref_slice %arg6[%select_n3A_365, %dma_start3A_382] : memref<8x64xi32, #tpu.memory_space<vmem>> -> memref<1x64xi32, #tpu.memory_space<vmem>>
        %dma_start3A_384 = tpu.memref_squeeze %dma_start3A_383 : memref<1x64xi32, #tpu.memory_space<vmem>> -> memref<64xi32, #tpu.memory_space<vmem>>
        %dma_start3A_385 = tpu.memref_slice %arg3[%multiple_of3A_349] : memref<321536xi32, #tpu.memory_space<hbm>> -> memref<64xi32, #tpu.memory_space<hbm>>
        %dma_start3A_386 = tpu.memref_slice %arg11[%select_n3A_381] : memref<4x!tpu.dma_semaphore, #tpu.memory_space<semaphore_mem>> -> memref<1x!tpu.dma_semaphore, #tpu.memory_space<semaphore_mem>>
        %dma_start3A_387 = tpu.memref_squeeze %dma_start3A_386 : memref<1x!tpu.dma_semaphore, #tpu.memory_space<semaphore_mem>> -> memref<!tpu.dma_semaphore, #tpu.memory_space<semaphore_mem>>
        %dma_start3A_388 = arith.constant 0 : i32
        %dma_start3A_389 = tpu.memref_slice %arg6[%select_n3A_365, %dma_start3A_388] : memref<8x64xi32, #tpu.memory_space<vmem>> -> memref<1x64xi32, #tpu.memory_space<vmem>>
        %dma_start3A_390 = tpu.memref_squeeze %dma_start3A_389 : memref<1x64xi32, #tpu.memory_space<vmem>> -> memref<64xi32, #tpu.memory_space<vmem>>
        %dma_start3A_391 = tpu.memref_slice %arg3[%multiple_of3A_349] : memref<321536xi32, #tpu.memory_space<hbm>> -> memref<64xi32, #tpu.memory_space<hbm>>
        tpu.enqueue_dma source(%dma_start3A_391 : memref<64xi32, #tpu.memory_space<hbm>>) target(%dma_start3A_390 : memref<64xi32, #tpu.memory_space<vmem>>) target_semaphore(%dma_start3A_387 : memref<!tpu.dma_semaphore, #tpu.memory_space<semaphore_mem>>)
        %jit3A_392 = arith.constant 8 : i32
        %eq3A_393 = arith.constant 0 : i32
        %eq3A_394 = arith.cmpi eq, %jit3A_392, %eq3A_393 : i32
        %jit3A_395 = arith.constant 1 : i32
        %select_n3A_396 = arith.select %eq3A_394, %jit3A_395, %jit3A_392 : i32
        %rem3A_397 = arith.remsi %add3A_345, %select_n3A_396 : i32
        %ne3A_398 = arith.constant 0 : i32
        %ne3A_399 = arith.cmpi ne, %rem3A_397, %ne3A_398 : i32
        %lt3A_400 = arith.constant 0 : i32
        %lt3A_401 = arith.cmpi slt, %rem3A_397, %lt3A_400 : i32
        %lt3A_402 = arith.constant 0 : i32
        %lt3A_403 = arith.cmpi slt, %select_n3A_396, %lt3A_402 : i32
        %ne3A_404 = arith.xori %lt3A_401, %lt3A_403 : i1
        %and3A_405 = arith.andi %ne3A_404, %ne3A_399 : i1
        %add3A_406 = arith.addi %rem3A_397, %select_n3A_396 : i32
        %select_n3A_407 = arith.select %and3A_405, %add3A_406, %rem3A_397 : i32
        %jit3A_408 = arith.constant 4 : i32
        %eq3A_409 = arith.constant 0 : i32
        %eq3A_410 = arith.cmpi eq, %jit3A_408, %eq3A_409 : i32
        %jit3A_411 = arith.constant 1 : i32
        %select_n3A_412 = arith.select %eq3A_410, %jit3A_411, %jit3A_408 : i32
        %rem3A_413 = arith.remsi %add3A_345, %select_n3A_412 : i32
        %ne3A_414 = arith.constant 0 : i32
        %ne3A_415 = arith.cmpi ne, %rem3A_413, %ne3A_414 : i32
        %lt3A_416 = arith.constant 0 : i32
        %lt3A_417 = arith.cmpi slt, %rem3A_413, %lt3A_416 : i32
        %lt3A_418 = arith.constant 0 : i32
        %lt3A_419 = arith.cmpi slt, %select_n3A_412, %lt3A_418 : i32
        %ne3A_420 = arith.xori %lt3A_417, %lt3A_419 : i1
        %and3A_421 = arith.andi %ne3A_420, %ne3A_415 : i1
        %add3A_422 = arith.addi %rem3A_413, %select_n3A_412 : i32
        %select_n3A_423 = arith.select %and3A_421, %add3A_422, %rem3A_413 : i32
        %dma_start3A_424 = arith.constant 0 : i32
        %dma_start3A_425 = tpu.memref_slice %arg7[%select_n3A_407, %dma_start3A_424] : memref<8x64xi32, #tpu.memory_space<vmem>> -> memref<1x64xi32, #tpu.memory_space<vmem>>
        %dma_start3A_426 = tpu.memref_squeeze %dma_start3A_425 : memref<1x64xi32, #tpu.memory_space<vmem>> -> memref<64xi32, #tpu.memory_space<vmem>>
        %dma_start3A_427 = tpu.memref_slice %arg4[%multiple_of3A_349] : memref<321536xi32, #tpu.memory_space<hbm>> -> memref<64xi32, #tpu.memory_space<hbm>>
        %dma_start3A_428 = tpu.memref_slice %arg11[%select_n3A_423] : memref<4x!tpu.dma_semaphore, #tpu.memory_space<semaphore_mem>> -> memref<1x!tpu.dma_semaphore, #tpu.memory_space<semaphore_mem>>
        %dma_start3A_429 = tpu.memref_squeeze %dma_start3A_428 : memref<1x!tpu.dma_semaphore, #tpu.memory_space<semaphore_mem>> -> memref<!tpu.dma_semaphore, #tpu.memory_space<semaphore_mem>>
        %dma_start3A_430 = arith.constant 0 : i32
        %dma_start3A_431 = tpu.memref_slice %arg7[%select_n3A_407, %dma_start3A_430] : memref<8x64xi32, #tpu.memory_space<vmem>> -> memref<1x64xi32, #tpu.memory_space<vmem>>
        %dma_start3A_432 = tpu.memref_squeeze %dma_start3A_431 : memref<1x64xi32, #tpu.memory_space<vmem>> -> memref<64xi32, #tpu.memory_space<vmem>>
        %dma_start3A_433 = tpu.memref_slice %arg4[%multiple_of3A_349] : memref<321536xi32, #tpu.memory_space<hbm>> -> memref<64xi32, #tpu.memory_space<hbm>>
        tpu.enqueue_dma source(%dma_start3A_433 : memref<64xi32, #tpu.memory_space<hbm>>) target(%dma_start3A_432 : memref<64xi32, #tpu.memory_space<vmem>>) target_semaphore(%dma_start3A_429 : memref<!tpu.dma_semaphore, #tpu.memory_space<semaphore_mem>>)
      } else {
      }
      %ge3A = arith.constant 4 : i32
      %ge3A_222 = arith.cmpi sge, %scan3A_213, %ge3A : i32
      %convert_element_type3A_223 = arith.extui %ge3A_222 : i1 to i32
      %cond3A_224 = arith.constant 0 : i32
      %cond3A_225 = arith.cmpi ne, %convert_element_type3A_223, %cond3A_224 : i32
      scf.if %cond3A_225 {
        %sub3A = arith.constant 4 : i32
        %sub3A_344 = arith.subi %scan3A_213, %sub3A : i32
        %jit3A_345 = arith.constant 4 : i32
        %eq3A_346 = arith.constant 0 : i32
        %eq3A_347 = arith.cmpi eq, %jit3A_345, %eq3A_346 : i32
        %jit3A_348 = arith.constant 1 : i32
        %select_n3A_349 = arith.select %eq3A_347, %jit3A_348, %jit3A_345 : i32
        %rem3A_350 = arith.remsi %sub3A_344, %select_n3A_349 : i32
        %ne3A_351 = arith.constant 0 : i32
        %ne3A_352 = arith.cmpi ne, %rem3A_350, %ne3A_351 : i32
        %lt3A_353 = arith.constant 0 : i32
        %lt3A_354 = arith.cmpi slt, %rem3A_350, %lt3A_353 : i32
        %lt3A_355 = arith.constant 0 : i32
        %lt3A_356 = arith.cmpi slt, %select_n3A_349, %lt3A_355 : i32
        %ne3A_357 = arith.xori %lt3A_354, %lt3A_356 : i1
        %and3A_358 = arith.andi %ne3A_357, %ne3A_352 : i1
        %add3A_359 = arith.addi %rem3A_350, %select_n3A_349 : i32
        %select_n3A_360 = arith.select %and3A_358, %add3A_359, %rem3A_350 : i32
        %jit3A_361 = arith.constant 8 : i32
        %eq3A_362 = arith.constant 0 : i32
        %eq3A_363 = arith.cmpi eq, %jit3A_361, %eq3A_362 : i32
        %jit3A_364 = arith.constant 1 : i32
        %select_n3A_365 = arith.select %eq3A_363, %jit3A_364, %jit3A_361 : i32
        %rem3A_366 = arith.remsi %sub3A_344, %select_n3A_365 : i32
        %ne3A_367 = arith.constant 0 : i32
        %ne3A_368 = arith.cmpi ne, %rem3A_366, %ne3A_367 : i32
        %lt3A_369 = arith.constant 0 : i32
        %lt3A_370 = arith.cmpi slt, %rem3A_366, %lt3A_369 : i32
        %lt3A_371 = arith.constant 0 : i32
        %lt3A_372 = arith.cmpi slt, %select_n3A_365, %lt3A_371 : i32
        %ne3A_373 = arith.xori %lt3A_370, %lt3A_372 : i1
        %and3A_374 = arith.andi %ne3A_373, %ne3A_368 : i1
        %add3A_375 = arith.addi %rem3A_366, %select_n3A_365 : i32
        %select_n3A_376 = arith.select %and3A_374, %add3A_375, %rem3A_366 : i32
        %jit3A_377 = arith.constant 4 : i32
        %eq3A_378 = arith.constant 0 : i32
        %eq3A_379 = arith.cmpi eq, %jit3A_377, %eq3A_378 : i32
        %jit3A_380 = arith.constant 1 : i32
        %select_n3A_381 = arith.select %eq3A_379, %jit3A_380, %jit3A_377 : i32
        %rem3A_382 = arith.remsi %sub3A_344, %select_n3A_381 : i32
        %ne3A_383 = arith.constant 0 : i32
        %ne3A_384 = arith.cmpi ne, %rem3A_382, %ne3A_383 : i32
        %lt3A_385 = arith.constant 0 : i32
        %lt3A_386 = arith.cmpi slt, %rem3A_382, %lt3A_385 : i32
        %lt3A_387 = arith.constant 0 : i32
        %lt3A_388 = arith.cmpi slt, %select_n3A_381, %lt3A_387 : i32
        %ne3A_389 = arith.xori %lt3A_386, %lt3A_388 : i1
        %and3A_390 = arith.andi %ne3A_389, %ne3A_384 : i1
        %add3A_391 = arith.addi %rem3A_382, %select_n3A_381 : i32
        %select_n3A_392 = arith.select %and3A_390, %add3A_391, %rem3A_382 : i32
        %dma_wait3A_393 = arith.constant 0 : i32
        %dma_wait3A_394 = arith.constant 0 : i32
        %dma_wait3A_395 = tpu.memref_slice %arg8[%select_n3A_360, %dma_wait3A_393, %dma_wait3A_394] : memref<4x64x128xf32, #tpu.memory_space<vmem>> -> memref<1x64x128xf32, #tpu.memory_space<vmem>>
        %dma_wait3A_396 = tpu.memref_squeeze %dma_wait3A_395 : memref<1x64x128xf32, #tpu.memory_space<vmem>> -> memref<64x128xf32, #tpu.memory_space<vmem>>
        %dma_wait3A_397 = arith.constant 0 : i32
        %dma_wait3A_398 = tpu.memref_slice %arg7[%select_n3A_376, %dma_wait3A_397] : memref<8x64xi32, #tpu.memory_space<vmem>> -> memref<1x64xi32, #tpu.memory_space<vmem>>
        %dma_wait3A_399 = tpu.memref_squeeze %dma_wait3A_398 : memref<1x64xi32, #tpu.memory_space<vmem>> -> memref<64xi32, #tpu.memory_space<vmem>>
        %dma_wait3A_400 = arith.constant 0 : i32
        %dma_wait3A_401 = arith.constant 0 : i32
        %dma_wait3A_402 = tpu.memref_slice %arg10[%dma_wait3A_400, %dma_wait3A_401] : memref<10064x128xf32, #tpu.memory_space<vmem_shared>> -> memref<10064x128xf32, #tpu.memory_space<vmem_shared>>
        %dma_wait3A_403 = tpu.memref_slice %arg13[%select_n3A_392] : memref<4x!tpu.dma_semaphore, #tpu.memory_space<semaphore_mem>> -> memref<1x!tpu.dma_semaphore, #tpu.memory_space<semaphore_mem>>
        %dma_wait3A_404 = tpu.memref_squeeze %dma_wait3A_403 : memref<1x!tpu.dma_semaphore, #tpu.memory_space<semaphore_mem>> -> memref<!tpu.dma_semaphore, #tpu.memory_space<semaphore_mem>>
        tpu.wait_indirect_dma semaphore(%dma_wait3A_404 : memref<!tpu.dma_semaphore, #tpu.memory_space<semaphore_mem>>) src(%dma_wait3A_396 : memref<64x128xf32, #tpu.memory_space<vmem>>) dst(%dma_wait3A_402 : memref<10064x128xf32, #tpu.memory_space<vmem_shared>>)
      } else {
      }
      %jit3A = arith.constant 4 : i32
      %eq3A = arith.constant 0 : i32
      %eq3A_226 = arith.cmpi eq, %jit3A, %eq3A : i32
      %jit3A_227 = arith.constant 1 : i32
      %select_n3A = arith.select %eq3A_226, %jit3A_227, %jit3A : i32
      %rem3A = arith.remsi %scan3A_213, %select_n3A : i32
      %ne3A = arith.constant 0 : i32
      %ne3A_228 = arith.cmpi ne, %rem3A, %ne3A : i32
      %lt3A_229 = arith.constant 0 : i32
      %lt3A_230 = arith.cmpi slt, %rem3A, %lt3A_229 : i32
      %lt3A_231 = arith.constant 0 : i32
      %lt3A_232 = arith.cmpi slt, %select_n3A, %lt3A_231 : i32
      %ne3A_233 = arith.xori %lt3A_230, %lt3A_232 : i1
      %and3A = arith.andi %ne3A_233, %ne3A_228 : i1
      %add3A_234 = arith.addi %rem3A, %select_n3A : i32
      %select_n3A_235 = arith.select %and3A, %add3A_234, %rem3A : i32
      %dma_wait3A_236 = arith.constant 0 : i32
      %dma_wait3A_237 = arith.constant 0 : i32
      %dma_wait3A_238 = tpu.memref_slice %arg6[%dma_wait3A_236, %dma_wait3A_237] : memref<8x64xi32, #tpu.memory_space<vmem>> -> memref<1x64xi32, #tpu.memory_space<vmem>>
      %dma_wait3A_239 = tpu.memref_squeeze %dma_wait3A_238 : memref<1x64xi32, #tpu.memory_space<vmem>> -> memref<64xi32, #tpu.memory_space<vmem>>
      %dma_wait3A_240 = arith.constant 0 : i32
      %dma_wait3A_241 = tpu.memref_slice %arg3[%dma_wait3A_240] : memref<321536xi32, #tpu.memory_space<hbm>> -> memref<64xi32, #tpu.memory_space<hbm>>
      %dma_wait3A_242 = tpu.memref_slice %arg11[%select_n3A_235] : memref<4x!tpu.dma_semaphore, #tpu.memory_space<semaphore_mem>> -> memref<1x!tpu.dma_semaphore, #tpu.memory_space<semaphore_mem>>
      %dma_wait3A_243 = tpu.memref_squeeze %dma_wait3A_242 : memref<1x!tpu.dma_semaphore, #tpu.memory_space<semaphore_mem>> -> memref<!tpu.dma_semaphore, #tpu.memory_space<semaphore_mem>>
      %dma_wait3A_244 = arith.constant 0 : i32
      %dma_wait3A_245 = tpu.memref_slice %arg6[%dma_wait3A_236, %dma_wait3A_244] : memref<8x64xi32, #tpu.memory_space<vmem>> -> memref<1x64xi32, #tpu.memory_space<vmem>>
      %dma_wait3A_246 = tpu.memref_squeeze %dma_wait3A_245 : memref<1x64xi32, #tpu.memory_space<vmem>> -> memref<64xi32, #tpu.memory_space<vmem>>
      %dma_wait3A_247 = arith.constant 0 : i32
      %dma_wait3A_248 = tpu.memref_slice %arg3[%dma_wait3A_247] : memref<321536xi32, #tpu.memory_space<hbm>> -> memref<64xi32, #tpu.memory_space<hbm>>
      tpu.wait_dma2 semaphore(%dma_wait3A_243 : memref<!tpu.dma_semaphore, #tpu.memory_space<semaphore_mem>>) src(%dma_wait3A_248 : memref<64xi32, #tpu.memory_space<hbm>>) dst(%dma_wait3A_246 : memref<64xi32, #tpu.memory_space<vmem>>)
      %jit3A_249 = arith.constant 4 : i32
      %eq3A_250 = arith.constant 0 : i32
      %eq3A_251 = arith.cmpi eq, %jit3A_249, %eq3A_250 : i32
      %jit3A_252 = arith.constant 1 : i32
      %select_n3A_253 = arith.select %eq3A_251, %jit3A_252, %jit3A_249 : i32
      %rem3A_254 = arith.remsi %scan3A_213, %select_n3A_253 : i32
      %ne3A_255 = arith.constant 0 : i32
      %ne3A_256 = arith.cmpi ne, %rem3A_254, %ne3A_255 : i32
      %lt3A_257 = arith.constant 0 : i32
      %lt3A_258 = arith.cmpi slt, %rem3A_254, %lt3A_257 : i32
      %lt3A_259 = arith.constant 0 : i32
      %lt3A_260 = arith.cmpi slt, %select_n3A_253, %lt3A_259 : i32
      %ne3A_261 = arith.xori %lt3A_258, %lt3A_260 : i1
      %and3A_262 = arith.andi %ne3A_261, %ne3A_256 : i1
      %add3A_263 = arith.addi %rem3A_254, %select_n3A_253 : i32
      %select_n3A_264 = arith.select %and3A_262, %add3A_263, %rem3A_254 : i32
      %dma_wait3A_265 = arith.constant 0 : i32
      %dma_wait3A_266 = arith.constant 0 : i32
      %dma_wait3A_267 = tpu.memref_slice %arg7[%dma_wait3A_265, %dma_wait3A_266] : memref<8x64xi32, #tpu.memory_space<vmem>> -> memref<1x64xi32, #tpu.memory_space<vmem>>
      %dma_wait3A_268 = tpu.memref_squeeze %dma_wait3A_267 : memref<1x64xi32, #tpu.memory_space<vmem>> -> memref<64xi32, #tpu.memory_space<vmem>>
      %dma_wait3A_269 = arith.constant 0 : i32
      %dma_wait3A_270 = tpu.memref_slice %arg4[%dma_wait3A_269] : memref<321536xi32, #tpu.memory_space<hbm>> -> memref<64xi32, #tpu.memory_space<hbm>>
      %dma_wait3A_271 = tpu.memref_slice %arg11[%select_n3A_264] : memref<4x!tpu.dma_semaphore, #tpu.memory_space<semaphore_mem>> -> memref<1x!tpu.dma_semaphore, #tpu.memory_space<semaphore_mem>>
      %dma_wait3A_272 = tpu.memref_squeeze %dma_wait3A_271 : memref<1x!tpu.dma_semaphore, #tpu.memory_space<semaphore_mem>> -> memref<!tpu.dma_semaphore, #tpu.memory_space<semaphore_mem>>
      %dma_wait3A_273 = arith.constant 0 : i32
      %dma_wait3A_274 = tpu.memref_slice %arg7[%dma_wait3A_265, %dma_wait3A_273] : memref<8x64xi32, #tpu.memory_space<vmem>> -> memref<1x64xi32, #tpu.memory_space<vmem>>
      %dma_wait3A_275 = tpu.memref_squeeze %dma_wait3A_274 : memref<1x64xi32, #tpu.memory_space<vmem>> -> memref<64xi32, #tpu.memory_space<vmem>>
      %dma_wait3A_276 = arith.constant 0 : i32
      %dma_wait3A_277 = tpu.memref_slice %arg4[%dma_wait3A_276] : memref<321536xi32, #tpu.memory_space<hbm>> -> memref<64xi32, #tpu.memory_space<hbm>>
      tpu.wait_dma2 semaphore(%dma_wait3A_272 : memref<!tpu.dma_semaphore, #tpu.memory_space<semaphore_mem>>) src(%dma_wait3A_277 : memref<64xi32, #tpu.memory_space<hbm>>) dst(%dma_wait3A_275 : memref<64xi32, #tpu.memory_space<vmem>>)
      %jit3A_278 = arith.constant 8 : i32
      %eq3A_279 = arith.constant 0 : i32
      %eq3A_280 = arith.cmpi eq, %jit3A_278, %eq3A_279 : i32
      %jit3A_281 = arith.constant 1 : i32
      %select_n3A_282 = arith.select %eq3A_280, %jit3A_281, %jit3A_278 : i32
      %rem3A_283 = arith.remsi %scan3A_213, %select_n3A_282 : i32
      %ne3A_284 = arith.constant 0 : i32
      %ne3A_285 = arith.cmpi ne, %rem3A_283, %ne3A_284 : i32
      %lt3A_286 = arith.constant 0 : i32
      %lt3A_287 = arith.cmpi slt, %rem3A_283, %lt3A_286 : i32
      %lt3A_288 = arith.constant 0 : i32
      %lt3A_289 = arith.cmpi slt, %select_n3A_282, %lt3A_288 : i32
      %ne3A_290 = arith.xori %lt3A_287, %lt3A_289 : i1
      %and3A_291 = arith.andi %ne3A_290, %ne3A_285 : i1
      %add3A_292 = arith.addi %rem3A_283, %select_n3A_282 : i32
      %select_n3A_293 = arith.select %and3A_291, %add3A_292, %rem3A_283 : i32
      %jit3A_294 = arith.constant 4 : i32
      %eq3A_295 = arith.constant 0 : i32
      %eq3A_296 = arith.cmpi eq, %jit3A_294, %eq3A_295 : i32
      %jit3A_297 = arith.constant 1 : i32
      %select_n3A_298 = arith.select %eq3A_296, %jit3A_297, %jit3A_294 : i32
      %rem3A_299 = arith.remsi %scan3A_213, %select_n3A_298 : i32
      %ne3A_300 = arith.constant 0 : i32
      %ne3A_301 = arith.cmpi ne, %rem3A_299, %ne3A_300 : i32
      %lt3A_302 = arith.constant 0 : i32
      %lt3A_303 = arith.cmpi slt, %rem3A_299, %lt3A_302 : i32
      %lt3A_304 = arith.constant 0 : i32
      %lt3A_305 = arith.cmpi slt, %select_n3A_298, %lt3A_304 : i32
      %ne3A_306 = arith.xori %lt3A_303, %lt3A_305 : i1
      %and3A_307 = arith.andi %ne3A_306, %ne3A_301 : i1
      %add3A_308 = arith.addi %rem3A_299, %select_n3A_298 : i32
      %select_n3A_309 = arith.select %and3A_307, %add3A_308, %rem3A_299 : i32
      %jit3A_310 = arith.constant 4 : i32
      %eq3A_311 = arith.constant 0 : i32
      %eq3A_312 = arith.cmpi eq, %jit3A_310, %eq3A_311 : i32
      %jit3A_313 = arith.constant 1 : i32
      %select_n3A_314 = arith.select %eq3A_312, %jit3A_313, %jit3A_310 : i32
      %rem3A_315 = arith.remsi %scan3A_213, %select_n3A_314 : i32
      %ne3A_316 = arith.constant 0 : i32
      %ne3A_317 = arith.cmpi ne, %rem3A_315, %ne3A_316 : i32
      %lt3A_318 = arith.constant 0 : i32
      %lt3A_319 = arith.cmpi slt, %rem3A_315, %lt3A_318 : i32
      %lt3A_320 = arith.constant 0 : i32
      %lt3A_321 = arith.cmpi slt, %select_n3A_314, %lt3A_320 : i32
      %ne3A_322 = arith.xori %lt3A_319, %lt3A_321 : i1
      %and3A_323 = arith.andi %ne3A_322, %ne3A_317 : i1
      %add3A_324 = arith.addi %rem3A_315, %select_n3A_314 : i32
      %select_n3A_325 = arith.select %and3A_323, %add3A_324, %rem3A_315 : i32
      %dma_start3A_326 = arith.constant 0 : i32
      %dma_start3A_327 = arith.constant 0 : i32
      %dma_start3A_328 = tpu.memref_slice %arg8[%select_n3A_309, %dma_start3A_326, %dma_start3A_327] : memref<4x64x128xf32, #tpu.memory_space<vmem>> -> memref<1x64x128xf32, #tpu.memory_space<vmem>>
      %dma_start3A_329 = tpu.memref_squeeze %dma_start3A_328 : memref<1x64x128xf32, #tpu.memory_space<vmem>> -> memref<64x128xf32, #tpu.memory_space<vmem>>
      %dma_start3A_330 = arith.constant 0 : i32
      %dma_start3A_331 = tpu.memref_slice %arg6[%select_n3A_293, %dma_start3A_330] : memref<8x64xi32, #tpu.memory_space<vmem>> -> memref<1x64xi32, #tpu.memory_space<vmem>>
      %dma_start3A_332 = tpu.memref_squeeze %dma_start3A_331 : memref<1x64xi32, #tpu.memory_space<vmem>> -> memref<64xi32, #tpu.memory_space<vmem>>
      %dma_start3A_333 = arith.constant 0 : i32
      %dma_start3A_334 = arith.constant 0 : i32
      %dma_start3A_335 = tpu.memref_slice %arg2[%dma_start3A_333, %dma_start3A_334] : memref<10000x128xf32, #tpu.memory_space<hbm>> -> memref<10000x128xf32, #tpu.memory_space<hbm>>
      %dma_start3A_336 = tpu.memref_slice %arg12[%select_n3A_325] : memref<4x!tpu.dma_semaphore, #tpu.memory_space<semaphore_mem>> -> memref<1x!tpu.dma_semaphore, #tpu.memory_space<semaphore_mem>>
      %dma_start3A_337 = tpu.memref_squeeze %dma_start3A_336 : memref<1x!tpu.dma_semaphore, #tpu.memory_space<semaphore_mem>> -> memref<!tpu.dma_semaphore, #tpu.memory_space<semaphore_mem>>
      tpu.enqueue_indirect_dma source(%dma_start3A_335 : memref<10000x128xf32, #tpu.memory_space<hbm>>) target(%dma_start3A_329 : memref<64x128xf32, #tpu.memory_space<vmem>>) offsets(%dma_start3A_332 : memref<64xi32, #tpu.memory_space<vmem>>) semaphore(%dma_start3A_337 : memref<!tpu.dma_semaphore, #tpu.memory_space<semaphore_mem>>)
      %ge3A_338 = arith.constant 2 : i32
      %ge3A_339 = arith.cmpi sge, %scan3A_213, %ge3A_338 : i32
      %convert_element_type3A_340 = arith.extui %ge3A_339 : i1 to i32
      %cond3A_341 = arith.constant 0 : i32
      %cond3A_342 = arith.cmpi ne, %convert_element_type3A_340, %cond3A_341 : i32
      scf.if %cond3A_342 {
        %sub3A = arith.constant 2 : i32
        %sub3A_344 = arith.subi %scan3A_213, %sub3A : i32
        %jit3A_345 = arith.constant 8 : i32
        %eq3A_346 = arith.constant 0 : i32
        %eq3A_347 = arith.cmpi eq, %jit3A_345, %eq3A_346 : i32
        %jit3A_348 = arith.constant 1 : i32
        %select_n3A_349 = arith.select %eq3A_347, %jit3A_348, %jit3A_345 : i32
        %rem3A_350 = arith.remsi %sub3A_344, %select_n3A_349 : i32
        %ne3A_351 = arith.constant 0 : i32
        %ne3A_352 = arith.cmpi ne, %rem3A_350, %ne3A_351 : i32
        %lt3A_353 = arith.constant 0 : i32
        %lt3A_354 = arith.cmpi slt, %rem3A_350, %lt3A_353 : i32
        %lt3A_355 = arith.constant 0 : i32
        %lt3A_356 = arith.cmpi slt, %select_n3A_349, %lt3A_355 : i32
        %ne3A_357 = arith.xori %lt3A_354, %lt3A_356 : i1
        %and3A_358 = arith.andi %ne3A_357, %ne3A_352 : i1
        %add3A_359 = arith.addi %rem3A_350, %select_n3A_349 : i32
        %select_n3A_360 = arith.select %and3A_358, %add3A_359, %rem3A_350 : i32
        %jit3A_361 = arith.constant 4 : i32
        %eq3A_362 = arith.constant 0 : i32
        %eq3A_363 = arith.cmpi eq, %jit3A_361, %eq3A_362 : i32
        %jit3A_364 = arith.constant 1 : i32
        %select_n3A_365 = arith.select %eq3A_363, %jit3A_364, %jit3A_361 : i32
        %rem3A_366 = arith.remsi %sub3A_344, %select_n3A_365 : i32
        %ne3A_367 = arith.constant 0 : i32
        %ne3A_368 = arith.cmpi ne, %rem3A_366, %ne3A_367 : i32
        %lt3A_369 = arith.constant 0 : i32
        %lt3A_370 = arith.cmpi slt, %rem3A_366, %lt3A_369 : i32
        %lt3A_371 = arith.constant 0 : i32
        %lt3A_372 = arith.cmpi slt, %select_n3A_365, %lt3A_371 : i32
        %ne3A_373 = arith.xori %lt3A_370, %lt3A_372 : i1
        %and3A_374 = arith.andi %ne3A_373, %ne3A_368 : i1
        %add3A_375 = arith.addi %rem3A_366, %select_n3A_365 : i32
        %select_n3A_376 = arith.select %and3A_374, %add3A_375, %rem3A_366 : i32
        %jit3A_377 = arith.constant 4 : i32
        %eq3A_378 = arith.constant 0 : i32
        %eq3A_379 = arith.cmpi eq, %jit3A_377, %eq3A_378 : i32
        %jit3A_380 = arith.constant 1 : i32
        %select_n3A_381 = arith.select %eq3A_379, %jit3A_380, %jit3A_377 : i32
        %rem3A_382 = arith.remsi %sub3A_344, %select_n3A_381 : i32
        %ne3A_383 = arith.constant 0 : i32
        %ne3A_384 = arith.cmpi ne, %rem3A_382, %ne3A_383 : i32
        %lt3A_385 = arith.constant 0 : i32
        %lt3A_386 = arith.cmpi slt, %rem3A_382, %lt3A_385 : i32
        %lt3A_387 = arith.constant 0 : i32
        %lt3A_388 = arith.cmpi slt, %select_n3A_381, %lt3A_387 : i32
        %ne3A_389 = arith.xori %lt3A_386, %lt3A_388 : i1
        %and3A_390 = arith.andi %ne3A_389, %ne3A_384 : i1
        %add3A_391 = arith.addi %rem3A_382, %select_n3A_381 : i32
        %select_n3A_392 = arith.select %and3A_390, %add3A_391, %rem3A_382 : i32
        %dma_wait3A_393 = arith.constant 0 : i32
        %dma_wait3A_394 = arith.constant 0 : i32
        %dma_wait3A_395 = tpu.memref_slice %arg8[%select_n3A_376, %dma_wait3A_393, %dma_wait3A_394] : memref<4x64x128xf32, #tpu.memory_space<vmem>> -> memref<1x64x128xf32, #tpu.memory_space<vmem>>
        %dma_wait3A_396 = tpu.memref_squeeze %dma_wait3A_395 : memref<1x64x128xf32, #tpu.memory_space<vmem>> -> memref<64x128xf32, #tpu.memory_space<vmem>>
        %dma_wait3A_397 = arith.constant 0 : i32
        %dma_wait3A_398 = tpu.memref_slice %arg6[%select_n3A_360, %dma_wait3A_397] : memref<8x64xi32, #tpu.memory_space<vmem>> -> memref<1x64xi32, #tpu.memory_space<vmem>>
        %dma_wait3A_399 = tpu.memref_squeeze %dma_wait3A_398 : memref<1x64xi32, #tpu.memory_space<vmem>> -> memref<64xi32, #tpu.memory_space<vmem>>
        %dma_wait3A_400 = arith.constant 0 : i32
        %dma_wait3A_401 = arith.constant 0 : i32
        %dma_wait3A_402 = tpu.memref_slice %arg2[%dma_wait3A_400, %dma_wait3A_401] : memref<10000x128xf32, #tpu.memory_space<hbm>> -> memref<10000x128xf32, #tpu.memory_space<hbm>>
        %dma_wait3A_403 = tpu.memref_slice %arg12[%select_n3A_392] : memref<4x!tpu.dma_semaphore, #tpu.memory_space<semaphore_mem>> -> memref<1x!tpu.dma_semaphore, #tpu.memory_space<semaphore_mem>>
        %dma_wait3A_404 = tpu.memref_squeeze %dma_wait3A_403 : memref<1x!tpu.dma_semaphore, #tpu.memory_space<semaphore_mem>> -> memref<!tpu.dma_semaphore, #tpu.memory_space<semaphore_mem>>
        tpu.wait_indirect_dma semaphore(%dma_wait3A_404 : memref<!tpu.dma_semaphore, #tpu.memory_space<semaphore_mem>>) src(%dma_wait3A_402 : memref<10000x128xf32, #tpu.memory_space<hbm>>) dst(%dma_wait3A_396 : memref<64x128xf32, #tpu.memory_space<vmem>>)
        %sub3A_405 = arith.constant 2 : i32
        %sub3A_406 = arith.subi %scan3A_213, %sub3A_405 : i32
        %jit3A_407 = arith.constant 4 : i32
        %eq3A_408 = arith.constant 0 : i32
        %eq3A_409 = arith.cmpi eq, %jit3A_407, %eq3A_408 : i32
        %jit3A_410 = arith.constant 1 : i32
        %select_n3A_411 = arith.select %eq3A_409, %jit3A_410, %jit3A_407 : i32
        %rem3A_412 = arith.remsi %sub3A_406, %select_n3A_411 : i32
        %ne3A_413 = arith.constant 0 : i32
        %ne3A_414 = arith.cmpi ne, %rem3A_412, %ne3A_413 : i32
        %lt3A_415 = arith.constant 0 : i32
        %lt3A_416 = arith.cmpi slt, %rem3A_412, %lt3A_415 : i32
        %lt3A_417 = arith.constant 0 : i32
        %lt3A_418 = arith.cmpi slt, %select_n3A_411, %lt3A_417 : i32
        %ne3A_419 = arith.xori %lt3A_416, %lt3A_418 : i1
        %and3A_420 = arith.andi %ne3A_419, %ne3A_414 : i1
        %add3A_421 = arith.addi %rem3A_412, %select_n3A_411 : i32
        %select_n3A_422 = arith.select %and3A_420, %add3A_421, %rem3A_412 : i32
        %jit3A_423 = arith.constant 8 : i32
        %eq3A_424 = arith.constant 0 : i32
        %eq3A_425 = arith.cmpi eq, %jit3A_423, %eq3A_424 : i32
        %jit3A_426 = arith.constant 1 : i32
        %select_n3A_427 = arith.select %eq3A_425, %jit3A_426, %jit3A_423 : i32
        %rem3A_428 = arith.remsi %sub3A_406, %select_n3A_427 : i32
        %ne3A_429 = arith.constant 0 : i32
        %ne3A_430 = arith.cmpi ne, %rem3A_428, %ne3A_429 : i32
        %lt3A_431 = arith.constant 0 : i32
        %lt3A_432 = arith.cmpi slt, %rem3A_428, %lt3A_431 : i32
        %lt3A_433 = arith.constant 0 : i32
        %lt3A_434 = arith.cmpi slt, %select_n3A_427, %lt3A_433 : i32
        %ne3A_435 = arith.xori %lt3A_432, %lt3A_434 : i1
        %and3A_436 = arith.andi %ne3A_435, %ne3A_430 : i1
        %add3A_437 = arith.addi %rem3A_428, %select_n3A_427 : i32
        %select_n3A_438 = arith.select %and3A_436, %add3A_437, %rem3A_428 : i32
        %jit3A_439 = arith.constant 4 : i32
        %eq3A_440 = arith.constant 0 : i32
        %eq3A_441 = arith.cmpi eq, %jit3A_439, %eq3A_440 : i32
        %jit3A_442 = arith.constant 1 : i32
        %select_n3A_443 = arith.select %eq3A_441, %jit3A_442, %jit3A_439 : i32
        %rem3A_444 = arith.remsi %sub3A_406, %select_n3A_443 : i32
        %ne3A_445 = arith.constant 0 : i32
        %ne3A_446 = arith.cmpi ne, %rem3A_444, %ne3A_445 : i32
        %lt3A_447 = arith.constant 0 : i32
        %lt3A_448 = arith.cmpi slt, %rem3A_444, %lt3A_447 : i32
        %lt3A_449 = arith.constant 0 : i32
        %lt3A_450 = arith.cmpi slt, %select_n3A_443, %lt3A_449 : i32
        %ne3A_451 = arith.xori %lt3A_448, %lt3A_450 : i1
        %and3A_452 = arith.andi %ne3A_451, %ne3A_446 : i1
        %add3A_453 = arith.addi %rem3A_444, %select_n3A_443 : i32
        %select_n3A_454 = arith.select %and3A_452, %add3A_453, %rem3A_444 : i32
        %dma_start3A_455 = arith.constant 0 : i32
        %dma_start3A_456 = arith.constant 0 : i32
        %dma_start3A_457 = tpu.memref_slice %arg8[%select_n3A_422, %dma_start3A_455, %dma_start3A_456] : memref<4x64x128xf32, #tpu.memory_space<vmem>> -> memref<1x64x128xf32, #tpu.memory_space<vmem>>
        %dma_start3A_458 = tpu.memref_squeeze %dma_start3A_457 : memref<1x64x128xf32, #tpu.memory_space<vmem>> -> memref<64x128xf32, #tpu.memory_space<vmem>>
        %dma_start3A_459 = arith.constant 0 : i32
        %dma_start3A_460 = tpu.memref_slice %arg7[%select_n3A_438, %dma_start3A_459] : memref<8x64xi32, #tpu.memory_space<vmem>> -> memref<1x64xi32, #tpu.memory_space<vmem>>
        %dma_start3A_461 = tpu.memref_squeeze %dma_start3A_460 : memref<1x64xi32, #tpu.memory_space<vmem>> -> memref<64xi32, #tpu.memory_space<vmem>>
        %dma_start3A_462 = arith.constant 0 : i32
        %dma_start3A_463 = arith.constant 0 : i32
        %dma_start3A_464 = tpu.memref_slice %arg10[%dma_start3A_462, %dma_start3A_463] : memref<10064x128xf32, #tpu.memory_space<vmem_shared>> -> memref<10064x128xf32, #tpu.memory_space<vmem_shared>>
        %dma_start3A_465 = tpu.memref_slice %arg13[%select_n3A_454] : memref<4x!tpu.dma_semaphore, #tpu.memory_space<semaphore_mem>> -> memref<1x!tpu.dma_semaphore, #tpu.memory_space<semaphore_mem>>
        %dma_start3A_466 = tpu.memref_squeeze %dma_start3A_465 : memref<1x!tpu.dma_semaphore, #tpu.memory_space<semaphore_mem>> -> memref<!tpu.dma_semaphore, #tpu.memory_space<semaphore_mem>>
        tpu.enqueue_indirect_dma source(%dma_start3A_458 : memref<64x128xf32, #tpu.memory_space<vmem>>) target(%dma_start3A_464 : memref<10064x128xf32, #tpu.memory_space<vmem_shared>>) offsets(%dma_start3A_461 : memref<64xi32, #tpu.memory_space<vmem>>) semaphore(%dma_start3A_466 : memref<!tpu.dma_semaphore, #tpu.memory_space<semaphore_mem>>) {add = true}
      } else {
      }
      %scan3A_343 = arith.constant 0 : i32
      scf.yield %scan3A_343 : i32
    }
    %scan3A_80 = arith.constant 157 : i32
    %dma_wait3A = arith.constant 3 : i32
    %dma_wait3A_81 = arith.constant 3 : i32
    %dma_wait3A_82 = arith.constant 3 : i32
    %dma_wait3A_83 = arith.constant 0 : i32
    %dma_wait3A_84 = arith.constant 0 : i32
    %dma_wait3A_85 = tpu.memref_slice %arg8[%dma_wait3A_81, %dma_wait3A_83, %dma_wait3A_84] : memref<4x64x128xf32, #tpu.memory_space<vmem>> -> memref<1x64x128xf32, #tpu.memory_space<vmem>>
    %dma_wait3A_86 = tpu.memref_squeeze %dma_wait3A_85 : memref<1x64x128xf32, #tpu.memory_space<vmem>> -> memref<64x128xf32, #tpu.memory_space<vmem>>
    %dma_wait3A_87 = arith.constant 0 : i32
    %dma_wait3A_88 = tpu.memref_slice %arg6[%dma_wait3A, %dma_wait3A_87] : memref<8x64xi32, #tpu.memory_space<vmem>> -> memref<1x64xi32, #tpu.memory_space<vmem>>
    %dma_wait3A_89 = tpu.memref_squeeze %dma_wait3A_88 : memref<1x64xi32, #tpu.memory_space<vmem>> -> memref<64xi32, #tpu.memory_space<vmem>>
    %dma_wait3A_90 = arith.constant 0 : i32
    %dma_wait3A_91 = arith.constant 0 : i32
    %dma_wait3A_92 = tpu.memref_slice %arg2[%dma_wait3A_90, %dma_wait3A_91] : memref<10000x128xf32, #tpu.memory_space<hbm>> -> memref<10000x128xf32, #tpu.memory_space<hbm>>
    %dma_wait3A_93 = tpu.memref_slice %arg12[%dma_wait3A_82] : memref<4x!tpu.dma_semaphore, #tpu.memory_space<semaphore_mem>> -> memref<1x!tpu.dma_semaphore, #tpu.memory_space<semaphore_mem>>
    %dma_wait3A_94 = tpu.memref_squeeze %dma_wait3A_93 : memref<1x!tpu.dma_semaphore, #tpu.memory_space<semaphore_mem>> -> memref<!tpu.dma_semaphore, #tpu.memory_space<semaphore_mem>>
    tpu.wait_indirect_dma semaphore(%dma_wait3A_94 : memref<!tpu.dma_semaphore, #tpu.memory_space<semaphore_mem>>) src(%dma_wait3A_92 : memref<10000x128xf32, #tpu.memory_space<hbm>>) dst(%dma_wait3A_86 : memref<64x128xf32, #tpu.memory_space<vmem>>)
    %dma_start3A_95 = arith.constant 3 : i32
    %dma_start3A_96 = arith.constant 3 : i32
    %dma_start3A_97 = arith.constant 3 : i32
    %dma_start3A_98 = arith.constant 0 : i32
    %dma_start3A_99 = arith.constant 0 : i32
    %dma_start3A_100 = tpu.memref_slice %arg8[%dma_start3A_95, %dma_start3A_98, %dma_start3A_99] : memref<4x64x128xf32, #tpu.memory_space<vmem>> -> memref<1x64x128xf32, #tpu.memory_space<vmem>>
    %dma_start3A_101 = tpu.memref_squeeze %dma_start3A_100 : memref<1x64x128xf32, #tpu.memory_space<vmem>> -> memref<64x128xf32, #tpu.memory_space<vmem>>
    %dma_start3A_102 = arith.constant 0 : i32
    %dma_start3A_103 = tpu.memref_slice %arg7[%dma_start3A_96, %dma_start3A_102] : memref<8x64xi32, #tpu.memory_space<vmem>> -> memref<1x64xi32, #tpu.memory_space<vmem>>
    %dma_start3A_104 = tpu.memref_squeeze %dma_start3A_103 : memref<1x64xi32, #tpu.memory_space<vmem>> -> memref<64xi32, #tpu.memory_space<vmem>>
    %dma_start3A_105 = arith.constant 0 : i32
    %dma_start3A_106 = arith.constant 0 : i32
    %dma_start3A_107 = tpu.memref_slice %arg10[%dma_start3A_105, %dma_start3A_106] : memref<10064x128xf32, #tpu.memory_space<vmem_shared>> -> memref<10064x128xf32, #tpu.memory_space<vmem_shared>>
    %dma_start3A_108 = tpu.memref_slice %arg13[%dma_start3A_97] : memref<4x!tpu.dma_semaphore, #tpu.memory_space<semaphore_mem>> -> memref<1x!tpu.dma_semaphore, #tpu.memory_space<semaphore_mem>>
    %dma_start3A_109 = tpu.memref_squeeze %dma_start3A_108 : memref<1x!tpu.dma_semaphore, #tpu.memory_space<semaphore_mem>> -> memref<!tpu.dma_semaphore, #tpu.memory_space<semaphore_mem>>
    tpu.enqueue_indirect_dma source(%dma_start3A_101 : memref<64x128xf32, #tpu.memory_space<vmem>>) target(%dma_start3A_107 : memref<10064x128xf32, #tpu.memory_space<vmem_shared>>) offsets(%dma_start3A_104 : memref<64xi32, #tpu.memory_space<vmem>>) semaphore(%dma_start3A_109 : memref<!tpu.dma_semaphore, #tpu.memory_space<semaphore_mem>>) {add = true}
    %dma_wait3A_110 = arith.constant 4 : i32
    %dma_wait3A_111 = arith.constant 0 : i32
    %dma_wait3A_112 = arith.constant 0 : i32
    %dma_wait3A_113 = arith.constant 0 : i32
    %dma_wait3A_114 = arith.constant 0 : i32
    %dma_wait3A_115 = tpu.memref_slice %arg8[%dma_wait3A_111, %dma_wait3A_113, %dma_wait3A_114] : memref<4x64x128xf32, #tpu.memory_space<vmem>> -> memref<1x64x128xf32, #tpu.memory_space<vmem>>
    %dma_wait3A_116 = tpu.memref_squeeze %dma_wait3A_115 : memref<1x64x128xf32, #tpu.memory_space<vmem>> -> memref<64x128xf32, #tpu.memory_space<vmem>>
    %dma_wait3A_117 = arith.constant 0 : i32
    %dma_wait3A_118 = tpu.memref_slice %arg6[%dma_wait3A_110, %dma_wait3A_117] : memref<8x64xi32, #tpu.memory_space<vmem>> -> memref<1x64xi32, #tpu.memory_space<vmem>>
    %dma_wait3A_119 = tpu.memref_squeeze %dma_wait3A_118 : memref<1x64xi32, #tpu.memory_space<vmem>> -> memref<64xi32, #tpu.memory_space<vmem>>
    %dma_wait3A_120 = arith.constant 0 : i32
    %dma_wait3A_121 = arith.constant 0 : i32
    %dma_wait3A_122 = tpu.memref_slice %arg2[%dma_wait3A_120, %dma_wait3A_121] : memref<10000x128xf32, #tpu.memory_space<hbm>> -> memref<10000x128xf32, #tpu.memory_space<hbm>>
    %dma_wait3A_123 = tpu.memref_slice %arg12[%dma_wait3A_112] : memref<4x!tpu.dma_semaphore, #tpu.memory_space<semaphore_mem>> -> memref<1x!tpu.dma_semaphore, #tpu.memory_space<semaphore_mem>>
    %dma_wait3A_124 = tpu.memref_squeeze %dma_wait3A_123 : memref<1x!tpu.dma_semaphore, #tpu.memory_space<semaphore_mem>> -> memref<!tpu.dma_semaphore, #tpu.memory_space<semaphore_mem>>
    tpu.wait_indirect_dma semaphore(%dma_wait3A_124 : memref<!tpu.dma_semaphore, #tpu.memory_space<semaphore_mem>>) src(%dma_wait3A_122 : memref<10000x128xf32, #tpu.memory_space<hbm>>) dst(%dma_wait3A_116 : memref<64x128xf32, #tpu.memory_space<vmem>>)
    %dma_start3A_125 = arith.constant 0 : i32
    %dma_start3A_126 = arith.constant 4 : i32
    %dma_start3A_127 = arith.constant 0 : i32
    %dma_start3A_128 = arith.constant 0 : i32
    %dma_start3A_129 = arith.constant 0 : i32
    %dma_start3A_130 = tpu.memref_slice %arg8[%dma_start3A_125, %dma_start3A_128, %dma_start3A_129] : memref<4x64x128xf32, #tpu.memory_space<vmem>> -> memref<1x64x128xf32, #tpu.memory_space<vmem>>
    %dma_start3A_131 = tpu.memref_squeeze %dma_start3A_130 : memref<1x64x128xf32, #tpu.memory_space<vmem>> -> memref<64x128xf32, #tpu.memory_space<vmem>>
    %dma_start3A_132 = arith.constant 0 : i32
    %dma_start3A_133 = tpu.memref_slice %arg7[%dma_start3A_126, %dma_start3A_132] : memref<8x64xi32, #tpu.memory_space<vmem>> -> memref<1x64xi32, #tpu.memory_space<vmem>>
    %dma_start3A_134 = tpu.memref_squeeze %dma_start3A_133 : memref<1x64xi32, #tpu.memory_space<vmem>> -> memref<64xi32, #tpu.memory_space<vmem>>
    %dma_start3A_135 = arith.constant 0 : i32
    %dma_start3A_136 = arith.constant 0 : i32
    %dma_start3A_137 = tpu.memref_slice %arg10[%dma_start3A_135, %dma_start3A_136] : memref<10064x128xf32, #tpu.memory_space<vmem_shared>> -> memref<10064x128xf32, #tpu.memory_space<vmem_shared>>
    %dma_start3A_138 = tpu.memref_slice %arg13[%dma_start3A_127] : memref<4x!tpu.dma_semaphore, #tpu.memory_space<semaphore_mem>> -> memref<1x!tpu.dma_semaphore, #tpu.memory_space<semaphore_mem>>
    %dma_start3A_139 = tpu.memref_squeeze %dma_start3A_138 : memref<1x!tpu.dma_semaphore, #tpu.memory_space<semaphore_mem>> -> memref<!tpu.dma_semaphore, #tpu.memory_space<semaphore_mem>>
    tpu.enqueue_indirect_dma source(%dma_start3A_131 : memref<64x128xf32, #tpu.memory_space<vmem>>) target(%dma_start3A_137 : memref<10064x128xf32, #tpu.memory_space<vmem_shared>>) offsets(%dma_start3A_134 : memref<64xi32, #tpu.memory_space<vmem>>) semaphore(%dma_start3A_139 : memref<!tpu.dma_semaphore, #tpu.memory_space<semaphore_mem>>) {add = true}
    %dma_wait3A_140 = arith.constant 1 : i32
    %dma_wait3A_141 = arith.constant 1 : i32
    %dma_wait3A_142 = arith.constant 1 : i32
    %dma_wait3A_143 = arith.constant 0 : i32
    %dma_wait3A_144 = arith.constant 0 : i32
    %dma_wait3A_145 = tpu.memref_slice %arg8[%dma_wait3A_140, %dma_wait3A_143, %dma_wait3A_144] : memref<4x64x128xf32, #tpu.memory_space<vmem>> -> memref<1x64x128xf32, #tpu.memory_space<vmem>>
    %dma_wait3A_146 = tpu.memref_squeeze %dma_wait3A_145 : memref<1x64x128xf32, #tpu.memory_space<vmem>> -> memref<64x128xf32, #tpu.memory_space<vmem>>
    %dma_wait3A_147 = arith.constant 0 : i32
    %dma_wait3A_148 = tpu.memref_slice %arg7[%dma_wait3A_141, %dma_wait3A_147] : memref<8x64xi32, #tpu.memory_space<vmem>> -> memref<1x64xi32, #tpu.memory_space<vmem>>
    %dma_wait3A_149 = tpu.memref_squeeze %dma_wait3A_148 : memref<1x64xi32, #tpu.memory_space<vmem>> -> memref<64xi32, #tpu.memory_space<vmem>>
    %dma_wait3A_150 = arith.constant 0 : i32
    %dma_wait3A_151 = arith.constant 0 : i32
    %dma_wait3A_152 = tpu.memref_slice %arg10[%dma_wait3A_150, %dma_wait3A_151] : memref<10064x128xf32, #tpu.memory_space<vmem_shared>> -> memref<10064x128xf32, #tpu.memory_space<vmem_shared>>
    %dma_wait3A_153 = tpu.memref_slice %arg13[%dma_wait3A_142] : memref<4x!tpu.dma_semaphore, #tpu.memory_space<semaphore_mem>> -> memref<1x!tpu.dma_semaphore, #tpu.memory_space<semaphore_mem>>
    %dma_wait3A_154 = tpu.memref_squeeze %dma_wait3A_153 : memref<1x!tpu.dma_semaphore, #tpu.memory_space<semaphore_mem>> -> memref<!tpu.dma_semaphore, #tpu.memory_space<semaphore_mem>>
    tpu.wait_indirect_dma semaphore(%dma_wait3A_154 : memref<!tpu.dma_semaphore, #tpu.memory_space<semaphore_mem>>) src(%dma_wait3A_146 : memref<64x128xf32, #tpu.memory_space<vmem>>) dst(%dma_wait3A_152 : memref<10064x128xf32, #tpu.memory_space<vmem_shared>>)
    %dma_wait3A_155 = arith.constant 2 : i32
    %dma_wait3A_156 = arith.constant 2 : i32
    %dma_wait3A_157 = arith.constant 2 : i32
    %dma_wait3A_158 = arith.constant 0 : i32
    %dma_wait3A_159 = arith.constant 0 : i32
    %dma_wait3A_160 = tpu.memref_slice %arg8[%dma_wait3A_155, %dma_wait3A_158, %dma_wait3A_159] : memref<4x64x128xf32, #tpu.memory_space<vmem>> -> memref<1x64x128xf32, #tpu.memory_space<vmem>>
    %dma_wait3A_161 = tpu.memref_squeeze %dma_wait3A_160 : memref<1x64x128xf32, #tpu.memory_space<vmem>> -> memref<64x128xf32, #tpu.memory_space<vmem>>
    %dma_wait3A_162 = arith.constant 0 : i32
    %dma_wait3A_163 = tpu.memref_slice %arg7[%dma_wait3A_156, %dma_wait3A_162] : memref<8x64xi32, #tpu.memory_space<vmem>> -> memref<1x64xi32, #tpu.memory_space<vmem>>
    %dma_wait3A_164 = tpu.memref_squeeze %dma_wait3A_163 : memref<1x64xi32, #tpu.memory_space<vmem>> -> memref<64xi32, #tpu.memory_space<vmem>>
    %dma_wait3A_165 = arith.constant 0 : i32
    %dma_wait3A_166 = arith.constant 0 : i32
    %dma_wait3A_167 = tpu.memref_slice %arg10[%dma_wait3A_165, %dma_wait3A_166] : memref<10064x128xf32, #tpu.memory_space<vmem_shared>> -> memref<10064x128xf32, #tpu.memory_space<vmem_shared>>
    %dma_wait3A_168 = tpu.memref_slice %arg13[%dma_wait3A_157] : memref<4x!tpu.dma_semaphore, #tpu.memory_space<semaphore_mem>> -> memref<1x!tpu.dma_semaphore, #tpu.memory_space<semaphore_mem>>
    %dma_wait3A_169 = tpu.memref_squeeze %dma_wait3A_168 : memref<1x!tpu.dma_semaphore, #tpu.memory_space<semaphore_mem>> -> memref<!tpu.dma_semaphore, #tpu.memory_space<semaphore_mem>>
    tpu.wait_indirect_dma semaphore(%dma_wait3A_169 : memref<!tpu.dma_semaphore, #tpu.memory_space<semaphore_mem>>) src(%dma_wait3A_161 : memref<64x128xf32, #tpu.memory_space<vmem>>) dst(%dma_wait3A_167 : memref<10064x128xf32, #tpu.memory_space<vmem_shared>>)
    %dma_wait3A_170 = arith.constant 3 : i32
    %dma_wait3A_171 = arith.constant 3 : i32
    %dma_wait3A_172 = arith.constant 3 : i32
    %dma_wait3A_173 = arith.constant 0 : i32
    %dma_wait3A_174 = arith.constant 0 : i32
    %dma_wait3A_175 = tpu.memref_slice %arg8[%dma_wait3A_170, %dma_wait3A_173, %dma_wait3A_174] : memref<4x64x128xf32, #tpu.memory_space<vmem>> -> memref<1x64x128xf32, #tpu.memory_space<vmem>>
    %dma_wait3A_176 = tpu.memref_squeeze %dma_wait3A_175 : memref<1x64x128xf32, #tpu.memory_space<vmem>> -> memref<64x128xf32, #tpu.memory_space<vmem>>
    %dma_wait3A_177 = arith.constant 0 : i32
    %dma_wait3A_178 = tpu.memref_slice %arg7[%dma_wait3A_171, %dma_wait3A_177] : memref<8x64xi32, #tpu.memory_space<vmem>> -> memref<1x64xi32, #tpu.memory_space<vmem>>
    %dma_wait3A_179 = tpu.memref_squeeze %dma_wait3A_178 : memref<1x64xi32, #tpu.memory_space<vmem>> -> memref<64xi32, #tpu.memory_space<vmem>>
    %dma_wait3A_180 = arith.constant 0 : i32
    %dma_wait3A_181 = arith.constant 0 : i32
    %dma_wait3A_182 = tpu.memref_slice %arg10[%dma_wait3A_180, %dma_wait3A_181] : memref<10064x128xf32, #tpu.memory_space<vmem_shared>> -> memref<10064x128xf32, #tpu.memory_space<vmem_shared>>
    %dma_wait3A_183 = tpu.memref_slice %arg13[%dma_wait3A_172] : memref<4x!tpu.dma_semaphore, #tpu.memory_space<semaphore_mem>> -> memref<1x!tpu.dma_semaphore, #tpu.memory_space<semaphore_mem>>
    %dma_wait3A_184 = tpu.memref_squeeze %dma_wait3A_183 : memref<1x!tpu.dma_semaphore, #tpu.memory_space<semaphore_mem>> -> memref<!tpu.dma_semaphore, #tpu.memory_space<semaphore_mem>>
    tpu.wait_indirect_dma semaphore(%dma_wait3A_184 : memref<!tpu.dma_semaphore, #tpu.memory_space<semaphore_mem>>) src(%dma_wait3A_176 : memref<64x128xf32, #tpu.memory_space<vmem>>) dst(%dma_wait3A_182 : memref<10064x128xf32, #tpu.memory_space<vmem_shared>>)
    %dma_wait3A_185 = arith.constant 0 : i32
    %dma_wait3A_186 = arith.constant 4 : i32
    %dma_wait3A_187 = arith.constant 0 : i32
    %dma_wait3A_188 = arith.constant 0 : i32
    %dma_wait3A_189 = arith.constant 0 : i32
    %dma_wait3A_190 = tpu.memref_slice %arg8[%dma_wait3A_185, %dma_wait3A_188, %dma_wait3A_189] : memref<4x64x128xf32, #tpu.memory_space<vmem>> -> memref<1x64x128xf32, #tpu.memory_space<vmem>>
    %dma_wait3A_191 = tpu.memref_squeeze %dma_wait3A_190 : memref<1x64x128xf32, #tpu.memory_space<vmem>> -> memref<64x128xf32, #tpu.memory_space<vmem>>
    %dma_wait3A_192 = arith.constant 0 : i32
    %dma_wait3A_193 = tpu.memref_slice %arg7[%dma_wait3A_186, %dma_wait3A_192] : memref<8x64xi32, #tpu.memory_space<vmem>> -> memref<1x64xi32, #tpu.memory_space<vmem>>
    %dma_wait3A_194 = tpu.memref_squeeze %dma_wait3A_193 : memref<1x64xi32, #tpu.memory_space<vmem>> -> memref<64xi32, #tpu.memory_space<vmem>>
    %dma_wait3A_195 = arith.constant 0 : i32
    %dma_wait3A_196 = arith.constant 0 : i32
    %dma_wait3A_197 = tpu.memref_slice %arg10[%dma_wait3A_195, %dma_wait3A_196] : memref<10064x128xf32, #tpu.memory_space<vmem_shared>> -> memref<10064x128xf32, #tpu.memory_space<vmem_shared>>
    %dma_wait3A_198 = tpu.memref_slice %arg13[%dma_wait3A_187] : memref<4x!tpu.dma_semaphore, #tpu.memory_space<semaphore_mem>> -> memref<1x!tpu.dma_semaphore, #tpu.memory_space<semaphore_mem>>
    %dma_wait3A_199 = tpu.memref_squeeze %dma_wait3A_198 : memref<1x!tpu.dma_semaphore, #tpu.memory_space<semaphore_mem>> -> memref<!tpu.dma_semaphore, #tpu.memory_space<semaphore_mem>>
    tpu.wait_indirect_dma semaphore(%dma_wait3A_199 : memref<!tpu.dma_semaphore, #tpu.memory_space<semaphore_mem>>) src(%dma_wait3A_191 : memref<64x128xf32, #tpu.memory_space<vmem>>) dst(%dma_wait3A_197 : memref<10064x128xf32, #tpu.memory_space<vmem_shared>>)
    %barrier3A_200 = arith.constant 0 : index
    tpu.barrier barrier_id(%barrier3A_200)
    %scan3A_201 = arith.constant 0 : i32
    %scan3A_202 = arith.constant 0 : i32
    %scan3A_203 = arith.constant 15 : i32
    %scan3A_204 = arith.addi %scan3A_202, %scan3A_203 : i32
    %scan3A_205 = arith.constant 1 : i32
    %scan3A_206 = scf.for %scan3A_213 = %scan3A_202 to %scan3A_204 step %scan3A_205 iter_args(%scan3A_214 = %scan3A_201) -> (i32)  : i32 {
      %mul3A_215 = arith.constant 16 : i32
      %mul3A_216 = arith.muli %scan3A_213, %mul3A_215 : i32
      %add3A_217 = arith.addi %mul3A_216, %arg1 : i32
      %mul3A_218 = arith.constant 40 : i32
      %mul3A_219 = arith.muli %add3A_217, %mul3A_218 : i32
      %multiple_of3A_220 = tpu.assume_multiple %mul3A_219, 8 : i32
      "tpu.region"() ({
        %run_scoped3A = tpu.sem_alloc : memref<!tpu.dma_semaphore, #tpu.memory_space<semaphore_mem>>
        %dma_start3A_222 = arith.constant 0 : i32
        %dma_start3A_223 = tpu.memref_slice %arg10[%multiple_of3A_220, %dma_start3A_222] : memref<10064x128xf32, #tpu.memory_space<vmem_shared>> -> memref<40x128xf32, #tpu.memory_space<vmem_shared>>
        %dma_start3A_224 = arith.constant 0 : i32
        %dma_start3A_225 = tpu.memref_slice %arg10[%multiple_of3A_220, %dma_start3A_224] : memref<10064x128xf32, #tpu.memory_space<vmem_shared>> -> memref<40x128xf32, #tpu.memory_space<vmem_shared>>
        tpu.enqueue_dma source(%dma_start3A_225 : memref<40x128xf32, #tpu.memory_space<vmem_shared>>) target(%arg9 : memref<40x128xf32, #tpu.memory_space<vmem>>) target_semaphore(%run_scoped3A : memref<!tpu.dma_semaphore, #tpu.memory_space<semaphore_mem>>)
        %dma_wait3A_226 = arith.constant 0 : i32
        %dma_wait3A_227 = tpu.memref_slice %arg10[%multiple_of3A_220, %dma_wait3A_226] : memref<10064x128xf32, #tpu.memory_space<vmem_shared>> -> memref<40x128xf32, #tpu.memory_space<vmem_shared>>
        %dma_wait3A_228 = arith.constant 0 : i32
        %dma_wait3A_229 = tpu.memref_slice %arg10[%multiple_of3A_220, %dma_wait3A_228] : memref<10064x128xf32, #tpu.memory_space<vmem_shared>> -> memref<40x128xf32, #tpu.memory_space<vmem_shared>>
        tpu.wait_dma2 semaphore(%run_scoped3A : memref<!tpu.dma_semaphore, #tpu.memory_space<semaphore_mem>>) src(%dma_wait3A_229 : memref<40x128xf32, #tpu.memory_space<vmem_shared>>) dst(%arg9 : memref<40x128xf32, #tpu.memory_space<vmem>>)
        tpu.yield
      }) : () -> ()
      "tpu.region"() ({
        %run_scoped3A = tpu.sem_alloc : memref<!tpu.dma_semaphore, #tpu.memory_space<semaphore_mem>>
        %dma_start3A_222 = arith.constant 0 : i32
        %dma_start3A_223 = tpu.memref_slice %arg5[%arg0, %multiple_of3A_220, %dma_start3A_222] : memref<2x10000x128xf32, #tpu.memory_space<hbm>> -> memref<1x40x128xf32, #tpu.memory_space<hbm>>
        %dma_start3A_224 = tpu.memref_squeeze %dma_start3A_223 : memref<1x40x128xf32, #tpu.memory_space<hbm>> -> memref<40x128xf32, #tpu.memory_space<hbm>>
        %dma_start3A_225 = arith.constant 0 : i32
        %dma_start3A_226 = tpu.memref_slice %arg5[%arg0, %multiple_of3A_220, %dma_start3A_225] : memref<2x10000x128xf32, #tpu.memory_space<hbm>> -> memref<1x40x128xf32, #tpu.memory_space<hbm>>
        %dma_start3A_227 = tpu.memref_squeeze %dma_start3A_226 : memref<1x40x128xf32, #tpu.memory_space<hbm>> -> memref<40x128xf32, #tpu.memory_space<hbm>>
        tpu.enqueue_dma source(%arg9 : memref<40x128xf32, #tpu.memory_space<vmem>>) target(%dma_start3A_227 : memref<40x128xf32, #tpu.memory_space<hbm>>) target_semaphore(%run_scoped3A : memref<!tpu.dma_semaphore, #tpu.memory_space<semaphore_mem>>)
        %dma_wait3A_228 = arith.constant 0 : i32
        %dma_wait3A_229 = tpu.memref_slice %arg5[%arg0, %multiple_of3A_220, %dma_wait3A_228] : memref<2x10000x128xf32, #tpu.memory_space<hbm>> -> memref<1x40x128xf32, #tpu.memory_space<hbm>>
        %dma_wait3A_230 = tpu.memref_squeeze %dma_wait3A_229 : memref<1x40x128xf32, #tpu.memory_space<hbm>> -> memref<40x128xf32, #tpu.memory_space<hbm>>
        %dma_wait3A_231 = arith.constant 0 : i32
        %dma_wait3A_232 = tpu.memref_slice %arg5[%arg0, %multiple_of3A_220, %dma_wait3A_231] : memref<2x10000x128xf32, #tpu.memory_space<hbm>> -> memref<1x40x128xf32, #tpu.memory_space<hbm>>
        %dma_wait3A_233 = tpu.memref_squeeze %dma_wait3A_232 : memref<1x40x128xf32, #tpu.memory_space<hbm>> -> memref<40x128xf32, #tpu.memory_space<hbm>>
        tpu.wait_dma2 semaphore(%run_scoped3A : memref<!tpu.dma_semaphore, #tpu.memory_space<semaphore_mem>>) src(%arg9 : memref<40x128xf32, #tpu.memory_space<vmem>>) dst(%dma_wait3A_233 : memref<40x128xf32, #tpu.memory_space<hbm>>)
        tpu.yield
      }) : () -> ()
      %scan3A_221 = arith.constant 0 : i32
      scf.yield %scan3A_221 : i32
    }
    %scan3A_207 = arith.constant 15 : i32
    %lt3A_208 = arith.constant 10 : i32
    %lt3A_209 = arith.cmpi slt, %arg1, %lt3A_208 : i32
    %convert_element_type3A_210 = arith.extui %lt3A_209 : i1 to i32
    %cond3A_211 = arith.constant 0 : i32
    %cond3A_212 = arith.cmpi ne, %convert_element_type3A_210, %cond3A_211 : i32
    scf.if %cond3A_212 {
      %add3A_213 = arith.constant 240 : i32
      %add3A_214 = arith.addi %add3A_213, %arg1 : i32
      %mul3A_215 = arith.constant 40 : i32
      %mul3A_216 = arith.muli %add3A_214, %mul3A_215 : i32
      %multiple_of3A_217 = tpu.assume_multiple %mul3A_216, 8 : i32
      "tpu.region"() ({
        %run_scoped3A = tpu.sem_alloc : memref<!tpu.dma_semaphore, #tpu.memory_space<semaphore_mem>>
        %dma_start3A_218 = arith.constant 0 : i32
        %dma_start3A_219 = tpu.memref_slice %arg10[%multiple_of3A_217, %dma_start3A_218] : memref<10064x128xf32, #tpu.memory_space<vmem_shared>> -> memref<40x128xf32, #tpu.memory_space<vmem_shared>>
        %dma_start3A_220 = arith.constant 0 : i32
        %dma_start3A_221 = tpu.memref_slice %arg10[%multiple_of3A_217, %dma_start3A_220] : memref<10064x128xf32, #tpu.memory_space<vmem_shared>> -> memref<40x128xf32, #tpu.memory_space<vmem_shared>>
        tpu.enqueue_dma source(%dma_start3A_221 : memref<40x128xf32, #tpu.memory_space<vmem_shared>>) target(%arg9 : memref<40x128xf32, #tpu.memory_space<vmem>>) target_semaphore(%run_scoped3A : memref<!tpu.dma_semaphore, #tpu.memory_space<semaphore_mem>>)
        %dma_wait3A_222 = arith.constant 0 : i32
        %dma_wait3A_223 = tpu.memref_slice %arg10[%multiple_of3A_217, %dma_wait3A_222] : memref<10064x128xf32, #tpu.memory_space<vmem_shared>> -> memref<40x128xf32, #tpu.memory_space<vmem_shared>>
        %dma_wait3A_224 = arith.constant 0 : i32
        %dma_wait3A_225 = tpu.memref_slice %arg10[%multiple_of3A_217, %dma_wait3A_224] : memref<10064x128xf32, #tpu.memory_space<vmem_shared>> -> memref<40x128xf32, #tpu.memory_space<vmem_shared>>
        tpu.wait_dma2 semaphore(%run_scoped3A : memref<!tpu.dma_semaphore, #tpu.memory_space<semaphore_mem>>) src(%dma_wait3A_225 : memref<40x128xf32, #tpu.memory_space<vmem_shared>>) dst(%arg9 : memref<40x128xf32, #tpu.memory_space<vmem>>)
        tpu.yield
      }) : () -> ()
      "tpu.region"() ({
        %run_scoped3A = tpu.sem_alloc : memref<!tpu.dma_semaphore, #tpu.memory_space<semaphore_mem>>
        %dma_start3A_218 = arith.constant 0 : i32
        %dma_start3A_219 = tpu.memref_slice %arg5[%arg0, %multiple_of3A_217, %dma_start3A_218] : memref<2x10000x128xf32, #tpu.memory_space<hbm>> -> memref<1x40x128xf32, #tpu.memory_space<hbm>>
        %dma_start3A_220 = tpu.memref_squeeze %dma_start3A_219 : memref<1x40x128xf32, #tpu.memory_space<hbm>> -> memref<40x128xf32, #tpu.memory_space<hbm>>
        %dma_start3A_221 = arith.constant 0 : i32
        %dma_start3A_222 = tpu.memref_slice %arg5[%arg0, %multiple_of3A_217, %dma_start3A_221] : memref<2x10000x128xf32, #tpu.memory_space<hbm>> -> memref<1x40x128xf32, #tpu.memory_space<hbm>>
        %dma_start3A_223 = tpu.memref_squeeze %dma_start3A_222 : memref<1x40x128xf32, #tpu.memory_space<hbm>> -> memref<40x128xf32, #tpu.memory_space<hbm>>
        tpu.enqueue_dma source(%arg9 : memref<40x128xf32, #tpu.memory_space<vmem>>) target(%dma_start3A_223 : memref<40x128xf32, #tpu.memory_space<hbm>>) target_semaphore(%run_scoped3A : memref<!tpu.dma_semaphore, #tpu.memory_space<semaphore_mem>>)
        %dma_wait3A_224 = arith.constant 0 : i32
        %dma_wait3A_225 = tpu.memref_slice %arg5[%arg0, %multiple_of3A_217, %dma_wait3A_224] : memref<2x10000x128xf32, #tpu.memory_space<hbm>> -> memref<1x40x128xf32, #tpu.memory_space<hbm>>
        %dma_wait3A_226 = tpu.memref_squeeze %dma_wait3A_225 : memref<1x40x128xf32, #tpu.memory_space<hbm>> -> memref<40x128xf32, #tpu.memory_space<hbm>>
        %dma_wait3A_227 = arith.constant 0 : i32
        %dma_wait3A_228 = tpu.memref_slice %arg5[%arg0, %multiple_of3A_217, %dma_wait3A_227] : memref<2x10000x128xf32, #tpu.memory_space<hbm>> -> memref<1x40x128xf32, #tpu.memory_space<hbm>>
        %dma_wait3A_229 = tpu.memref_squeeze %dma_wait3A_228 : memref<1x40x128xf32, #tpu.memory_space<hbm>> -> memref<40x128xf32, #tpu.memory_space<hbm>>
        tpu.wait_dma2 semaphore(%run_scoped3A : memref<!tpu.dma_semaphore, #tpu.memory_space<semaphore_mem>>) src(%arg9 : memref<40x128xf32, #tpu.memory_space<vmem>>) dst(%dma_wait3A_229 : memref<40x128xf32, #tpu.memory_space<hbm>>)
        tpu.yield
      }) : () -> ()
    } else {
    }
    return
  }
}

#map = affine_map<(d0, d1) -> (0, 0)>
#map1 = affine_map<(d0, d1) -> (0)>
#map2 = affine_map<(d0, d1) -> (0, 0, 0)>
module attributes {stable_mosaic.version = 14 : i64} {
  func.func @k(%arg0: i32, %arg1: i32, %arg2: memref<10000x128xf32, #tpu.memory_space<hbm>>, %arg3: memref<321536xi32, #tpu.memory_space<hbm>>, %arg4: memref<321536xi32, #tpu.memory_space<hbm>>, %arg5: memref<2x10000x128xf32, #tpu.memory_space<hbm>>, %arg6: memref<8x64xi32, #tpu.memory_space<vmem>>, %arg7: memref<8x64xi32, #tpu.memory_space<vmem>>, %arg8: memref<4x64x128xf32, #tpu.memory_space<vmem>>, %arg9: memref<40x128xf32, #tpu.memory_space<vmem>>, %arg10: memref<10064x128xf32, #tpu.memory_space<vmem_shared>>, %arg11: memref<4x!tpu.dma_semaphore, #tpu.memory_space<semaphore_mem>>, %arg12: memref<4x!tpu.dma_semaphore, #tpu.memory_space<semaphore_mem>>, %arg13: memref<4x!tpu.dma_semaphore, #tpu.memory_space<semaphore_mem>>) attributes {dimension_semantics = [#tpu.dimension_semantics<core_parallel>, #tpu.dimension_semantics<subcore_parallel>], iteration_bounds = array<i64: 2, 16>, scalar_prefetch = 0 : i64, scratch_operands = 8 : i64, tpu.core_type = #tpu.core_type<sc_vector_subcore>, window_params = [{transform_indices = #map}, {transform_indices = #map1}, {transform_indices = #map1}, {transform_indices = #map2}]} {
    %mul3A = arith.constant 2 : i32
    %mul3A_0 = arith.muli %arg1, %mul3A : i32
    %add3A = arith.addi %mul3A_0, %arg0 : i32
    %scan3A = arith.constant 0 : i32
    %scan3A_1 = arith.constant 0 : i32
    %scan3A_2 = arith.constant 320 : i32
    %scan3A_3 = arith.addi %scan3A_1, %scan3A_2 : i32
    %scan3A_4 = arith.constant 1 : i32
    %scan3A_5 = scf.for %scan3A_213 = %scan3A_1 to %scan3A_3 step %scan3A_4 iter_args(%scan3A_214 = %scan3A) -> (i32)  : i32 {
      %broadcast_in_dim3A = arith.constant 0.000000e+00 : f32
      %broadcast_in_dim3A_215 = vector.broadcast %broadcast_in_dim3A : f32 to vector<16xf32>
      %jit3A = arith.constant 8 : i32
      %div3A = arith.divsi %scan3A_213, %jit3A : i32
      %sign3A = arith.constant 0 : i32
      %sign3A_216 = arith.cmpi sgt, %scan3A_213, %sign3A : i32
      %sign3A_217 = arith.extui %sign3A_216 : i1 to i32
      %sign3A_218 = arith.constant 0 : i32
      %sign3A_219 = arith.cmpi slt, %scan3A_213, %sign3A_218 : i32
      %sign3A_220 = arith.extui %sign3A_219 : i1 to i32
      %sign3A_221 = arith.subi %sign3A_217, %sign3A_220 : i32
      %sign3A_222 = arith.constant 0 : i32
      %sign3A_223 = arith.cmpi sgt, %jit3A, %sign3A_222 : i32
      %sign3A_224 = arith.extui %sign3A_223 : i1 to i32
      %sign3A_225 = arith.constant 0 : i32
      %sign3A_226 = arith.cmpi slt, %jit3A, %sign3A_225 : i32
      %sign3A_227 = arith.extui %sign3A_226 : i1 to i32
      %sign3A_228 = arith.subi %sign3A_224, %sign3A_227 : i32
      %ne3A = arith.cmpi ne, %sign3A_221, %sign3A_228 : i32
      %rem3A = arith.remsi %scan3A_213, %jit3A : i32
      %ne3A_229 = arith.constant 0 : i32
      %ne3A_230 = arith.cmpi ne, %rem3A, %ne3A_229 : i32
      %and3A = arith.andi %ne3A, %ne3A_230 : i1
      %sub3A = arith.constant 1 : i32
      %sub3A_231 = arith.subi %div3A, %sub3A : i32
      %select_n3A = arith.select %and3A, %sub3A_231, %div3A : i32
      %jit3A_232 = arith.constant 8 : i32
      %eq3A = arith.constant 0 : i32
      %eq3A_233 = arith.cmpi eq, %jit3A_232, %eq3A : i32
      %jit3A_234 = arith.constant 1 : i32
      %select_n3A_235 = arith.select %eq3A_233, %jit3A_234, %jit3A_232 : i32
      %rem3A_236 = arith.remsi %scan3A_213, %select_n3A_235 : i32
      %ne3A_237 = arith.constant 0 : i32
      %ne3A_238 = arith.cmpi ne, %rem3A_236, %ne3A_237 : i32
      %lt3A_239 = arith.constant 0 : i32
      %lt3A_240 = arith.cmpi slt, %rem3A_236, %lt3A_239 : i32
      %lt3A_241 = arith.constant 0 : i32
      %lt3A_242 = arith.cmpi slt, %select_n3A_235, %lt3A_241 : i32
      %ne3A_243 = arith.xori %lt3A_240, %lt3A_242 : i1
      %and3A_244 = arith.andi %ne3A_243, %ne3A_238 : i1
      %add3A_245 = arith.addi %rem3A_236, %select_n3A_235 : i32
      %select_n3A_246 = arith.select %and3A_244, %add3A_245, %rem3A_236 : i32
      %mul3A_247 = arith.constant 16 : i32
      %mul3A_248 = arith.muli %select_n3A_246, %mul3A_247 : i32
      %swap3A = arith.index_cast %select_n3A : i32 to index
      %swap3A_249 = arith.index_cast %mul3A_248 : i32 to index
      %swap3A_250 = tpu.vector_load %arg9[%swap3A, %swap3A_249] {strides = array<i32>} : memref<40x128xf32, #tpu.memory_space<vmem>>, vector<1x16xf32>,
      %swap3A_251 = vector.shape_cast %swap3A_250 : vector<1x16xf32> to vector<16xf32>
      %swap3A_252 = vector.shape_cast %broadcast_in_dim3A_215 : vector<16xf32> to vector<1x16xf32>
      tpu.vector_store %arg9[%swap3A, %swap3A_249], %swap3A_252 {strides = array<i32>} : memref<40x128xf32, #tpu.memory_space<vmem>>, vector<1x16xf32>,
      %scan3A_253 = arith.constant 0 : i32
      scf.yield %scan3A_253 : i32
    }
    %scan3A_6 = arith.constant 320 : i32
    %scan3A_7 = arith.constant 0 : i32
    %scan3A_8 = arith.constant 0 : i32
    %scan3A_9 = arith.constant 15 : i32
    %scan3A_10 = arith.addi %scan3A_8, %scan3A_9 : i32
    %scan3A_11 = arith.constant 1 : i32
    %scan3A_12 = scf.for %scan3A_213 = %scan3A_8 to %scan3A_10 step %scan3A_11 iter_args(%scan3A_214 = %scan3A_7) -> (i32)  : i32 {
      %mul3A_215 = arith.constant 16 : i32
      %mul3A_216 = arith.muli %scan3A_213, %mul3A_215 : i32
      %add3A_217 = arith.addi %mul3A_216, %arg1 : i32
      %mul3A_218 = arith.constant 40 : i32
      %mul3A_219 = arith.muli %add3A_217, %mul3A_218 : i32
      %multiple_of3A_220 = tpu.assume_multiple %mul3A_219, 8 : i32
      "tpu.region"() ({
        %run_scoped3A = tpu.sem_alloc : memref<!tpu.dma_semaphore, #tpu.memory_space<semaphore_mem>>
        %dma_start3A_222 = arith.constant 0 : i32
        %dma_start3A_223 = tpu.memref_slice %arg10[%multiple_of3A_220, %dma_start3A_222] : memref<10064x128xf32, #tpu.memory_space<vmem_shared>> -> memref<40x128xf32, #tpu.memory_space<vmem_shared>>
        %dma_start3A_224 = arith.constant 0 : i32
        %dma_start3A_225 = tpu.memref_slice %arg10[%multiple_of3A_220, %dma_start3A_224] : memref<10064x128xf32, #tpu.memory_space<vmem_shared>> -> memref<40x128xf32, #tpu.memory_space<vmem_shared>>
        tpu.enqueue_dma source(%arg9 : memref<40x128xf32, #tpu.memory_space<vmem>>) target(%dma_start3A_225 : memref<40x128xf32, #tpu.memory_space<vmem_shared>>) target_semaphore(%run_scoped3A : memref<!tpu.dma_semaphore, #tpu.memory_space<semaphore_mem>>)
        %dma_wait3A_226 = arith.constant 0 : i32
        %dma_wait3A_227 = tpu.memref_slice %arg10[%multiple_of3A_220, %dma_wait3A_226] : memref<10064x128xf32, #tpu.memory_space<vmem_shared>> -> memref<40x128xf32, #tpu.memory_space<vmem_shared>>
        %dma_wait3A_228 = arith.constant 0 : i32
        %dma_wait3A_229 = tpu.memref_slice %arg10[%multiple_of3A_220, %dma_wait3A_228] : memref<10064x128xf32, #tpu.memory_space<vmem_shared>> -> memref<40x128xf32, #tpu.memory_space<vmem_shared>>
        tpu.wait_dma2 semaphore(%run_scoped3A : memref<!tpu.dma_semaphore, #tpu.memory_space<semaphore_mem>>) src(%arg9 : memref<40x128xf32, #tpu.memory_space<vmem>>) dst(%dma_wait3A_229 : memref<40x128xf32, #tpu.memory_space<vmem_shared>>)
        tpu.yield
      }) : () -> ()
      %scan3A_221 = arith.constant 0 : i32
      scf.yield %scan3A_221 : i32
    }
    %scan3A_13 = arith.constant 15 : i32
    %lt3A = arith.constant 10 : i32
    %lt3A_14 = arith.cmpi slt, %arg1, %lt3A : i32
    %convert_element_type3A = arith.extui %lt3A_14 : i1 to i32
    %cond3A = arith.constant 0 : i32
    %cond3A_15 = arith.cmpi ne, %convert_element_type3A, %cond3A : i32
    scf.if %cond3A_15 {
      %add3A_213 = arith.constant 240 : i32
      %add3A_214 = arith.addi %add3A_213, %arg1 : i32
      %mul3A_215 = arith.constant 40 : i32
      %mul3A_216 = arith.muli %add3A_214, %mul3A_215 : i32
      %multiple_of3A_217 = tpu.assume_multiple %mul3A_216, 8 : i32
      "tpu.region"() ({
        %run_scoped3A = tpu.sem_alloc : memref<!tpu.dma_semaphore, #tpu.memory_space<semaphore_mem>>
        %dma_start3A_218 = arith.constant 0 : i32
        %dma_start3A_219 = tpu.memref_slice %arg10[%multiple_of3A_217, %dma_start3A_218] : memref<10064x128xf32, #tpu.memory_space<vmem_shared>> -> memref<40x128xf32, #tpu.memory_space<vmem_shared>>
        %dma_start3A_220 = arith.constant 0 : i32
        %dma_start3A_221 = tpu.memref_slice %arg10[%multiple_of3A_217, %dma_start3A_220] : memref<10064x128xf32, #tpu.memory_space<vmem_shared>> -> memref<40x128xf32, #tpu.memory_space<vmem_shared>>
        tpu.enqueue_dma source(%arg9 : memref<40x128xf32, #tpu.memory_space<vmem>>) target(%dma_start3A_221 : memref<40x128xf32, #tpu.memory_space<vmem_shared>>) target_semaphore(%run_scoped3A : memref<!tpu.dma_semaphore, #tpu.memory_space<semaphore_mem>>)
        %dma_wait3A_222 = arith.constant 0 : i32
        %dma_wait3A_223 = tpu.memref_slice %arg10[%multiple_of3A_217, %dma_wait3A_222] : memref<10064x128xf32, #tpu.memory_space<vmem_shared>> -> memref<40x128xf32, #tpu.memory_space<vmem_shared>>
        %dma_wait3A_224 = arith.constant 0 : i32
        %dma_wait3A_225 = tpu.memref_slice %arg10[%multiple_of3A_217, %dma_wait3A_224] : memref<10064x128xf32, #tpu.memory_space<vmem_shared>> -> memref<40x128xf32, #tpu.memory_space<vmem_shared>>
        tpu.wait_dma2 semaphore(%run_scoped3A : memref<!tpu.dma_semaphore, #tpu.memory_space<semaphore_mem>>) src(%arg9 : memref<40x128xf32, #tpu.memory_space<vmem>>) dst(%dma_wait3A_225 : memref<40x128xf32, #tpu.memory_space<vmem_shared>>)
        tpu.yield
      }) : () -> ()
    } else {
    }
    %barrier3A = arith.constant 0 : index
    tpu.barrier barrier_id(%barrier3A)
    %mul3A_16 = arith.constant 157 : i32
    %mul3A_17 = arith.muli %add3A, %mul3A_16 : i32
    %add3A_18 = arith.constant 0 : i32
    %add3A_19 = arith.addi %mul3A_17, %add3A_18 : i32
    %mul3A_20 = arith.constant 64 : i32
    %mul3A_21 = arith.muli %add3A_19, %mul3A_20 : i32
    %multiple_of3A = tpu.assume_multiple %mul3A_21, 8 : i32
    %dma_start3A = arith.constant 0 : i32
    %dma_start3A_22 = arith.constant 0 : i32
    %dma_start3A_23 = arith.constant 0 : i32
    %dma_start3A_24 = tpu.memref_slice %arg6[%dma_start3A, %dma_start3A_23] : memref<8x64xi32, #tpu.memory_space<vmem>> -> memref<1x64xi32, #tpu.memory_space<vmem>>
    %dma_start3A_25 = tpu.memref_squeeze %dma_start3A_24 : memref<1x64xi32, #tpu.memory_space<vmem>> -> memref<64xi32, #tpu.memory_space<vmem>>
    %dma_start3A_26 = tpu.memref_slice %arg3[%multiple_of3A] : memref<321536xi32, #tpu.memory_space<hbm>> -> memref<64xi32, #tpu.memory_space<hbm>>
    %dma_start3A_27 = tpu.memref_slice %arg11[%dma_start3A_22] : memref<4x!tpu.dma_semaphore, #tpu.memory_space<semaphore_mem>> -> memref<1x!tpu.dma_semaphore, #tpu.memory_space<semaphore_mem>>
    %dma_start3A_28 = tpu.memref_squeeze %dma_start3A_27 : memref<1x!tpu.dma_semaphore, #tpu.memory_space<semaphore_mem>> -> memref<!tpu.dma_semaphore, #tpu.memory_space<semaphore_mem>>
    %dma_start3A_29 = arith.constant 0 : i32
    %dma_start3A_30 = tpu.memref_slice %arg6[%dma_start3A, %dma_start3A_29] : memref<8x64xi32, #tpu.memory_space<vmem>> -> memref<1x64xi32, #tpu.memory_space<vmem>>
    %dma_start3A_31 = tpu.memref_squeeze %dma_start3A_30 : memref<1x64xi32, #tpu.memory_space<vmem>> -> memref<64xi32, #tpu.memory_space<vmem>>
    %dma_start3A_32 = tpu.memref_slice %arg3[%multiple_of3A] : memref<321536xi32, #tpu.memory_space<hbm>> -> memref<64xi32, #tpu.memory_space<hbm>>
    tpu.enqueue_dma source(%dma_start3A_32 : memref<64xi32, #tpu.memory_space<hbm>>) target(%dma_start3A_31 : memref<64xi32, #tpu.memory_space<vmem>>) target_semaphore(%dma_start3A_28 : memref<!tpu.dma_semaphore, #tpu.memory_space<semaphore_mem>>)
    %dma_start3A_33 = arith.constant 0 : i32
    %dma_start3A_34 = arith.constant 0 : i32
    %dma_start3A_35 = arith.constant 0 : i32
    %dma_start3A_36 = tpu.memref_slice %arg7[%dma_start3A_33, %dma_start3A_35] : memref<8x64xi32, #tpu.memory_space<vmem>> -> memref<1x64xi32, #tpu.memory_space<vmem>>
    %dma_start3A_37 = tpu.memref_squeeze %dma_start3A_36 : memref<1x64xi32, #tpu.memory_space<vmem>> -> memref<64xi32, #tpu.memory_space<vmem>>
    %dma_start3A_38 = tpu.memref_slice %arg4[%multiple_of3A] : memref<321536xi32, #tpu.memory_space<hbm>> -> memref<64xi32, #tpu.memory_space<hbm>>
    %dma_start3A_39 = tpu.memref_slice %arg11[%dma_start3A_34] : memref<4x!tpu.dma_semaphore, #tpu.memory_space<semaphore_mem>> -> memref<1x!tpu.dma_semaphore, #tpu.memory_space<semaphore_mem>>
    %dma_start3A_40 = tpu.memref_squeeze %dma_start3A_39 : memref<1x!tpu.dma_semaphore, #tpu.memory_space<semaphore_mem>> -> memref<!tpu.dma_semaphore, #tpu.memory_space<semaphore_mem>>
    %dma_start3A_41 = arith.constant 0 : i32
    %dma_start3A_42 = tpu.memref_slice %arg7[%dma_start3A_33, %dma_start3A_41] : memref<8x64xi32, #tpu.memory_space<vmem>> -> memref<1x64xi32, #tpu.memory_space<vmem>>
    %dma_start3A_43 = tpu.memref_squeeze %dma_start3A_42 : memref<1x64xi32, #tpu.memory_space<vmem>> -> memref<64xi32, #tpu.memory_space<vmem>>
    %dma_start3A_44 = tpu.memref_slice %arg4[%multiple_of3A] : memref<321536xi32, #tpu.memory_space<hbm>> -> memref<64xi32, #tpu.memory_space<hbm>>
    tpu.enqueue_dma source(%dma_start3A_44 : memref<64xi32, #tpu.memory_space<hbm>>) target(%dma_start3A_43 : memref<64xi32, #tpu.memory_space<vmem>>) target_semaphore(%dma_start3A_40 : memref<!tpu.dma_semaphore, #tpu.memory_space<semaphore_mem>>)
    %add3A_45 = arith.constant 1 : i32
    %add3A_46 = arith.addi %mul3A_17, %add3A_45 : i32
    %mul3A_47 = arith.constant 64 : i32
    %mul3A_48 = arith.muli %add3A_46, %mul3A_47 : i32
    %multiple_of3A_49 = tpu.assume_multiple %mul3A_48, 8 : i32
    %dma_start3A_50 = arith.constant 1 : i32
    %dma_start3A_51 = arith.constant 1 : i32
    %dma_start3A_52 = arith.constant 0 : i32
    %dma_start3A_53 = tpu.memref_slice %arg6[%dma_start3A_50, %dma_start3A_52] : memref<8x64xi32, #tpu.memory_space<vmem>> -> memref<1x64xi32, #tpu.memory_space<vmem>>
    %dma_start3A_54 = tpu.memref_squeeze %dma_start3A_53 : memref<1x64xi32, #tpu.memory_space<vmem>> -> memref<64xi32, #tpu.memory_space<vmem>>
    %dma_start3A_55 = tpu.memref_slice %arg3[%multiple_of3A_49] : memref<321536xi32, #tpu.memory_space<hbm>> -> memref<64xi32, #tpu.memory_space<hbm>>
    %dma_start3A_56 = tpu.memref_slice %arg11[%dma_start3A_51] : memref<4x!tpu.dma_semaphore, #tpu.memory_space<semaphore_mem>> -> memref<1x!tpu.dma_semaphore, #tpu.memory_space<semaphore_mem>>
    %dma_start3A_57 = tpu.memref_squeeze %dma_start3A_56 : memref<1x!tpu.dma_semaphore, #tpu.memory_space<semaphore_mem>> -> memref<!tpu.dma_semaphore, #tpu.memory_space<semaphore_mem>>
    %dma_start3A_58 = arith.constant 0 : i32
    %dma_start3A_59 = tpu.memref_slice %arg6[%dma_start3A_50, %dma_start3A_58] : memref<8x64xi32, #tpu.memory_space<vmem>> -> memref<1x64xi32, #tpu.memory_space<vmem>>
    %dma_start3A_60 = tpu.memref_squeeze %dma_start3A_59 : memref<1x64xi32, #tpu.memory_space<vmem>> -> memref<64xi32, #tpu.memory_space<vmem>>
    %dma_start3A_61 = tpu.memref_slice %arg3[%multiple_of3A_49] : memref<321536xi32, #tpu.memory_space<hbm>> -> memref<64xi32, #tpu.memory_space<hbm>>
    tpu.enqueue_dma source(%dma_start3A_61 : memref<64xi32, #tpu.memory_space<hbm>>) target(%dma_start3A_60 : memref<64xi32, #tpu.memory_space<vmem>>) target_semaphore(%dma_start3A_57 : memref<!tpu.dma_semaphore, #tpu.memory_space<semaphore_mem>>)
    %dma_start3A_62 = arith.constant 1 : i32
    %dma_start3A_63 = arith.constant 1 : i32
    %dma_start3A_64 = arith.constant 0 : i32
    %dma_start3A_65 = tpu.memref_slice %arg7[%dma_start3A_62, %dma_start3A_64] : memref<8x64xi32, #tpu.memory_space<vmem>> -> memref<1x64xi32, #tpu.memory_space<vmem>>
    %dma_start3A_66 = tpu.memref_squeeze %dma_start3A_65 : memref<1x64xi32, #tpu.memory_space<vmem>> -> memref<64xi32, #tpu.memory_space<vmem>>
    %dma_start3A_67 = tpu.memref_slice %arg4[%multiple_of3A_49] : memref<321536xi32, #tpu.memory_space<hbm>> -> memref<64xi32, #tpu.memory_space<hbm>>
    %dma_start3A_68 = tpu.memref_slice %arg11[%dma_start3A_63] : memref<4x!tpu.dma_semaphore, #tpu.memory_space<semaphore_mem>> -> memref<1x!tpu.dma_semaphore, #tpu.memory_space<semaphore_mem>>
    %dma_start3A_69 = tpu.memref_squeeze %dma_start3A_68 : memref<1x!tpu.dma_semaphore, #tpu.memory_space<semaphore_mem>> -> memref<!tpu.dma_semaphore, #tpu.memory_space<semaphore_mem>>
    %dma_start3A_70 = arith.constant 0 : i32
    %dma_start3A_71 = tpu.memref_slice %arg7[%dma_start3A_62, %dma_start3A_70] : memref<8x64xi32, #tpu.memory_space<vmem>> -> memref<1x64xi32, #tpu.memory_space<vmem>>
    %dma_start3A_72 = tpu.memref_squeeze %dma_start3A_71 : memref<1x64xi32, #tpu.memory_space<vmem>> -> memref<64xi32, #tpu.memory_space<vmem>>
    %dma_start3A_73 = tpu.memref_slice %arg4[%multiple_of3A_49] : memref<321536xi32, #tpu.memory_space<hbm>> -> memref<64xi32, #tpu.memory_space<hbm>>
    tpu.enqueue_dma source(%dma_start3A_73 : memref<64xi32, #tpu.memory_space<hbm>>) target(%dma_start3A_72 : memref<64xi32, #tpu.memory_space<vmem>>) target_semaphore(%dma_start3A_69 : memref<!tpu.dma_semaphore, #tpu.memory_space<semaphore_mem>>)
    %scan3A_74 = arith.constant 0 : i32
    %scan3A_75 = arith.constant 0 : i32
    %scan3A_76 = arith.constant 157 : i32
    %scan3A_77 = arith.addi %scan3A_75, %scan3A_76 : i32
    %scan3A_78 = arith.constant 1 : i32
    %scan3A_79 = scf.for %scan3A_213 = %scan3A_75 to %scan3A_77 step %scan3A_78 iter_args(%scan3A_214 = %scan3A_74) -> (i32)  : i32 {
      %add3A_215 = arith.constant 2 : i32
      %add3A_216 = arith.addi %scan3A_213, %add3A_215 : i32
      %lt3A_217 = arith.constant 157 : i32
      %lt3A_218 = arith.cmpi slt, %add3A_216, %lt3A_217 : i32
      %convert_element_type3A_219 = arith.extui %lt3A_218 : i1 to i32
      %cond3A_220 = arith.constant 0 : i32
      %cond3A_221 = arith.cmpi ne, %convert_element_type3A_219, %cond3A_220 : i32
      scf.if %cond3A_221 {
        %add3A_344 = arith.constant 2 : i32
        %add3A_345 = arith.addi %scan3A_213, %add3A_344 : i32
        %add3A_346 = arith.addi %mul3A_17, %add3A_345 : i32
        %mul3A_347 = arith.constant 64 : i32
        %mul3A_348 = arith.muli %add3A_346, %mul3A_347 : i32
        %multiple_of3A_349 = tpu.assume_multiple %mul3A_348, 8 : i32
        %jit3A_350 = arith.constant 8 : i32
        %eq3A_351 = arith.constant 0 : i32
        %eq3A_352 = arith.cmpi eq, %jit3A_350, %eq3A_351 : i32
        %jit3A_353 = arith.constant 1 : i32
        %select_n3A_354 = arith.select %eq3A_352, %jit3A_353, %jit3A_350 : i32
        %rem3A_355 = arith.remsi %add3A_345, %select_n3A_354 : i32
        %ne3A_356 = arith.constant 0 : i32
        %ne3A_357 = arith.cmpi ne, %rem3A_355, %ne3A_356 : i32
        %lt3A_358 = arith.constant 0 : i32
        %lt3A_359 = arith.cmpi slt, %rem3A_355, %lt3A_358 : i32
        %lt3A_360 = arith.constant 0 : i32
        %lt3A_361 = arith.cmpi slt, %select_n3A_354, %lt3A_360 : i32
        %ne3A_362 = arith.xori %lt3A_359, %lt3A_361 : i1
        %and3A_363 = arith.andi %ne3A_362, %ne3A_357 : i1
        %add3A_364 = arith.addi %rem3A_355, %select_n3A_354 : i32
        %select_n3A_365 = arith.select %and3A_363, %add3A_364, %rem3A_355 : i32
        %jit3A_366 = arith.constant 4 : i32
        %eq3A_367 = arith.constant 0 : i32
        %eq3A_368 = arith.cmpi eq, %jit3A_366, %eq3A_367 : i32
        %jit3A_369 = arith.constant 1 : i32
        %select_n3A_370 = arith.select %eq3A_368, %jit3A_369, %jit3A_366 : i32
        %rem3A_371 = arith.remsi %add3A_345, %select_n3A_370 : i32
        %ne3A_372 = arith.constant 0 : i32
        %ne3A_373 = arith.cmpi ne, %rem3A_371, %ne3A_372 : i32
        %lt3A_374 = arith.constant 0 : i32
        %lt3A_375 = arith.cmpi slt, %rem3A_371, %lt3A_374 : i32
        %lt3A_376 = arith.constant 0 : i32
        %lt3A_377 = arith.cmpi slt, %select_n3A_370, %lt3A_376 : i32
        %ne3A_378 = arith.xori %lt3A_375, %lt3A_377 : i1
        %and3A_379 = arith.andi %ne3A_378, %ne3A_373 : i1
        %add3A_380 = arith.addi %rem3A_371, %select_n3A_370 : i32
        %select_n3A_381 = arith.select %and3A_379, %add3A_380, %rem3A_371 : i32
        %dma_start3A_382 = arith.constant 0 : i32
        %dma_start3A_383 = tpu.memref_slice %arg6[%select_n3A_365, %dma_start3A_382] : memref<8x64xi32, #tpu.memory_space<vmem>> -> memref<1x64xi32, #tpu.memory_space<vmem>>
        %dma_start3A_384 = tpu.memref_squeeze %dma_start3A_383 : memref<1x64xi32, #tpu.memory_space<vmem>> -> memref<64xi32, #tpu.memory_space<vmem>>
        %dma_start3A_385 = tpu.memref_slice %arg3[%multiple_of3A_349] : memref<321536xi32, #tpu.memory_space<hbm>> -> memref<64xi32, #tpu.memory_space<hbm>>
        %dma_start3A_386 = tpu.memref_slice %arg11[%select_n3A_381] : memref<4x!tpu.dma_semaphore, #tpu.memory_space<semaphore_mem>> -> memref<1x!tpu.dma_semaphore, #tpu.memory_space<semaphore_mem>>
        %dma_start3A_387 = tpu.memref_squeeze %dma_start3A_386 : memref<1x!tpu.dma_semaphore, #tpu.memory_space<semaphore_mem>> -> memref<!tpu.dma_semaphore, #tpu.memory_space<semaphore_mem>>
        %dma_start3A_388 = arith.constant 0 : i32
        %dma_start3A_389 = tpu.memref_slice %arg6[%select_n3A_365, %dma_start3A_388] : memref<8x64xi32, #tpu.memory_space<vmem>> -> memref<1x64xi32, #tpu.memory_space<vmem>>
        %dma_start3A_390 = tpu.memref_squeeze %dma_start3A_389 : memref<1x64xi32, #tpu.memory_space<vmem>> -> memref<64xi32, #tpu.memory_space<vmem>>
        %dma_start3A_391 = tpu.memref_slice %arg3[%multiple_of3A_349] : memref<321536xi32, #tpu.memory_space<hbm>> -> memref<64xi32, #tpu.memory_space<hbm>>
        tpu.enqueue_dma source(%dma_start3A_391 : memref<64xi32, #tpu.memory_space<hbm>>) target(%dma_start3A_390 : memref<64xi32, #tpu.memory_space<vmem>>) target_semaphore(%dma_start3A_387 : memref<!tpu.dma_semaphore, #tpu.memory_space<semaphore_mem>>)
        %jit3A_392 = arith.constant 8 : i32
        %eq3A_393 = arith.constant 0 : i32
        %eq3A_394 = arith.cmpi eq, %jit3A_392, %eq3A_393 : i32
        %jit3A_395 = arith.constant 1 : i32
        %select_n3A_396 = arith.select %eq3A_394, %jit3A_395, %jit3A_392 : i32
        %rem3A_397 = arith.remsi %add3A_345, %select_n3A_396 : i32
        %ne3A_398 = arith.constant 0 : i32
        %ne3A_399 = arith.cmpi ne, %rem3A_397, %ne3A_398 : i32
        %lt3A_400 = arith.constant 0 : i32
        %lt3A_401 = arith.cmpi slt, %rem3A_397, %lt3A_400 : i32
        %lt3A_402 = arith.constant 0 : i32
        %lt3A_403 = arith.cmpi slt, %select_n3A_396, %lt3A_402 : i32
        %ne3A_404 = arith.xori %lt3A_401, %lt3A_403 : i1
        %and3A_405 = arith.andi %ne3A_404, %ne3A_399 : i1
        %add3A_406 = arith.addi %rem3A_397, %select_n3A_396 : i32
        %select_n3A_407 = arith.select %and3A_405, %add3A_406, %rem3A_397 : i32
        %jit3A_408 = arith.constant 4 : i32
        %eq3A_409 = arith.constant 0 : i32
        %eq3A_410 = arith.cmpi eq, %jit3A_408, %eq3A_409 : i32
        %jit3A_411 = arith.constant 1 : i32
        %select_n3A_412 = arith.select %eq3A_410, %jit3A_411, %jit3A_408 : i32
        %rem3A_413 = arith.remsi %add3A_345, %select_n3A_412 : i32
        %ne3A_414 = arith.constant 0 : i32
        %ne3A_415 = arith.cmpi ne, %rem3A_413, %ne3A_414 : i32
        %lt3A_416 = arith.constant 0 : i32
        %lt3A_417 = arith.cmpi slt, %rem3A_413, %lt3A_416 : i32
        %lt3A_418 = arith.constant 0 : i32
        %lt3A_419 = arith.cmpi slt, %select_n3A_412, %lt3A_418 : i32
        %ne3A_420 = arith.xori %lt3A_417, %lt3A_419 : i1
        %and3A_421 = arith.andi %ne3A_420, %ne3A_415 : i1
        %add3A_422 = arith.addi %rem3A_413, %select_n3A_412 : i32
        %select_n3A_423 = arith.select %and3A_421, %add3A_422, %rem3A_413 : i32
        %dma_start3A_424 = arith.constant 0 : i32
        %dma_start3A_425 = tpu.memref_slice %arg7[%select_n3A_407, %dma_start3A_424] : memref<8x64xi32, #tpu.memory_space<vmem>> -> memref<1x64xi32, #tpu.memory_space<vmem>>
        %dma_start3A_426 = tpu.memref_squeeze %dma_start3A_425 : memref<1x64xi32, #tpu.memory_space<vmem>> -> memref<64xi32, #tpu.memory_space<vmem>>
        %dma_start3A_427 = tpu.memref_slice %arg4[%multiple_of3A_349] : memref<321536xi32, #tpu.memory_space<hbm>> -> memref<64xi32, #tpu.memory_space<hbm>>
        %dma_start3A_428 = tpu.memref_slice %arg11[%select_n3A_423] : memref<4x!tpu.dma_semaphore, #tpu.memory_space<semaphore_mem>> -> memref<1x!tpu.dma_semaphore, #tpu.memory_space<semaphore_mem>>
        %dma_start3A_429 = tpu.memref_squeeze %dma_start3A_428 : memref<1x!tpu.dma_semaphore, #tpu.memory_space<semaphore_mem>> -> memref<!tpu.dma_semaphore, #tpu.memory_space<semaphore_mem>>
        %dma_start3A_430 = arith.constant 0 : i32
        %dma_start3A_431 = tpu.memref_slice %arg7[%select_n3A_407, %dma_start3A_430] : memref<8x64xi32, #tpu.memory_space<vmem>> -> memref<1x64xi32, #tpu.memory_space<vmem>>
        %dma_start3A_432 = tpu.memref_squeeze %dma_start3A_431 : memref<1x64xi32, #tpu.memory_space<vmem>> -> memref<64xi32, #tpu.memory_space<vmem>>
        %dma_start3A_433 = tpu.memref_slice %arg4[%multiple_of3A_349] : memref<321536xi32, #tpu.memory_space<hbm>> -> memref<64xi32, #tpu.memory_space<hbm>>
        tpu.enqueue_dma source(%dma_start3A_433 : memref<64xi32, #tpu.memory_space<hbm>>) target(%dma_start3A_432 : memref<64xi32, #tpu.memory_space<vmem>>) target_semaphore(%dma_start3A_429 : memref<!tpu.dma_semaphore, #tpu.memory_space<semaphore_mem>>)
      } else {
      }
      %ge3A = arith.constant 4 : i32
      %ge3A_222 = arith.cmpi sge, %scan3A_213, %ge3A : i32
      %convert_element_type3A_223 = arith.extui %ge3A_222 : i1 to i32
      %cond3A_224 = arith.constant 0 : i32
      %cond3A_225 = arith.cmpi ne, %convert_element_type3A_223, %cond3A_224 : i32
      scf.if %cond3A_225 {
        %sub3A = arith.constant 4 : i32
        %sub3A_344 = arith.subi %scan3A_213, %sub3A : i32
        %jit3A_345 = arith.constant 4 : i32
        %eq3A_346 = arith.constant 0 : i32
        %eq3A_347 = arith.cmpi eq, %jit3A_345, %eq3A_346 : i32
        %jit3A_348 = arith.constant 1 : i32
        %select_n3A_349 = arith.select %eq3A_347, %jit3A_348, %jit3A_345 : i32
        %rem3A_350 = arith.remsi %sub3A_344, %select_n3A_349 : i32
        %ne3A_351 = arith.constant 0 : i32
        %ne3A_352 = arith.cmpi ne, %rem3A_350, %ne3A_351 : i32
        %lt3A_353 = arith.constant 0 : i32
        %lt3A_354 = arith.cmpi slt, %rem3A_350, %lt3A_353 : i32
        %lt3A_355 = arith.constant 0 : i32
        %lt3A_356 = arith.cmpi slt, %select_n3A_349, %lt3A_355 : i32
        %ne3A_357 = arith.xori %lt3A_354, %lt3A_356 : i1
        %and3A_358 = arith.andi %ne3A_357, %ne3A_352 : i1
        %add3A_359 = arith.addi %rem3A_350, %select_n3A_349 : i32
        %select_n3A_360 = arith.select %and3A_358, %add3A_359, %rem3A_350 : i32
        %jit3A_361 = arith.constant 8 : i32
        %eq3A_362 = arith.constant 0 : i32
        %eq3A_363 = arith.cmpi eq, %jit3A_361, %eq3A_362 : i32
        %jit3A_364 = arith.constant 1 : i32
        %select_n3A_365 = arith.select %eq3A_363, %jit3A_364, %jit3A_361 : i32
        %rem3A_366 = arith.remsi %sub3A_344, %select_n3A_365 : i32
        %ne3A_367 = arith.constant 0 : i32
        %ne3A_368 = arith.cmpi ne, %rem3A_366, %ne3A_367 : i32
        %lt3A_369 = arith.constant 0 : i32
        %lt3A_370 = arith.cmpi slt, %rem3A_366, %lt3A_369 : i32
        %lt3A_371 = arith.constant 0 : i32
        %lt3A_372 = arith.cmpi slt, %select_n3A_365, %lt3A_371 : i32
        %ne3A_373 = arith.xori %lt3A_370, %lt3A_372 : i1
        %and3A_374 = arith.andi %ne3A_373, %ne3A_368 : i1
        %add3A_375 = arith.addi %rem3A_366, %select_n3A_365 : i32
        %select_n3A_376 = arith.select %and3A_374, %add3A_375, %rem3A_366 : i32
        %jit3A_377 = arith.constant 4 : i32
        %eq3A_378 = arith.constant 0 : i32
        %eq3A_379 = arith.cmpi eq, %jit3A_377, %eq3A_378 : i32
        %jit3A_380 = arith.constant 1 : i32
        %select_n3A_381 = arith.select %eq3A_379, %jit3A_380, %jit3A_377 : i32
        %rem3A_382 = arith.remsi %sub3A_344, %select_n3A_381 : i32
        %ne3A_383 = arith.constant 0 : i32
        %ne3A_384 = arith.cmpi ne, %rem3A_382, %ne3A_383 : i32
        %lt3A_385 = arith.constant 0 : i32
        %lt3A_386 = arith.cmpi slt, %rem3A_382, %lt3A_385 : i32
        %lt3A_387 = arith.constant 0 : i32
        %lt3A_388 = arith.cmpi slt, %select_n3A_381, %lt3A_387 : i32
        %ne3A_389 = arith.xori %lt3A_386, %lt3A_388 : i1
        %and3A_390 = arith.andi %ne3A_389, %ne3A_384 : i1
        %add3A_391 = arith.addi %rem3A_382, %select_n3A_381 : i32
        %select_n3A_392 = arith.select %and3A_390, %add3A_391, %rem3A_382 : i32
        %dma_wait3A_393 = arith.constant 0 : i32
        %dma_wait3A_394 = arith.constant 0 : i32
        %dma_wait3A_395 = tpu.memref_slice %arg8[%select_n3A_360, %dma_wait3A_393, %dma_wait3A_394] : memref<4x64x128xf32, #tpu.memory_space<vmem>> -> memref<1x64x128xf32, #tpu.memory_space<vmem>>
        %dma_wait3A_396 = tpu.memref_squeeze %dma_wait3A_395 : memref<1x64x128xf32, #tpu.memory_space<vmem>> -> memref<64x128xf32, #tpu.memory_space<vmem>>
        %dma_wait3A_397 = arith.constant 0 : i32
        %dma_wait3A_398 = tpu.memref_slice %arg7[%select_n3A_376, %dma_wait3A_397] : memref<8x64xi32, #tpu.memory_space<vmem>> -> memref<1x64xi32, #tpu.memory_space<vmem>>
        %dma_wait3A_399 = tpu.memref_squeeze %dma_wait3A_398 : memref<1x64xi32, #tpu.memory_space<vmem>> -> memref<64xi32, #tpu.memory_space<vmem>>
        %dma_wait3A_400 = arith.constant 0 : i32
        %dma_wait3A_401 = arith.constant 0 : i32
        %dma_wait3A_402 = tpu.memref_slice %arg10[%dma_wait3A_400, %dma_wait3A_401] : memref<10064x128xf32, #tpu.memory_space<vmem_shared>> -> memref<10064x128xf32, #tpu.memory_space<vmem_shared>>
        %dma_wait3A_403 = tpu.memref_slice %arg13[%select_n3A_392] : memref<4x!tpu.dma_semaphore, #tpu.memory_space<semaphore_mem>> -> memref<1x!tpu.dma_semaphore, #tpu.memory_space<semaphore_mem>>
        %dma_wait3A_404 = tpu.memref_squeeze %dma_wait3A_403 : memref<1x!tpu.dma_semaphore, #tpu.memory_space<semaphore_mem>> -> memref<!tpu.dma_semaphore, #tpu.memory_space<semaphore_mem>>
        tpu.wait_indirect_dma semaphore(%dma_wait3A_404 : memref<!tpu.dma_semaphore, #tpu.memory_space<semaphore_mem>>) src(%dma_wait3A_396 : memref<64x128xf32, #tpu.memory_space<vmem>>) dst(%dma_wait3A_402 : memref<10064x128xf32, #tpu.memory_space<vmem_shared>>)
      } else {
      }
      %jit3A = arith.constant 4 : i32
      %eq3A = arith.constant 0 : i32
      %eq3A_226 = arith.cmpi eq, %jit3A, %eq3A : i32
      %jit3A_227 = arith.constant 1 : i32
      %select_n3A = arith.select %eq3A_226, %jit3A_227, %jit3A : i32
      %rem3A = arith.remsi %scan3A_213, %select_n3A : i32
      %ne3A = arith.constant 0 : i32
      %ne3A_228 = arith.cmpi ne, %rem3A, %ne3A : i32
      %lt3A_229 = arith.constant 0 : i32
      %lt3A_230 = arith.cmpi slt, %rem3A, %lt3A_229 : i32
      %lt3A_231 = arith.constant 0 : i32
      %lt3A_232 = arith.cmpi slt, %select_n3A, %lt3A_231 : i32
      %ne3A_233 = arith.xori %lt3A_230, %lt3A_232 : i1
      %and3A = arith.andi %ne3A_233, %ne3A_228 : i1
      %add3A_234 = arith.addi %rem3A, %select_n3A : i32
      %select_n3A_235 = arith.select %and3A, %add3A_234, %rem3A : i32
      %dma_wait3A_236 = arith.constant 0 : i32
      %dma_wait3A_237 = arith.constant 0 : i32
      %dma_wait3A_238 = tpu.memref_slice %arg6[%dma_wait3A_236, %dma_wait3A_237] : memref<8x64xi32, #tpu.memory_space<vmem>> -> memref<1x64xi32, #tpu.memory_space<vmem>>
      %dma_wait3A_239 = tpu.memref_squeeze %dma_wait3A_238 : memref<1x64xi32, #tpu.memory_space<vmem>> -> memref<64xi32, #tpu.memory_space<vmem>>
      %dma_wait3A_240 = arith.constant 0 : i32
      %dma_wait3A_241 = tpu.memref_slice %arg3[%dma_wait3A_240] : memref<321536xi32, #tpu.memory_space<hbm>> -> memref<64xi32, #tpu.memory_space<hbm>>
      %dma_wait3A_242 = tpu.memref_slice %arg11[%select_n3A_235] : memref<4x!tpu.dma_semaphore, #tpu.memory_space<semaphore_mem>> -> memref<1x!tpu.dma_semaphore, #tpu.memory_space<semaphore_mem>>
      %dma_wait3A_243 = tpu.memref_squeeze %dma_wait3A_242 : memref<1x!tpu.dma_semaphore, #tpu.memory_space<semaphore_mem>> -> memref<!tpu.dma_semaphore, #tpu.memory_space<semaphore_mem>>
      %dma_wait3A_244 = arith.constant 0 : i32
      %dma_wait3A_245 = tpu.memref_slice %arg6[%dma_wait3A_236, %dma_wait3A_244] : memref<8x64xi32, #tpu.memory_space<vmem>> -> memref<1x64xi32, #tpu.memory_space<vmem>>
      %dma_wait3A_246 = tpu.memref_squeeze %dma_wait3A_245 : memref<1x64xi32, #tpu.memory_space<vmem>> -> memref<64xi32, #tpu.memory_space<vmem>>
      %dma_wait3A_247 = arith.constant 0 : i32
      %dma_wait3A_248 = tpu.memref_slice %arg3[%dma_wait3A_247] : memref<321536xi32, #tpu.memory_space<hbm>> -> memref<64xi32, #tpu.memory_space<hbm>>
      tpu.wait_dma2 semaphore(%dma_wait3A_243 : memref<!tpu.dma_semaphore, #tpu.memory_space<semaphore_mem>>) src(%dma_wait3A_248 : memref<64xi32, #tpu.memory_space<hbm>>) dst(%dma_wait3A_246 : memref<64xi32, #tpu.memory_space<vmem>>)
      %jit3A_249 = arith.constant 4 : i32
      %eq3A_250 = arith.constant 0 : i32
      %eq3A_251 = arith.cmpi eq, %jit3A_249, %eq3A_250 : i32
      %jit3A_252 = arith.constant 1 : i32
      %select_n3A_253 = arith.select %eq3A_251, %jit3A_252, %jit3A_249 : i32
      %rem3A_254 = arith.remsi %scan3A_213, %select_n3A_253 : i32
      %ne3A_255 = arith.constant 0 : i32
      %ne3A_256 = arith.cmpi ne, %rem3A_254, %ne3A_255 : i32
      %lt3A_257 = arith.constant 0 : i32
      %lt3A_258 = arith.cmpi slt, %rem3A_254, %lt3A_257 : i32
      %lt3A_259 = arith.constant 0 : i32
      %lt3A_260 = arith.cmpi slt, %select_n3A_253, %lt3A_259 : i32
      %ne3A_261 = arith.xori %lt3A_258, %lt3A_260 : i1
      %and3A_262 = arith.andi %ne3A_261, %ne3A_256 : i1
      %add3A_263 = arith.addi %rem3A_254, %select_n3A_253 : i32
      %select_n3A_264 = arith.select %and3A_262, %add3A_263, %rem3A_254 : i32
      %dma_wait3A_265 = arith.constant 0 : i32
      %dma_wait3A_266 = arith.constant 0 : i32
      %dma_wait3A_267 = tpu.memref_slice %arg7[%dma_wait3A_265, %dma_wait3A_266] : memref<8x64xi32, #tpu.memory_space<vmem>> -> memref<1x64xi32, #tpu.memory_space<vmem>>
      %dma_wait3A_268 = tpu.memref_squeeze %dma_wait3A_267 : memref<1x64xi32, #tpu.memory_space<vmem>> -> memref<64xi32, #tpu.memory_space<vmem>>
      %dma_wait3A_269 = arith.constant 0 : i32
      %dma_wait3A_270 = tpu.memref_slice %arg4[%dma_wait3A_269] : memref<321536xi32, #tpu.memory_space<hbm>> -> memref<64xi32, #tpu.memory_space<hbm>>
      %dma_wait3A_271 = tpu.memref_slice %arg11[%select_n3A_264] : memref<4x!tpu.dma_semaphore, #tpu.memory_space<semaphore_mem>> -> memref<1x!tpu.dma_semaphore, #tpu.memory_space<semaphore_mem>>
      %dma_wait3A_272 = tpu.memref_squeeze %dma_wait3A_271 : memref<1x!tpu.dma_semaphore, #tpu.memory_space<semaphore_mem>> -> memref<!tpu.dma_semaphore, #tpu.memory_space<semaphore_mem>>
      %dma_wait3A_273 = arith.constant 0 : i32
      %dma_wait3A_274 = tpu.memref_slice %arg7[%dma_wait3A_265, %dma_wait3A_273] : memref<8x64xi32, #tpu.memory_space<vmem>> -> memref<1x64xi32, #tpu.memory_space<vmem>>
      %dma_wait3A_275 = tpu.memref_squeeze %dma_wait3A_274 : memref<1x64xi32, #tpu.memory_space<vmem>> -> memref<64xi32, #tpu.memory_space<vmem>>
      %dma_wait3A_276 = arith.constant 0 : i32
      %dma_wait3A_277 = tpu.memref_slice %arg4[%dma_wait3A_276] : memref<321536xi32, #tpu.memory_space<hbm>> -> memref<64xi32, #tpu.memory_space<hbm>>
      tpu.wait_dma2 semaphore(%dma_wait3A_272 : memref<!tpu.dma_semaphore, #tpu.memory_space<semaphore_mem>>) src(%dma_wait3A_277 : memref<64xi32, #tpu.memory_space<hbm>>) dst(%dma_wait3A_275 : memref<64xi32, #tpu.memory_space<vmem>>)
      %jit3A_278 = arith.constant 8 : i32
      %eq3A_279 = arith.constant 0 : i32
      %eq3A_280 = arith.cmpi eq, %jit3A_278, %eq3A_279 : i32
      %jit3A_281 = arith.constant 1 : i32
      %select_n3A_282 = arith.select %eq3A_280, %jit3A_281, %jit3A_278 : i32
      %rem3A_283 = arith.remsi %scan3A_213, %select_n3A_282 : i32
      %ne3A_284 = arith.constant 0 : i32
      %ne3A_285 = arith.cmpi ne, %rem3A_283, %ne3A_284 : i32
      %lt3A_286 = arith.constant 0 : i32
      %lt3A_287 = arith.cmpi slt, %rem3A_283, %lt3A_286 : i32
      %lt3A_288 = arith.constant 0 : i32
      %lt3A_289 = arith.cmpi slt, %select_n3A_282, %lt3A_288 : i32
      %ne3A_290 = arith.xori %lt3A_287, %lt3A_289 : i1
      %and3A_291 = arith.andi %ne3A_290, %ne3A_285 : i1
      %add3A_292 = arith.addi %rem3A_283, %select_n3A_282 : i32
      %select_n3A_293 = arith.select %and3A_291, %add3A_292, %rem3A_283 : i32
      %jit3A_294 = arith.constant 4 : i32
      %eq3A_295 = arith.constant 0 : i32
      %eq3A_296 = arith.cmpi eq, %jit3A_294, %eq3A_295 : i32
      %jit3A_297 = arith.constant 1 : i32
      %select_n3A_298 = arith.select %eq3A_296, %jit3A_297, %jit3A_294 : i32
      %rem3A_299 = arith.remsi %scan3A_213, %select_n3A_298 : i32
      %ne3A_300 = arith.constant 0 : i32
      %ne3A_301 = arith.cmpi ne, %rem3A_299, %ne3A_300 : i32
      %lt3A_302 = arith.constant 0 : i32
      %lt3A_303 = arith.cmpi slt, %rem3A_299, %lt3A_302 : i32
      %lt3A_304 = arith.constant 0 : i32
      %lt3A_305 = arith.cmpi slt, %select_n3A_298, %lt3A_304 : i32
      %ne3A_306 = arith.xori %lt3A_303, %lt3A_305 : i1
      %and3A_307 = arith.andi %ne3A_306, %ne3A_301 : i1
      %add3A_308 = arith.addi %rem3A_299, %select_n3A_298 : i32
      %select_n3A_309 = arith.select %and3A_307, %add3A_308, %rem3A_299 : i32
      %jit3A_310 = arith.constant 4 : i32
      %eq3A_311 = arith.constant 0 : i32
      %eq3A_312 = arith.cmpi eq, %jit3A_310, %eq3A_311 : i32
      %jit3A_313 = arith.constant 1 : i32
      %select_n3A_314 = arith.select %eq3A_312, %jit3A_313, %jit3A_310 : i32
      %rem3A_315 = arith.remsi %scan3A_213, %select_n3A_314 : i32
      %ne3A_316 = arith.constant 0 : i32
      %ne3A_317 = arith.cmpi ne, %rem3A_315, %ne3A_316 : i32
      %lt3A_318 = arith.constant 0 : i32
      %lt3A_319 = arith.cmpi slt, %rem3A_315, %lt3A_318 : i32
      %lt3A_320 = arith.constant 0 : i32
      %lt3A_321 = arith.cmpi slt, %select_n3A_314, %lt3A_320 : i32
      %ne3A_322 = arith.xori %lt3A_319, %lt3A_321 : i1
      %and3A_323 = arith.andi %ne3A_322, %ne3A_317 : i1
      %add3A_324 = arith.addi %rem3A_315, %select_n3A_314 : i32
      %select_n3A_325 = arith.select %and3A_323, %add3A_324, %rem3A_315 : i32
      %dma_start3A_326 = arith.constant 0 : i32
      %dma_start3A_327 = arith.constant 0 : i32
      %dma_start3A_328 = tpu.memref_slice %arg8[%select_n3A_309, %dma_start3A_326, %dma_start3A_327] : memref<4x64x128xf32, #tpu.memory_space<vmem>> -> memref<1x64x128xf32, #tpu.memory_space<vmem>>
      %dma_start3A_329 = tpu.memref_squeeze %dma_start3A_328 : memref<1x64x128xf32, #tpu.memory_space<vmem>> -> memref<64x128xf32, #tpu.memory_space<vmem>>
      %dma_start3A_330 = arith.constant 0 : i32
      %dma_start3A_331 = tpu.memref_slice %arg6[%select_n3A_293, %dma_start3A_330] : memref<8x64xi32, #tpu.memory_space<vmem>> -> memref<1x64xi32, #tpu.memory_space<vmem>>
      %dma_start3A_332 = tpu.memref_squeeze %dma_start3A_331 : memref<1x64xi32, #tpu.memory_space<vmem>> -> memref<64xi32, #tpu.memory_space<vmem>>
      %dma_start3A_333 = arith.constant 0 : i32
      %dma_start3A_334 = arith.constant 0 : i32
      %dma_start3A_335 = tpu.memref_slice %arg2[%dma_start3A_333, %dma_start3A_334] : memref<10000x128xf32, #tpu.memory_space<hbm>> -> memref<10000x128xf32, #tpu.memory_space<hbm>>
      %dma_start3A_336 = tpu.memref_slice %arg12[%select_n3A_325] : memref<4x!tpu.dma_semaphore, #tpu.memory_space<semaphore_mem>> -> memref<1x!tpu.dma_semaphore, #tpu.memory_space<semaphore_mem>>
      %dma_start3A_337 = tpu.memref_squeeze %dma_start3A_336 : memref<1x!tpu.dma_semaphore, #tpu.memory_space<semaphore_mem>> -> memref<!tpu.dma_semaphore, #tpu.memory_space<semaphore_mem>>
      tpu.enqueue_indirect_dma source(%dma_start3A_335 : memref<10000x128xf32, #tpu.memory_space<hbm>>) target(%dma_start3A_329 : memref<64x128xf32, #tpu.memory_space<vmem>>) offsets(%dma_start3A_332 : memref<64xi32, #tpu.memory_space<vmem>>) semaphore(%dma_start3A_337 : memref<!tpu.dma_semaphore, #tpu.memory_space<semaphore_mem>>)
      %ge3A_338 = arith.constant 2 : i32
      %ge3A_339 = arith.cmpi sge, %scan3A_213, %ge3A_338 : i32
      %convert_element_type3A_340 = arith.extui %ge3A_339 : i1 to i32
      %cond3A_341 = arith.constant 0 : i32
      %cond3A_342 = arith.cmpi ne, %convert_element_type3A_340, %cond3A_341 : i32
      scf.if %cond3A_342 {
        %sub3A = arith.constant 2 : i32
        %sub3A_344 = arith.subi %scan3A_213, %sub3A : i32
        %jit3A_345 = arith.constant 8 : i32
        %eq3A_346 = arith.constant 0 : i32
        %eq3A_347 = arith.cmpi eq, %jit3A_345, %eq3A_346 : i32
        %jit3A_348 = arith.constant 1 : i32
        %select_n3A_349 = arith.select %eq3A_347, %jit3A_348, %jit3A_345 : i32
        %rem3A_350 = arith.remsi %sub3A_344, %select_n3A_349 : i32
        %ne3A_351 = arith.constant 0 : i32
        %ne3A_352 = arith.cmpi ne, %rem3A_350, %ne3A_351 : i32
        %lt3A_353 = arith.constant 0 : i32
        %lt3A_354 = arith.cmpi slt, %rem3A_350, %lt3A_353 : i32
        %lt3A_355 = arith.constant 0 : i32
        %lt3A_356 = arith.cmpi slt, %select_n3A_349, %lt3A_355 : i32
        %ne3A_357 = arith.xori %lt3A_354, %lt3A_356 : i1
        %and3A_358 = arith.andi %ne3A_357, %ne3A_352 : i1
        %add3A_359 = arith.addi %rem3A_350, %select_n3A_349 : i32
        %select_n3A_360 = arith.select %and3A_358, %add3A_359, %rem3A_350 : i32
        %jit3A_361 = arith.constant 4 : i32
        %eq3A_362 = arith.constant 0 : i32
        %eq3A_363 = arith.cmpi eq, %jit3A_361, %eq3A_362 : i32
        %jit3A_364 = arith.constant 1 : i32
        %select_n3A_365 = arith.select %eq3A_363, %jit3A_364, %jit3A_361 : i32
        %rem3A_366 = arith.remsi %sub3A_344, %select_n3A_365 : i32
        %ne3A_367 = arith.constant 0 : i32
        %ne3A_368 = arith.cmpi ne, %rem3A_366, %ne3A_367 : i32
        %lt3A_369 = arith.constant 0 : i32
        %lt3A_370 = arith.cmpi slt, %rem3A_366, %lt3A_369 : i32
        %lt3A_371 = arith.constant 0 : i32
        %lt3A_372 = arith.cmpi slt, %select_n3A_365, %lt3A_371 : i32
        %ne3A_373 = arith.xori %lt3A_370, %lt3A_372 : i1
        %and3A_374 = arith.andi %ne3A_373, %ne3A_368 : i1
        %add3A_375 = arith.addi %rem3A_366, %select_n3A_365 : i32
        %select_n3A_376 = arith.select %and3A_374, %add3A_375, %rem3A_366 : i32
        %jit3A_377 = arith.constant 4 : i32
        %eq3A_378 = arith.constant 0 : i32
        %eq3A_379 = arith.cmpi eq, %jit3A_377, %eq3A_378 : i32
        %jit3A_380 = arith.constant 1 : i32
        %select_n3A_381 = arith.select %eq3A_379, %jit3A_380, %jit3A_377 : i32
        %rem3A_382 = arith.remsi %sub3A_344, %select_n3A_381 : i32
        %ne3A_383 = arith.constant 0 : i32
        %ne3A_384 = arith.cmpi ne, %rem3A_382, %ne3A_383 : i32
        %lt3A_385 = arith.constant 0 : i32
        %lt3A_386 = arith.cmpi slt, %rem3A_382, %lt3A_385 : i32
        %lt3A_387 = arith.constant 0 : i32
        %lt3A_388 = arith.cmpi slt, %select_n3A_381, %lt3A_387 : i32
        %ne3A_389 = arith.xori %lt3A_386, %lt3A_388 : i1
        %and3A_390 = arith.andi %ne3A_389, %ne3A_384 : i1
        %add3A_391 = arith.addi %rem3A_382, %select_n3A_381 : i32
        %select_n3A_392 = arith.select %and3A_390, %add3A_391, %rem3A_382 : i32
        %dma_wait3A_393 = arith.constant 0 : i32
        %dma_wait3A_394 = arith.constant 0 : i32
        %dma_wait3A_395 = tpu.memref_slice %arg8[%select_n3A_376, %dma_wait3A_393, %dma_wait3A_394] : memref<4x64x128xf32, #tpu.memory_space<vmem>> -> memref<1x64x128xf32, #tpu.memory_space<vmem>>
        %dma_wait3A_396 = tpu.memref_squeeze %dma_wait3A_395 : memref<1x64x128xf32, #tpu.memory_space<vmem>> -> memref<64x128xf32, #tpu.memory_space<vmem>>
        %dma_wait3A_397 = arith.constant 0 : i32
        %dma_wait3A_398 = tpu.memref_slice %arg6[%select_n3A_360, %dma_wait3A_397] : memref<8x64xi32, #tpu.memory_space<vmem>> -> memref<1x64xi32, #tpu.memory_space<vmem>>
        %dma_wait3A_399 = tpu.memref_squeeze %dma_wait3A_398 : memref<1x64xi32, #tpu.memory_space<vmem>> -> memref<64xi32, #tpu.memory_space<vmem>>
        %dma_wait3A_400 = arith.constant 0 : i32
        %dma_wait3A_401 = arith.constant 0 : i32
        %dma_wait3A_402 = tpu.memref_slice %arg2[%dma_wait3A_400, %dma_wait3A_401] : memref<10000x128xf32, #tpu.memory_space<hbm>> -> memref<10000x128xf32, #tpu.memory_space<hbm>>
        %dma_wait3A_403 = tpu.memref_slice %arg12[%select_n3A_392] : memref<4x!tpu.dma_semaphore, #tpu.memory_space<semaphore_mem>> -> memref<1x!tpu.dma_semaphore, #tpu.memory_space<semaphore_mem>>
        %dma_wait3A_404 = tpu.memref_squeeze %dma_wait3A_403 : memref<1x!tpu.dma_semaphore, #tpu.memory_space<semaphore_mem>> -> memref<!tpu.dma_semaphore, #tpu.memory_space<semaphore_mem>>
        tpu.wait_indirect_dma semaphore(%dma_wait3A_404 : memref<!tpu.dma_semaphore, #tpu.memory_space<semaphore_mem>>) src(%dma_wait3A_402 : memref<10000x128xf32, #tpu.memory_space<hbm>>) dst(%dma_wait3A_396 : memref<64x128xf32, #tpu.memory_space<vmem>>)
        %sub3A_405 = arith.constant 2 : i32
        %sub3A_406 = arith.subi %scan3A_213, %sub3A_405 : i32
        %jit3A_407 = arith.constant 4 : i32
        %eq3A_408 = arith.constant 0 : i32
        %eq3A_409 = arith.cmpi eq, %jit3A_407, %eq3A_408 : i32
        %jit3A_410 = arith.constant 1 : i32
        %select_n3A_411 = arith.select %eq3A_409, %jit3A_410, %jit3A_407 : i32
        %rem3A_412 = arith.remsi %sub3A_406, %select_n3A_411 : i32
        %ne3A_413 = arith.constant 0 : i32
        %ne3A_414 = arith.cmpi ne, %rem3A_412, %ne3A_413 : i32
        %lt3A_415 = arith.constant 0 : i32
        %lt3A_416 = arith.cmpi slt, %rem3A_412, %lt3A_415 : i32
        %lt3A_417 = arith.constant 0 : i32
        %lt3A_418 = arith.cmpi slt, %select_n3A_411, %lt3A_417 : i32
        %ne3A_419 = arith.xori %lt3A_416, %lt3A_418 : i1
        %and3A_420 = arith.andi %ne3A_419, %ne3A_414 : i1
        %add3A_421 = arith.addi %rem3A_412, %select_n3A_411 : i32
        %select_n3A_422 = arith.select %and3A_420, %add3A_421, %rem3A_412 : i32
        %jit3A_423 = arith.constant 8 : i32
        %eq3A_424 = arith.constant 0 : i32
        %eq3A_425 = arith.cmpi eq, %jit3A_423, %eq3A_424 : i32
        %jit3A_426 = arith.constant 1 : i32
        %select_n3A_427 = arith.select %eq3A_425, %jit3A_426, %jit3A_423 : i32
        %rem3A_428 = arith.remsi %sub3A_406, %select_n3A_427 : i32
        %ne3A_429 = arith.constant 0 : i32
        %ne3A_430 = arith.cmpi ne, %rem3A_428, %ne3A_429 : i32
        %lt3A_431 = arith.constant 0 : i32
        %lt3A_432 = arith.cmpi slt, %rem3A_428, %lt3A_431 : i32
        %lt3A_433 = arith.constant 0 : i32
        %lt3A_434 = arith.cmpi slt, %select_n3A_427, %lt3A_433 : i32
        %ne3A_435 = arith.xori %lt3A_432, %lt3A_434 : i1
        %and3A_436 = arith.andi %ne3A_435, %ne3A_430 : i1
        %add3A_437 = arith.addi %rem3A_428, %select_n3A_427 : i32
        %select_n3A_438 = arith.select %and3A_436, %add3A_437, %rem3A_428 : i32
        %jit3A_439 = arith.constant 4 : i32
        %eq3A_440 = arith.constant 0 : i32
        %eq3A_441 = arith.cmpi eq, %jit3A_439, %eq3A_440 : i32
        %jit3A_442 = arith.constant 1 : i32
        %select_n3A_443 = arith.select %eq3A_441, %jit3A_442, %jit3A_439 : i32
        %rem3A_444 = arith.remsi %sub3A_406, %select_n3A_443 : i32
        %ne3A_445 = arith.constant 0 : i32
        %ne3A_446 = arith.cmpi ne, %rem3A_444, %ne3A_445 : i32
        %lt3A_447 = arith.constant 0 : i32
        %lt3A_448 = arith.cmpi slt, %rem3A_444, %lt3A_447 : i32
        %lt3A_449 = arith.constant 0 : i32
        %lt3A_450 = arith.cmpi slt, %select_n3A_443, %lt3A_449 : i32
        %ne3A_451 = arith.xori %lt3A_448, %lt3A_450 : i1
        %and3A_452 = arith.andi %ne3A_451, %ne3A_446 : i1
        %add3A_453 = arith.addi %rem3A_444, %select_n3A_443 : i32
        %select_n3A_454 = arith.select %and3A_452, %add3A_453, %rem3A_444 : i32
        %dma_start3A_455 = arith.constant 0 : i32
        %dma_start3A_456 = arith.constant 0 : i32
        %dma_start3A_457 = tpu.memref_slice %arg8[%select_n3A_422, %dma_start3A_455, %dma_start3A_456] : memref<4x64x128xf32, #tpu.memory_space<vmem>> -> memref<1x64x128xf32, #tpu.memory_space<vmem>>
        %dma_start3A_458 = tpu.memref_squeeze %dma_start3A_457 : memref<1x64x128xf32, #tpu.memory_space<vmem>> -> memref<64x128xf32, #tpu.memory_space<vmem>>
        %dma_start3A_459 = arith.constant 0 : i32
        %dma_start3A_460 = tpu.memref_slice %arg7[%select_n3A_438, %dma_start3A_459] : memref<8x64xi32, #tpu.memory_space<vmem>> -> memref<1x64xi32, #tpu.memory_space<vmem>>
        %dma_start3A_461 = tpu.memref_squeeze %dma_start3A_460 : memref<1x64xi32, #tpu.memory_space<vmem>> -> memref<64xi32, #tpu.memory_space<vmem>>
        %dma_start3A_462 = arith.constant 0 : i32
        %dma_start3A_463 = arith.constant 0 : i32
        %dma_start3A_464 = tpu.memref_slice %arg10[%dma_start3A_462, %dma_start3A_463] : memref<10064x128xf32, #tpu.memory_space<vmem_shared>> -> memref<10064x128xf32, #tpu.memory_space<vmem_shared>>
        %dma_start3A_465 = tpu.memref_slice %arg13[%select_n3A_454] : memref<4x!tpu.dma_semaphore, #tpu.memory_space<semaphore_mem>> -> memref<1x!tpu.dma_semaphore, #tpu.memory_space<semaphore_mem>>
        %dma_start3A_466 = tpu.memref_squeeze %dma_start3A_465 : memref<1x!tpu.dma_semaphore, #tpu.memory_space<semaphore_mem>> -> memref<!tpu.dma_semaphore, #tpu.memory_space<semaphore_mem>>
        tpu.enqueue_indirect_dma source(%dma_start3A_458 : memref<64x128xf32, #tpu.memory_space<vmem>>) target(%dma_start3A_464 : memref<10064x128xf32, #tpu.memory_space<vmem_shared>>) offsets(%dma_start3A_461 : memref<64xi32, #tpu.memory_space<vmem>>) semaphore(%dma_start3A_466 : memref<!tpu.dma_semaphore, #tpu.memory_space<semaphore_mem>>) {add = true}
      } else {
      }
      %scan3A_343 = arith.constant 0 : i32
      scf.yield %scan3A_343 : i32
    }
    %scan3A_80 = arith.constant 157 : i32
    %dma_wait3A = arith.constant 3 : i32
    %dma_wait3A_81 = arith.constant 3 : i32
    %dma_wait3A_82 = arith.constant 3 : i32
    %dma_wait3A_83 = arith.constant 0 : i32
    %dma_wait3A_84 = arith.constant 0 : i32
    %dma_wait3A_85 = tpu.memref_slice %arg8[%dma_wait3A_81, %dma_wait3A_83, %dma_wait3A_84] : memref<4x64x128xf32, #tpu.memory_space<vmem>> -> memref<1x64x128xf32, #tpu.memory_space<vmem>>
    %dma_wait3A_86 = tpu.memref_squeeze %dma_wait3A_85 : memref<1x64x128xf32, #tpu.memory_space<vmem>> -> memref<64x128xf32, #tpu.memory_space<vmem>>
    %dma_wait3A_87 = arith.constant 0 : i32
    %dma_wait3A_88 = tpu.memref_slice %arg6[%dma_wait3A, %dma_wait3A_87] : memref<8x64xi32, #tpu.memory_space<vmem>> -> memref<1x64xi32, #tpu.memory_space<vmem>>
    %dma_wait3A_89 = tpu.memref_squeeze %dma_wait3A_88 : memref<1x64xi32, #tpu.memory_space<vmem>> -> memref<64xi32, #tpu.memory_space<vmem>>
    %dma_wait3A_90 = arith.constant 0 : i32
    %dma_wait3A_91 = arith.constant 0 : i32
    %dma_wait3A_92 = tpu.memref_slice %arg2[%dma_wait3A_90, %dma_wait3A_91] : memref<10000x128xf32, #tpu.memory_space<hbm>> -> memref<10000x128xf32, #tpu.memory_space<hbm>>
    %dma_wait3A_93 = tpu.memref_slice %arg12[%dma_wait3A_82] : memref<4x!tpu.dma_semaphore, #tpu.memory_space<semaphore_mem>> -> memref<1x!tpu.dma_semaphore, #tpu.memory_space<semaphore_mem>>
    %dma_wait3A_94 = tpu.memref_squeeze %dma_wait3A_93 : memref<1x!tpu.dma_semaphore, #tpu.memory_space<semaphore_mem>> -> memref<!tpu.dma_semaphore, #tpu.memory_space<semaphore_mem>>
    tpu.wait_indirect_dma semaphore(%dma_wait3A_94 : memref<!tpu.dma_semaphore, #tpu.memory_space<semaphore_mem>>) src(%dma_wait3A_92 : memref<10000x128xf32, #tpu.memory_space<hbm>>) dst(%dma_wait3A_86 : memref<64x128xf32, #tpu.memory_space<vmem>>)
    %dma_start3A_95 = arith.constant 3 : i32
    %dma_start3A_96 = arith.constant 3 : i32
    %dma_start3A_97 = arith.constant 3 : i32
    %dma_start3A_98 = arith.constant 0 : i32
    %dma_start3A_99 = arith.constant 0 : i32
    %dma_start3A_100 = tpu.memref_slice %arg8[%dma_start3A_95, %dma_start3A_98, %dma_start3A_99] : memref<4x64x128xf32, #tpu.memory_space<vmem>> -> memref<1x64x128xf32, #tpu.memory_space<vmem>>
    %dma_start3A_101 = tpu.memref_squeeze %dma_start3A_100 : memref<1x64x128xf32, #tpu.memory_space<vmem>> -> memref<64x128xf32, #tpu.memory_space<vmem>>
    %dma_start3A_102 = arith.constant 0 : i32
    %dma_start3A_103 = tpu.memref_slice %arg7[%dma_start3A_96, %dma_start3A_102] : memref<8x64xi32, #tpu.memory_space<vmem>> -> memref<1x64xi32, #tpu.memory_space<vmem>>
    %dma_start3A_104 = tpu.memref_squeeze %dma_start3A_103 : memref<1x64xi32, #tpu.memory_space<vmem>> -> memref<64xi32, #tpu.memory_space<vmem>>
    %dma_start3A_105 = arith.constant 0 : i32
    %dma_start3A_106 = arith.constant 0 : i32
    %dma_start3A_107 = tpu.memref_slice %arg10[%dma_start3A_105, %dma_start3A_106] : memref<10064x128xf32, #tpu.memory_space<vmem_shared>> -> memref<10064x128xf32, #tpu.memory_space<vmem_shared>>
    %dma_start3A_108 = tpu.memref_slice %arg13[%dma_start3A_97] : memref<4x!tpu.dma_semaphore, #tpu.memory_space<semaphore_mem>> -> memref<1x!tpu.dma_semaphore, #tpu.memory_space<semaphore_mem>>
    %dma_start3A_109 = tpu.memref_squeeze %dma_start3A_108 : memref<1x!tpu.dma_semaphore, #tpu.memory_space<semaphore_mem>> -> memref<!tpu.dma_semaphore, #tpu.memory_space<semaphore_mem>>
    tpu.enqueue_indirect_dma source(%dma_start3A_101 : memref<64x128xf32, #tpu.memory_space<vmem>>) target(%dma_start3A_107 : memref<10064x128xf32, #tpu.memory_space<vmem_shared>>) offsets(%dma_start3A_104 : memref<64xi32, #tpu.memory_space<vmem>>) semaphore(%dma_start3A_109 : memref<!tpu.dma_semaphore, #tpu.memory_space<semaphore_mem>>) {add = true}
    %dma_wait3A_110 = arith.constant 4 : i32
    %dma_wait3A_111 = arith.constant 0 : i32
    %dma_wait3A_112 = arith.constant 0 : i32
    %dma_wait3A_113 = arith.constant 0 : i32
    %dma_wait3A_114 = arith.constant 0 : i32
    %dma_wait3A_115 = tpu.memref_slice %arg8[%dma_wait3A_111, %dma_wait3A_113, %dma_wait3A_114] : memref<4x64x128xf32, #tpu.memory_space<vmem>> -> memref<1x64x128xf32, #tpu.memory_space<vmem>>
    %dma_wait3A_116 = tpu.memref_squeeze %dma_wait3A_115 : memref<1x64x128xf32, #tpu.memory_space<vmem>> -> memref<64x128xf32, #tpu.memory_space<vmem>>
    %dma_wait3A_117 = arith.constant 0 : i32
    %dma_wait3A_118 = tpu.memref_slice %arg6[%dma_wait3A_110, %dma_wait3A_117] : memref<8x64xi32, #tpu.memory_space<vmem>> -> memref<1x64xi32, #tpu.memory_space<vmem>>
    %dma_wait3A_119 = tpu.memref_squeeze %dma_wait3A_118 : memref<1x64xi32, #tpu.memory_space<vmem>> -> memref<64xi32, #tpu.memory_space<vmem>>
    %dma_wait3A_120 = arith.constant 0 : i32
    %dma_wait3A_121 = arith.constant 0 : i32
    %dma_wait3A_122 = tpu.memref_slice %arg2[%dma_wait3A_120, %dma_wait3A_121] : memref<10000x128xf32, #tpu.memory_space<hbm>> -> memref<10000x128xf32, #tpu.memory_space<hbm>>
    %dma_wait3A_123 = tpu.memref_slice %arg12[%dma_wait3A_112] : memref<4x!tpu.dma_semaphore, #tpu.memory_space<semaphore_mem>> -> memref<1x!tpu.dma_semaphore, #tpu.memory_space<semaphore_mem>>
    %dma_wait3A_124 = tpu.memref_squeeze %dma_wait3A_123 : memref<1x!tpu.dma_semaphore, #tpu.memory_space<semaphore_mem>> -> memref<!tpu.dma_semaphore, #tpu.memory_space<semaphore_mem>>
    tpu.wait_indirect_dma semaphore(%dma_wait3A_124 : memref<!tpu.dma_semaphore, #tpu.memory_space<semaphore_mem>>) src(%dma_wait3A_122 : memref<10000x128xf32, #tpu.memory_space<hbm>>) dst(%dma_wait3A_116 : memref<64x128xf32, #tpu.memory_space<vmem>>)
    %dma_start3A_125 = arith.constant 0 : i32
    %dma_start3A_126 = arith.constant 4 : i32
    %dma_start3A_127 = arith.constant 0 : i32
    %dma_start3A_128 = arith.constant 0 : i32
    %dma_start3A_129 = arith.constant 0 : i32
    %dma_start3A_130 = tpu.memref_slice %arg8[%dma_start3A_125, %dma_start3A_128, %dma_start3A_129] : memref<4x64x128xf32, #tpu.memory_space<vmem>> -> memref<1x64x128xf32, #tpu.memory_space<vmem>>
    %dma_start3A_131 = tpu.memref_squeeze %dma_start3A_130 : memref<1x64x128xf32, #tpu.memory_space<vmem>> -> memref<64x128xf32, #tpu.memory_space<vmem>>
    %dma_start3A_132 = arith.constant 0 : i32
    %dma_start3A_133 = tpu.memref_slice %arg7[%dma_start3A_126, %dma_start3A_132] : memref<8x64xi32, #tpu.memory_space<vmem>> -> memref<1x64xi32, #tpu.memory_space<vmem>>
    %dma_start3A_134 = tpu.memref_squeeze %dma_start3A_133 : memref<1x64xi32, #tpu.memory_space<vmem>> -> memref<64xi32, #tpu.memory_space<vmem>>
    %dma_start3A_135 = arith.constant 0 : i32
    %dma_start3A_136 = arith.constant 0 : i32
    %dma_start3A_137 = tpu.memref_slice %arg10[%dma_start3A_135, %dma_start3A_136] : memref<10064x128xf32, #tpu.memory_space<vmem_shared>> -> memref<10064x128xf32, #tpu.memory_space<vmem_shared>>
    %dma_start3A_138 = tpu.memref_slice %arg13[%dma_start3A_127] : memref<4x!tpu.dma_semaphore, #tpu.memory_space<semaphore_mem>> -> memref<1x!tpu.dma_semaphore, #tpu.memory_space<semaphore_mem>>
    %dma_start3A_139 = tpu.memref_squeeze %dma_start3A_138 : memref<1x!tpu.dma_semaphore, #tpu.memory_space<semaphore_mem>> -> memref<!tpu.dma_semaphore, #tpu.memory_space<semaphore_mem>>
    tpu.enqueue_indirect_dma source(%dma_start3A_131 : memref<64x128xf32, #tpu.memory_space<vmem>>) target(%dma_start3A_137 : memref<10064x128xf32, #tpu.memory_space<vmem_shared>>) offsets(%dma_start3A_134 : memref<64xi32, #tpu.memory_space<vmem>>) semaphore(%dma_start3A_139 : memref<!tpu.dma_semaphore, #tpu.memory_space<semaphore_mem>>) {add = true}
    %dma_wait3A_140 = arith.constant 1 : i32
    %dma_wait3A_141 = arith.constant 1 : i32
    %dma_wait3A_142 = arith.constant 1 : i32
    %dma_wait3A_143 = arith.constant 0 : i32
    %dma_wait3A_144 = arith.constant 0 : i32
    %dma_wait3A_145 = tpu.memref_slice %arg8[%dma_wait3A_140, %dma_wait3A_143, %dma_wait3A_144] : memref<4x64x128xf32, #tpu.memory_space<vmem>> -> memref<1x64x128xf32, #tpu.memory_space<vmem>>
    %dma_wait3A_146 = tpu.memref_squeeze %dma_wait3A_145 : memref<1x64x128xf32, #tpu.memory_space<vmem>> -> memref<64x128xf32, #tpu.memory_space<vmem>>
    %dma_wait3A_147 = arith.constant 0 : i32
    %dma_wait3A_148 = tpu.memref_slice %arg7[%dma_wait3A_141, %dma_wait3A_147] : memref<8x64xi32, #tpu.memory_space<vmem>> -> memref<1x64xi32, #tpu.memory_space<vmem>>
    %dma_wait3A_149 = tpu.memref_squeeze %dma_wait3A_148 : memref<1x64xi32, #tpu.memory_space<vmem>> -> memref<64xi32, #tpu.memory_space<vmem>>
    %dma_wait3A_150 = arith.constant 0 : i32
    %dma_wait3A_151 = arith.constant 0 : i32
    %dma_wait3A_152 = tpu.memref_slice %arg10[%dma_wait3A_150, %dma_wait3A_151] : memref<10064x128xf32, #tpu.memory_space<vmem_shared>> -> memref<10064x128xf32, #tpu.memory_space<vmem_shared>>
    %dma_wait3A_153 = tpu.memref_slice %arg13[%dma_wait3A_142] : memref<4x!tpu.dma_semaphore, #tpu.memory_space<semaphore_mem>> -> memref<1x!tpu.dma_semaphore, #tpu.memory_space<semaphore_mem>>
    %dma_wait3A_154 = tpu.memref_squeeze %dma_wait3A_153 : memref<1x!tpu.dma_semaphore, #tpu.memory_space<semaphore_mem>> -> memref<!tpu.dma_semaphore, #tpu.memory_space<semaphore_mem>>
    tpu.wait_indirect_dma semaphore(%dma_wait3A_154 : memref<!tpu.dma_semaphore, #tpu.memory_space<semaphore_mem>>) src(%dma_wait3A_146 : memref<64x128xf32, #tpu.memory_space<vmem>>) dst(%dma_wait3A_152 : memref<10064x128xf32, #tpu.memory_space<vmem_shared>>)
    %dma_wait3A_155 = arith.constant 2 : i32
    %dma_wait3A_156 = arith.constant 2 : i32
    %dma_wait3A_157 = arith.constant 2 : i32
    %dma_wait3A_158 = arith.constant 0 : i32
    %dma_wait3A_159 = arith.constant 0 : i32
    %dma_wait3A_160 = tpu.memref_slice %arg8[%dma_wait3A_155, %dma_wait3A_158, %dma_wait3A_159] : memref<4x64x128xf32, #tpu.memory_space<vmem>> -> memref<1x64x128xf32, #tpu.memory_space<vmem>>
    %dma_wait3A_161 = tpu.memref_squeeze %dma_wait3A_160 : memref<1x64x128xf32, #tpu.memory_space<vmem>> -> memref<64x128xf32, #tpu.memory_space<vmem>>
    %dma_wait3A_162 = arith.constant 0 : i32
    %dma_wait3A_163 = tpu.memref_slice %arg7[%dma_wait3A_156, %dma_wait3A_162] : memref<8x64xi32, #tpu.memory_space<vmem>> -> memref<1x64xi32, #tpu.memory_space<vmem>>
    %dma_wait3A_164 = tpu.memref_squeeze %dma_wait3A_163 : memref<1x64xi32, #tpu.memory_space<vmem>> -> memref<64xi32, #tpu.memory_space<vmem>>
    %dma_wait3A_165 = arith.constant 0 : i32
    %dma_wait3A_166 = arith.constant 0 : i32
    %dma_wait3A_167 = tpu.memref_slice %arg10[%dma_wait3A_165, %dma_wait3A_166] : memref<10064x128xf32, #tpu.memory_space<vmem_shared>> -> memref<10064x128xf32, #tpu.memory_space<vmem_shared>>
    %dma_wait3A_168 = tpu.memref_slice %arg13[%dma_wait3A_157] : memref<4x!tpu.dma_semaphore, #tpu.memory_space<semaphore_mem>> -> memref<1x!tpu.dma_semaphore, #tpu.memory_space<semaphore_mem>>
    %dma_wait3A_169 = tpu.memref_squeeze %dma_wait3A_168 : memref<1x!tpu.dma_semaphore, #tpu.memory_space<semaphore_mem>> -> memref<!tpu.dma_semaphore, #tpu.memory_space<semaphore_mem>>
    tpu.wait_indirect_dma semaphore(%dma_wait3A_169 : memref<!tpu.dma_semaphore, #tpu.memory_space<semaphore_mem>>) src(%dma_wait3A_161 : memref<64x128xf32, #tpu.memory_space<vmem>>) dst(%dma_wait3A_167 : memref<10064x128xf32, #tpu.memory_space<vmem_shared>>)
    %dma_wait3A_170 = arith.constant 3 : i32
    %dma_wait3A_171 = arith.constant 3 : i32
    %dma_wait3A_172 = arith.constant 3 : i32
    %dma_wait3A_173 = arith.constant 0 : i32
    %dma_wait3A_174 = arith.constant 0 : i32
    %dma_wait3A_175 = tpu.memref_slice %arg8[%dma_wait3A_170, %dma_wait3A_173, %dma_wait3A_174] : memref<4x64x128xf32, #tpu.memory_space<vmem>> -> memref<1x64x128xf32, #tpu.memory_space<vmem>>
    %dma_wait3A_176 = tpu.memref_squeeze %dma_wait3A_175 : memref<1x64x128xf32, #tpu.memory_space<vmem>> -> memref<64x128xf32, #tpu.memory_space<vmem>>
    %dma_wait3A_177 = arith.constant 0 : i32
    %dma_wait3A_178 = tpu.memref_slice %arg7[%dma_wait3A_171, %dma_wait3A_177] : memref<8x64xi32, #tpu.memory_space<vmem>> -> memref<1x64xi32, #tpu.memory_space<vmem>>
    %dma_wait3A_179 = tpu.memref_squeeze %dma_wait3A_178 : memref<1x64xi32, #tpu.memory_space<vmem>> -> memref<64xi32, #tpu.memory_space<vmem>>
    %dma_wait3A_180 = arith.constant 0 : i32
    %dma_wait3A_181 = arith.constant 0 : i32
    %dma_wait3A_182 = tpu.memref_slice %arg10[%dma_wait3A_180, %dma_wait3A_181] : memref<10064x128xf32, #tpu.memory_space<vmem_shared>> -> memref<10064x128xf32, #tpu.memory_space<vmem_shared>>
    %dma_wait3A_183 = tpu.memref_slice %arg13[%dma_wait3A_172] : memref<4x!tpu.dma_semaphore, #tpu.memory_space<semaphore_mem>> -> memref<1x!tpu.dma_semaphore, #tpu.memory_space<semaphore_mem>>
    %dma_wait3A_184 = tpu.memref_squeeze %dma_wait3A_183 : memref<1x!tpu.dma_semaphore, #tpu.memory_space<semaphore_mem>> -> memref<!tpu.dma_semaphore, #tpu.memory_space<semaphore_mem>>
    tpu.wait_indirect_dma semaphore(%dma_wait3A_184 : memref<!tpu.dma_semaphore, #tpu.memory_space<semaphore_mem>>) src(%dma_wait3A_176 : memref<64x128xf32, #tpu.memory_space<vmem>>) dst(%dma_wait3A_182 : memref<10064x128xf32, #tpu.memory_space<vmem_shared>>)
    %dma_wait3A_185 = arith.constant 0 : i32
    %dma_wait3A_186 = arith.constant 4 : i32
    %dma_wait3A_187 = arith.constant 0 : i32
    %dma_wait3A_188 = arith.constant 0 : i32
    %dma_wait3A_189 = arith.constant 0 : i32
    %dma_wait3A_190 = tpu.memref_slice %arg8[%dma_wait3A_185, %dma_wait3A_188, %dma_wait3A_189] : memref<4x64x128xf32, #tpu.memory_space<vmem>> -> memref<1x64x128xf32, #tpu.memory_space<vmem>>
    %dma_wait3A_191 = tpu.memref_squeeze %dma_wait3A_190 : memref<1x64x128xf32, #tpu.memory_space<vmem>> -> memref<64x128xf32, #tpu.memory_space<vmem>>
    %dma_wait3A_192 = arith.constant 0 : i32
    %dma_wait3A_193 = tpu.memref_slice %arg7[%dma_wait3A_186, %dma_wait3A_192] : memref<8x64xi32, #tpu.memory_space<vmem>> -> memref<1x64xi32, #tpu.memory_space<vmem>>
    %dma_wait3A_194 = tpu.memref_squeeze %dma_wait3A_193 : memref<1x64xi32, #tpu.memory_space<vmem>> -> memref<64xi32, #tpu.memory_space<vmem>>
    %dma_wait3A_195 = arith.constant 0 : i32
    %dma_wait3A_196 = arith.constant 0 : i32
    %dma_wait3A_197 = tpu.memref_slice %arg10[%dma_wait3A_195, %dma_wait3A_196] : memref<10064x128xf32, #tpu.memory_space<vmem_shared>> -> memref<10064x128xf32, #tpu.memory_space<vmem_shared>>
    %dma_wait3A_198 = tpu.memref_slice %arg13[%dma_wait3A_187] : memref<4x!tpu.dma_semaphore, #tpu.memory_space<semaphore_mem>> -> memref<1x!tpu.dma_semaphore, #tpu.memory_space<semaphore_mem>>
    %dma_wait3A_199 = tpu.memref_squeeze %dma_wait3A_198 : memref<1x!tpu.dma_semaphore, #tpu.memory_space<semaphore_mem>> -> memref<!tpu.dma_semaphore, #tpu.memory_space<semaphore_mem>>
    tpu.wait_indirect_dma semaphore(%dma_wait3A_199 : memref<!tpu.dma_semaphore, #tpu.memory_space<semaphore_mem>>) src(%dma_wait3A_191 : memref<64x128xf32, #tpu.memory_space<vmem>>) dst(%dma_wait3A_197 : memref<10064x128xf32, #tpu.memory_space<vmem_shared>>)
    %barrier3A_200 = arith.constant 0 : index
    tpu.barrier barrier_id(%barrier3A_200)
    %scan3A_201 = arith.constant 0 : i32
    %scan3A_202 = arith.constant 0 : i32
    %scan3A_203 = arith.constant 15 : i32
    %scan3A_204 = arith.addi %scan3A_202, %scan3A_203 : i32
    %scan3A_205 = arith.constant 1 : i32
    %scan3A_206 = scf.for %scan3A_213 = %scan3A_202 to %scan3A_204 step %scan3A_205 iter_args(%scan3A_214 = %scan3A_201) -> (i32)  : i32 {
      %mul3A_215 = arith.constant 16 : i32
      %mul3A_216 = arith.muli %scan3A_213, %mul3A_215 : i32
      %add3A_217 = arith.addi %mul3A_216, %arg1 : i32
      %mul3A_218 = arith.constant 40 : i32
      %mul3A_219 = arith.muli %add3A_217, %mul3A_218 : i32
      %multiple_of3A_220 = tpu.assume_multiple %mul3A_219, 8 : i32
      "tpu.region"() ({
        %run_scoped3A = tpu.sem_alloc : memref<!tpu.dma_semaphore, #tpu.memory_space<semaphore_mem>>
        %dma_start3A_222 = arith.constant 0 : i32
        %dma_start3A_223 = tpu.memref_slice %arg10[%multiple_of3A_220, %dma_start3A_222] : memref<10064x128xf32, #tpu.memory_space<vmem_shared>> -> memref<40x128xf32, #tpu.memory_space<vmem_shared>>
        %dma_start3A_224 = arith.constant 0 : i32
        %dma_start3A_225 = tpu.memref_slice %arg10[%multiple_of3A_220, %dma_start3A_224] : memref<10064x128xf32, #tpu.memory_space<vmem_shared>> -> memref<40x128xf32, #tpu.memory_space<vmem_shared>>
        tpu.enqueue_dma source(%dma_start3A_225 : memref<40x128xf32, #tpu.memory_space<vmem_shared>>) target(%arg9 : memref<40x128xf32, #tpu.memory_space<vmem>>) target_semaphore(%run_scoped3A : memref<!tpu.dma_semaphore, #tpu.memory_space<semaphore_mem>>)
        %dma_wait3A_226 = arith.constant 0 : i32
        %dma_wait3A_227 = tpu.memref_slice %arg10[%multiple_of3A_220, %dma_wait3A_226] : memref<10064x128xf32, #tpu.memory_space<vmem_shared>> -> memref<40x128xf32, #tpu.memory_space<vmem_shared>>
        %dma_wait3A_228 = arith.constant 0 : i32
        %dma_wait3A_229 = tpu.memref_slice %arg10[%multiple_of3A_220, %dma_wait3A_228] : memref<10064x128xf32, #tpu.memory_space<vmem_shared>> -> memref<40x128xf32, #tpu.memory_space<vmem_shared>>
        tpu.wait_dma2 semaphore(%run_scoped3A : memref<!tpu.dma_semaphore, #tpu.memory_space<semaphore_mem>>) src(%dma_wait3A_229 : memref<40x128xf32, #tpu.memory_space<vmem_shared>>) dst(%arg9 : memref<40x128xf32, #tpu.memory_space<vmem>>)
        tpu.yield
      }) : () -> ()
      "tpu.region"() ({
        %run_scoped3A = tpu.sem_alloc : memref<!tpu.dma_semaphore, #tpu.memory_space<semaphore_mem>>
        %dma_start3A_222 = arith.constant 0 : i32
        %dma_start3A_223 = tpu.memref_slice %arg5[%arg0, %multiple_of3A_220, %dma_start3A_222] : memref<2x10000x128xf32, #tpu.memory_space<hbm>> -> memref<1x40x128xf32, #tpu.memory_space<hbm>>
        %dma_start3A_224 = tpu.memref_squeeze %dma_start3A_223 : memref<1x40x128xf32, #tpu.memory_space<hbm>> -> memref<40x128xf32, #tpu.memory_space<hbm>>
        %dma_start3A_225 = arith.constant 0 : i32
        %dma_start3A_226 = tpu.memref_slice %arg5[%arg0, %multiple_of3A_220, %dma_start3A_225] : memref<2x10000x128xf32, #tpu.memory_space<hbm>> -> memref<1x40x128xf32, #tpu.memory_space<hbm>>
        %dma_start3A_227 = tpu.memref_squeeze %dma_start3A_226 : memref<1x40x128xf32, #tpu.memory_space<hbm>> -> memref<40x128xf32, #tpu.memory_space<hbm>>
        tpu.enqueue_dma source(%arg9 : memref<40x128xf32, #tpu.memory_space<vmem>>) target(%dma_start3A_227 : memref<40x128xf32, #tpu.memory_space<hbm>>) target_semaphore(%run_scoped3A : memref<!tpu.dma_semaphore, #tpu.memory_space<semaphore_mem>>)
        %dma_wait3A_228 = arith.constant 0 : i32
        %dma_wait3A_229 = tpu.memref_slice %arg5[%arg0, %multiple_of3A_220, %dma_wait3A_228] : memref<2x10000x128xf32, #tpu.memory_space<hbm>> -> memref<1x40x128xf32, #tpu.memory_space<hbm>>
        %dma_wait3A_230 = tpu.memref_squeeze %dma_wait3A_229 : memref<1x40x128xf32, #tpu.memory_space<hbm>> -> memref<40x128xf32, #tpu.memory_space<hbm>>
        %dma_wait3A_231 = arith.constant 0 : i32
        %dma_wait3A_232 = tpu.memref_slice %arg5[%arg0, %multiple_of3A_220, %dma_wait3A_231] : memref<2x10000x128xf32, #tpu.memory_space<hbm>> -> memref<1x40x128xf32, #tpu.memory_space<hbm>>
        %dma_wait3A_233 = tpu.memref_squeeze %dma_wait3A_232 : memref<1x40x128xf32, #tpu.memory_space<hbm>> -> memref<40x128xf32, #tpu.memory_space<hbm>>
        tpu.wait_dma2 semaphore(%run_scoped3A : memref<!tpu.dma_semaphore, #tpu.memory_space<semaphore_mem>>) src(%arg9 : memref<40x128xf32, #tpu.memory_space<vmem>>) dst(%dma_wait3A_233 : memref<40x128xf32, #tpu.memory_space<hbm>>)
        tpu.yield
      }) : () -> ()
      %scan3A_221 = arith.constant 0 : i32
      scf.yield %scan3A_221 : i32
    }
    %scan3A_207 = arith.constant 15 : i32
    %lt3A_208 = arith.constant 10 : i32
    %lt3A_209 = arith.cmpi slt, %arg1, %lt3A_208 : i32
    %convert_element_type3A_210 = arith.extui %lt3A_209 : i1 to i32
    %cond3A_211 = arith.constant 0 : i32
    %cond3A_212 = arith.cmpi ne, %convert_element_type3A_210, %cond3A_211 : i32
    scf.if %cond3A_212 {
      %add3A_213 = arith.constant 240 : i32
      %add3A_214 = arith.addi %add3A_213, %arg1 : i32
      %mul3A_215 = arith.constant 40 : i32
      %mul3A_216 = arith.muli %add3A_214, %mul3A_215 : i32
      %multiple_of3A_217 = tpu.assume_multiple %mul3A_216, 8 : i32
      "tpu.region"() ({
        %run_scoped3A = tpu.sem_alloc : memref<!tpu.dma_semaphore, #tpu.memory_space<semaphore_mem>>
        %dma_start3A_218 = arith.constant 0 : i32
        %dma_start3A_219 = tpu.memref_slice %arg10[%multiple_of3A_217, %dma_start3A_218] : memref<10064x128xf32, #tpu.memory_space<vmem_shared>> -> memref<40x128xf32, #tpu.memory_space<vmem_shared>>
        %dma_start3A_220 = arith.constant 0 : i32
        %dma_start3A_221 = tpu.memref_slice %arg10[%multiple_of3A_217, %dma_start3A_220] : memref<10064x128xf32, #tpu.memory_space<vmem_shared>> -> memref<40x128xf32, #tpu.memory_space<vmem_shared>>
        tpu.enqueue_dma source(%dma_start3A_221 : memref<40x128xf32, #tpu.memory_space<vmem_shared>>) target(%arg9 : memref<40x128xf32, #tpu.memory_space<vmem>>) target_semaphore(%run_scoped3A : memref<!tpu.dma_semaphore, #tpu.memory_space<semaphore_mem>>)
        %dma_wait3A_222 = arith.constant 0 : i32
        %dma_wait3A_223 = tpu.memref_slice %arg10[%multiple_of3A_217, %dma_wait3A_222] : memref<10064x128xf32, #tpu.memory_space<vmem_shared>> -> memref<40x128xf32, #tpu.memory_space<vmem_shared>>
        %dma_wait3A_224 = arith.constant 0 : i32
        %dma_wait3A_225 = tpu.memref_slice %arg10[%multiple_of3A_217, %dma_wait3A_224] : memref<10064x128xf32, #tpu.memory_space<vmem_shared>> -> memref<40x128xf32, #tpu.memory_space<vmem_shared>>
        tpu.wait_dma2 semaphore(%run_scoped3A : memref<!tpu.dma_semaphore, #tpu.memory_space<semaphore_mem>>) src(%dma_wait3A_225 : memref<40x128xf32, #tpu.memory_space<vmem_shared>>) dst(%arg9 : memref<40x128xf32, #tpu.memory_space<vmem>>)
        tpu.yield
      }) : () -> ()
      "tpu.region"() ({
        %run_scoped3A = tpu.sem_alloc : memref<!tpu.dma_semaphore, #tpu.memory_space<semaphore_mem>>
        %dma_start3A_218 = arith.constant 0 : i32
        %dma_start3A_219 = tpu.memref_slice %arg5[%arg0, %multiple_of3A_217, %dma_start3A_218] : memref<2x10000x128xf32, #tpu.memory_space<hbm>> -> memref<1x40x128xf32, #tpu.memory_space<hbm>>
        %dma_start3A_220 = tpu.memref_squeeze %dma_start3A_219 : memref<1x40x128xf32, #tpu.memory_space<hbm>> -> memref<40x128xf32, #tpu.memory_space<hbm>>
        %dma_start3A_221 = arith.constant 0 : i32
        %dma_start3A_222 = tpu.memref_slice %arg5[%arg0, %multiple_of3A_217, %dma_start3A_221] : memref<2x10000x128xf32, #tpu.memory_space<hbm>> -> memref<1x40x128xf32, #tpu.memory_space<hbm>>
        %dma_start3A_223 = tpu.memref_squeeze %dma_start3A_222 : memref<1x40x128xf32, #tpu.memory_space<hbm>> -> memref<40x128xf32, #tpu.memory_space<hbm>>
        tpu.enqueue_dma source(%arg9 : memref<40x128xf32, #tpu.memory_space<vmem>>) target(%dma_start3A_223 : memref<40x128xf32, #tpu.memory_space<hbm>>) target_semaphore(%run_scoped3A : memref<!tpu.dma_semaphore, #tpu.memory_space<semaphore_mem>>)
        %dma_wait3A_224 = arith.constant 0 : i32
        %dma_wait3A_225 = tpu.memref_slice %arg5[%arg0, %multiple_of3A_217, %dma_wait3A_224] : memref<2x10000x128xf32, #tpu.memory_space<hbm>> -> memref<1x40x128xf32, #tpu.memory_space<hbm>>
        %dma_wait3A_226 = tpu.memref_squeeze %dma_wait3A_225 : memref<1x40x128xf32, #tpu.memory_space<hbm>> -> memref<40x128xf32, #tpu.memory_space<hbm>>
        %dma_wait3A_227 = arith.constant 0 : i32
        %dma_wait3A_228 = tpu.memref_slice %arg5[%arg0, %multiple_of3A_217, %dma_wait3A_227] : memref<2x10000x128xf32, #tpu.memory_space<hbm>> -> memref<1x40x128xf32, #tpu.memory_space<hbm>>
        %dma_wait3A_229 = tpu.memref_squeeze %dma_wait3A_228 : memref<1x40x128xf32, #tpu.memory_space<hbm>> -> memref<40x128xf32, #tpu.memory_space<hbm>>
        tpu.wait_dma2 semaphore(%run_scoped3A : memref<!tpu.dma_semaphore, #tpu.memory_space<semaphore_mem>>) src(%arg9 : memref<40x128xf32, #tpu.memory_space<vmem>>) dst(%dma_wait3A_229 : memref<40x128xf32, #tpu.memory_space<hbm>>)
        tpu.yield
      }) : () -> ()
    } else {
    }
    return
  }
}

#map = affine_map<(d0, d1) -> (0)>
#map1 = affine_map<(d0, d1) -> (0, 0, 0)>
module attributes {stable_mosaic.version = 14 : i64} {
  func.func @k(%arg0: i32, %arg1: i32, %arg2: memref<321536xi32, #tpu.memory_space<hbm>>, %arg3: memref<2x10000x128xf32, #tpu.memory_space<hbm>>, %arg4: memref<8x64xi32, #tpu.memory_space<vmem>>, %arg5: memref<64x128xf32, #tpu.memory_space<vmem>>, %arg6: memref<40x128xf32, #tpu.memory_space<vmem>>, %arg7: memref<10064x128xf32, #tpu.memory_space<vmem_shared>>, %arg8: memref<4x!tpu.dma_semaphore, #tpu.memory_space<semaphore_mem>>, %arg9: memref<4x!tpu.dma_semaphore, #tpu.memory_space<semaphore_mem>>) attributes {dimension_semantics = [#tpu.dimension_semantics<core_parallel>, #tpu.dimension_semantics<subcore_parallel>], iteration_bounds = array<i64: 2, 16>, scalar_prefetch = 0 : i64, scratch_operands = 6 : i64, tpu.core_type = #tpu.core_type<sc_vector_subcore>, window_params = [{transform_indices = #map}, {transform_indices = #map1}]} {
    %mul3A = arith.constant 2 : i32
    %mul3A_0 = arith.muli %arg1, %mul3A : i32
    %add3A = arith.addi %mul3A_0, %arg0 : i32
    %scan3A = arith.constant 0 : i32
    %scan3A_1 = arith.constant 0 : i32
    %scan3A_2 = arith.constant 320 : i32
    %scan3A_3 = arith.addi %scan3A_1, %scan3A_2 : i32
    %scan3A_4 = arith.constant 1 : i32
    %scan3A_5 = scf.for %scan3A_116 = %scan3A_1 to %scan3A_3 step %scan3A_4 iter_args(%scan3A_117 = %scan3A) -> (i32)  : i32 {
      %broadcast_in_dim3A = arith.constant 0.000000e+00 : f32
      %broadcast_in_dim3A_118 = vector.broadcast %broadcast_in_dim3A : f32 to vector<16xf32>
      %jit3A = arith.constant 8 : i32
      %div3A = arith.divsi %scan3A_116, %jit3A : i32
      %sign3A = arith.constant 0 : i32
      %sign3A_119 = arith.cmpi sgt, %scan3A_116, %sign3A : i32
      %sign3A_120 = arith.extui %sign3A_119 : i1 to i32
      %sign3A_121 = arith.constant 0 : i32
      %sign3A_122 = arith.cmpi slt, %scan3A_116, %sign3A_121 : i32
      %sign3A_123 = arith.extui %sign3A_122 : i1 to i32
      %sign3A_124 = arith.subi %sign3A_120, %sign3A_123 : i32
      %sign3A_125 = arith.constant 0 : i32
      %sign3A_126 = arith.cmpi sgt, %jit3A, %sign3A_125 : i32
      %sign3A_127 = arith.extui %sign3A_126 : i1 to i32
      %sign3A_128 = arith.constant 0 : i32
      %sign3A_129 = arith.cmpi slt, %jit3A, %sign3A_128 : i32
      %sign3A_130 = arith.extui %sign3A_129 : i1 to i32
      %sign3A_131 = arith.subi %sign3A_127, %sign3A_130 : i32
      %ne3A = arith.cmpi ne, %sign3A_124, %sign3A_131 : i32
      %rem3A = arith.remsi %scan3A_116, %jit3A : i32
      %ne3A_132 = arith.constant 0 : i32
      %ne3A_133 = arith.cmpi ne, %rem3A, %ne3A_132 : i32
      %and3A = arith.andi %ne3A, %ne3A_133 : i1
      %sub3A = arith.constant 1 : i32
      %sub3A_134 = arith.subi %div3A, %sub3A : i32
      %select_n3A = arith.select %and3A, %sub3A_134, %div3A : i32
      %jit3A_135 = arith.constant 8 : i32
      %eq3A = arith.constant 0 : i32
      %eq3A_136 = arith.cmpi eq, %jit3A_135, %eq3A : i32
      %jit3A_137 = arith.constant 1 : i32
      %select_n3A_138 = arith.select %eq3A_136, %jit3A_137, %jit3A_135 : i32
      %rem3A_139 = arith.remsi %scan3A_116, %select_n3A_138 : i32
      %ne3A_140 = arith.constant 0 : i32
      %ne3A_141 = arith.cmpi ne, %rem3A_139, %ne3A_140 : i32
      %lt3A_142 = arith.constant 0 : i32
      %lt3A_143 = arith.cmpi slt, %rem3A_139, %lt3A_142 : i32
      %lt3A_144 = arith.constant 0 : i32
      %lt3A_145 = arith.cmpi slt, %select_n3A_138, %lt3A_144 : i32
      %ne3A_146 = arith.xori %lt3A_143, %lt3A_145 : i1
      %and3A_147 = arith.andi %ne3A_146, %ne3A_141 : i1
      %add3A_148 = arith.addi %rem3A_139, %select_n3A_138 : i32
      %select_n3A_149 = arith.select %and3A_147, %add3A_148, %rem3A_139 : i32
      %mul3A_150 = arith.constant 16 : i32
      %mul3A_151 = arith.muli %select_n3A_149, %mul3A_150 : i32
      %swap3A = arith.index_cast %select_n3A : i32 to index
      %swap3A_152 = arith.index_cast %mul3A_151 : i32 to index
      %swap3A_153 = tpu.vector_load %arg6[%swap3A, %swap3A_152] {strides = array<i32>} : memref<40x128xf32, #tpu.memory_space<vmem>>, vector<1x16xf32>,
      %swap3A_154 = vector.shape_cast %swap3A_153 : vector<1x16xf32> to vector<16xf32>
      %swap3A_155 = vector.shape_cast %broadcast_in_dim3A_118 : vector<16xf32> to vector<1x16xf32>
      tpu.vector_store %arg6[%swap3A, %swap3A_152], %swap3A_155 {strides = array<i32>} : memref<40x128xf32, #tpu.memory_space<vmem>>, vector<1x16xf32>,
      %scan3A_156 = arith.constant 0 : i32
      scf.yield %scan3A_156 : i32
    }
    %scan3A_6 = arith.constant 320 : i32
    %scan3A_7 = arith.constant 0 : i32
    %scan3A_8 = arith.constant 0 : i32
    %scan3A_9 = arith.constant 15 : i32
    %scan3A_10 = arith.addi %scan3A_8, %scan3A_9 : i32
    %scan3A_11 = arith.constant 1 : i32
    %scan3A_12 = scf.for %scan3A_116 = %scan3A_8 to %scan3A_10 step %scan3A_11 iter_args(%scan3A_117 = %scan3A_7) -> (i32)  : i32 {
      %mul3A_118 = arith.constant 16 : i32
      %mul3A_119 = arith.muli %scan3A_116, %mul3A_118 : i32
      %add3A_120 = arith.addi %mul3A_119, %arg1 : i32
      %mul3A_121 = arith.constant 40 : i32
      %mul3A_122 = arith.muli %add3A_120, %mul3A_121 : i32
      %multiple_of3A_123 = tpu.assume_multiple %mul3A_122, 8 : i32
      "tpu.region"() ({
        %run_scoped3A = tpu.sem_alloc : memref<!tpu.dma_semaphore, #tpu.memory_space<semaphore_mem>>
        %dma_start3A_125 = arith.constant 0 : i32
        %dma_start3A_126 = tpu.memref_slice %arg7[%multiple_of3A_123, %dma_start3A_125] : memref<10064x128xf32, #tpu.memory_space<vmem_shared>> -> memref<40x128xf32, #tpu.memory_space<vmem_shared>>
        %dma_start3A_127 = arith.constant 0 : i32
        %dma_start3A_128 = tpu.memref_slice %arg7[%multiple_of3A_123, %dma_start3A_127] : memref<10064x128xf32, #tpu.memory_space<vmem_shared>> -> memref<40x128xf32, #tpu.memory_space<vmem_shared>>
        tpu.enqueue_dma source(%arg6 : memref<40x128xf32, #tpu.memory_space<vmem>>) target(%dma_start3A_128 : memref<40x128xf32, #tpu.memory_space<vmem_shared>>) target_semaphore(%run_scoped3A : memref<!tpu.dma_semaphore, #tpu.memory_space<semaphore_mem>>)
        %dma_wait3A_129 = arith.constant 0 : i32
        %dma_wait3A_130 = tpu.memref_slice %arg7[%multiple_of3A_123, %dma_wait3A_129] : memref<10064x128xf32, #tpu.memory_space<vmem_shared>> -> memref<40x128xf32, #tpu.memory_space<vmem_shared>>
        %dma_wait3A_131 = arith.constant 0 : i32
        %dma_wait3A_132 = tpu.memref_slice %arg7[%multiple_of3A_123, %dma_wait3A_131] : memref<10064x128xf32, #tpu.memory_space<vmem_shared>> -> memref<40x128xf32, #tpu.memory_space<vmem_shared>>
        tpu.wait_dma2 semaphore(%run_scoped3A : memref<!tpu.dma_semaphore, #tpu.memory_space<semaphore_mem>>) src(%arg6 : memref<40x128xf32, #tpu.memory_space<vmem>>) dst(%dma_wait3A_132 : memref<40x128xf32, #tpu.memory_space<vmem_shared>>)
        tpu.yield
      }) : () -> ()
      %scan3A_124 = arith.constant 0 : i32
      scf.yield %scan3A_124 : i32
    }
    %scan3A_13 = arith.constant 15 : i32
    %lt3A = arith.constant 10 : i32
    %lt3A_14 = arith.cmpi slt, %arg1, %lt3A : i32
    %convert_element_type3A = arith.extui %lt3A_14 : i1 to i32
    %cond3A = arith.constant 0 : i32
    %cond3A_15 = arith.cmpi ne, %convert_element_type3A, %cond3A : i32
    scf.if %cond3A_15 {
      %add3A_116 = arith.constant 240 : i32
      %add3A_117 = arith.addi %add3A_116, %arg1 : i32
      %mul3A_118 = arith.constant 40 : i32
      %mul3A_119 = arith.muli %add3A_117, %mul3A_118 : i32
      %multiple_of3A_120 = tpu.assume_multiple %mul3A_119, 8 : i32
      "tpu.region"() ({
        %run_scoped3A = tpu.sem_alloc : memref<!tpu.dma_semaphore, #tpu.memory_space<semaphore_mem>>
        %dma_start3A_121 = arith.constant 0 : i32
        %dma_start3A_122 = tpu.memref_slice %arg7[%multiple_of3A_120, %dma_start3A_121] : memref<10064x128xf32, #tpu.memory_space<vmem_shared>> -> memref<40x128xf32, #tpu.memory_space<vmem_shared>>
        %dma_start3A_123 = arith.constant 0 : i32
        %dma_start3A_124 = tpu.memref_slice %arg7[%multiple_of3A_120, %dma_start3A_123] : memref<10064x128xf32, #tpu.memory_space<vmem_shared>> -> memref<40x128xf32, #tpu.memory_space<vmem_shared>>
        tpu.enqueue_dma source(%arg6 : memref<40x128xf32, #tpu.memory_space<vmem>>) target(%dma_start3A_124 : memref<40x128xf32, #tpu.memory_space<vmem_shared>>) target_semaphore(%run_scoped3A : memref<!tpu.dma_semaphore, #tpu.memory_space<semaphore_mem>>)
        %dma_wait3A_125 = arith.constant 0 : i32
        %dma_wait3A_126 = tpu.memref_slice %arg7[%multiple_of3A_120, %dma_wait3A_125] : memref<10064x128xf32, #tpu.memory_space<vmem_shared>> -> memref<40x128xf32, #tpu.memory_space<vmem_shared>>
        %dma_wait3A_127 = arith.constant 0 : i32
        %dma_wait3A_128 = tpu.memref_slice %arg7[%multiple_of3A_120, %dma_wait3A_127] : memref<10064x128xf32, #tpu.memory_space<vmem_shared>> -> memref<40x128xf32, #tpu.memory_space<vmem_shared>>
        tpu.wait_dma2 semaphore(%run_scoped3A : memref<!tpu.dma_semaphore, #tpu.memory_space<semaphore_mem>>) src(%arg6 : memref<40x128xf32, #tpu.memory_space<vmem>>) dst(%dma_wait3A_128 : memref<40x128xf32, #tpu.memory_space<vmem_shared>>)
        tpu.yield
      }) : () -> ()
    } else {
    }
    %scan3A_16 = arith.constant 0 : i32
    %scan3A_17 = arith.constant 0 : i32
    %scan3A_18 = arith.constant 512 : i32
    %scan3A_19 = arith.addi %scan3A_17, %scan3A_18 : i32
    %scan3A_20 = arith.constant 1 : i32
    %scan3A_21 = scf.for %scan3A_116 = %scan3A_17 to %scan3A_19 step %scan3A_20 iter_args(%scan3A_117 = %scan3A_16) -> (i32)  : i32 {
      %broadcast_in_dim3A = arith.constant 1.000000e+00 : f32
      %broadcast_in_dim3A_118 = vector.broadcast %broadcast_in_dim3A : f32 to vector<16xf32>
      %jit3A = arith.constant 8 : i32
      %div3A = arith.divsi %scan3A_116, %jit3A : i32
      %sign3A = arith.constant 0 : i32
      %sign3A_119 = arith.cmpi sgt, %scan3A_116, %sign3A : i32
      %sign3A_120 = arith.extui %sign3A_119 : i1 to i32
      %sign3A_121 = arith.constant 0 : i32
      %sign3A_122 = arith.cmpi slt, %scan3A_116, %sign3A_121 : i32
      %sign3A_123 = arith.extui %sign3A_122 : i1 to i32
      %sign3A_124 = arith.subi %sign3A_120, %sign3A_123 : i32
      %sign3A_125 = arith.constant 0 : i32
      %sign3A_126 = arith.cmpi sgt, %jit3A, %sign3A_125 : i32
      %sign3A_127 = arith.extui %sign3A_126 : i1 to i32
      %sign3A_128 = arith.constant 0 : i32
      %sign3A_129 = arith.cmpi slt, %jit3A, %sign3A_128 : i32
      %sign3A_130 = arith.extui %sign3A_129 : i1 to i32
      %sign3A_131 = arith.subi %sign3A_127, %sign3A_130 : i32
      %ne3A = arith.cmpi ne, %sign3A_124, %sign3A_131 : i32
      %rem3A = arith.remsi %scan3A_116, %jit3A : i32
      %ne3A_132 = arith.constant 0 : i32
      %ne3A_133 = arith.cmpi ne, %rem3A, %ne3A_132 : i32
      %and3A = arith.andi %ne3A, %ne3A_133 : i1
      %sub3A = arith.constant 1 : i32
      %sub3A_134 = arith.subi %div3A, %sub3A : i32
      %select_n3A = arith.select %and3A, %sub3A_134, %div3A : i32
      %jit3A_135 = arith.constant 8 : i32
      %eq3A = arith.constant 0 : i32
      %eq3A_136 = arith.cmpi eq, %jit3A_135, %eq3A : i32
      %jit3A_137 = arith.constant 1 : i32
      %select_n3A_138 = arith.select %eq3A_136, %jit3A_137, %jit3A_135 : i32
      %rem3A_139 = arith.remsi %scan3A_116, %select_n3A_138 : i32
      %ne3A_140 = arith.constant 0 : i32
      %ne3A_141 = arith.cmpi ne, %rem3A_139, %ne3A_140 : i32
      %lt3A_142 = arith.constant 0 : i32
      %lt3A_143 = arith.cmpi slt, %rem3A_139, %lt3A_142 : i32
      %lt3A_144 = arith.constant 0 : i32
      %lt3A_145 = arith.cmpi slt, %select_n3A_138, %lt3A_144 : i32
      %ne3A_146 = arith.xori %lt3A_143, %lt3A_145 : i1
      %and3A_147 = arith.andi %ne3A_146, %ne3A_141 : i1
      %add3A_148 = arith.addi %rem3A_139, %select_n3A_138 : i32
      %select_n3A_149 = arith.select %and3A_147, %add3A_148, %rem3A_139 : i32
      %mul3A_150 = arith.constant 16 : i32
      %mul3A_151 = arith.muli %select_n3A_149, %mul3A_150 : i32
      %swap3A = arith.index_cast %select_n3A : i32 to index
      %swap3A_152 = arith.index_cast %mul3A_151 : i32 to index
      %swap3A_153 = tpu.vector_load %arg5[%swap3A, %swap3A_152] {strides = array<i32>} : memref<64x128xf32, #tpu.memory_space<vmem>>, vector<1x16xf32>,
      %swap3A_154 = vector.shape_cast %swap3A_153 : vector<1x16xf32> to vector<16xf32>
      %swap3A_155 = vector.shape_cast %broadcast_in_dim3A_118 : vector<16xf32> to vector<1x16xf32>
      tpu.vector_store %arg5[%swap3A, %swap3A_152], %swap3A_155 {strides = array<i32>} : memref<64x128xf32, #tpu.memory_space<vmem>>, vector<1x16xf32>,
      %scan3A_156 = arith.constant 0 : i32
      scf.yield %scan3A_156 : i32
    }
    %scan3A_22 = arith.constant 512 : i32
    %barrier3A = arith.constant 0 : index
    tpu.barrier barrier_id(%barrier3A)
    %mul3A_23 = arith.constant 157 : i32
    %mul3A_24 = arith.muli %add3A, %mul3A_23 : i32
    %add3A_25 = arith.constant 0 : i32
    %add3A_26 = arith.addi %mul3A_24, %add3A_25 : i32
    %mul3A_27 = arith.constant 64 : i32
    %mul3A_28 = arith.muli %add3A_26, %mul3A_27 : i32
    %multiple_of3A = tpu.assume_multiple %mul3A_28, 8 : i32
    %dma_start3A = arith.constant 0 : i32
    %dma_start3A_29 = arith.constant 0 : i32
    %dma_start3A_30 = arith.constant 0 : i32
    %dma_start3A_31 = tpu.memref_slice %arg4[%dma_start3A, %dma_start3A_30] : memref<8x64xi32, #tpu.memory_space<vmem>> -> memref<1x64xi32, #tpu.memory_space<vmem>>
    %dma_start3A_32 = tpu.memref_squeeze %dma_start3A_31 : memref<1x64xi32, #tpu.memory_space<vmem>> -> memref<64xi32, #tpu.memory_space<vmem>>
    %dma_start3A_33 = tpu.memref_slice %arg2[%multiple_of3A] : memref<321536xi32, #tpu.memory_space<hbm>> -> memref<64xi32, #tpu.memory_space<hbm>>
    %dma_start3A_34 = tpu.memref_slice %arg8[%dma_start3A_29] : memref<4x!tpu.dma_semaphore, #tpu.memory_space<semaphore_mem>> -> memref<1x!tpu.dma_semaphore, #tpu.memory_space<semaphore_mem>>
    %dma_start3A_35 = tpu.memref_squeeze %dma_start3A_34 : memref<1x!tpu.dma_semaphore, #tpu.memory_space<semaphore_mem>> -> memref<!tpu.dma_semaphore, #tpu.memory_space<semaphore_mem>>
    %dma_start3A_36 = arith.constant 0 : i32
    %dma_start3A_37 = tpu.memref_slice %arg4[%dma_start3A, %dma_start3A_36] : memref<8x64xi32, #tpu.memory_space<vmem>> -> memref<1x64xi32, #tpu.memory_space<vmem>>
    %dma_start3A_38 = tpu.memref_squeeze %dma_start3A_37 : memref<1x64xi32, #tpu.memory_space<vmem>> -> memref<64xi32, #tpu.memory_space<vmem>>
    %dma_start3A_39 = tpu.memref_slice %arg2[%multiple_of3A] : memref<321536xi32, #tpu.memory_space<hbm>> -> memref<64xi32, #tpu.memory_space<hbm>>
    tpu.enqueue_dma source(%dma_start3A_39 : memref<64xi32, #tpu.memory_space<hbm>>) target(%dma_start3A_38 : memref<64xi32, #tpu.memory_space<vmem>>) target_semaphore(%dma_start3A_35 : memref<!tpu.dma_semaphore, #tpu.memory_space<semaphore_mem>>)
    %add3A_40 = arith.constant 1 : i32
    %add3A_41 = arith.addi %mul3A_24, %add3A_40 : i32
    %mul3A_42 = arith.constant 64 : i32
    %mul3A_43 = arith.muli %add3A_41, %mul3A_42 : i32
    %multiple_of3A_44 = tpu.assume_multiple %mul3A_43, 8 : i32
    %dma_start3A_45 = arith.constant 1 : i32
    %dma_start3A_46 = arith.constant 1 : i32
    %dma_start3A_47 = arith.constant 0 : i32
    %dma_start3A_48 = tpu.memref_slice %arg4[%dma_start3A_45, %dma_start3A_47] : memref<8x64xi32, #tpu.memory_space<vmem>> -> memref<1x64xi32, #tpu.memory_space<vmem>>
    %dma_start3A_49 = tpu.memref_squeeze %dma_start3A_48 : memref<1x64xi32, #tpu.memory_space<vmem>> -> memref<64xi32, #tpu.memory_space<vmem>>
    %dma_start3A_50 = tpu.memref_slice %arg2[%multiple_of3A_44] : memref<321536xi32, #tpu.memory_space<hbm>> -> memref<64xi32, #tpu.memory_space<hbm>>
    %dma_start3A_51 = tpu.memref_slice %arg8[%dma_start3A_46] : memref<4x!tpu.dma_semaphore, #tpu.memory_space<semaphore_mem>> -> memref<1x!tpu.dma_semaphore, #tpu.memory_space<semaphore_mem>>
    %dma_start3A_52 = tpu.memref_squeeze %dma_start3A_51 : memref<1x!tpu.dma_semaphore, #tpu.memory_space<semaphore_mem>> -> memref<!tpu.dma_semaphore, #tpu.memory_space<semaphore_mem>>
    %dma_start3A_53 = arith.constant 0 : i32
    %dma_start3A_54 = tpu.memref_slice %arg4[%dma_start3A_45, %dma_start3A_53] : memref<8x64xi32, #tpu.memory_space<vmem>> -> memref<1x64xi32, #tpu.memory_space<vmem>>
    %dma_start3A_55 = tpu.memref_squeeze %dma_start3A_54 : memref<1x64xi32, #tpu.memory_space<vmem>> -> memref<64xi32, #tpu.memory_space<vmem>>
    %dma_start3A_56 = tpu.memref_slice %arg2[%multiple_of3A_44] : memref<321536xi32, #tpu.memory_space<hbm>> -> memref<64xi32, #tpu.memory_space<hbm>>
    tpu.enqueue_dma source(%dma_start3A_56 : memref<64xi32, #tpu.memory_space<hbm>>) target(%dma_start3A_55 : memref<64xi32, #tpu.memory_space<vmem>>) target_semaphore(%dma_start3A_52 : memref<!tpu.dma_semaphore, #tpu.memory_space<semaphore_mem>>)
    %scan3A_57 = arith.constant 0 : i32
    %scan3A_58 = arith.constant 0 : i32
    %scan3A_59 = arith.constant 157 : i32
    %scan3A_60 = arith.addi %scan3A_58, %scan3A_59 : i32
    %scan3A_61 = arith.constant 1 : i32
    %scan3A_62 = scf.for %scan3A_116 = %scan3A_58 to %scan3A_60 step %scan3A_61 iter_args(%scan3A_117 = %scan3A_57) -> (i32)  : i32 {
      %add3A_118 = arith.constant 2 : i32
      %add3A_119 = arith.addi %scan3A_116, %add3A_118 : i32
      %lt3A_120 = arith.constant 157 : i32
      %lt3A_121 = arith.cmpi slt, %add3A_119, %lt3A_120 : i32
      %convert_element_type3A_122 = arith.extui %lt3A_121 : i1 to i32
      %cond3A_123 = arith.constant 0 : i32
      %cond3A_124 = arith.cmpi ne, %convert_element_type3A_122, %cond3A_123 : i32
      scf.if %cond3A_124 {
        %add3A_193 = arith.constant 2 : i32
        %add3A_194 = arith.addi %scan3A_116, %add3A_193 : i32
        %add3A_195 = arith.addi %mul3A_24, %add3A_194 : i32
        %mul3A_196 = arith.constant 64 : i32
        %mul3A_197 = arith.muli %add3A_195, %mul3A_196 : i32
        %multiple_of3A_198 = tpu.assume_multiple %mul3A_197, 8 : i32
        %jit3A_199 = arith.constant 8 : i32
        %eq3A_200 = arith.constant 0 : i32
        %eq3A_201 = arith.cmpi eq, %jit3A_199, %eq3A_200 : i32
        %jit3A_202 = arith.constant 1 : i32
        %select_n3A_203 = arith.select %eq3A_201, %jit3A_202, %jit3A_199 : i32
        %rem3A_204 = arith.remsi %add3A_194, %select_n3A_203 : i32
        %ne3A_205 = arith.constant 0 : i32
        %ne3A_206 = arith.cmpi ne, %rem3A_204, %ne3A_205 : i32
        %lt3A_207 = arith.constant 0 : i32
        %lt3A_208 = arith.cmpi slt, %rem3A_204, %lt3A_207 : i32
        %lt3A_209 = arith.constant 0 : i32
        %lt3A_210 = arith.cmpi slt, %select_n3A_203, %lt3A_209 : i32
        %ne3A_211 = arith.xori %lt3A_208, %lt3A_210 : i1
        %and3A_212 = arith.andi %ne3A_211, %ne3A_206 : i1
        %add3A_213 = arith.addi %rem3A_204, %select_n3A_203 : i32
        %select_n3A_214 = arith.select %and3A_212, %add3A_213, %rem3A_204 : i32
        %jit3A_215 = arith.constant 4 : i32
        %eq3A_216 = arith.constant 0 : i32
        %eq3A_217 = arith.cmpi eq, %jit3A_215, %eq3A_216 : i32
        %jit3A_218 = arith.constant 1 : i32
        %select_n3A_219 = arith.select %eq3A_217, %jit3A_218, %jit3A_215 : i32
        %rem3A_220 = arith.remsi %add3A_194, %select_n3A_219 : i32
        %ne3A_221 = arith.constant 0 : i32
        %ne3A_222 = arith.cmpi ne, %rem3A_220, %ne3A_221 : i32
        %lt3A_223 = arith.constant 0 : i32
        %lt3A_224 = arith.cmpi slt, %rem3A_220, %lt3A_223 : i32
        %lt3A_225 = arith.constant 0 : i32
        %lt3A_226 = arith.cmpi slt, %select_n3A_219, %lt3A_225 : i32
        %ne3A_227 = arith.xori %lt3A_224, %lt3A_226 : i1
        %and3A_228 = arith.andi %ne3A_227, %ne3A_222 : i1
        %add3A_229 = arith.addi %rem3A_220, %select_n3A_219 : i32
        %select_n3A_230 = arith.select %and3A_228, %add3A_229, %rem3A_220 : i32
        %dma_start3A_231 = arith.constant 0 : i32
        %dma_start3A_232 = tpu.memref_slice %arg4[%select_n3A_214, %dma_start3A_231] : memref<8x64xi32, #tpu.memory_space<vmem>> -> memref<1x64xi32, #tpu.memory_space<vmem>>
        %dma_start3A_233 = tpu.memref_squeeze %dma_start3A_232 : memref<1x64xi32, #tpu.memory_space<vmem>> -> memref<64xi32, #tpu.memory_space<vmem>>
        %dma_start3A_234 = tpu.memref_slice %arg2[%multiple_of3A_198] : memref<321536xi32, #tpu.memory_space<hbm>> -> memref<64xi32, #tpu.memory_space<hbm>>
        %dma_start3A_235 = tpu.memref_slice %arg8[%select_n3A_230] : memref<4x!tpu.dma_semaphore, #tpu.memory_space<semaphore_mem>> -> memref<1x!tpu.dma_semaphore, #tpu.memory_space<semaphore_mem>>
        %dma_start3A_236 = tpu.memref_squeeze %dma_start3A_235 : memref<1x!tpu.dma_semaphore, #tpu.memory_space<semaphore_mem>> -> memref<!tpu.dma_semaphore, #tpu.memory_space<semaphore_mem>>
        %dma_start3A_237 = arith.constant 0 : i32
        %dma_start3A_238 = tpu.memref_slice %arg4[%select_n3A_214, %dma_start3A_237] : memref<8x64xi32, #tpu.memory_space<vmem>> -> memref<1x64xi32, #tpu.memory_space<vmem>>
        %dma_start3A_239 = tpu.memref_squeeze %dma_start3A_238 : memref<1x64xi32, #tpu.memory_space<vmem>> -> memref<64xi32, #tpu.memory_space<vmem>>
        %dma_start3A_240 = tpu.memref_slice %arg2[%multiple_of3A_198] : memref<321536xi32, #tpu.memory_space<hbm>> -> memref<64xi32, #tpu.memory_space<hbm>>
        tpu.enqueue_dma source(%dma_start3A_240 : memref<64xi32, #tpu.memory_space<hbm>>) target(%dma_start3A_239 : memref<64xi32, #tpu.memory_space<vmem>>) target_semaphore(%dma_start3A_236 : memref<!tpu.dma_semaphore, #tpu.memory_space<semaphore_mem>>)
      } else {
      }
      %ge3A = arith.constant 4 : i32
      %ge3A_125 = arith.cmpi sge, %scan3A_116, %ge3A : i32
      %convert_element_type3A_126 = arith.extui %ge3A_125 : i1 to i32
      %cond3A_127 = arith.constant 0 : i32
      %cond3A_128 = arith.cmpi ne, %convert_element_type3A_126, %cond3A_127 : i32
      scf.if %cond3A_128 {
        %sub3A = arith.constant 4 : i32
        %sub3A_193 = arith.subi %scan3A_116, %sub3A : i32
        %jit3A_194 = arith.constant 8 : i32
        %eq3A_195 = arith.constant 0 : i32
        %eq3A_196 = arith.cmpi eq, %jit3A_194, %eq3A_195 : i32
        %jit3A_197 = arith.constant 1 : i32
        %select_n3A_198 = arith.select %eq3A_196, %jit3A_197, %jit3A_194 : i32
        %rem3A_199 = arith.remsi %sub3A_193, %select_n3A_198 : i32
        %ne3A_200 = arith.constant 0 : i32
        %ne3A_201 = arith.cmpi ne, %rem3A_199, %ne3A_200 : i32
        %lt3A_202 = arith.constant 0 : i32
        %lt3A_203 = arith.cmpi slt, %rem3A_199, %lt3A_202 : i32
        %lt3A_204 = arith.constant 0 : i32
        %lt3A_205 = arith.cmpi slt, %select_n3A_198, %lt3A_204 : i32
        %ne3A_206 = arith.xori %lt3A_203, %lt3A_205 : i1
        %and3A_207 = arith.andi %ne3A_206, %ne3A_201 : i1
        %add3A_208 = arith.addi %rem3A_199, %select_n3A_198 : i32
        %select_n3A_209 = arith.select %and3A_207, %add3A_208, %rem3A_199 : i32
        %jit3A_210 = arith.constant 4 : i32
        %eq3A_211 = arith.constant 0 : i32
        %eq3A_212 = arith.cmpi eq, %jit3A_210, %eq3A_211 : i32
        %jit3A_213 = arith.constant 1 : i32
        %select_n3A_214 = arith.select %eq3A_212, %jit3A_213, %jit3A_210 : i32
        %rem3A_215 = arith.remsi %sub3A_193, %select_n3A_214 : i32
        %ne3A_216 = arith.constant 0 : i32
        %ne3A_217 = arith.cmpi ne, %rem3A_215, %ne3A_216 : i32
        %lt3A_218 = arith.constant 0 : i32
        %lt3A_219 = arith.cmpi slt, %rem3A_215, %lt3A_218 : i32
        %lt3A_220 = arith.constant 0 : i32
        %lt3A_221 = arith.cmpi slt, %select_n3A_214, %lt3A_220 : i32
        %ne3A_222 = arith.xori %lt3A_219, %lt3A_221 : i1
        %and3A_223 = arith.andi %ne3A_222, %ne3A_217 : i1
        %add3A_224 = arith.addi %rem3A_215, %select_n3A_214 : i32
        %select_n3A_225 = arith.select %and3A_223, %add3A_224, %rem3A_215 : i32
        %dma_wait3A_226 = arith.constant 0 : i32
        %dma_wait3A_227 = tpu.memref_slice %arg4[%select_n3A_209, %dma_wait3A_226] : memref<8x64xi32, #tpu.memory_space<vmem>> -> memref<1x64xi32, #tpu.memory_space<vmem>>
        %dma_wait3A_228 = tpu.memref_squeeze %dma_wait3A_227 : memref<1x64xi32, #tpu.memory_space<vmem>> -> memref<64xi32, #tpu.memory_space<vmem>>
        %dma_wait3A_229 = arith.constant 0 : i32
        %dma_wait3A_230 = arith.constant 0 : i32
        %dma_wait3A_231 = tpu.memref_slice %arg7[%dma_wait3A_229, %dma_wait3A_230] : memref<10064x128xf32, #tpu.memory_space<vmem_shared>> -> memref<10064x128xf32, #tpu.memory_space<vmem_shared>>
        %dma_wait3A_232 = tpu.memref_slice %arg9[%select_n3A_225] : memref<4x!tpu.dma_semaphore, #tpu.memory_space<semaphore_mem>> -> memref<1x!tpu.dma_semaphore, #tpu.memory_space<semaphore_mem>>
        %dma_wait3A_233 = tpu.memref_squeeze %dma_wait3A_232 : memref<1x!tpu.dma_semaphore, #tpu.memory_space<semaphore_mem>> -> memref<!tpu.dma_semaphore, #tpu.memory_space<semaphore_mem>>
        tpu.wait_indirect_dma semaphore(%dma_wait3A_233 : memref<!tpu.dma_semaphore, #tpu.memory_space<semaphore_mem>>) src(%arg5 : memref<64x128xf32, #tpu.memory_space<vmem>>) dst(%dma_wait3A_231 : memref<10064x128xf32, #tpu.memory_space<vmem_shared>>)
      } else {
      }
      %jit3A = arith.constant 4 : i32
      %eq3A = arith.constant 0 : i32
      %eq3A_129 = arith.cmpi eq, %jit3A, %eq3A : i32
      %jit3A_130 = arith.constant 1 : i32
      %select_n3A = arith.select %eq3A_129, %jit3A_130, %jit3A : i32
      %rem3A = arith.remsi %scan3A_116, %select_n3A : i32
      %ne3A = arith.constant 0 : i32
      %ne3A_131 = arith.cmpi ne, %rem3A, %ne3A : i32
      %lt3A_132 = arith.constant 0 : i32
      %lt3A_133 = arith.cmpi slt, %rem3A, %lt3A_132 : i32
      %lt3A_134 = arith.constant 0 : i32
      %lt3A_135 = arith.cmpi slt, %select_n3A, %lt3A_134 : i32
      %ne3A_136 = arith.xori %lt3A_133, %lt3A_135 : i1
      %and3A = arith.andi %ne3A_136, %ne3A_131 : i1
      %add3A_137 = arith.addi %rem3A, %select_n3A : i32
      %select_n3A_138 = arith.select %and3A, %add3A_137, %rem3A : i32
      %dma_wait3A_139 = arith.constant 0 : i32
      %dma_wait3A_140 = arith.constant 0 : i32
      %dma_wait3A_141 = tpu.memref_slice %arg4[%dma_wait3A_139, %dma_wait3A_140] : memref<8x64xi32, #tpu.memory_space<vmem>> -> memref<1x64xi32, #tpu.memory_space<vmem>>
      %dma_wait3A_142 = tpu.memref_squeeze %dma_wait3A_141 : memref<1x64xi32, #tpu.memory_space<vmem>> -> memref<64xi32, #tpu.memory_space<vmem>>
      %dma_wait3A_143 = arith.constant 0 : i32
      %dma_wait3A_144 = tpu.memref_slice %arg2[%dma_wait3A_143] : memref<321536xi32, #tpu.memory_space<hbm>> -> memref<64xi32, #tpu.memory_space<hbm>>
      %dma_wait3A_145 = tpu.memref_slice %arg8[%select_n3A_138] : memref<4x!tpu.dma_semaphore, #tpu.memory_space<semaphore_mem>> -> memref<1x!tpu.dma_semaphore, #tpu.memory_space<semaphore_mem>>
      %dma_wait3A_146 = tpu.memref_squeeze %dma_wait3A_145 : memref<1x!tpu.dma_semaphore, #tpu.memory_space<semaphore_mem>> -> memref<!tpu.dma_semaphore, #tpu.memory_space<semaphore_mem>>
      %dma_wait3A_147 = arith.constant 0 : i32
      %dma_wait3A_148 = tpu.memref_slice %arg4[%dma_wait3A_139, %dma_wait3A_147] : memref<8x64xi32, #tpu.memory_space<vmem>> -> memref<1x64xi32, #tpu.memory_space<vmem>>
      %dma_wait3A_149 = tpu.memref_squeeze %dma_wait3A_148 : memref<1x64xi32, #tpu.memory_space<vmem>> -> memref<64xi32, #tpu.memory_space<vmem>>
      %dma_wait3A_150 = arith.constant 0 : i32
      %dma_wait3A_151 = tpu.memref_slice %arg2[%dma_wait3A_150] : memref<321536xi32, #tpu.memory_space<hbm>> -> memref<64xi32, #tpu.memory_space<hbm>>
      tpu.wait_dma2 semaphore(%dma_wait3A_146 : memref<!tpu.dma_semaphore, #tpu.memory_space<semaphore_mem>>) src(%dma_wait3A_151 : memref<64xi32, #tpu.memory_space<hbm>>) dst(%dma_wait3A_149 : memref<64xi32, #tpu.memory_space<vmem>>)
      %jit3A_152 = arith.constant 8 : i32
      %eq3A_153 = arith.constant 0 : i32
      %eq3A_154 = arith.cmpi eq, %jit3A_152, %eq3A_153 : i32
      %jit3A_155 = arith.constant 1 : i32
      %select_n3A_156 = arith.select %eq3A_154, %jit3A_155, %jit3A_152 : i32
      %rem3A_157 = arith.remsi %scan3A_116, %select_n3A_156 : i32
      %ne3A_158 = arith.constant 0 : i32
      %ne3A_159 = arith.cmpi ne, %rem3A_157, %ne3A_158 : i32
      %lt3A_160 = arith.constant 0 : i32
      %lt3A_161 = arith.cmpi slt, %rem3A_157, %lt3A_160 : i32
      %lt3A_162 = arith.constant 0 : i32
      %lt3A_163 = arith.cmpi slt, %select_n3A_156, %lt3A_162 : i32
      %ne3A_164 = arith.xori %lt3A_161, %lt3A_163 : i1
      %and3A_165 = arith.andi %ne3A_164, %ne3A_159 : i1
      %add3A_166 = arith.addi %rem3A_157, %select_n3A_156 : i32
      %select_n3A_167 = arith.select %and3A_165, %add3A_166, %rem3A_157 : i32
      %jit3A_168 = arith.constant 4 : i32
      %eq3A_169 = arith.constant 0 : i32
      %eq3A_170 = arith.cmpi eq, %jit3A_168, %eq3A_169 : i32
      %jit3A_171 = arith.constant 1 : i32
      %select_n3A_172 = arith.select %eq3A_170, %jit3A_171, %jit3A_168 : i32
      %rem3A_173 = arith.remsi %scan3A_116, %select_n3A_172 : i32
      %ne3A_174 = arith.constant 0 : i32
      %ne3A_175 = arith.cmpi ne, %rem3A_173, %ne3A_174 : i32
      %lt3A_176 = arith.constant 0 : i32
      %lt3A_177 = arith.cmpi slt, %rem3A_173, %lt3A_176 : i32
      %lt3A_178 = arith.constant 0 : i32
      %lt3A_179 = arith.cmpi slt, %select_n3A_172, %lt3A_178 : i32
      %ne3A_180 = arith.xori %lt3A_177, %lt3A_179 : i1
      %and3A_181 = arith.andi %ne3A_180, %ne3A_175 : i1
      %add3A_182 = arith.addi %rem3A_173, %select_n3A_172 : i32
      %select_n3A_183 = arith.select %and3A_181, %add3A_182, %rem3A_173 : i32
      %dma_start3A_184 = arith.constant 0 : i32
      %dma_start3A_185 = tpu.memref_slice %arg4[%select_n3A_167, %dma_start3A_184] : memref<8x64xi32, #tpu.memory_space<vmem>> -> memref<1x64xi32, #tpu.memory_space<vmem>>
      %dma_start3A_186 = tpu.memref_squeeze %dma_start3A_185 : memref<1x64xi32, #tpu.memory_space<vmem>> -> memref<64xi32, #tpu.memory_space<vmem>>
      %dma_start3A_187 = arith.constant 0 : i32
      %dma_start3A_188 = arith.constant 0 : i32
      %dma_start3A_189 = tpu.memref_slice %arg7[%dma_start3A_187, %dma_start3A_188] : memref<10064x128xf32, #tpu.memory_space<vmem_shared>> -> memref<10064x128xf32, #tpu.memory_space<vmem_shared>>
      %dma_start3A_190 = tpu.memref_slice %arg9[%select_n3A_183] : memref<4x!tpu.dma_semaphore, #tpu.memory_space<semaphore_mem>> -> memref<1x!tpu.dma_semaphore, #tpu.memory_space<semaphore_mem>>
      %dma_start3A_191 = tpu.memref_squeeze %dma_start3A_190 : memref<1x!tpu.dma_semaphore, #tpu.memory_space<semaphore_mem>> -> memref<!tpu.dma_semaphore, #tpu.memory_space<semaphore_mem>>
      tpu.enqueue_indirect_dma source(%arg5 : memref<64x128xf32, #tpu.memory_space<vmem>>) target(%dma_start3A_189 : memref<10064x128xf32, #tpu.memory_space<vmem_shared>>) offsets(%dma_start3A_186 : memref<64xi32, #tpu.memory_space<vmem>>) semaphore(%dma_start3A_191 : memref<!tpu.dma_semaphore, #tpu.memory_space<semaphore_mem>>) {add = true}
      %scan3A_192 = arith.constant 0 : i32
      scf.yield %scan3A_192 : i32
    }
    %scan3A_63 = arith.constant 157 : i32
    %dma_wait3A = arith.constant 1 : i32
    %dma_wait3A_64 = arith.constant 1 : i32
    %dma_wait3A_65 = arith.constant 0 : i32
    %dma_wait3A_66 = tpu.memref_slice %arg4[%dma_wait3A, %dma_wait3A_65] : memref<8x64xi32, #tpu.memory_space<vmem>> -> memref<1x64xi32, #tpu.memory_space<vmem>>
    %dma_wait3A_67 = tpu.memref_squeeze %dma_wait3A_66 : memref<1x64xi32, #tpu.memory_space<vmem>> -> memref<64xi32, #tpu.memory_space<vmem>>
    %dma_wait3A_68 = arith.constant 0 : i32
    %dma_wait3A_69 = arith.constant 0 : i32
    %dma_wait3A_70 = tpu.memref_slice %arg7[%dma_wait3A_68, %dma_wait3A_69] : memref<10064x128xf32, #tpu.memory_space<vmem_shared>> -> memref<10064x128xf32, #tpu.memory_space<vmem_shared>>
    %dma_wait3A_71 = tpu.memref_slice %arg9[%dma_wait3A_64] : memref<4x!tpu.dma_semaphore, #tpu.memory_space<semaphore_mem>> -> memref<1x!tpu.dma_semaphore, #tpu.memory_space<semaphore_mem>>
    %dma_wait3A_72 = tpu.memref_squeeze %dma_wait3A_71 : memref<1x!tpu.dma_semaphore, #tpu.memory_space<semaphore_mem>> -> memref<!tpu.dma_semaphore, #tpu.memory_space<semaphore_mem>>
    tpu.wait_indirect_dma semaphore(%dma_wait3A_72 : memref<!tpu.dma_semaphore, #tpu.memory_space<semaphore_mem>>) src(%arg5 : memref<64x128xf32, #tpu.memory_space<vmem>>) dst(%dma_wait3A_70 : memref<10064x128xf32, #tpu.memory_space<vmem_shared>>)
    %dma_wait3A_73 = arith.constant 2 : i32
    %dma_wait3A_74 = arith.constant 2 : i32
    %dma_wait3A_75 = arith.constant 0 : i32
    %dma_wait3A_76 = tpu.memref_slice %arg4[%dma_wait3A_73, %dma_wait3A_75] : memref<8x64xi32, #tpu.memory_space<vmem>> -> memref<1x64xi32, #tpu.memory_space<vmem>>
    %dma_wait3A_77 = tpu.memref_squeeze %dma_wait3A_76 : memref<1x64xi32, #tpu.memory_space<vmem>> -> memref<64xi32, #tpu.memory_space<vmem>>
    %dma_wait3A_78 = arith.constant 0 : i32
    %dma_wait3A_79 = arith.constant 0 : i32
    %dma_wait3A_80 = tpu.memref_slice %arg7[%dma_wait3A_78, %dma_wait3A_79] : memref<10064x128xf32, #tpu.memory_space<vmem_shared>> -> memref<10064x128xf32, #tpu.memory_space<vmem_shared>>
    %dma_wait3A_81 = tpu.memref_slice %arg9[%dma_wait3A_74] : memref<4x!tpu.dma_semaphore, #tpu.memory_space<semaphore_mem>> -> memref<1x!tpu.dma_semaphore, #tpu.memory_space<semaphore_mem>>
    %dma_wait3A_82 = tpu.memref_squeeze %dma_wait3A_81 : memref<1x!tpu.dma_semaphore, #tpu.memory_space<semaphore_mem>> -> memref<!tpu.dma_semaphore, #tpu.memory_space<semaphore_mem>>
    tpu.wait_indirect_dma semaphore(%dma_wait3A_82 : memref<!tpu.dma_semaphore, #tpu.memory_space<semaphore_mem>>) src(%arg5 : memref<64x128xf32, #tpu.memory_space<vmem>>) dst(%dma_wait3A_80 : memref<10064x128xf32, #tpu.memory_space<vmem_shared>>)
    %dma_wait3A_83 = arith.constant 3 : i32
    %dma_wait3A_84 = arith.constant 3 : i32
    %dma_wait3A_85 = arith.constant 0 : i32
    %dma_wait3A_86 = tpu.memref_slice %arg4[%dma_wait3A_83, %dma_wait3A_85] : memref<8x64xi32, #tpu.memory_space<vmem>> -> memref<1x64xi32, #tpu.memory_space<vmem>>
    %dma_wait3A_87 = tpu.memref_squeeze %dma_wait3A_86 : memref<1x64xi32, #tpu.memory_space<vmem>> -> memref<64xi32, #tpu.memory_space<vmem>>
    %dma_wait3A_88 = arith.constant 0 : i32
    %dma_wait3A_89 = arith.constant 0 : i32
    %dma_wait3A_90 = tpu.memref_slice %arg7[%dma_wait3A_88, %dma_wait3A_89] : memref<10064x128xf32, #tpu.memory_space<vmem_shared>> -> memref<10064x128xf32, #tpu.memory_space<vmem_shared>>
    %dma_wait3A_91 = tpu.memref_slice %arg9[%dma_wait3A_84] : memref<4x!tpu.dma_semaphore, #tpu.memory_space<semaphore_mem>> -> memref<1x!tpu.dma_semaphore, #tpu.memory_space<semaphore_mem>>
    %dma_wait3A_92 = tpu.memref_squeeze %dma_wait3A_91 : memref<1x!tpu.dma_semaphore, #tpu.memory_space<semaphore_mem>> -> memref<!tpu.dma_semaphore, #tpu.memory_space<semaphore_mem>>
    tpu.wait_indirect_dma semaphore(%dma_wait3A_92 : memref<!tpu.dma_semaphore, #tpu.memory_space<semaphore_mem>>) src(%arg5 : memref<64x128xf32, #tpu.memory_space<vmem>>) dst(%dma_wait3A_90 : memref<10064x128xf32, #tpu.memory_space<vmem_shared>>)
    %dma_wait3A_93 = arith.constant 4 : i32
    %dma_wait3A_94 = arith.constant 0 : i32
    %dma_wait3A_95 = arith.constant 0 : i32
    %dma_wait3A_96 = tpu.memref_slice %arg4[%dma_wait3A_93, %dma_wait3A_95] : memref<8x64xi32, #tpu.memory_space<vmem>> -> memref<1x64xi32, #tpu.memory_space<vmem>>
    %dma_wait3A_97 = tpu.memref_squeeze %dma_wait3A_96 : memref<1x64xi32, #tpu.memory_space<vmem>> -> memref<64xi32, #tpu.memory_space<vmem>>
    %dma_wait3A_98 = arith.constant 0 : i32
    %dma_wait3A_99 = arith.constant 0 : i32
    %dma_wait3A_100 = tpu.memref_slice %arg7[%dma_wait3A_98, %dma_wait3A_99] : memref<10064x128xf32, #tpu.memory_space<vmem_shared>> -> memref<10064x128xf32, #tpu.memory_space<vmem_shared>>
    %dma_wait3A_101 = tpu.memref_slice %arg9[%dma_wait3A_94] : memref<4x!tpu.dma_semaphore, #tpu.memory_space<semaphore_mem>> -> memref<1x!tpu.dma_semaphore, #tpu.memory_space<semaphore_mem>>
    %dma_wait3A_102 = tpu.memref_squeeze %dma_wait3A_101 : memref<1x!tpu.dma_semaphore, #tpu.memory_space<semaphore_mem>> -> memref<!tpu.dma_semaphore, #tpu.memory_space<semaphore_mem>>
    tpu.wait_indirect_dma semaphore(%dma_wait3A_102 : memref<!tpu.dma_semaphore, #tpu.memory_space<semaphore_mem>>) src(%arg5 : memref<64x128xf32, #tpu.memory_space<vmem>>) dst(%dma_wait3A_100 : memref<10064x128xf32, #tpu.memory_space<vmem_shared>>)
    %barrier3A_103 = arith.constant 0 : index
    tpu.barrier barrier_id(%barrier3A_103)
    %scan3A_104 = arith.constant 0 : i32
    %scan3A_105 = arith.constant 0 : i32
    %scan3A_106 = arith.constant 15 : i32
    %scan3A_107 = arith.addi %scan3A_105, %scan3A_106 : i32
    %scan3A_108 = arith.constant 1 : i32
    %scan3A_109 = scf.for %scan3A_116 = %scan3A_105 to %scan3A_107 step %scan3A_108 iter_args(%scan3A_117 = %scan3A_104) -> (i32)  : i32 {
      %mul3A_118 = arith.constant 16 : i32
      %mul3A_119 = arith.muli %scan3A_116, %mul3A_118 : i32
      %add3A_120 = arith.addi %mul3A_119, %arg1 : i32
      %mul3A_121 = arith.constant 40 : i32
      %mul3A_122 = arith.muli %add3A_120, %mul3A_121 : i32
      %multiple_of3A_123 = tpu.assume_multiple %mul3A_122, 8 : i32
      "tpu.region"() ({
        %run_scoped3A = tpu.sem_alloc : memref<!tpu.dma_semaphore, #tpu.memory_space<semaphore_mem>>
        %dma_start3A_125 = arith.constant 0 : i32
        %dma_start3A_126 = tpu.memref_slice %arg7[%multiple_of3A_123, %dma_start3A_125] : memref<10064x128xf32, #tpu.memory_space<vmem_shared>> -> memref<40x128xf32, #tpu.memory_space<vmem_shared>>
        %dma_start3A_127 = arith.constant 0 : i32
        %dma_start3A_128 = tpu.memref_slice %arg7[%multiple_of3A_123, %dma_start3A_127] : memref<10064x128xf32, #tpu.memory_space<vmem_shared>> -> memref<40x128xf32, #tpu.memory_space<vmem_shared>>
        tpu.enqueue_dma source(%dma_start3A_128 : memref<40x128xf32, #tpu.memory_space<vmem_shared>>) target(%arg6 : memref<40x128xf32, #tpu.memory_space<vmem>>) target_semaphore(%run_scoped3A : memref<!tpu.dma_semaphore, #tpu.memory_space<semaphore_mem>>)
        %dma_wait3A_129 = arith.constant 0 : i32
        %dma_wait3A_130 = tpu.memref_slice %arg7[%multiple_of3A_123, %dma_wait3A_129] : memref<10064x128xf32, #tpu.memory_space<vmem_shared>> -> memref<40x128xf32, #tpu.memory_space<vmem_shared>>
        %dma_wait3A_131 = arith.constant 0 : i32
        %dma_wait3A_132 = tpu.memref_slice %arg7[%multiple_of3A_123, %dma_wait3A_131] : memref<10064x128xf32, #tpu.memory_space<vmem_shared>> -> memref<40x128xf32, #tpu.memory_space<vmem_shared>>
        tpu.wait_dma2 semaphore(%run_scoped3A : memref<!tpu.dma_semaphore, #tpu.memory_space<semaphore_mem>>) src(%dma_wait3A_132 : memref<40x128xf32, #tpu.memory_space<vmem_shared>>) dst(%arg6 : memref<40x128xf32, #tpu.memory_space<vmem>>)
        tpu.yield
      }) : () -> ()
      "tpu.region"() ({
        %run_scoped3A = tpu.sem_alloc : memref<!tpu.dma_semaphore, #tpu.memory_space<semaphore_mem>>
        %dma_start3A_125 = arith.constant 0 : i32
        %dma_start3A_126 = tpu.memref_slice %arg3[%arg0, %multiple_of3A_123, %dma_start3A_125] : memref<2x10000x128xf32, #tpu.memory_space<hbm>> -> memref<1x40x128xf32, #tpu.memory_space<hbm>>
        %dma_start3A_127 = tpu.memref_squeeze %dma_start3A_126 : memref<1x40x128xf32, #tpu.memory_space<hbm>> -> memref<40x128xf32, #tpu.memory_space<hbm>>
        %dma_start3A_128 = arith.constant 0 : i32
        %dma_start3A_129 = tpu.memref_slice %arg3[%arg0, %multiple_of3A_123, %dma_start3A_128] : memref<2x10000x128xf32, #tpu.memory_space<hbm>> -> memref<1x40x128xf32, #tpu.memory_space<hbm>>
        %dma_start3A_130 = tpu.memref_squeeze %dma_start3A_129 : memref<1x40x128xf32, #tpu.memory_space<hbm>> -> memref<40x128xf32, #tpu.memory_space<hbm>>
        tpu.enqueue_dma source(%arg6 : memref<40x128xf32, #tpu.memory_space<vmem>>) target(%dma_start3A_130 : memref<40x128xf32, #tpu.memory_space<hbm>>) target_semaphore(%run_scoped3A : memref<!tpu.dma_semaphore, #tpu.memory_space<semaphore_mem>>)
        %dma_wait3A_131 = arith.constant 0 : i32
        %dma_wait3A_132 = tpu.memref_slice %arg3[%arg0, %multiple_of3A_123, %dma_wait3A_131] : memref<2x10000x128xf32, #tpu.memory_space<hbm>> -> memref<1x40x128xf32, #tpu.memory_space<hbm>>
        %dma_wait3A_133 = tpu.memref_squeeze %dma_wait3A_132 : memref<1x40x128xf32, #tpu.memory_space<hbm>> -> memref<40x128xf32, #tpu.memory_space<hbm>>
        %dma_wait3A_134 = arith.constant 0 : i32
        %dma_wait3A_135 = tpu.memref_slice %arg3[%arg0, %multiple_of3A_123, %dma_wait3A_134] : memref<2x10000x128xf32, #tpu.memory_space<hbm>> -> memref<1x40x128xf32, #tpu.memory_space<hbm>>
        %dma_wait3A_136 = tpu.memref_squeeze %dma_wait3A_135 : memref<1x40x128xf32, #tpu.memory_space<hbm>> -> memref<40x128xf32, #tpu.memory_space<hbm>>
        tpu.wait_dma2 semaphore(%run_scoped3A : memref<!tpu.dma_semaphore, #tpu.memory_space<semaphore_mem>>) src(%arg6 : memref<40x128xf32, #tpu.memory_space<vmem>>) dst(%dma_wait3A_136 : memref<40x128xf32, #tpu.memory_space<hbm>>)
        tpu.yield
      }) : () -> ()
      %scan3A_124 = arith.constant 0 : i32
      scf.yield %scan3A_124 : i32
    }
    %scan3A_110 = arith.constant 15 : i32
    %lt3A_111 = arith.constant 10 : i32
    %lt3A_112 = arith.cmpi slt, %arg1, %lt3A_111 : i32
    %convert_element_type3A_113 = arith.extui %lt3A_112 : i1 to i32
    %cond3A_114 = arith.constant 0 : i32
    %cond3A_115 = arith.cmpi ne, %convert_element_type3A_113, %cond3A_114 : i32
    scf.if %cond3A_115 {
      %add3A_116 = arith.constant 240 : i32
      %add3A_117 = arith.addi %add3A_116, %arg1 : i32
      %mul3A_118 = arith.constant 40 : i32
      %mul3A_119 = arith.muli %add3A_117, %mul3A_118 : i32
      %multiple_of3A_120 = tpu.assume_multiple %mul3A_119, 8 : i32
      "tpu.region"() ({
        %run_scoped3A = tpu.sem_alloc : memref<!tpu.dma_semaphore, #tpu.memory_space<semaphore_mem>>
        %dma_start3A_121 = arith.constant 0 : i32
        %dma_start3A_122 = tpu.memref_slice %arg7[%multiple_of3A_120, %dma_start3A_121] : memref<10064x128xf32, #tpu.memory_space<vmem_shared>> -> memref<40x128xf32, #tpu.memory_space<vmem_shared>>
        %dma_start3A_123 = arith.constant 0 : i32
        %dma_start3A_124 = tpu.memref_slice %arg7[%multiple_of3A_120, %dma_start3A_123] : memref<10064x128xf32, #tpu.memory_space<vmem_shared>> -> memref<40x128xf32, #tpu.memory_space<vmem_shared>>
        tpu.enqueue_dma source(%dma_start3A_124 : memref<40x128xf32, #tpu.memory_space<vmem_shared>>) target(%arg6 : memref<40x128xf32, #tpu.memory_space<vmem>>) target_semaphore(%run_scoped3A : memref<!tpu.dma_semaphore, #tpu.memory_space<semaphore_mem>>)
        %dma_wait3A_125 = arith.constant 0 : i32
        %dma_wait3A_126 = tpu.memref_slice %arg7[%multiple_of3A_120, %dma_wait3A_125] : memref<10064x128xf32, #tpu.memory_space<vmem_shared>> -> memref<40x128xf32, #tpu.memory_space<vmem_shared>>
        %dma_wait3A_127 = arith.constant 0 : i32
        %dma_wait3A_128 = tpu.memref_slice %arg7[%multiple_of3A_120, %dma_wait3A_127] : memref<10064x128xf32, #tpu.memory_space<vmem_shared>> -> memref<40x128xf32, #tpu.memory_space<vmem_shared>>
        tpu.wait_dma2 semaphore(%run_scoped3A : memref<!tpu.dma_semaphore, #tpu.memory_space<semaphore_mem>>) src(%dma_wait3A_128 : memref<40x128xf32, #tpu.memory_space<vmem_shared>>) dst(%arg6 : memref<40x128xf32, #tpu.memory_space<vmem>>)
        tpu.yield
      }) : () -> ()
      "tpu.region"() ({
        %run_scoped3A = tpu.sem_alloc : memref<!tpu.dma_semaphore, #tpu.memory_space<semaphore_mem>>
        %dma_start3A_121 = arith.constant 0 : i32
        %dma_start3A_122 = tpu.memref_slice %arg3[%arg0, %multiple_of3A_120, %dma_start3A_121] : memref<2x10000x128xf32, #tpu.memory_space<hbm>> -> memref<1x40x128xf32, #tpu.memory_space<hbm>>
        %dma_start3A_123 = tpu.memref_squeeze %dma_start3A_122 : memref<1x40x128xf32, #tpu.memory_space<hbm>> -> memref<40x128xf32, #tpu.memory_space<hbm>>
        %dma_start3A_124 = arith.constant 0 : i32
        %dma_start3A_125 = tpu.memref_slice %arg3[%arg0, %multiple_of3A_120, %dma_start3A_124] : memref<2x10000x128xf32, #tpu.memory_space<hbm>> -> memref<1x40x128xf32, #tpu.memory_space<hbm>>
        %dma_start3A_126 = tpu.memref_squeeze %dma_start3A_125 : memref<1x40x128xf32, #tpu.memory_space<hbm>> -> memref<40x128xf32, #tpu.memory_space<hbm>>
        tpu.enqueue_dma source(%arg6 : memref<40x128xf32, #tpu.memory_space<vmem>>) target(%dma_start3A_126 : memref<40x128xf32, #tpu.memory_space<hbm>>) target_semaphore(%run_scoped3A : memref<!tpu.dma_semaphore, #tpu.memory_space<semaphore_mem>>)
        %dma_wait3A_127 = arith.constant 0 : i32
        %dma_wait3A_128 = tpu.memref_slice %arg3[%arg0, %multiple_of3A_120, %dma_wait3A_127] : memref<2x10000x128xf32, #tpu.memory_space<hbm>> -> memref<1x40x128xf32, #tpu.memory_space<hbm>>
        %dma_wait3A_129 = tpu.memref_squeeze %dma_wait3A_128 : memref<1x40x128xf32, #tpu.memory_space<hbm>> -> memref<40x128xf32, #tpu.memory_space<hbm>>
        %dma_wait3A_130 = arith.constant 0 : i32
        %dma_wait3A_131 = tpu.memref_slice %arg3[%arg0, %multiple_of3A_120, %dma_wait3A_130] : memref<2x10000x128xf32, #tpu.memory_space<hbm>> -> memref<1x40x128xf32, #tpu.memory_space<hbm>>
        %dma_wait3A_132 = tpu.memref_squeeze %dma_wait3A_131 : memref<1x40x128xf32, #tpu.memory_space<hbm>> -> memref<40x128xf32, #tpu.memory_space<hbm>>
        tpu.wait_dma2 semaphore(%run_scoped3A : memref<!tpu.dma_semaphore, #tpu.memory_space<semaphore_mem>>) src(%arg6 : memref<40x128xf32, #tpu.memory_space<vmem>>) dst(%dma_wait3A_132 : memref<40x128xf32, #tpu.memory_space<hbm>>)
        tpu.yield
      }) : () -> ()
    } else {
    }
    return
  }
}

#map = affine_map<(d0, d1) -> (0, 0)>
#map1 = affine_map<(d0, d1) -> (0)>
module attributes {stable_mosaic.version = 14 : i64} {
  func.func @k(%arg0: i32, %arg1: i32, %arg2: memref<10000x128xf32, #tpu.memory_space<hbm>>, %arg3: memref<10000x128xf32, #tpu.memory_space<hbm>>, %arg4: memref<204800xi32, #tpu.memory_space<hbm>>, %arg5: memref<204800xi32, #tpu.memory_space<hbm>>, %arg6: memref<204800x128xf32, #tpu.memory_space<hbm>>, %arg7: memref<8x80xi32, #tpu.memory_space<vmem>>, %arg8: memref<8x80xi32, #tpu.memory_space<vmem>>, %arg9: memref<4x80x128xf32, #tpu.memory_space<vmem>>, %arg10: memref<4x!tpu.dma_semaphore, #tpu.memory_space<semaphore_mem>>, %arg11: memref<4x!tpu.dma_semaphore, #tpu.memory_space<semaphore_mem>>, %arg12: memref<4x!tpu.dma_semaphore, #tpu.memory_space<semaphore_mem>>, %arg13: memref<4x!tpu.dma_semaphore, #tpu.memory_space<semaphore_mem>>) attributes {dimension_semantics = [#tpu.dimension_semantics<core_parallel>, #tpu.dimension_semantics<subcore_parallel>], iteration_bounds = array<i64: 2, 16>, scalar_prefetch = 0 : i64, scratch_operands = 7 : i64, tpu.core_type = #tpu.core_type<sc_vector_subcore>, window_params = [{transform_indices = #map}, {transform_indices = #map}, {transform_indices = #map1}, {transform_indices = #map1}, {transform_indices = #map}]} {
    %mul3A = arith.constant 2 : i32
    %mul3A_0 = arith.muli %arg1, %mul3A : i32
    %add3A = arith.addi %mul3A_0, %arg0 : i32
    %add3A_1 = arith.constant 0 : i32
    %add3A_2 = arith.addi %add3A_1, %add3A : i32
    %mul3A_3 = arith.constant 80 : i32
    %mul3A_4 = arith.muli %add3A_2, %mul3A_3 : i32
    %multiple_of3A = tpu.assume_multiple %mul3A_4, 8 : i32
    %dma_start3A = arith.constant 0 : i32
    %dma_start3A_5 = arith.constant 0 : i32
    %dma_start3A_6 = arith.constant 0 : i32
    %dma_start3A_7 = tpu.memref_slice %arg7[%dma_start3A, %dma_start3A_6] : memref<8x80xi32, #tpu.memory_space<vmem>> -> memref<1x80xi32, #tpu.memory_space<vmem>>
    %dma_start3A_8 = tpu.memref_squeeze %dma_start3A_7 : memref<1x80xi32, #tpu.memory_space<vmem>> -> memref<80xi32, #tpu.memory_space<vmem>>
    %dma_start3A_9 = tpu.memref_slice %arg4[%multiple_of3A] : memref<204800xi32, #tpu.memory_space<hbm>> -> memref<80xi32, #tpu.memory_space<hbm>>
    %dma_start3A_10 = tpu.memref_slice %arg10[%dma_start3A_5] : memref<4x!tpu.dma_semaphore, #tpu.memory_space<semaphore_mem>> -> memref<1x!tpu.dma_semaphore, #tpu.memory_space<semaphore_mem>>
    %dma_start3A_11 = tpu.memref_squeeze %dma_start3A_10 : memref<1x!tpu.dma_semaphore, #tpu.memory_space<semaphore_mem>> -> memref<!tpu.dma_semaphore, #tpu.memory_space<semaphore_mem>>
    %dma_start3A_12 = arith.constant 0 : i32
    %dma_start3A_13 = tpu.memref_slice %arg7[%dma_start3A, %dma_start3A_12] : memref<8x80xi32, #tpu.memory_space<vmem>> -> memref<1x80xi32, #tpu.memory_space<vmem>>
    %dma_start3A_14 = tpu.memref_squeeze %dma_start3A_13 : memref<1x80xi32, #tpu.memory_space<vmem>> -> memref<80xi32, #tpu.memory_space<vmem>>
    %dma_start3A_15 = tpu.memref_slice %arg4[%multiple_of3A] : memref<204800xi32, #tpu.memory_space<hbm>> -> memref<80xi32, #tpu.memory_space<hbm>>
    tpu.enqueue_dma source(%dma_start3A_15 : memref<80xi32, #tpu.memory_space<hbm>>) target(%dma_start3A_14 : memref<80xi32, #tpu.memory_space<vmem>>) target_semaphore(%dma_start3A_11 : memref<!tpu.dma_semaphore, #tpu.memory_space<semaphore_mem>>)
    %dma_start3A_16 = arith.constant 0 : i32
    %dma_start3A_17 = arith.constant 0 : i32
    %dma_start3A_18 = arith.constant 0 : i32
    %dma_start3A_19 = tpu.memref_slice %arg8[%dma_start3A_16, %dma_start3A_18] : memref<8x80xi32, #tpu.memory_space<vmem>> -> memref<1x80xi32, #tpu.memory_space<vmem>>
    %dma_start3A_20 = tpu.memref_squeeze %dma_start3A_19 : memref<1x80xi32, #tpu.memory_space<vmem>> -> memref<80xi32, #tpu.memory_space<vmem>>
    %dma_start3A_21 = tpu.memref_slice %arg5[%multiple_of3A] : memref<204800xi32, #tpu.memory_space<hbm>> -> memref<80xi32, #tpu.memory_space<hbm>>
    %dma_start3A_22 = tpu.memref_slice %arg10[%dma_start3A_17] : memref<4x!tpu.dma_semaphore, #tpu.memory_space<semaphore_mem>> -> memref<1x!tpu.dma_semaphore, #tpu.memory_space<semaphore_mem>>
    %dma_start3A_23 = tpu.memref_squeeze %dma_start3A_22 : memref<1x!tpu.dma_semaphore, #tpu.memory_space<semaphore_mem>> -> memref<!tpu.dma_semaphore, #tpu.memory_space<semaphore_mem>>
    %dma_start3A_24 = arith.constant 0 : i32
    %dma_start3A_25 = tpu.memref_slice %arg8[%dma_start3A_16, %dma_start3A_24] : memref<8x80xi32, #tpu.memory_space<vmem>> -> memref<1x80xi32, #tpu.memory_space<vmem>>
    %dma_start3A_26 = tpu.memref_squeeze %dma_start3A_25 : memref<1x80xi32, #tpu.memory_space<vmem>> -> memref<80xi32, #tpu.memory_space<vmem>>
    %dma_start3A_27 = tpu.memref_slice %arg5[%multiple_of3A] : memref<204800xi32, #tpu.memory_space<hbm>> -> memref<80xi32, #tpu.memory_space<hbm>>
    tpu.enqueue_dma source(%dma_start3A_27 : memref<80xi32, #tpu.memory_space<hbm>>) target(%dma_start3A_26 : memref<80xi32, #tpu.memory_space<vmem>>) target_semaphore(%dma_start3A_23 : memref<!tpu.dma_semaphore, #tpu.memory_space<semaphore_mem>>)
    %add3A_28 = arith.constant 32 : i32
    %add3A_29 = arith.addi %add3A_28, %add3A : i32
    %mul3A_30 = arith.constant 80 : i32
    %mul3A_31 = arith.muli %add3A_29, %mul3A_30 : i32
    %multiple_of3A_32 = tpu.assume_multiple %mul3A_31, 8 : i32
    %dma_start3A_33 = arith.constant 1 : i32
    %dma_start3A_34 = arith.constant 1 : i32
    %dma_start3A_35 = arith.constant 0 : i32
    %dma_start3A_36 = tpu.memref_slice %arg7[%dma_start3A_33, %dma_start3A_35] : memref<8x80xi32, #tpu.memory_space<vmem>> -> memref<1x80xi32, #tpu.memory_space<vmem>>
    %dma_start3A_37 = tpu.memref_squeeze %dma_start3A_36 : memref<1x80xi32, #tpu.memory_space<vmem>> -> memref<80xi32, #tpu.memory_space<vmem>>
    %dma_start3A_38 = tpu.memref_slice %arg4[%multiple_of3A_32] : memref<204800xi32, #tpu.memory_space<hbm>> -> memref<80xi32, #tpu.memory_space<hbm>>
    %dma_start3A_39 = tpu.memref_slice %arg10[%dma_start3A_34] : memref<4x!tpu.dma_semaphore, #tpu.memory_space<semaphore_mem>> -> memref<1x!tpu.dma_semaphore, #tpu.memory_space<semaphore_mem>>
    %dma_start3A_40 = tpu.memref_squeeze %dma_start3A_39 : memref<1x!tpu.dma_semaphore, #tpu.memory_space<semaphore_mem>> -> memref<!tpu.dma_semaphore, #tpu.memory_space<semaphore_mem>>
    %dma_start3A_41 = arith.constant 0 : i32
    %dma_start3A_42 = tpu.memref_slice %arg7[%dma_start3A_33, %dma_start3A_41] : memref<8x80xi32, #tpu.memory_space<vmem>> -> memref<1x80xi32, #tpu.memory_space<vmem>>
    %dma_start3A_43 = tpu.memref_squeeze %dma_start3A_42 : memref<1x80xi32, #tpu.memory_space<vmem>> -> memref<80xi32, #tpu.memory_space<vmem>>
    %dma_start3A_44 = tpu.memref_slice %arg4[%multiple_of3A_32] : memref<204800xi32, #tpu.memory_space<hbm>> -> memref<80xi32, #tpu.memory_space<hbm>>
    tpu.enqueue_dma source(%dma_start3A_44 : memref<80xi32, #tpu.memory_space<hbm>>) target(%dma_start3A_43 : memref<80xi32, #tpu.memory_space<vmem>>) target_semaphore(%dma_start3A_40 : memref<!tpu.dma_semaphore, #tpu.memory_space<semaphore_mem>>)
    %dma_start3A_45 = arith.constant 1 : i32
    %dma_start3A_46 = arith.constant 1 : i32
    %dma_start3A_47 = arith.constant 0 : i32
    %dma_start3A_48 = tpu.memref_slice %arg8[%dma_start3A_45, %dma_start3A_47] : memref<8x80xi32, #tpu.memory_space<vmem>> -> memref<1x80xi32, #tpu.memory_space<vmem>>
    %dma_start3A_49 = tpu.memref_squeeze %dma_start3A_48 : memref<1x80xi32, #tpu.memory_space<vmem>> -> memref<80xi32, #tpu.memory_space<vmem>>
    %dma_start3A_50 = tpu.memref_slice %arg5[%multiple_of3A_32] : memref<204800xi32, #tpu.memory_space<hbm>> -> memref<80xi32, #tpu.memory_space<hbm>>
    %dma_start3A_51 = tpu.memref_slice %arg10[%dma_start3A_46] : memref<4x!tpu.dma_semaphore, #tpu.memory_space<semaphore_mem>> -> memref<1x!tpu.dma_semaphore, #tpu.memory_space<semaphore_mem>>
    %dma_start3A_52 = tpu.memref_squeeze %dma_start3A_51 : memref<1x!tpu.dma_semaphore, #tpu.memory_space<semaphore_mem>> -> memref<!tpu.dma_semaphore, #tpu.memory_space<semaphore_mem>>
    %dma_start3A_53 = arith.constant 0 : i32
    %dma_start3A_54 = tpu.memref_slice %arg8[%dma_start3A_45, %dma_start3A_53] : memref<8x80xi32, #tpu.memory_space<vmem>> -> memref<1x80xi32, #tpu.memory_space<vmem>>
    %dma_start3A_55 = tpu.memref_squeeze %dma_start3A_54 : memref<1x80xi32, #tpu.memory_space<vmem>> -> memref<80xi32, #tpu.memory_space<vmem>>
    %dma_start3A_56 = tpu.memref_slice %arg5[%multiple_of3A_32] : memref<204800xi32, #tpu.memory_space<hbm>> -> memref<80xi32, #tpu.memory_space<hbm>>
    tpu.enqueue_dma source(%dma_start3A_56 : memref<80xi32, #tpu.memory_space<hbm>>) target(%dma_start3A_55 : memref<80xi32, #tpu.memory_space<vmem>>) target_semaphore(%dma_start3A_52 : memref<!tpu.dma_semaphore, #tpu.memory_space<semaphore_mem>>)
    %scan3A = arith.constant 0 : i32
    %scan3A_57 = arith.constant 0 : i32
    %scan3A_58 = arith.constant 80 : i32
    %scan3A_59 = arith.addi %scan3A_57, %scan3A_58 : i32
    %scan3A_60 = arith.constant 1 : i32
    %scan3A_61 = scf.for %scan3A_248 = %scan3A_57 to %scan3A_59 step %scan3A_60 iter_args(%scan3A_249 = %scan3A) -> (i32)  : i32 {
      %add3A_250 = arith.constant 2 : i32
      %add3A_251 = arith.addi %scan3A_248, %add3A_250 : i32
      %lt3A = arith.constant 80 : i32
      %lt3A_252 = arith.cmpi slt, %add3A_251, %lt3A : i32
      %convert_element_type3A = arith.extui %lt3A_252 : i1 to i32
      %cond3A = arith.constant 0 : i32
      %cond3A_253 = arith.cmpi ne, %convert_element_type3A, %cond3A : i32
      scf.if %cond3A_253 {
        %add3A_381 = arith.constant 2 : i32
        %add3A_382 = arith.addi %scan3A_248, %add3A_381 : i32
        %mul3A_383 = arith.constant 32 : i32
        %mul3A_384 = arith.muli %add3A_382, %mul3A_383 : i32
        %add3A_385 = arith.addi %mul3A_384, %add3A : i32
        %mul3A_386 = arith.constant 80 : i32
        %mul3A_387 = arith.muli %add3A_385, %mul3A_386 : i32
        %multiple_of3A_388 = tpu.assume_multiple %mul3A_387, 8 : i32
        %jit3A_389 = arith.constant 8 : i32
        %eq3A_390 = arith.constant 0 : i32
        %eq3A_391 = arith.cmpi eq, %jit3A_389, %eq3A_390 : i32
        %jit3A_392 = arith.constant 1 : i32
        %select_n3A_393 = arith.select %eq3A_391, %jit3A_392, %jit3A_389 : i32
        %rem3A_394 = arith.remsi %add3A_382, %select_n3A_393 : i32
        %ne3A_395 = arith.constant 0 : i32
        %ne3A_396 = arith.cmpi ne, %rem3A_394, %ne3A_395 : i32
        %lt3A_397 = arith.constant 0 : i32
        %lt3A_398 = arith.cmpi slt, %rem3A_394, %lt3A_397 : i32
        %lt3A_399 = arith.constant 0 : i32
        %lt3A_400 = arith.cmpi slt, %select_n3A_393, %lt3A_399 : i32
        %ne3A_401 = arith.xori %lt3A_398, %lt3A_400 : i1
        %and3A_402 = arith.andi %ne3A_401, %ne3A_396 : i1
        %add3A_403 = arith.addi %rem3A_394, %select_n3A_393 : i32
        %select_n3A_404 = arith.select %and3A_402, %add3A_403, %rem3A_394 : i32
        %jit3A_405 = arith.constant 4 : i32
        %eq3A_406 = arith.constant 0 : i32
        %eq3A_407 = arith.cmpi eq, %jit3A_405, %eq3A_406 : i32
        %jit3A_408 = arith.constant 1 : i32
        %select_n3A_409 = arith.select %eq3A_407, %jit3A_408, %jit3A_405 : i32
        %rem3A_410 = arith.remsi %add3A_382, %select_n3A_409 : i32
        %ne3A_411 = arith.constant 0 : i32
        %ne3A_412 = arith.cmpi ne, %rem3A_410, %ne3A_411 : i32
        %lt3A_413 = arith.constant 0 : i32
        %lt3A_414 = arith.cmpi slt, %rem3A_410, %lt3A_413 : i32
        %lt3A_415 = arith.constant 0 : i32
        %lt3A_416 = arith.cmpi slt, %select_n3A_409, %lt3A_415 : i32
        %ne3A_417 = arith.xori %lt3A_414, %lt3A_416 : i1
        %and3A_418 = arith.andi %ne3A_417, %ne3A_412 : i1
        %add3A_419 = arith.addi %rem3A_410, %select_n3A_409 : i32
        %select_n3A_420 = arith.select %and3A_418, %add3A_419, %rem3A_410 : i32
        %dma_start3A_421 = arith.constant 0 : i32
        %dma_start3A_422 = tpu.memref_slice %arg7[%select_n3A_404, %dma_start3A_421] : memref<8x80xi32, #tpu.memory_space<vmem>> -> memref<1x80xi32, #tpu.memory_space<vmem>>
        %dma_start3A_423 = tpu.memref_squeeze %dma_start3A_422 : memref<1x80xi32, #tpu.memory_space<vmem>> -> memref<80xi32, #tpu.memory_space<vmem>>
        %dma_start3A_424 = tpu.memref_slice %arg4[%multiple_of3A_388] : memref<204800xi32, #tpu.memory_space<hbm>> -> memref<80xi32, #tpu.memory_space<hbm>>
        %dma_start3A_425 = tpu.memref_slice %arg10[%select_n3A_420] : memref<4x!tpu.dma_semaphore, #tpu.memory_space<semaphore_mem>> -> memref<1x!tpu.dma_semaphore, #tpu.memory_space<semaphore_mem>>
        %dma_start3A_426 = tpu.memref_squeeze %dma_start3A_425 : memref<1x!tpu.dma_semaphore, #tpu.memory_space<semaphore_mem>> -> memref<!tpu.dma_semaphore, #tpu.memory_space<semaphore_mem>>
        %dma_start3A_427 = arith.constant 0 : i32
        %dma_start3A_428 = tpu.memref_slice %arg7[%select_n3A_404, %dma_start3A_427] : memref<8x80xi32, #tpu.memory_space<vmem>> -> memref<1x80xi32, #tpu.memory_space<vmem>>
        %dma_start3A_429 = tpu.memref_squeeze %dma_start3A_428 : memref<1x80xi32, #tpu.memory_space<vmem>> -> memref<80xi32, #tpu.memory_space<vmem>>
        %dma_start3A_430 = tpu.memref_slice %arg4[%multiple_of3A_388] : memref<204800xi32, #tpu.memory_space<hbm>> -> memref<80xi32, #tpu.memory_space<hbm>>
        tpu.enqueue_dma source(%dma_start3A_430 : memref<80xi32, #tpu.memory_space<hbm>>) target(%dma_start3A_429 : memref<80xi32, #tpu.memory_space<vmem>>) target_semaphore(%dma_start3A_426 : memref<!tpu.dma_semaphore, #tpu.memory_space<semaphore_mem>>)
        %jit3A_431 = arith.constant 8 : i32
        %eq3A_432 = arith.constant 0 : i32
        %eq3A_433 = arith.cmpi eq, %jit3A_431, %eq3A_432 : i32
        %jit3A_434 = arith.constant 1 : i32
        %select_n3A_435 = arith.select %eq3A_433, %jit3A_434, %jit3A_431 : i32
        %rem3A_436 = arith.remsi %add3A_382, %select_n3A_435 : i32
        %ne3A_437 = arith.constant 0 : i32
        %ne3A_438 = arith.cmpi ne, %rem3A_436, %ne3A_437 : i32
        %lt3A_439 = arith.constant 0 : i32
        %lt3A_440 = arith.cmpi slt, %rem3A_436, %lt3A_439 : i32
        %lt3A_441 = arith.constant 0 : i32
        %lt3A_442 = arith.cmpi slt, %select_n3A_435, %lt3A_441 : i32
        %ne3A_443 = arith.xori %lt3A_440, %lt3A_442 : i1
        %and3A_444 = arith.andi %ne3A_443, %ne3A_438 : i1
        %add3A_445 = arith.addi %rem3A_436, %select_n3A_435 : i32
        %select_n3A_446 = arith.select %and3A_444, %add3A_445, %rem3A_436 : i32
        %jit3A_447 = arith.constant 4 : i32
        %eq3A_448 = arith.constant 0 : i32
        %eq3A_449 = arith.cmpi eq, %jit3A_447, %eq3A_448 : i32
        %jit3A_450 = arith.constant 1 : i32
        %select_n3A_451 = arith.select %eq3A_449, %jit3A_450, %jit3A_447 : i32
        %rem3A_452 = arith.remsi %add3A_382, %select_n3A_451 : i32
        %ne3A_453 = arith.constant 0 : i32
        %ne3A_454 = arith.cmpi ne, %rem3A_452, %ne3A_453 : i32
        %lt3A_455 = arith.constant 0 : i32
        %lt3A_456 = arith.cmpi slt, %rem3A_452, %lt3A_455 : i32
        %lt3A_457 = arith.constant 0 : i32
        %lt3A_458 = arith.cmpi slt, %select_n3A_451, %lt3A_457 : i32
        %ne3A_459 = arith.xori %lt3A_456, %lt3A_458 : i1
        %and3A_460 = arith.andi %ne3A_459, %ne3A_454 : i1
        %add3A_461 = arith.addi %rem3A_452, %select_n3A_451 : i32
        %select_n3A_462 = arith.select %and3A_460, %add3A_461, %rem3A_452 : i32
        %dma_start3A_463 = arith.constant 0 : i32
        %dma_start3A_464 = tpu.memref_slice %arg8[%select_n3A_446, %dma_start3A_463] : memref<8x80xi32, #tpu.memory_space<vmem>> -> memref<1x80xi32, #tpu.memory_space<vmem>>
        %dma_start3A_465 = tpu.memref_squeeze %dma_start3A_464 : memref<1x80xi32, #tpu.memory_space<vmem>> -> memref<80xi32, #tpu.memory_space<vmem>>
        %dma_start3A_466 = tpu.memref_slice %arg5[%multiple_of3A_388] : memref<204800xi32, #tpu.memory_space<hbm>> -> memref<80xi32, #tpu.memory_space<hbm>>
        %dma_start3A_467 = tpu.memref_slice %arg10[%select_n3A_462] : memref<4x!tpu.dma_semaphore, #tpu.memory_space<semaphore_mem>> -> memref<1x!tpu.dma_semaphore, #tpu.memory_space<semaphore_mem>>
        %dma_start3A_468 = tpu.memref_squeeze %dma_start3A_467 : memref<1x!tpu.dma_semaphore, #tpu.memory_space<semaphore_mem>> -> memref<!tpu.dma_semaphore, #tpu.memory_space<semaphore_mem>>
        %dma_start3A_469 = arith.constant 0 : i32
        %dma_start3A_470 = tpu.memref_slice %arg8[%select_n3A_446, %dma_start3A_469] : memref<8x80xi32, #tpu.memory_space<vmem>> -> memref<1x80xi32, #tpu.memory_space<vmem>>
        %dma_start3A_471 = tpu.memref_squeeze %dma_start3A_470 : memref<1x80xi32, #tpu.memory_space<vmem>> -> memref<80xi32, #tpu.memory_space<vmem>>
        %dma_start3A_472 = tpu.memref_slice %arg5[%multiple_of3A_388] : memref<204800xi32, #tpu.memory_space<hbm>> -> memref<80xi32, #tpu.memory_space<hbm>>
        tpu.enqueue_dma source(%dma_start3A_472 : memref<80xi32, #tpu.memory_space<hbm>>) target(%dma_start3A_471 : memref<80xi32, #tpu.memory_space<vmem>>) target_semaphore(%dma_start3A_468 : memref<!tpu.dma_semaphore, #tpu.memory_space<semaphore_mem>>)
      } else {
      }
      %ge3A = arith.constant 4 : i32
      %ge3A_254 = arith.cmpi sge, %scan3A_248, %ge3A : i32
      %convert_element_type3A_255 = arith.extui %ge3A_254 : i1 to i32
      %cond3A_256 = arith.constant 0 : i32
      %cond3A_257 = arith.cmpi ne, %convert_element_type3A_255, %cond3A_256 : i32
      scf.if %cond3A_257 {
        %sub3A = arith.constant 4 : i32
        %sub3A_381 = arith.subi %scan3A_248, %sub3A : i32
        %jit3A_382 = arith.constant 4 : i32
        %eq3A_383 = arith.constant 0 : i32
        %eq3A_384 = arith.cmpi eq, %jit3A_382, %eq3A_383 : i32
        %jit3A_385 = arith.constant 1 : i32
        %select_n3A_386 = arith.select %eq3A_384, %jit3A_385, %jit3A_382 : i32
        %rem3A_387 = arith.remsi %sub3A_381, %select_n3A_386 : i32
        %ne3A_388 = arith.constant 0 : i32
        %ne3A_389 = arith.cmpi ne, %rem3A_387, %ne3A_388 : i32
        %lt3A_390 = arith.constant 0 : i32
        %lt3A_391 = arith.cmpi slt, %rem3A_387, %lt3A_390 : i32
        %lt3A_392 = arith.constant 0 : i32
        %lt3A_393 = arith.cmpi slt, %select_n3A_386, %lt3A_392 : i32
        %ne3A_394 = arith.xori %lt3A_391, %lt3A_393 : i1
        %and3A_395 = arith.andi %ne3A_394, %ne3A_389 : i1
        %add3A_396 = arith.addi %rem3A_387, %select_n3A_386 : i32
        %select_n3A_397 = arith.select %and3A_395, %add3A_396, %rem3A_387 : i32
        %mul3A_398 = arith.constant 32 : i32
        %mul3A_399 = arith.muli %sub3A_381, %mul3A_398 : i32
        %add3A_400 = arith.addi %mul3A_399, %add3A : i32
        %mul3A_401 = arith.constant 80 : i32
        %mul3A_402 = arith.muli %add3A_400, %mul3A_401 : i32
        %multiple_of3A_403 = tpu.assume_multiple %mul3A_402, 8 : i32
        %jit3A_404 = arith.constant 4 : i32
        %eq3A_405 = arith.constant 0 : i32
        %eq3A_406 = arith.cmpi eq, %jit3A_404, %eq3A_405 : i32
        %jit3A_407 = arith.constant 1 : i32
        %select_n3A_408 = arith.select %eq3A_406, %jit3A_407, %jit3A_404 : i32
        %rem3A_409 = arith.remsi %sub3A_381, %select_n3A_408 : i32
        %ne3A_410 = arith.constant 0 : i32
        %ne3A_411 = arith.cmpi ne, %rem3A_409, %ne3A_410 : i32
        %lt3A_412 = arith.constant 0 : i32
        %lt3A_413 = arith.cmpi slt, %rem3A_409, %lt3A_412 : i32
        %lt3A_414 = arith.constant 0 : i32
        %lt3A_415 = arith.cmpi slt, %select_n3A_408, %lt3A_414 : i32
        %ne3A_416 = arith.xori %lt3A_413, %lt3A_415 : i1
        %and3A_417 = arith.andi %ne3A_416, %ne3A_411 : i1
        %add3A_418 = arith.addi %rem3A_409, %select_n3A_408 : i32
        %select_n3A_419 = arith.select %and3A_417, %add3A_418, %rem3A_409 : i32
        %dma_wait3A_420 = arith.constant 0 : i32
        %dma_wait3A_421 = arith.constant 0 : i32
        %dma_wait3A_422 = tpu.memref_slice %arg9[%select_n3A_397, %dma_wait3A_420, %dma_wait3A_421] : memref<4x80x128xf32, #tpu.memory_space<vmem>> -> memref<1x80x128xf32, #tpu.memory_space<vmem>>
        %dma_wait3A_423 = tpu.memref_squeeze %dma_wait3A_422 : memref<1x80x128xf32, #tpu.memory_space<vmem>> -> memref<80x128xf32, #tpu.memory_space<vmem>>
        %dma_wait3A_424 = arith.constant 0 : i32
        %dma_wait3A_425 = tpu.memref_slice %arg6[%multiple_of3A_403, %dma_wait3A_424] : memref<204800x128xf32, #tpu.memory_space<hbm>> -> memref<80x128xf32, #tpu.memory_space<hbm>>
        %dma_wait3A_426 = tpu.memref_slice %arg13[%select_n3A_419] : memref<4x!tpu.dma_semaphore, #tpu.memory_space<semaphore_mem>> -> memref<1x!tpu.dma_semaphore, #tpu.memory_space<semaphore_mem>>
        %dma_wait3A_427 = tpu.memref_squeeze %dma_wait3A_426 : memref<1x!tpu.dma_semaphore, #tpu.memory_space<semaphore_mem>> -> memref<!tpu.dma_semaphore, #tpu.memory_space<semaphore_mem>>
        %dma_wait3A_428 = arith.constant 0 : i32
        %dma_wait3A_429 = tpu.memref_slice %arg6[%multiple_of3A_403, %dma_wait3A_428] : memref<204800x128xf32, #tpu.memory_space<hbm>> -> memref<80x128xf32, #tpu.memory_space<hbm>>
        %dma_wait3A_430 = arith.constant 0 : i32
        %dma_wait3A_431 = arith.constant 0 : i32
        %dma_wait3A_432 = tpu.memref_slice %arg9[%select_n3A_397, %dma_wait3A_430, %dma_wait3A_431] : memref<4x80x128xf32, #tpu.memory_space<vmem>> -> memref<1x80x128xf32, #tpu.memory_space<vmem>>
        %dma_wait3A_433 = tpu.memref_squeeze %dma_wait3A_432 : memref<1x80x128xf32, #tpu.memory_space<vmem>> -> memref<80x128xf32, #tpu.memory_space<vmem>>
        tpu.wait_dma2 semaphore(%dma_wait3A_427 : memref<!tpu.dma_semaphore, #tpu.memory_space<semaphore_mem>>) src(%dma_wait3A_433 : memref<80x128xf32, #tpu.memory_space<vmem>>) dst(%dma_wait3A_429 : memref<80x128xf32, #tpu.memory_space<hbm>>)
      } else {
      }
      %jit3A = arith.constant 4 : i32
      %eq3A = arith.constant 0 : i32
      %eq3A_258 = arith.cmpi eq, %jit3A, %eq3A : i32
      %jit3A_259 = arith.constant 1 : i32
      %select_n3A = arith.select %eq3A_258, %jit3A_259, %jit3A : i32
      %rem3A = arith.remsi %scan3A_248, %select_n3A : i32
      %ne3A = arith.constant 0 : i32
      %ne3A_260 = arith.cmpi ne, %rem3A, %ne3A : i32
      %lt3A_261 = arith.constant 0 : i32
      %lt3A_262 = arith.cmpi slt, %rem3A, %lt3A_261 : i32
      %lt3A_263 = arith.constant 0 : i32
      %lt3A_264 = arith.cmpi slt, %select_n3A, %lt3A_263 : i32
      %ne3A_265 = arith.xori %lt3A_262, %lt3A_264 : i1
      %and3A = arith.andi %ne3A_265, %ne3A_260 : i1
      %add3A_266 = arith.addi %rem3A, %select_n3A : i32
      %select_n3A_267 = arith.select %and3A, %add3A_266, %rem3A : i32
      %dma_wait3A_268 = arith.constant 0 : i32
      %dma_wait3A_269 = arith.constant 0 : i32
      %dma_wait3A_270 = tpu.memref_slice %arg7[%dma_wait3A_268, %dma_wait3A_269] : memref<8x80xi32, #tpu.memory_space<vmem>> -> memref<1x80xi32, #tpu.memory_space<vmem>>
      %dma_wait3A_271 = tpu.memref_squeeze %dma_wait3A_270 : memref<1x80xi32, #tpu.memory_space<vmem>> -> memref<80xi32, #tpu.memory_space<vmem>>
      %dma_wait3A_272 = arith.constant 0 : i32
      %dma_wait3A_273 = tpu.memref_slice %arg4[%dma_wait3A_272] : memref<204800xi32, #tpu.memory_space<hbm>> -> memref<80xi32, #tpu.memory_space<hbm>>
      %dma_wait3A_274 = tpu.memref_slice %arg10[%select_n3A_267] : memref<4x!tpu.dma_semaphore, #tpu.memory_space<semaphore_mem>> -> memref<1x!tpu.dma_semaphore, #tpu.memory_space<semaphore_mem>>
      %dma_wait3A_275 = tpu.memref_squeeze %dma_wait3A_274 : memref<1x!tpu.dma_semaphore, #tpu.memory_space<semaphore_mem>> -> memref<!tpu.dma_semaphore, #tpu.memory_space<semaphore_mem>>
      %dma_wait3A_276 = arith.constant 0 : i32
      %dma_wait3A_277 = tpu.memref_slice %arg7[%dma_wait3A_268, %dma_wait3A_276] : memref<8x80xi32, #tpu.memory_space<vmem>> -> memref<1x80xi32, #tpu.memory_space<vmem>>
      %dma_wait3A_278 = tpu.memref_squeeze %dma_wait3A_277 : memref<1x80xi32, #tpu.memory_space<vmem>> -> memref<80xi32, #tpu.memory_space<vmem>>
      %dma_wait3A_279 = arith.constant 0 : i32
      %dma_wait3A_280 = tpu.memref_slice %arg4[%dma_wait3A_279] : memref<204800xi32, #tpu.memory_space<hbm>> -> memref<80xi32, #tpu.memory_space<hbm>>
      tpu.wait_dma2 semaphore(%dma_wait3A_275 : memref<!tpu.dma_semaphore, #tpu.memory_space<semaphore_mem>>) src(%dma_wait3A_280 : memref<80xi32, #tpu.memory_space<hbm>>) dst(%dma_wait3A_278 : memref<80xi32, #tpu.memory_space<vmem>>)
      %jit3A_281 = arith.constant 4 : i32
      %eq3A_282 = arith.constant 0 : i32
      %eq3A_283 = arith.cmpi eq, %jit3A_281, %eq3A_282 : i32
      %jit3A_284 = arith.constant 1 : i32
      %select_n3A_285 = arith.select %eq3A_283, %jit3A_284, %jit3A_281 : i32
      %rem3A_286 = arith.remsi %scan3A_248, %select_n3A_285 : i32
      %ne3A_287 = arith.constant 0 : i32
      %ne3A_288 = arith.cmpi ne, %rem3A_286, %ne3A_287 : i32
      %lt3A_289 = arith.constant 0 : i32
      %lt3A_290 = arith.cmpi slt, %rem3A_286, %lt3A_289 : i32
      %lt3A_291 = arith.constant 0 : i32
      %lt3A_292 = arith.cmpi slt, %select_n3A_285, %lt3A_291 : i32
      %ne3A_293 = arith.xori %lt3A_290, %lt3A_292 : i1
      %and3A_294 = arith.andi %ne3A_293, %ne3A_288 : i1
      %add3A_295 = arith.addi %rem3A_286, %select_n3A_285 : i32
      %select_n3A_296 = arith.select %and3A_294, %add3A_295, %rem3A_286 : i32
      %dma_wait3A_297 = arith.constant 0 : i32
      %dma_wait3A_298 = arith.constant 0 : i32
      %dma_wait3A_299 = tpu.memref_slice %arg8[%dma_wait3A_297, %dma_wait3A_298] : memref<8x80xi32, #tpu.memory_space<vmem>> -> memref<1x80xi32, #tpu.memory_space<vmem>>
      %dma_wait3A_300 = tpu.memref_squeeze %dma_wait3A_299 : memref<1x80xi32, #tpu.memory_space<vmem>> -> memref<80xi32, #tpu.memory_space<vmem>>
      %dma_wait3A_301 = arith.constant 0 : i32
      %dma_wait3A_302 = tpu.memref_slice %arg5[%dma_wait3A_301] : memref<204800xi32, #tpu.memory_space<hbm>> -> memref<80xi32, #tpu.memory_space<hbm>>
      %dma_wait3A_303 = tpu.memref_slice %arg10[%select_n3A_296] : memref<4x!tpu.dma_semaphore, #tpu.memory_space<semaphore_mem>> -> memref<1x!tpu.dma_semaphore, #tpu.memory_space<semaphore_mem>>
      %dma_wait3A_304 = tpu.memref_squeeze %dma_wait3A_303 : memref<1x!tpu.dma_semaphore, #tpu.memory_space<semaphore_mem>> -> memref<!tpu.dma_semaphore, #tpu.memory_space<semaphore_mem>>
      %dma_wait3A_305 = arith.constant 0 : i32
      %dma_wait3A_306 = tpu.memref_slice %arg8[%dma_wait3A_297, %dma_wait3A_305] : memref<8x80xi32, #tpu.memory_space<vmem>> -> memref<1x80xi32, #tpu.memory_space<vmem>>
      %dma_wait3A_307 = tpu.memref_squeeze %dma_wait3A_306 : memref<1x80xi32, #tpu.memory_space<vmem>> -> memref<80xi32, #tpu.memory_space<vmem>>
      %dma_wait3A_308 = arith.constant 0 : i32
      %dma_wait3A_309 = tpu.memref_slice %arg5[%dma_wait3A_308] : memref<204800xi32, #tpu.memory_space<hbm>> -> memref<80xi32, #tpu.memory_space<hbm>>
      tpu.wait_dma2 semaphore(%dma_wait3A_304 : memref<!tpu.dma_semaphore, #tpu.memory_space<semaphore_mem>>) src(%dma_wait3A_309 : memref<80xi32, #tpu.memory_space<hbm>>) dst(%dma_wait3A_307 : memref<80xi32, #tpu.memory_space<vmem>>)
      %jit3A_310 = arith.constant 8 : i32
      %eq3A_311 = arith.constant 0 : i32
      %eq3A_312 = arith.cmpi eq, %jit3A_310, %eq3A_311 : i32
      %jit3A_313 = arith.constant 1 : i32
      %select_n3A_314 = arith.select %eq3A_312, %jit3A_313, %jit3A_310 : i32
      %rem3A_315 = arith.remsi %scan3A_248, %select_n3A_314 : i32
      %ne3A_316 = arith.constant 0 : i32
      %ne3A_317 = arith.cmpi ne, %rem3A_315, %ne3A_316 : i32
      %lt3A_318 = arith.constant 0 : i32
      %lt3A_319 = arith.cmpi slt, %rem3A_315, %lt3A_318 : i32
      %lt3A_320 = arith.constant 0 : i32
      %lt3A_321 = arith.cmpi slt, %select_n3A_314, %lt3A_320 : i32
      %ne3A_322 = arith.xori %lt3A_319, %lt3A_321 : i1
      %and3A_323 = arith.andi %ne3A_322, %ne3A_317 : i1
      %add3A_324 = arith.addi %rem3A_315, %select_n3A_314 : i32
      %select_n3A_325 = arith.select %and3A_323, %add3A_324, %rem3A_315 : i32
      %jit3A_326 = arith.constant 4 : i32
      %eq3A_327 = arith.constant 0 : i32
      %eq3A_328 = arith.cmpi eq, %jit3A_326, %eq3A_327 : i32
      %jit3A_329 = arith.constant 1 : i32
      %select_n3A_330 = arith.select %eq3A_328, %jit3A_329, %jit3A_326 : i32
      %rem3A_331 = arith.remsi %scan3A_248, %select_n3A_330 : i32
      %ne3A_332 = arith.constant 0 : i32
      %ne3A_333 = arith.cmpi ne, %rem3A_331, %ne3A_332 : i32
      %lt3A_334 = arith.constant 0 : i32
      %lt3A_335 = arith.cmpi slt, %rem3A_331, %lt3A_334 : i32
      %lt3A_336 = arith.constant 0 : i32
      %lt3A_337 = arith.cmpi slt, %select_n3A_330, %lt3A_336 : i32
      %ne3A_338 = arith.xori %lt3A_335, %lt3A_337 : i1
      %and3A_339 = arith.andi %ne3A_338, %ne3A_333 : i1
      %add3A_340 = arith.addi %rem3A_331, %select_n3A_330 : i32
      %select_n3A_341 = arith.select %and3A_339, %add3A_340, %rem3A_331 : i32
      %jit3A_342 = arith.constant 4 : i32
      %eq3A_343 = arith.constant 0 : i32
      %eq3A_344 = arith.cmpi eq, %jit3A_342, %eq3A_343 : i32
      %jit3A_345 = arith.constant 1 : i32
      %select_n3A_346 = arith.select %eq3A_344, %jit3A_345, %jit3A_342 : i32
      %rem3A_347 = arith.remsi %scan3A_248, %select_n3A_346 : i32
      %ne3A_348 = arith.constant 0 : i32
      %ne3A_349 = arith.cmpi ne, %rem3A_347, %ne3A_348 : i32
      %lt3A_350 = arith.constant 0 : i32
      %lt3A_351 = arith.cmpi slt, %rem3A_347, %lt3A_350 : i32
      %lt3A_352 = arith.constant 0 : i32
      %lt3A_353 = arith.cmpi slt, %select_n3A_346, %lt3A_352 : i32
      %ne3A_354 = arith.xori %lt3A_351, %lt3A_353 : i1
      %and3A_355 = arith.andi %ne3A_354, %ne3A_349 : i1
      %add3A_356 = arith.addi %rem3A_347, %select_n3A_346 : i32
      %select_n3A_357 = arith.select %and3A_355, %add3A_356, %rem3A_347 : i32
      %dma_start3A_358 = arith.constant 0 : i32
      %dma_start3A_359 = arith.constant 0 : i32
      %dma_start3A_360 = tpu.memref_slice %arg9[%select_n3A_341, %dma_start3A_358, %dma_start3A_359] : memref<4x80x128xf32, #tpu.memory_space<vmem>> -> memref<1x80x128xf32, #tpu.memory_space<vmem>>
      %dma_start3A_361 = tpu.memref_squeeze %dma_start3A_360 : memref<1x80x128xf32, #tpu.memory_space<vmem>> -> memref<80x128xf32, #tpu.memory_space<vmem>>
      %dma_start3A_362 = arith.constant 0 : i32
      %dma_start3A_363 = tpu.memref_slice %arg7[%select_n3A_325, %dma_start3A_362] : memref<8x80xi32, #tpu.memory_space<vmem>> -> memref<1x80xi32, #tpu.memory_space<vmem>>
      %dma_start3A_364 = tpu.memref_squeeze %dma_start3A_363 : memref<1x80xi32, #tpu.memory_space<vmem>> -> memref<80xi32, #tpu.memory_space<vmem>>
      %dma_start3A_365 = arith.constant 0 : i32
      %dma_start3A_366 = arith.constant 0 : i32
      %dma_start3A_367 = tpu.memref_slice %arg2[%dma_start3A_365, %dma_start3A_366] : memref<10000x128xf32, #tpu.memory_space<hbm>> -> memref<10000x128xf32, #tpu.memory_space<hbm>>
      %dma_start3A_368 = tpu.memref_slice %arg11[%select_n3A_357] : memref<4x!tpu.dma_semaphore, #tpu.memory_space<semaphore_mem>> -> memref<1x!tpu.dma_semaphore, #tpu.memory_space<semaphore_mem>>
      %dma_start3A_369 = tpu.memref_squeeze %dma_start3A_368 : memref<1x!tpu.dma_semaphore, #tpu.memory_space<semaphore_mem>> -> memref<!tpu.dma_semaphore, #tpu.memory_space<semaphore_mem>>
      tpu.enqueue_indirect_dma source(%dma_start3A_367 : memref<10000x128xf32, #tpu.memory_space<hbm>>) target(%dma_start3A_361 : memref<80x128xf32, #tpu.memory_space<vmem>>) offsets(%dma_start3A_364 : memref<80xi32, #tpu.memory_space<vmem>>) semaphore(%dma_start3A_369 : memref<!tpu.dma_semaphore, #tpu.memory_space<semaphore_mem>>)
      %ge3A_370 = arith.constant 1 : i32
      %ge3A_371 = arith.cmpi sge, %scan3A_248, %ge3A_370 : i32
      %convert_element_type3A_372 = arith.extui %ge3A_371 : i1 to i32
      %cond3A_373 = arith.constant 0 : i32
      %cond3A_374 = arith.cmpi ne, %convert_element_type3A_372, %cond3A_373 : i32
      scf.if %cond3A_374 {
        %sub3A = arith.constant 1 : i32
        %sub3A_381 = arith.subi %scan3A_248, %sub3A : i32
        %jit3A_382 = arith.constant 8 : i32
        %eq3A_383 = arith.constant 0 : i32
        %eq3A_384 = arith.cmpi eq, %jit3A_382, %eq3A_383 : i32
        %jit3A_385 = arith.constant 1 : i32
        %select_n3A_386 = arith.select %eq3A_384, %jit3A_385, %jit3A_382 : i32
        %rem3A_387 = arith.remsi %sub3A_381, %select_n3A_386 : i32
        %ne3A_388 = arith.constant 0 : i32
        %ne3A_389 = arith.cmpi ne, %rem3A_387, %ne3A_388 : i32
        %lt3A_390 = arith.constant 0 : i32
        %lt3A_391 = arith.cmpi slt, %rem3A_387, %lt3A_390 : i32
        %lt3A_392 = arith.constant 0 : i32
        %lt3A_393 = arith.cmpi slt, %select_n3A_386, %lt3A_392 : i32
        %ne3A_394 = arith.xori %lt3A_391, %lt3A_393 : i1
        %and3A_395 = arith.andi %ne3A_394, %ne3A_389 : i1
        %add3A_396 = arith.addi %rem3A_387, %select_n3A_386 : i32
        %select_n3A_397 = arith.select %and3A_395, %add3A_396, %rem3A_387 : i32
        %jit3A_398 = arith.constant 4 : i32
        %eq3A_399 = arith.constant 0 : i32
        %eq3A_400 = arith.cmpi eq, %jit3A_398, %eq3A_399 : i32
        %jit3A_401 = arith.constant 1 : i32
        %select_n3A_402 = arith.select %eq3A_400, %jit3A_401, %jit3A_398 : i32
        %rem3A_403 = arith.remsi %sub3A_381, %select_n3A_402 : i32
        %ne3A_404 = arith.constant 0 : i32
        %ne3A_405 = arith.cmpi ne, %rem3A_403, %ne3A_404 : i32
        %lt3A_406 = arith.constant 0 : i32
        %lt3A_407 = arith.cmpi slt, %rem3A_403, %lt3A_406 : i32
        %lt3A_408 = arith.constant 0 : i32
        %lt3A_409 = arith.cmpi slt, %select_n3A_402, %lt3A_408 : i32
        %ne3A_410 = arith.xori %lt3A_407, %lt3A_409 : i1
        %and3A_411 = arith.andi %ne3A_410, %ne3A_405 : i1
        %add3A_412 = arith.addi %rem3A_403, %select_n3A_402 : i32
        %select_n3A_413 = arith.select %and3A_411, %add3A_412, %rem3A_403 : i32
        %jit3A_414 = arith.constant 4 : i32
        %eq3A_415 = arith.constant 0 : i32
        %eq3A_416 = arith.cmpi eq, %jit3A_414, %eq3A_415 : i32
        %jit3A_417 = arith.constant 1 : i32
        %select_n3A_418 = arith.select %eq3A_416, %jit3A_417, %jit3A_414 : i32
        %rem3A_419 = arith.remsi %sub3A_381, %select_n3A_418 : i32
        %ne3A_420 = arith.constant 0 : i32
        %ne3A_421 = arith.cmpi ne, %rem3A_419, %ne3A_420 : i32
        %lt3A_422 = arith.constant 0 : i32
        %lt3A_423 = arith.cmpi slt, %rem3A_419, %lt3A_422 : i32
        %lt3A_424 = arith.constant 0 : i32
        %lt3A_425 = arith.cmpi slt, %select_n3A_418, %lt3A_424 : i32
        %ne3A_426 = arith.xori %lt3A_423, %lt3A_425 : i1
        %and3A_427 = arith.andi %ne3A_426, %ne3A_421 : i1
        %add3A_428 = arith.addi %rem3A_419, %select_n3A_418 : i32
        %select_n3A_429 = arith.select %and3A_427, %add3A_428, %rem3A_419 : i32
        %dma_wait3A_430 = arith.constant 0 : i32
        %dma_wait3A_431 = arith.constant 0 : i32
        %dma_wait3A_432 = tpu.memref_slice %arg9[%select_n3A_413, %dma_wait3A_430, %dma_wait3A_431] : memref<4x80x128xf32, #tpu.memory_space<vmem>> -> memref<1x80x128xf32, #tpu.memory_space<vmem>>
        %dma_wait3A_433 = tpu.memref_squeeze %dma_wait3A_432 : memref<1x80x128xf32, #tpu.memory_space<vmem>> -> memref<80x128xf32, #tpu.memory_space<vmem>>
        %dma_wait3A_434 = arith.constant 0 : i32
        %dma_wait3A_435 = tpu.memref_slice %arg7[%select_n3A_397, %dma_wait3A_434] : memref<8x80xi32, #tpu.memory_space<vmem>> -> memref<1x80xi32, #tpu.memory_space<vmem>>
        %dma_wait3A_436 = tpu.memref_squeeze %dma_wait3A_435 : memref<1x80xi32, #tpu.memory_space<vmem>> -> memref<80xi32, #tpu.memory_space<vmem>>
        %dma_wait3A_437 = arith.constant 0 : i32
        %dma_wait3A_438 = arith.constant 0 : i32
        %dma_wait3A_439 = tpu.memref_slice %arg2[%dma_wait3A_437, %dma_wait3A_438] : memref<10000x128xf32, #tpu.memory_space<hbm>> -> memref<10000x128xf32, #tpu.memory_space<hbm>>
        %dma_wait3A_440 = tpu.memref_slice %arg11[%select_n3A_429] : memref<4x!tpu.dma_semaphore, #tpu.memory_space<semaphore_mem>> -> memref<1x!tpu.dma_semaphore, #tpu.memory_space<semaphore_mem>>
        %dma_wait3A_441 = tpu.memref_squeeze %dma_wait3A_440 : memref<1x!tpu.dma_semaphore, #tpu.memory_space<semaphore_mem>> -> memref<!tpu.dma_semaphore, #tpu.memory_space<semaphore_mem>>
        tpu.wait_indirect_dma semaphore(%dma_wait3A_441 : memref<!tpu.dma_semaphore, #tpu.memory_space<semaphore_mem>>) src(%dma_wait3A_439 : memref<10000x128xf32, #tpu.memory_space<hbm>>) dst(%dma_wait3A_433 : memref<80x128xf32, #tpu.memory_space<vmem>>)
        %sub3A_442 = arith.constant 1 : i32
        %sub3A_443 = arith.subi %scan3A_248, %sub3A_442 : i32
        %jit3A_444 = arith.constant 8 : i32
        %eq3A_445 = arith.constant 0 : i32
        %eq3A_446 = arith.cmpi eq, %jit3A_444, %eq3A_445 : i32
        %jit3A_447 = arith.constant 1 : i32
        %select_n3A_448 = arith.select %eq3A_446, %jit3A_447, %jit3A_444 : i32
        %rem3A_449 = arith.remsi %sub3A_443, %select_n3A_448 : i32
        %ne3A_450 = arith.constant 0 : i32
        %ne3A_451 = arith.cmpi ne, %rem3A_449, %ne3A_450 : i32
        %lt3A_452 = arith.constant 0 : i32
        %lt3A_453 = arith.cmpi slt, %rem3A_449, %lt3A_452 : i32
        %lt3A_454 = arith.constant 0 : i32
        %lt3A_455 = arith.cmpi slt, %select_n3A_448, %lt3A_454 : i32
        %ne3A_456 = arith.xori %lt3A_453, %lt3A_455 : i1
        %and3A_457 = arith.andi %ne3A_456, %ne3A_451 : i1
        %add3A_458 = arith.addi %rem3A_449, %select_n3A_448 : i32
        %select_n3A_459 = arith.select %and3A_457, %add3A_458, %rem3A_449 : i32
        %jit3A_460 = arith.constant 4 : i32
        %eq3A_461 = arith.constant 0 : i32
        %eq3A_462 = arith.cmpi eq, %jit3A_460, %eq3A_461 : i32
        %jit3A_463 = arith.constant 1 : i32
        %select_n3A_464 = arith.select %eq3A_462, %jit3A_463, %jit3A_460 : i32
        %rem3A_465 = arith.remsi %sub3A_443, %select_n3A_464 : i32
        %ne3A_466 = arith.constant 0 : i32
        %ne3A_467 = arith.cmpi ne, %rem3A_465, %ne3A_466 : i32
        %lt3A_468 = arith.constant 0 : i32
        %lt3A_469 = arith.cmpi slt, %rem3A_465, %lt3A_468 : i32
        %lt3A_470 = arith.constant 0 : i32
        %lt3A_471 = arith.cmpi slt, %select_n3A_464, %lt3A_470 : i32
        %ne3A_472 = arith.xori %lt3A_469, %lt3A_471 : i1
        %and3A_473 = arith.andi %ne3A_472, %ne3A_467 : i1
        %add3A_474 = arith.addi %rem3A_465, %select_n3A_464 : i32
        %select_n3A_475 = arith.select %and3A_473, %add3A_474, %rem3A_465 : i32
        %jit3A_476 = arith.constant 4 : i32
        %eq3A_477 = arith.constant 0 : i32
        %eq3A_478 = arith.cmpi eq, %jit3A_476, %eq3A_477 : i32
        %jit3A_479 = arith.constant 1 : i32
        %select_n3A_480 = arith.select %eq3A_478, %jit3A_479, %jit3A_476 : i32
        %rem3A_481 = arith.remsi %sub3A_443, %select_n3A_480 : i32
        %ne3A_482 = arith.constant 0 : i32
        %ne3A_483 = arith.cmpi ne, %rem3A_481, %ne3A_482 : i32
        %lt3A_484 = arith.constant 0 : i32
        %lt3A_485 = arith.cmpi slt, %rem3A_481, %lt3A_484 : i32
        %lt3A_486 = arith.constant 0 : i32
        %lt3A_487 = arith.cmpi slt, %select_n3A_480, %lt3A_486 : i32
        %ne3A_488 = arith.xori %lt3A_485, %lt3A_487 : i1
        %and3A_489 = arith.andi %ne3A_488, %ne3A_483 : i1
        %add3A_490 = arith.addi %rem3A_481, %select_n3A_480 : i32
        %select_n3A_491 = arith.select %and3A_489, %add3A_490, %rem3A_481 : i32
        %dma_start3A_492 = arith.constant 0 : i32
        %dma_start3A_493 = arith.constant 0 : i32
        %dma_start3A_494 = tpu.memref_slice %arg9[%select_n3A_475, %dma_start3A_492, %dma_start3A_493] : memref<4x80x128xf32, #tpu.memory_space<vmem>> -> memref<1x80x128xf32, #tpu.memory_space<vmem>>
        %dma_start3A_495 = tpu.memref_squeeze %dma_start3A_494 : memref<1x80x128xf32, #tpu.memory_space<vmem>> -> memref<80x128xf32, #tpu.memory_space<vmem>>
        %dma_start3A_496 = arith.constant 0 : i32
        %dma_start3A_497 = tpu.memref_slice %arg8[%select_n3A_459, %dma_start3A_496] : memref<8x80xi32, #tpu.memory_space<vmem>> -> memref<1x80xi32, #tpu.memory_space<vmem>>
        %dma_start3A_498 = tpu.memref_squeeze %dma_start3A_497 : memref<1x80xi32, #tpu.memory_space<vmem>> -> memref<80xi32, #tpu.memory_space<vmem>>
        %dma_start3A_499 = arith.constant 0 : i32
        %dma_start3A_500 = arith.constant 0 : i32
        %dma_start3A_501 = tpu.memref_slice %arg3[%dma_start3A_499, %dma_start3A_500] : memref<10000x128xf32, #tpu.memory_space<hbm>> -> memref<10000x128xf32, #tpu.memory_space<hbm>>
        %dma_start3A_502 = tpu.memref_slice %arg12[%select_n3A_491] : memref<4x!tpu.dma_semaphore, #tpu.memory_space<semaphore_mem>> -> memref<1x!tpu.dma_semaphore, #tpu.memory_space<semaphore_mem>>
        %dma_start3A_503 = tpu.memref_squeeze %dma_start3A_502 : memref<1x!tpu.dma_semaphore, #tpu.memory_space<semaphore_mem>> -> memref<!tpu.dma_semaphore, #tpu.memory_space<semaphore_mem>>
        tpu.enqueue_indirect_dma source(%dma_start3A_501 : memref<10000x128xf32, #tpu.memory_space<hbm>>) target(%dma_start3A_495 : memref<80x128xf32, #tpu.memory_space<vmem>>) offsets(%dma_start3A_498 : memref<80xi32, #tpu.memory_space<vmem>>) semaphore(%dma_start3A_503 : memref<!tpu.dma_semaphore, #tpu.memory_space<semaphore_mem>>) {add = true}
      } else {
      }
      %ge3A_375 = arith.constant 2 : i32
      %ge3A_376 = arith.cmpi sge, %scan3A_248, %ge3A_375 : i32
      %convert_element_type3A_377 = arith.extui %ge3A_376 : i1 to i32
      %cond3A_378 = arith.constant 0 : i32
      %cond3A_379 = arith.cmpi ne, %convert_element_type3A_377, %cond3A_378 : i32
      scf.if %cond3A_379 {
        %sub3A = arith.constant 2 : i32
        %sub3A_381 = arith.subi %scan3A_248, %sub3A : i32
        %jit3A_382 = arith.constant 8 : i32
        %eq3A_383 = arith.constant 0 : i32
        %eq3A_384 = arith.cmpi eq, %jit3A_382, %eq3A_383 : i32
        %jit3A_385 = arith.constant 1 : i32
        %select_n3A_386 = arith.select %eq3A_384, %jit3A_385, %jit3A_382 : i32
        %rem3A_387 = arith.remsi %sub3A_381, %select_n3A_386 : i32
        %ne3A_388 = arith.constant 0 : i32
        %ne3A_389 = arith.cmpi ne, %rem3A_387, %ne3A_388 : i32
        %lt3A_390 = arith.constant 0 : i32
        %lt3A_391 = arith.cmpi slt, %rem3A_387, %lt3A_390 : i32
        %lt3A_392 = arith.constant 0 : i32
        %lt3A_393 = arith.cmpi slt, %select_n3A_386, %lt3A_392 : i32
        %ne3A_394 = arith.xori %lt3A_391, %lt3A_393 : i1
        %and3A_395 = arith.andi %ne3A_394, %ne3A_389 : i1
        %add3A_396 = arith.addi %rem3A_387, %select_n3A_386 : i32
        %select_n3A_397 = arith.select %and3A_395, %add3A_396, %rem3A_387 : i32
        %jit3A_398 = arith.constant 4 : i32
        %eq3A_399 = arith.constant 0 : i32
        %eq3A_400 = arith.cmpi eq, %jit3A_398, %eq3A_399 : i32
        %jit3A_401 = arith.constant 1 : i32
        %select_n3A_402 = arith.select %eq3A_400, %jit3A_401, %jit3A_398 : i32
        %rem3A_403 = arith.remsi %sub3A_381, %select_n3A_402 : i32
        %ne3A_404 = arith.constant 0 : i32
        %ne3A_405 = arith.cmpi ne, %rem3A_403, %ne3A_404 : i32
        %lt3A_406 = arith.constant 0 : i32
        %lt3A_407 = arith.cmpi slt, %rem3A_403, %lt3A_406 : i32
        %lt3A_408 = arith.constant 0 : i32
        %lt3A_409 = arith.cmpi slt, %select_n3A_402, %lt3A_408 : i32
        %ne3A_410 = arith.xori %lt3A_407, %lt3A_409 : i1
        %and3A_411 = arith.andi %ne3A_410, %ne3A_405 : i1
        %add3A_412 = arith.addi %rem3A_403, %select_n3A_402 : i32
        %select_n3A_413 = arith.select %and3A_411, %add3A_412, %rem3A_403 : i32
        %jit3A_414 = arith.constant 4 : i32
        %eq3A_415 = arith.constant 0 : i32
        %eq3A_416 = arith.cmpi eq, %jit3A_414, %eq3A_415 : i32
        %jit3A_417 = arith.constant 1 : i32
        %select_n3A_418 = arith.select %eq3A_416, %jit3A_417, %jit3A_414 : i32
        %rem3A_419 = arith.remsi %sub3A_381, %select_n3A_418 : i32
        %ne3A_420 = arith.constant 0 : i32
        %ne3A_421 = arith.cmpi ne, %rem3A_419, %ne3A_420 : i32
        %lt3A_422 = arith.constant 0 : i32
        %lt3A_423 = arith.cmpi slt, %rem3A_419, %lt3A_422 : i32
        %lt3A_424 = arith.constant 0 : i32
        %lt3A_425 = arith.cmpi slt, %select_n3A_418, %lt3A_424 : i32
        %ne3A_426 = arith.xori %lt3A_423, %lt3A_425 : i1
        %and3A_427 = arith.andi %ne3A_426, %ne3A_421 : i1
        %add3A_428 = arith.addi %rem3A_419, %select_n3A_418 : i32
        %select_n3A_429 = arith.select %and3A_427, %add3A_428, %rem3A_419 : i32
        %dma_wait3A_430 = arith.constant 0 : i32
        %dma_wait3A_431 = arith.constant 0 : i32
        %dma_wait3A_432 = tpu.memref_slice %arg9[%select_n3A_413, %dma_wait3A_430, %dma_wait3A_431] : memref<4x80x128xf32, #tpu.memory_space<vmem>> -> memref<1x80x128xf32, #tpu.memory_space<vmem>>
        %dma_wait3A_433 = tpu.memref_squeeze %dma_wait3A_432 : memref<1x80x128xf32, #tpu.memory_space<vmem>> -> memref<80x128xf32, #tpu.memory_space<vmem>>
        %dma_wait3A_434 = arith.constant 0 : i32
        %dma_wait3A_435 = tpu.memref_slice %arg8[%select_n3A_397, %dma_wait3A_434] : memref<8x80xi32, #tpu.memory_space<vmem>> -> memref<1x80xi32, #tpu.memory_space<vmem>>
        %dma_wait3A_436 = tpu.memref_squeeze %dma_wait3A_435 : memref<1x80xi32, #tpu.memory_space<vmem>> -> memref<80xi32, #tpu.memory_space<vmem>>
        %dma_wait3A_437 = arith.constant 0 : i32
        %dma_wait3A_438 = arith.constant 0 : i32
        %dma_wait3A_439 = tpu.memref_slice %arg3[%dma_wait3A_437, %dma_wait3A_438] : memref<10000x128xf32, #tpu.memory_space<hbm>> -> memref<10000x128xf32, #tpu.memory_space<hbm>>
        %dma_wait3A_440 = tpu.memref_slice %arg12[%select_n3A_429] : memref<4x!tpu.dma_semaphore, #tpu.memory_space<semaphore_mem>> -> memref<1x!tpu.dma_semaphore, #tpu.memory_space<semaphore_mem>>
        %dma_wait3A_441 = tpu.memref_squeeze %dma_wait3A_440 : memref<1x!tpu.dma_semaphore, #tpu.memory_space<semaphore_mem>> -> memref<!tpu.dma_semaphore, #tpu.memory_space<semaphore_mem>>
        tpu.wait_indirect_dma semaphore(%dma_wait3A_441 : memref<!tpu.dma_semaphore, #tpu.memory_space<semaphore_mem>>) src(%dma_wait3A_439 : memref<10000x128xf32, #tpu.memory_space<hbm>>) dst(%dma_wait3A_433 : memref<80x128xf32, #tpu.memory_space<vmem>>)
        %sub3A_442 = arith.constant 2 : i32
        %sub3A_443 = arith.subi %scan3A_248, %sub3A_442 : i32
        %jit3A_444 = arith.constant 4 : i32
        %eq3A_445 = arith.constant 0 : i32
        %eq3A_446 = arith.cmpi eq, %jit3A_444, %eq3A_445 : i32
        %jit3A_447 = arith.constant 1 : i32
        %select_n3A_448 = arith.select %eq3A_446, %jit3A_447, %jit3A_444 : i32
        %rem3A_449 = arith.remsi %sub3A_443, %select_n3A_448 : i32
        %ne3A_450 = arith.constant 0 : i32
        %ne3A_451 = arith.cmpi ne, %rem3A_449, %ne3A_450 : i32
        %lt3A_452 = arith.constant 0 : i32
        %lt3A_453 = arith.cmpi slt, %rem3A_449, %lt3A_452 : i32
        %lt3A_454 = arith.constant 0 : i32
        %lt3A_455 = arith.cmpi slt, %select_n3A_448, %lt3A_454 : i32
        %ne3A_456 = arith.xori %lt3A_453, %lt3A_455 : i1
        %and3A_457 = arith.andi %ne3A_456, %ne3A_451 : i1
        %add3A_458 = arith.addi %rem3A_449, %select_n3A_448 : i32
        %select_n3A_459 = arith.select %and3A_457, %add3A_458, %rem3A_449 : i32
        %mul3A_460 = arith.constant 32 : i32
        %mul3A_461 = arith.muli %sub3A_443, %mul3A_460 : i32
        %add3A_462 = arith.addi %mul3A_461, %add3A : i32
        %mul3A_463 = arith.constant 80 : i32
        %mul3A_464 = arith.muli %add3A_462, %mul3A_463 : i32
        %multiple_of3A_465 = tpu.assume_multiple %mul3A_464, 8 : i32
        %jit3A_466 = arith.constant 4 : i32
        %eq3A_467 = arith.constant 0 : i32
        %eq3A_468 = arith.cmpi eq, %jit3A_466, %eq3A_467 : i32
        %jit3A_469 = arith.constant 1 : i32
        %select_n3A_470 = arith.select %eq3A_468, %jit3A_469, %jit3A_466 : i32
        %rem3A_471 = arith.remsi %sub3A_443, %select_n3A_470 : i32
        %ne3A_472 = arith.constant 0 : i32
        %ne3A_473 = arith.cmpi ne, %rem3A_471, %ne3A_472 : i32
        %lt3A_474 = arith.constant 0 : i32
        %lt3A_475 = arith.cmpi slt, %rem3A_471, %lt3A_474 : i32
        %lt3A_476 = arith.constant 0 : i32
        %lt3A_477 = arith.cmpi slt, %select_n3A_470, %lt3A_476 : i32
        %ne3A_478 = arith.xori %lt3A_475, %lt3A_477 : i1
        %and3A_479 = arith.andi %ne3A_478, %ne3A_473 : i1
        %add3A_480 = arith.addi %rem3A_471, %select_n3A_470 : i32
        %select_n3A_481 = arith.select %and3A_479, %add3A_480, %rem3A_471 : i32
        %dma_start3A_482 = arith.constant 0 : i32
        %dma_start3A_483 = arith.constant 0 : i32
        %dma_start3A_484 = tpu.memref_slice %arg9[%select_n3A_459, %dma_start3A_482, %dma_start3A_483] : memref<4x80x128xf32, #tpu.memory_space<vmem>> -> memref<1x80x128xf32, #tpu.memory_space<vmem>>
        %dma_start3A_485 = tpu.memref_squeeze %dma_start3A_484 : memref<1x80x128xf32, #tpu.memory_space<vmem>> -> memref<80x128xf32, #tpu.memory_space<vmem>>
        %dma_start3A_486 = arith.constant 0 : i32
        %dma_start3A_487 = tpu.memref_slice %arg6[%multiple_of3A_465, %dma_start3A_486] : memref<204800x128xf32, #tpu.memory_space<hbm>> -> memref<80x128xf32, #tpu.memory_space<hbm>>
        %dma_start3A_488 = tpu.memref_slice %arg13[%select_n3A_481] : memref<4x!tpu.dma_semaphore, #tpu.memory_space<semaphore_mem>> -> memref<1x!tpu.dma_semaphore, #tpu.memory_space<semaphore_mem>>
        %dma_start3A_489 = tpu.memref_squeeze %dma_start3A_488 : memref<1x!tpu.dma_semaphore, #tpu.memory_space<semaphore_mem>> -> memref<!tpu.dma_semaphore, #tpu.memory_space<semaphore_mem>>
        %dma_start3A_490 = arith.constant 0 : i32
        %dma_start3A_491 = tpu.memref_slice %arg6[%multiple_of3A_465, %dma_start3A_490] : memref<204800x128xf32, #tpu.memory_space<hbm>> -> memref<80x128xf32, #tpu.memory_space<hbm>>
        %dma_start3A_492 = arith.constant 0 : i32
        %dma_start3A_493 = arith.constant 0 : i32
        %dma_start3A_494 = tpu.memref_slice %arg9[%select_n3A_459, %dma_start3A_492, %dma_start3A_493] : memref<4x80x128xf32, #tpu.memory_space<vmem>> -> memref<1x80x128xf32, #tpu.memory_space<vmem>>
        %dma_start3A_495 = tpu.memref_squeeze %dma_start3A_494 : memref<1x80x128xf32, #tpu.memory_space<vmem>> -> memref<80x128xf32, #tpu.memory_space<vmem>>
        tpu.enqueue_dma source(%dma_start3A_495 : memref<80x128xf32, #tpu.memory_space<vmem>>) target(%dma_start3A_491 : memref<80x128xf32, #tpu.memory_space<hbm>>) target_semaphore(%dma_start3A_489 : memref<!tpu.dma_semaphore, #tpu.memory_space<semaphore_mem>>)
      } else {
      }
      %scan3A_380 = arith.constant 0 : i32
      scf.yield %scan3A_380 : i32
    }
    %scan3A_62 = arith.constant 80 : i32
    %dma_wait3A = arith.constant 7 : i32
    %dma_wait3A_63 = arith.constant 3 : i32
    %dma_wait3A_64 = arith.constant 3 : i32
    %dma_wait3A_65 = arith.constant 0 : i32
    %dma_wait3A_66 = arith.constant 0 : i32
    %dma_wait3A_67 = tpu.memref_slice %arg9[%dma_wait3A_63, %dma_wait3A_65, %dma_wait3A_66] : memref<4x80x128xf32, #tpu.memory_space<vmem>> -> memref<1x80x128xf32, #tpu.memory_space<vmem>>
    %dma_wait3A_68 = tpu.memref_squeeze %dma_wait3A_67 : memref<1x80x128xf32, #tpu.memory_space<vmem>> -> memref<80x128xf32, #tpu.memory_space<vmem>>
    %dma_wait3A_69 = arith.constant 0 : i32
    %dma_wait3A_70 = tpu.memref_slice %arg7[%dma_wait3A, %dma_wait3A_69] : memref<8x80xi32, #tpu.memory_space<vmem>> -> memref<1x80xi32, #tpu.memory_space<vmem>>
    %dma_wait3A_71 = tpu.memref_squeeze %dma_wait3A_70 : memref<1x80xi32, #tpu.memory_space<vmem>> -> memref<80xi32, #tpu.memory_space<vmem>>
    %dma_wait3A_72 = arith.constant 0 : i32
    %dma_wait3A_73 = arith.constant 0 : i32
    %dma_wait3A_74 = tpu.memref_slice %arg2[%dma_wait3A_72, %dma_wait3A_73] : memref<10000x128xf32, #tpu.memory_space<hbm>> -> memref<10000x128xf32, #tpu.memory_space<hbm>>
    %dma_wait3A_75 = tpu.memref_slice %arg11[%dma_wait3A_64] : memref<4x!tpu.dma_semaphore, #tpu.memory_space<semaphore_mem>> -> memref<1x!tpu.dma_semaphore, #tpu.memory_space<semaphore_mem>>
    %dma_wait3A_76 = tpu.memref_squeeze %dma_wait3A_75 : memref<1x!tpu.dma_semaphore, #tpu.memory_space<semaphore_mem>> -> memref<!tpu.dma_semaphore, #tpu.memory_space<semaphore_mem>>
    tpu.wait_indirect_dma semaphore(%dma_wait3A_76 : memref<!tpu.dma_semaphore, #tpu.memory_space<semaphore_mem>>) src(%dma_wait3A_74 : memref<10000x128xf32, #tpu.memory_space<hbm>>) dst(%dma_wait3A_68 : memref<80x128xf32, #tpu.memory_space<vmem>>)
    %dma_start3A_77 = arith.constant 7 : i32
    %dma_start3A_78 = arith.constant 3 : i32
    %dma_start3A_79 = arith.constant 3 : i32
    %dma_start3A_80 = arith.constant 0 : i32
    %dma_start3A_81 = arith.constant 0 : i32
    %dma_start3A_82 = tpu.memref_slice %arg9[%dma_start3A_78, %dma_start3A_80, %dma_start3A_81] : memref<4x80x128xf32, #tpu.memory_space<vmem>> -> memref<1x80x128xf32, #tpu.memory_space<vmem>>
    %dma_start3A_83 = tpu.memref_squeeze %dma_start3A_82 : memref<1x80x128xf32, #tpu.memory_space<vmem>> -> memref<80x128xf32, #tpu.memory_space<vmem>>
    %dma_start3A_84 = arith.constant 0 : i32
    %dma_start3A_85 = tpu.memref_slice %arg8[%dma_start3A_77, %dma_start3A_84] : memref<8x80xi32, #tpu.memory_space<vmem>> -> memref<1x80xi32, #tpu.memory_space<vmem>>
    %dma_start3A_86 = tpu.memref_squeeze %dma_start3A_85 : memref<1x80xi32, #tpu.memory_space<vmem>> -> memref<80xi32, #tpu.memory_space<vmem>>
    %dma_start3A_87 = arith.constant 0 : i32
    %dma_start3A_88 = arith.constant 0 : i32
    %dma_start3A_89 = tpu.memref_slice %arg3[%dma_start3A_87, %dma_start3A_88] : memref<10000x128xf32, #tpu.memory_space<hbm>> -> memref<10000x128xf32, #tpu.memory_space<hbm>>
    %dma_start3A_90 = tpu.memref_slice %arg12[%dma_start3A_79] : memref<4x!tpu.dma_semaphore, #tpu.memory_space<semaphore_mem>> -> memref<1x!tpu.dma_semaphore, #tpu.memory_space<semaphore_mem>>
    %dma_start3A_91 = tpu.memref_squeeze %dma_start3A_90 : memref<1x!tpu.dma_semaphore, #tpu.memory_space<semaphore_mem>> -> memref<!tpu.dma_semaphore, #tpu.memory_space<semaphore_mem>>
    tpu.enqueue_indirect_dma source(%dma_start3A_89 : memref<10000x128xf32, #tpu.memory_space<hbm>>) target(%dma_start3A_83 : memref<80x128xf32, #tpu.memory_space<vmem>>) offsets(%dma_start3A_86 : memref<80xi32, #tpu.memory_space<vmem>>) semaphore(%dma_start3A_91 : memref<!tpu.dma_semaphore, #tpu.memory_space<semaphore_mem>>) {add = true}
    %dma_wait3A_92 = arith.constant 6 : i32
    %dma_wait3A_93 = arith.constant 2 : i32
    %dma_wait3A_94 = arith.constant 2 : i32
    %dma_wait3A_95 = arith.constant 0 : i32
    %dma_wait3A_96 = arith.constant 0 : i32
    %dma_wait3A_97 = tpu.memref_slice %arg9[%dma_wait3A_93, %dma_wait3A_95, %dma_wait3A_96] : memref<4x80x128xf32, #tpu.memory_space<vmem>> -> memref<1x80x128xf32, #tpu.memory_space<vmem>>
    %dma_wait3A_98 = tpu.memref_squeeze %dma_wait3A_97 : memref<1x80x128xf32, #tpu.memory_space<vmem>> -> memref<80x128xf32, #tpu.memory_space<vmem>>
    %dma_wait3A_99 = arith.constant 0 : i32
    %dma_wait3A_100 = tpu.memref_slice %arg8[%dma_wait3A_92, %dma_wait3A_99] : memref<8x80xi32, #tpu.memory_space<vmem>> -> memref<1x80xi32, #tpu.memory_space<vmem>>
    %dma_wait3A_101 = tpu.memref_squeeze %dma_wait3A_100 : memref<1x80xi32, #tpu.memory_space<vmem>> -> memref<80xi32, #tpu.memory_space<vmem>>
    %dma_wait3A_102 = arith.constant 0 : i32
    %dma_wait3A_103 = arith.constant 0 : i32
    %dma_wait3A_104 = tpu.memref_slice %arg3[%dma_wait3A_102, %dma_wait3A_103] : memref<10000x128xf32, #tpu.memory_space<hbm>> -> memref<10000x128xf32, #tpu.memory_space<hbm>>
    %dma_wait3A_105 = tpu.memref_slice %arg12[%dma_wait3A_94] : memref<4x!tpu.dma_semaphore, #tpu.memory_space<semaphore_mem>> -> memref<1x!tpu.dma_semaphore, #tpu.memory_space<semaphore_mem>>
    %dma_wait3A_106 = tpu.memref_squeeze %dma_wait3A_105 : memref<1x!tpu.dma_semaphore, #tpu.memory_space<semaphore_mem>> -> memref<!tpu.dma_semaphore, #tpu.memory_space<semaphore_mem>>
    tpu.wait_indirect_dma semaphore(%dma_wait3A_106 : memref<!tpu.dma_semaphore, #tpu.memory_space<semaphore_mem>>) src(%dma_wait3A_104 : memref<10000x128xf32, #tpu.memory_space<hbm>>) dst(%dma_wait3A_98 : memref<80x128xf32, #tpu.memory_space<vmem>>)
    %add3A_107 = arith.constant 2496 : i32
    %add3A_108 = arith.addi %add3A_107, %add3A : i32
    %mul3A_109 = arith.constant 80 : i32
    %mul3A_110 = arith.muli %add3A_108, %mul3A_109 : i32
    %multiple_of3A_111 = tpu.assume_multiple %mul3A_110, 8 : i32
    %dma_start3A_112 = arith.constant 2 : i32
    %dma_start3A_113 = arith.constant 2 : i32
    %dma_start3A_114 = arith.constant 0 : i32
    %dma_start3A_115 = arith.constant 0 : i32
    %dma_start3A_116 = tpu.memref_slice %arg9[%dma_start3A_112, %dma_start3A_114, %dma_start3A_115] : memref<4x80x128xf32, #tpu.memory_space<vmem>> -> memref<1x80x128xf32, #tpu.memory_space<vmem>>
    %dma_start3A_117 = tpu.memref_squeeze %dma_start3A_116 : memref<1x80x128xf32, #tpu.memory_space<vmem>> -> memref<80x128xf32, #tpu.memory_space<vmem>>
    %dma_start3A_118 = arith.constant 0 : i32
    %dma_start3A_119 = tpu.memref_slice %arg6[%multiple_of3A_111, %dma_start3A_118] : memref<204800x128xf32, #tpu.memory_space<hbm>> -> memref<80x128xf32, #tpu.memory_space<hbm>>
    %dma_start3A_120 = tpu.memref_slice %arg13[%dma_start3A_113] : memref<4x!tpu.dma_semaphore, #tpu.memory_space<semaphore_mem>> -> memref<1x!tpu.dma_semaphore, #tpu.memory_space<semaphore_mem>>
    %dma_start3A_121 = tpu.memref_squeeze %dma_start3A_120 : memref<1x!tpu.dma_semaphore, #tpu.memory_space<semaphore_mem>> -> memref<!tpu.dma_semaphore, #tpu.memory_space<semaphore_mem>>
    %dma_start3A_122 = arith.constant 0 : i32
    %dma_start3A_123 = tpu.memref_slice %arg6[%multiple_of3A_111, %dma_start3A_122] : memref<204800x128xf32, #tpu.memory_space<hbm>> -> memref<80x128xf32, #tpu.memory_space<hbm>>
    %dma_start3A_124 = arith.constant 0 : i32
    %dma_start3A_125 = arith.constant 0 : i32
    %dma_start3A_126 = tpu.memref_slice %arg9[%dma_start3A_112, %dma_start3A_124, %dma_start3A_125] : memref<4x80x128xf32, #tpu.memory_space<vmem>> -> memref<1x80x128xf32, #tpu.memory_space<vmem>>
    %dma_start3A_127 = tpu.memref_squeeze %dma_start3A_126 : memref<1x80x128xf32, #tpu.memory_space<vmem>> -> memref<80x128xf32, #tpu.memory_space<vmem>>
    tpu.enqueue_dma source(%dma_start3A_127 : memref<80x128xf32, #tpu.memory_space<vmem>>) target(%dma_start3A_123 : memref<80x128xf32, #tpu.memory_space<hbm>>) target_semaphore(%dma_start3A_121 : memref<!tpu.dma_semaphore, #tpu.memory_space<semaphore_mem>>)
    %dma_wait3A_128 = arith.constant 7 : i32
    %dma_wait3A_129 = arith.constant 3 : i32
    %dma_wait3A_130 = arith.constant 3 : i32
    %dma_wait3A_131 = arith.constant 0 : i32
    %dma_wait3A_132 = arith.constant 0 : i32
    %dma_wait3A_133 = tpu.memref_slice %arg9[%dma_wait3A_129, %dma_wait3A_131, %dma_wait3A_132] : memref<4x80x128xf32, #tpu.memory_space<vmem>> -> memref<1x80x128xf32, #tpu.memory_space<vmem>>
    %dma_wait3A_134 = tpu.memref_squeeze %dma_wait3A_133 : memref<1x80x128xf32, #tpu.memory_space<vmem>> -> memref<80x128xf32, #tpu.memory_space<vmem>>
    %dma_wait3A_135 = arith.constant 0 : i32
    %dma_wait3A_136 = tpu.memref_slice %arg8[%dma_wait3A_128, %dma_wait3A_135] : memref<8x80xi32, #tpu.memory_space<vmem>> -> memref<1x80xi32, #tpu.memory_space<vmem>>
    %dma_wait3A_137 = tpu.memref_squeeze %dma_wait3A_136 : memref<1x80xi32, #tpu.memory_space<vmem>> -> memref<80xi32, #tpu.memory_space<vmem>>
    %dma_wait3A_138 = arith.constant 0 : i32
    %dma_wait3A_139 = arith.constant 0 : i32
    %dma_wait3A_140 = tpu.memref_slice %arg3[%dma_wait3A_138, %dma_wait3A_139] : memref<10000x128xf32, #tpu.memory_space<hbm>> -> memref<10000x128xf32, #tpu.memory_space<hbm>>
    %dma_wait3A_141 = tpu.memref_slice %arg12[%dma_wait3A_130] : memref<4x!tpu.dma_semaphore, #tpu.memory_space<semaphore_mem>> -> memref<1x!tpu.dma_semaphore, #tpu.memory_space<semaphore_mem>>
    %dma_wait3A_142 = tpu.memref_squeeze %dma_wait3A_141 : memref<1x!tpu.dma_semaphore, #tpu.memory_space<semaphore_mem>> -> memref<!tpu.dma_semaphore, #tpu.memory_space<semaphore_mem>>
    tpu.wait_indirect_dma semaphore(%dma_wait3A_142 : memref<!tpu.dma_semaphore, #tpu.memory_space<semaphore_mem>>) src(%dma_wait3A_140 : memref<10000x128xf32, #tpu.memory_space<hbm>>) dst(%dma_wait3A_134 : memref<80x128xf32, #tpu.memory_space<vmem>>)
    %add3A_143 = arith.constant 2528 : i32
    %add3A_144 = arith.addi %add3A_143, %add3A : i32
    %mul3A_145 = arith.constant 80 : i32
    %mul3A_146 = arith.muli %add3A_144, %mul3A_145 : i32
    %multiple_of3A_147 = tpu.assume_multiple %mul3A_146, 8 : i32
    %dma_start3A_148 = arith.constant 3 : i32
    %dma_start3A_149 = arith.constant 3 : i32
    %dma_start3A_150 = arith.constant 0 : i32
    %dma_start3A_151 = arith.constant 0 : i32
    %dma_start3A_152 = tpu.memref_slice %arg9[%dma_start3A_148, %dma_start3A_150, %dma_start3A_151] : memref<4x80x128xf32, #tpu.memory_space<vmem>> -> memref<1x80x128xf32, #tpu.memory_space<vmem>>
    %dma_start3A_153 = tpu.memref_squeeze %dma_start3A_152 : memref<1x80x128xf32, #tpu.memory_space<vmem>> -> memref<80x128xf32, #tpu.memory_space<vmem>>
    %dma_start3A_154 = arith.constant 0 : i32
    %dma_start3A_155 = tpu.memref_slice %arg6[%multiple_of3A_147, %dma_start3A_154] : memref<204800x128xf32, #tpu.memory_space<hbm>> -> memref<80x128xf32, #tpu.memory_space<hbm>>
    %dma_start3A_156 = tpu.memref_slice %arg13[%dma_start3A_149] : memref<4x!tpu.dma_semaphore, #tpu.memory_space<semaphore_mem>> -> memref<1x!tpu.dma_semaphore, #tpu.memory_space<semaphore_mem>>
    %dma_start3A_157 = tpu.memref_squeeze %dma_start3A_156 : memref<1x!tpu.dma_semaphore, #tpu.memory_space<semaphore_mem>> -> memref<!tpu.dma_semaphore, #tpu.memory_space<semaphore_mem>>
    %dma_start3A_158 = arith.constant 0 : i32
    %dma_start3A_159 = tpu.memref_slice %arg6[%multiple_of3A_147, %dma_start3A_158] : memref<204800x128xf32, #tpu.memory_space<hbm>> -> memref<80x128xf32, #tpu.memory_space<hbm>>
    %dma_start3A_160 = arith.constant 0 : i32
    %dma_start3A_161 = arith.constant 0 : i32
    %dma_start3A_162 = tpu.memref_slice %arg9[%dma_start3A_148, %dma_start3A_160, %dma_start3A_161] : memref<4x80x128xf32, #tpu.memory_space<vmem>> -> memref<1x80x128xf32, #tpu.memory_space<vmem>>
    %dma_start3A_163 = tpu.memref_squeeze %dma_start3A_162 : memref<1x80x128xf32, #tpu.memory_space<vmem>> -> memref<80x128xf32, #tpu.memory_space<vmem>>
    tpu.enqueue_dma source(%dma_start3A_163 : memref<80x128xf32, #tpu.memory_space<vmem>>) target(%dma_start3A_159 : memref<80x128xf32, #tpu.memory_space<hbm>>) target_semaphore(%dma_start3A_157 : memref<!tpu.dma_semaphore, #tpu.memory_space<semaphore_mem>>)
    %add3A_164 = arith.constant 2432 : i32
    %add3A_165 = arith.addi %add3A_164, %add3A : i32
    %mul3A_166 = arith.constant 80 : i32
    %mul3A_167 = arith.muli %add3A_165, %mul3A_166 : i32
    %multiple_of3A_168 = tpu.assume_multiple %mul3A_167, 8 : i32
    %dma_wait3A_169 = arith.constant 0 : i32
    %dma_wait3A_170 = arith.constant 0 : i32
    %dma_wait3A_171 = arith.constant 0 : i32
    %dma_wait3A_172 = arith.constant 0 : i32
    %dma_wait3A_173 = tpu.memref_slice %arg9[%dma_wait3A_169, %dma_wait3A_171, %dma_wait3A_172] : memref<4x80x128xf32, #tpu.memory_space<vmem>> -> memref<1x80x128xf32, #tpu.memory_space<vmem>>
    %dma_wait3A_174 = tpu.memref_squeeze %dma_wait3A_173 : memref<1x80x128xf32, #tpu.memory_space<vmem>> -> memref<80x128xf32, #tpu.memory_space<vmem>>
    %dma_wait3A_175 = arith.constant 0 : i32
    %dma_wait3A_176 = tpu.memref_slice %arg6[%multiple_of3A_168, %dma_wait3A_175] : memref<204800x128xf32, #tpu.memory_space<hbm>> -> memref<80x128xf32, #tpu.memory_space<hbm>>
    %dma_wait3A_177 = tpu.memref_slice %arg13[%dma_wait3A_170] : memref<4x!tpu.dma_semaphore, #tpu.memory_space<semaphore_mem>> -> memref<1x!tpu.dma_semaphore, #tpu.memory_space<semaphore_mem>>
    %dma_wait3A_178 = tpu.memref_squeeze %dma_wait3A_177 : memref<1x!tpu.dma_semaphore, #tpu.memory_space<semaphore_mem>> -> memref<!tpu.dma_semaphore, #tpu.memory_space<semaphore_mem>>
    %dma_wait3A_179 = arith.constant 0 : i32
    %dma_wait3A_180 = tpu.memref_slice %arg6[%multiple_of3A_168, %dma_wait3A_179] : memref<204800x128xf32, #tpu.memory_space<hbm>> -> memref<80x128xf32, #tpu.memory_space<hbm>>
    %dma_wait3A_181 = arith.constant 0 : i32
    %dma_wait3A_182 = arith.constant 0 : i32
    %dma_wait3A_183 = tpu.memref_slice %arg9[%dma_wait3A_169, %dma_wait3A_181, %dma_wait3A_182] : memref<4x80x128xf32, #tpu.memory_space<vmem>> -> memref<1x80x128xf32, #tpu.memory_space<vmem>>
    %dma_wait3A_184 = tpu.memref_squeeze %dma_wait3A_183 : memref<1x80x128xf32, #tpu.memory_space<vmem>> -> memref<80x128xf32, #tpu.memory_space<vmem>>
    tpu.wait_dma2 semaphore(%dma_wait3A_178 : memref<!tpu.dma_semaphore, #tpu.memory_space<semaphore_mem>>) src(%dma_wait3A_184 : memref<80x128xf32, #tpu.memory_space<vmem>>) dst(%dma_wait3A_180 : memref<80x128xf32, #tpu.memory_space<hbm>>)
    %add3A_185 = arith.constant 2464 : i32
    %add3A_186 = arith.addi %add3A_185, %add3A : i32
    %mul3A_187 = arith.constant 80 : i32
    %mul3A_188 = arith.muli %add3A_186, %mul3A_187 : i32
    %multiple_of3A_189 = tpu.assume_multiple %mul3A_188, 8 : i32
    %dma_wait3A_190 = arith.constant 1 : i32
    %dma_wait3A_191 = arith.constant 1 : i32
    %dma_wait3A_192 = arith.constant 0 : i32
    %dma_wait3A_193 = arith.constant 0 : i32
    %dma_wait3A_194 = tpu.memref_slice %arg9[%dma_wait3A_190, %dma_wait3A_192, %dma_wait3A_193] : memref<4x80x128xf32, #tpu.memory_space<vmem>> -> memref<1x80x128xf32, #tpu.memory_space<vmem>>
    %dma_wait3A_195 = tpu.memref_squeeze %dma_wait3A_194 : memref<1x80x128xf32, #tpu.memory_space<vmem>> -> memref<80x128xf32, #tpu.memory_space<vmem>>
    %dma_wait3A_196 = arith.constant 0 : i32
    %dma_wait3A_197 = tpu.memref_slice %arg6[%multiple_of3A_189, %dma_wait3A_196] : memref<204800x128xf32, #tpu.memory_space<hbm>> -> memref<80x128xf32, #tpu.memory_space<hbm>>
    %dma_wait3A_198 = tpu.memref_slice %arg13[%dma_wait3A_191] : memref<4x!tpu.dma_semaphore, #tpu.memory_space<semaphore_mem>> -> memref<1x!tpu.dma_semaphore, #tpu.memory_space<semaphore_mem>>
    %dma_wait3A_199 = tpu.memref_squeeze %dma_wait3A_198 : memref<1x!tpu.dma_semaphore, #tpu.memory_space<semaphore_mem>> -> memref<!tpu.dma_semaphore, #tpu.memory_space<semaphore_mem>>
    %dma_wait3A_200 = arith.constant 0 : i32
    %dma_wait3A_201 = tpu.memref_slice %arg6[%multiple_of3A_189, %dma_wait3A_200] : memref<204800x128xf32, #tpu.memory_space<hbm>> -> memref<80x128xf32, #tpu.memory_space<hbm>>
    %dma_wait3A_202 = arith.constant 0 : i32
    %dma_wait3A_203 = arith.constant 0 : i32
    %dma_wait3A_204 = tpu.memref_slice %arg9[%dma_wait3A_190, %dma_wait3A_202, %dma_wait3A_203] : memref<4x80x128xf32, #tpu.memory_space<vmem>> -> memref<1x80x128xf32, #tpu.memory_space<vmem>>
    %dma_wait3A_205 = tpu.memref_squeeze %dma_wait3A_204 : memref<1x80x128xf32, #tpu.memory_space<vmem>> -> memref<80x128xf32, #tpu.memory_space<vmem>>
    tpu.wait_dma2 semaphore(%dma_wait3A_199 : memref<!tpu.dma_semaphore, #tpu.memory_space<semaphore_mem>>) src(%dma_wait3A_205 : memref<80x128xf32, #tpu.memory_space<vmem>>) dst(%dma_wait3A_201 : memref<80x128xf32, #tpu.memory_space<hbm>>)
    %add3A_206 = arith.constant 2496 : i32
    %add3A_207 = arith.addi %add3A_206, %add3A : i32
    %mul3A_208 = arith.constant 80 : i32
    %mul3A_209 = arith.muli %add3A_207, %mul3A_208 : i32
    %multiple_of3A_210 = tpu.assume_multiple %mul3A_209, 8 : i32
    %dma_wait3A_211 = arith.constant 2 : i32
    %dma_wait3A_212 = arith.constant 2 : i32
    %dma_wait3A_213 = arith.constant 0 : i32
    %dma_wait3A_214 = arith.constant 0 : i32
    %dma_wait3A_215 = tpu.memref_slice %arg9[%dma_wait3A_211, %dma_wait3A_213, %dma_wait3A_214] : memref<4x80x128xf32, #tpu.memory_space<vmem>> -> memref<1x80x128xf32, #tpu.memory_space<vmem>>
    %dma_wait3A_216 = tpu.memref_squeeze %dma_wait3A_215 : memref<1x80x128xf32, #tpu.memory_space<vmem>> -> memref<80x128xf32, #tpu.memory_space<vmem>>
    %dma_wait3A_217 = arith.constant 0 : i32
    %dma_wait3A_218 = tpu.memref_slice %arg6[%multiple_of3A_210, %dma_wait3A_217] : memref<204800x128xf32, #tpu.memory_space<hbm>> -> memref<80x128xf32, #tpu.memory_space<hbm>>
    %dma_wait3A_219 = tpu.memref_slice %arg13[%dma_wait3A_212] : memref<4x!tpu.dma_semaphore, #tpu.memory_space<semaphore_mem>> -> memref<1x!tpu.dma_semaphore, #tpu.memory_space<semaphore_mem>>
    %dma_wait3A_220 = tpu.memref_squeeze %dma_wait3A_219 : memref<1x!tpu.dma_semaphore, #tpu.memory_space<semaphore_mem>> -> memref<!tpu.dma_semaphore, #tpu.memory_space<semaphore_mem>>
    %dma_wait3A_221 = arith.constant 0 : i32
    %dma_wait3A_222 = tpu.memref_slice %arg6[%multiple_of3A_210, %dma_wait3A_221] : memref<204800x128xf32, #tpu.memory_space<hbm>> -> memref<80x128xf32, #tpu.memory_space<hbm>>
    %dma_wait3A_223 = arith.constant 0 : i32
    %dma_wait3A_224 = arith.constant 0 : i32
    %dma_wait3A_225 = tpu.memref_slice %arg9[%dma_wait3A_211, %dma_wait3A_223, %dma_wait3A_224] : memref<4x80x128xf32, #tpu.memory_space<vmem>> -> memref<1x80x128xf32, #tpu.memory_space<vmem>>
    %dma_wait3A_226 = tpu.memref_squeeze %dma_wait3A_225 : memref<1x80x128xf32, #tpu.memory_space<vmem>> -> memref<80x128xf32, #tpu.memory_space<vmem>>
    tpu.wait_dma2 semaphore(%dma_wait3A_220 : memref<!tpu.dma_semaphore, #tpu.memory_space<semaphore_mem>>) src(%dma_wait3A_226 : memref<80x128xf32, #tpu.memory_space<vmem>>) dst(%dma_wait3A_222 : memref<80x128xf32, #tpu.memory_space<hbm>>)
    %add3A_227 = arith.constant 2528 : i32
    %add3A_228 = arith.addi %add3A_227, %add3A : i32
    %mul3A_229 = arith.constant 80 : i32
    %mul3A_230 = arith.muli %add3A_228, %mul3A_229 : i32
    %multiple_of3A_231 = tpu.assume_multiple %mul3A_230, 8 : i32
    %dma_wait3A_232 = arith.constant 3 : i32
    %dma_wait3A_233 = arith.constant 3 : i32
    %dma_wait3A_234 = arith.constant 0 : i32
    %dma_wait3A_235 = arith.constant 0 : i32
    %dma_wait3A_236 = tpu.memref_slice %arg9[%dma_wait3A_232, %dma_wait3A_234, %dma_wait3A_235] : memref<4x80x128xf32, #tpu.memory_space<vmem>> -> memref<1x80x128xf32, #tpu.memory_space<vmem>>
    %dma_wait3A_237 = tpu.memref_squeeze %dma_wait3A_236 : memref<1x80x128xf32, #tpu.memory_space<vmem>> -> memref<80x128xf32, #tpu.memory_space<vmem>>
    %dma_wait3A_238 = arith.constant 0 : i32
    %dma_wait3A_239 = tpu.memref_slice %arg6[%multiple_of3A_231, %dma_wait3A_238] : memref<204800x128xf32, #tpu.memory_space<hbm>> -> memref<80x128xf32, #tpu.memory_space<hbm>>
    %dma_wait3A_240 = tpu.memref_slice %arg13[%dma_wait3A_233] : memref<4x!tpu.dma_semaphore, #tpu.memory_space<semaphore_mem>> -> memref<1x!tpu.dma_semaphore, #tpu.memory_space<semaphore_mem>>
    %dma_wait3A_241 = tpu.memref_squeeze %dma_wait3A_240 : memref<1x!tpu.dma_semaphore, #tpu.memory_space<semaphore_mem>> -> memref<!tpu.dma_semaphore, #tpu.memory_space<semaphore_mem>>
    %dma_wait3A_242 = arith.constant 0 : i32
    %dma_wait3A_243 = tpu.memref_slice %arg6[%multiple_of3A_231, %dma_wait3A_242] : memref<204800x128xf32, #tpu.memory_space<hbm>> -> memref<80x128xf32, #tpu.memory_space<hbm>>
    %dma_wait3A_244 = arith.constant 0 : i32
    %dma_wait3A_245 = arith.constant 0 : i32
    %dma_wait3A_246 = tpu.memref_slice %arg9[%dma_wait3A_232, %dma_wait3A_244, %dma_wait3A_245] : memref<4x80x128xf32, #tpu.memory_space<vmem>> -> memref<1x80x128xf32, #tpu.memory_space<vmem>>
    %dma_wait3A_247 = tpu.memref_squeeze %dma_wait3A_246 : memref<1x80x128xf32, #tpu.memory_space<vmem>> -> memref<80x128xf32, #tpu.memory_space<vmem>>
    tpu.wait_dma2 semaphore(%dma_wait3A_241 : memref<!tpu.dma_semaphore, #tpu.memory_space<semaphore_mem>>) src(%dma_wait3A_247 : memref<80x128xf32, #tpu.memory_space<vmem>>) dst(%dma_wait3A_243 : memref<80x128xf32, #tpu.memory_space<hbm>>)
    return
  }
}

module attributes {stable_mosaic.version = 14 : i64} {
  func.func @body(%arg0: i32, %arg1: memref<1x2000x128xf32, #tpu.memory_space<vmem>>, %arg2: memref<1x2000x128xf32, #tpu.memory_space<vmem>>, %arg3: memref<1x2000x128xf32, #tpu.memory_space<vmem>>, %arg4: memref<1x2000x128xf32, #tpu.memory_space<vmem>>, %arg5: memref<2000x128xf32, #tpu.memory_space<vmem>>, %arg6: memref<128x128xf32, #tpu.memory_space<vmem>>, %arg7: memref<128x128xf32, #tpu.memory_space<vmem>>, %arg8: memref<1x128xf32, #tpu.memory_space<vmem>>, %arg9: memref<1x128xf32, #tpu.memory_space<vmem>>, %arg10: memref<1x128xf32, #tpu.memory_space<vmem>>, %arg11: memref<1x128xf32, #tpu.memory_space<vmem>>, %arg12: memref<1x128xf32, #tpu.memory_space<vmem>>, %arg13: memref<2000x128xf32, #tpu.memory_space<vmem>>, %arg14: memref<2000x16xf32, #tpu.memory_space<vmem>>) attributes {dimension_semantics = [#tpu.dimension_semantics<arbitrary>], iteration_bounds = array<i64: 5>, scalar_prefetch = 0 : i64, scratch_operands = 0 : i64, tpu.core_type = #tpu.core_type<tc>, window_params = [{transform_indices = @transform_0, window_bounds = array<i64: 1, 2000, 128>}, {transform_indices = @transform_1, window_bounds = array<i64: 1, 2000, 128>}, {transform_indices = @transform_2, window_bounds = array<i64: 1, 2000, 128>}, {transform_indices = @transform_3, window_bounds = array<i64: 1, 2000, 128>}, {transform_indices = @transform_4, window_bounds = array<i64: 2000, 128>}, {pipeline_mode = #tpu.pipeline_mode<synchronous>, transform_indices = @transform_5, window_bounds = array<i64: 128, 128>}, {pipeline_mode = #tpu.pipeline_mode<synchronous>, transform_indices = @transform_6, window_bounds = array<i64: 128, 128>}, {pipeline_mode = #tpu.pipeline_mode<synchronous>, transform_indices = @transform_7, window_bounds = array<i64: 1, 128>}, {pipeline_mode = #tpu.pipeline_mode<synchronous>, transform_indices = @transform_8, window_bounds = array<i64: 1, 128>}, {pipeline_mode = #tpu.pipeline_mode<synchronous>, transform_indices = @transform_9, window_bounds = array<i64: 1, 128>}, {pipeline_mode = #tpu.pipeline_mode<synchronous>, transform_indices = @transform_10, window_bounds = array<i64: 1, 128>}, {pipeline_mode = #tpu.pipeline_mode<synchronous>, transform_indices = @transform_11, window_bounds = array<i64: 1, 128>}, {transform_indices = @transform_12, window_bounds = array<i64: 2000, 128>}, {transform_indices = @transform_13, window_bounds = array<i64: 2000, 16>}]} {
    %get3A = arith.constant 0 : index
    %get3A_0 = arith.constant 0 : index
    %get3A_1 = arith.constant 0 : index
    %get3A_2 = vector.load %arg3[%get3A, %get3A_0, %get3A_1] : memref<1x2000x128xf32, #tpu.memory_space<vmem>>, vector<1x2000x128xf32>
    %get3A_3 = vector.shape_cast %get3A_2 : vector<1x2000x128xf32> to vector<2000x128xf32>
    %slice3A = vector.extract_strided_slice %get3A_3 {offsets = [0, 0], sizes = [2000, 1], strides = [1, 1]} : vector<2000x128xf32> to vector<2000x1xf32>
    %get3A_4 = arith.constant 0 : index
    %get3A_5 = arith.constant 0 : index
    %get3A_6 = arith.constant 0 : index
    %get3A_7 = vector.load %arg4[%get3A_4, %get3A_5, %get3A_6] : memref<1x2000x128xf32, #tpu.memory_space<vmem>>, vector<1x2000x128xf32>
    %get3A_8 = vector.shape_cast %get3A_7 : vector<1x2000x128xf32> to vector<2000x128xf32>
    %slice3A_9 = vector.extract_strided_slice %get3A_8 {offsets = [0, 0], sizes = [2000, 1], strides = [1, 1]} : vector<2000x128xf32> to vector<2000x1xf32>
    %add3A = arith.addf %slice3A, %slice3A_9 : vector<2000x1xf32>
    %max3A = arith.constant 1.000000e+00 : f32
    %max3A_10 = vector.broadcast %max3A : f32 to vector<2000x1xf32>
    %max3A_11 = arith.maximumf %add3A, %max3A_10 : vector<2000x1xf32>
    %div3A = arith.constant 1.000000e+00 : f32
    %div3A_12 = vector.broadcast %div3A : f32 to vector<2000x1xf32>
    %div3A_13 = arith.divf %div3A_12, %max3A_11 : vector<2000x1xf32>
    %get3A_14 = arith.constant 0 : index
    %get3A_15 = arith.constant 0 : index
    %get3A_16 = arith.constant 0 : index
    %get3A_17 = vector.load %arg1[%get3A_14, %get3A_15, %get3A_16] : memref<1x2000x128xf32, #tpu.memory_space<vmem>>, vector<1x2000x128xf32>
    %get3A_18 = vector.shape_cast %get3A_17 : vector<1x2000x128xf32> to vector<2000x128xf32>
    %get3A_19 = arith.constant 0 : index
    %get3A_20 = arith.constant 0 : index
    %get3A_21 = arith.constant 0 : index
    %get3A_22 = vector.load %arg2[%get3A_19, %get3A_20, %get3A_21] : memref<1x2000x128xf32, #tpu.memory_space<vmem>>, vector<1x2000x128xf32>
    %get3A_23 = vector.shape_cast %get3A_22 : vector<1x2000x128xf32> to vector<2000x128xf32>
    %add3A_24 = arith.addf %get3A_18, %get3A_23 : vector<2000x128xf32>
    %mul3A = vector.broadcast %div3A_13 : vector<2000x1xf32> to vector<2000x128xf32>
    %mul3A_25 = arith.mulf %add3A_24, %mul3A : vector<2000x128xf32>
    %get3A_26 = arith.constant 0 : index
    %get3A_27 = arith.constant 0 : index
    %get3A_28 = vector.load %arg6[%get3A_26, %get3A_27] : memref<128x128xf32, #tpu.memory_space<vmem>>, vector<128x128xf32>
    %dot_general3A = arith.constant dense<0.000000e+00> : vector<2000x128xf32>
    %dot_general3A_29 = tpu.matmul %mul3A_25, %get3A_28, %dot_general3A {dimension_numbers = #tpu.dot_dimension_numbers<[1], [1], [0], [0], [0, 0, 1, 0], [], []>, transpose_lhs_hint = false} : vector<2000x128xf32>, vector<128x128xf32>, vector<2000x128xf32> -> vector<2000x128xf32>
    %get3A_30 = arith.constant 0 : index
    %get3A_31 = arith.constant 0 : index
    %get3A_32 = vector.load %arg5[%get3A_30, %get3A_31] : memref<2000x128xf32, #tpu.memory_space<vmem>>, vector<2000x128xf32>
    %get3A_33 = arith.constant 0 : index
    %get3A_34 = arith.constant 0 : index
    %get3A_35 = vector.load %arg7[%get3A_33, %get3A_34] : memref<128x128xf32, #tpu.memory_space<vmem>>, vector<128x128xf32>
    %dot_general3A_36 = arith.constant dense<0.000000e+00> : vector<2000x128xf32>
    %dot_general3A_37 = tpu.matmul %get3A_32, %get3A_35, %dot_general3A_36 {dimension_numbers = #tpu.dot_dimension_numbers<[1], [1], [0], [0], [0, 0, 1, 0], [], []>, transpose_lhs_hint = false} : vector<2000x128xf32>, vector<128x128xf32>, vector<2000x128xf32> -> vector<2000x128xf32>
    %add3A_38 = arith.addf %dot_general3A_29, %dot_general3A_37 : vector<2000x128xf32>
    %get3A_39 = arith.constant 0 : index
    %get3A_40 = arith.constant 0 : index
    %get3A_41 = vector.load %arg8[%get3A_39, %get3A_40] : memref<1x128xf32, #tpu.memory_space<vmem>>, vector<1x128xf32>
    %add3A_42 = vector.broadcast %get3A_41 : vector<1x128xf32> to vector<2000x128xf32>
    %add3A_43 = arith.addf %add3A_38, %add3A_42 : vector<2000x128xf32>
    %get3A_44 = arith.constant 0 : index
    %get3A_45 = arith.constant 0 : index
    %get3A_46 = vector.load %arg11[%get3A_44, %get3A_45] : memref<1x128xf32, #tpu.memory_space<vmem>>, vector<1x128xf32>
    %sub3A = vector.broadcast %get3A_46 : vector<1x128xf32> to vector<2000x128xf32>
    %sub3A_47 = arith.subf %add3A_43, %sub3A : vector<2000x128xf32>
    %get3A_48 = arith.constant 0 : index
    %get3A_49 = arith.constant 0 : index
    %get3A_50 = vector.load %arg12[%get3A_48, %get3A_49] : memref<1x128xf32, #tpu.memory_space<vmem>>, vector<1x128xf32>
    %add3A_51 = arith.constant 9.99999974E-6 : f32
    %add3A_52 = vector.broadcast %add3A_51 : f32 to vector<1x128xf32>
    %add3A_53 = arith.addf %get3A_50, %add3A_52 : vector<1x128xf32>
    %rsqrt3A = math.rsqrt %add3A_53 : vector<1x128xf32>
    %mul3A_54 = vector.broadcast %rsqrt3A : vector<1x128xf32> to vector<2000x128xf32>
    %mul3A_55 = arith.mulf %sub3A_47, %mul3A_54 : vector<2000x128xf32>
    %get3A_56 = arith.constant 0 : index
    %get3A_57 = arith.constant 0 : index
    %get3A_58 = vector.load %arg9[%get3A_56, %get3A_57] : memref<1x128xf32, #tpu.memory_space<vmem>>, vector<1x128xf32>
    %mul3A_59 = vector.broadcast %get3A_58 : vector<1x128xf32> to vector<2000x128xf32>
    %mul3A_60 = arith.mulf %mul3A_55, %mul3A_59 : vector<2000x128xf32>
    %get3A_61 = arith.constant 0 : index
    %get3A_62 = arith.constant 0 : index
    %get3A_63 = vector.load %arg10[%get3A_61, %get3A_62] : memref<1x128xf32, #tpu.memory_space<vmem>>, vector<1x128xf32>
    %add3A_64 = vector.broadcast %get3A_63 : vector<1x128xf32> to vector<2000x128xf32>
    %add3A_65 = arith.addf %mul3A_60, %add3A_64 : vector<2000x128xf32>
    %max3A_66 = arith.constant 0.000000e+00 : f32
    %max3A_67 = vector.broadcast %max3A_66 : f32 to vector<2000x128xf32>
    %max3A_68 = arith.maximumf %add3A_65, %max3A_67 : vector<2000x128xf32>
    %swap3A = arith.constant 0 : index
    %swap3A_69 = arith.constant 0 : index
    %swap3A_70 = vector.load %arg13[%swap3A, %swap3A_69] : memref<2000x128xf32, #tpu.memory_space<vmem>>, vector<2000x128xf32>
    tpu.vector_store %arg13[%swap3A, %swap3A_69], %max3A_68 {strides = array<i32>} : memref<2000x128xf32, #tpu.memory_space<vmem>>, vector<2000x128xf32>,
    %broadcast_in_dim3A = vector.shape_cast %div3A_13 : vector<2000x1xf32> to vector<2000x1xf32>
    %broadcast_in_dim3A_71 = vector.broadcast %broadcast_in_dim3A : vector<2000x1xf32> to vector<2000x16xf32>
    %swap3A_72 = arith.constant 0 : index
    %swap3A_73 = arith.constant 0 : index
    %swap3A_74 = vector.load %arg14[%swap3A_72, %swap3A_73] : memref<2000x16xf32, #tpu.memory_space<vmem>>, vector<2000x16xf32>
    tpu.vector_store %arg14[%swap3A_72, %swap3A_73], %broadcast_in_dim3A_71 {strides = array<i32>} : memref<2000x16xf32, #tpu.memory_space<vmem>>, vector<2000x16xf32>,
    return
  }
  func.func @transform_0(%arg0: i32) -> (i32, i32, i32) {
    %c0_i32 = arith.constant 0 : i32
    %c0_i32_0 = arith.constant 0 : i32
    %c0_i32_1 = arith.constant 0 : i32
    return %c0_i32, %arg0, %c0_i32_0 : i32, i32, i32
  }
  func.func @transform_1(%arg0: i32) -> (i32, i32, i32) {
    %c1_i32 = arith.constant 1 : i32
    %c0_i32 = arith.constant 0 : i32
    %c0_i32_0 = arith.constant 0 : i32
    return %c1_i32, %arg0, %c0_i32 : i32, i32, i32
  }
  func.func @transform_2(%arg0: i32) -> (i32, i32, i32) {
    %c0_i32 = arith.constant 0 : i32
    %c0_i32_0 = arith.constant 0 : i32
    %c0_i32_1 = arith.constant 0 : i32
    return %c0_i32, %arg0, %c0_i32_0 : i32, i32, i32
  }
  func.func @transform_3(%arg0: i32) -> (i32, i32, i32) {
    %c1_i32 = arith.constant 1 : i32
    %c0_i32 = arith.constant 0 : i32
    %c0_i32_0 = arith.constant 0 : i32
    return %c1_i32, %arg0, %c0_i32 : i32, i32, i32
  }
  func.func @transform_4(%arg0: i32) -> (i32, i32) {
    %c0_i32 = arith.constant 0 : i32
    %c0_i32_0 = arith.constant 0 : i32
    return %arg0, %c0_i32 : i32, i32
  }
  func.func @transform_5(%arg0: i32) -> (i32, i32) {
    %c0_i32 = arith.constant 0 : i32
    %c0_i32_0 = arith.constant 0 : i32
    %c0_i32_1 = arith.constant 0 : i32
    return %c0_i32, %c0_i32_0 : i32, i32
  }
  func.func @transform_6(%arg0: i32) -> (i32, i32) {
    %c0_i32 = arith.constant 0 : i32
    %c0_i32_0 = arith.constant 0 : i32
    %c0_i32_1 = arith.constant 0 : i32
    return %c0_i32, %c0_i32_0 : i32, i32
  }
  func.func @transform_7(%arg0: i32) -> (i32, i32) {
    %c0_i32 = arith.constant 0 : i32
    %c0_i32_0 = arith.constant 0 : i32
    %c0_i32_1 = arith.constant 0 : i32
    return %c0_i32, %c0_i32_0 : i32, i32
  }
  func.func @transform_8(%arg0: i32) -> (i32, i32) {
    %c0_i32 = arith.constant 0 : i32
    %c0_i32_0 = arith.constant 0 : i32
    %c0_i32_1 = arith.constant 0 : i32
    return %c0_i32, %c0_i32_0 : i32, i32
  }
  func.func @transform_9(%arg0: i32) -> (i32, i32) {
    %c0_i32 = arith.constant 0 : i32
    %c0_i32_0 = arith.constant 0 : i32
    %c0_i32_1 = arith.constant 0 : i32
    return %c0_i32, %c0_i32_0 : i32, i32
  }
  func.func @transform_10(%arg0: i32) -> (i32, i32) {
    %c0_i32 = arith.constant 0 : i32
    %c0_i32_0 = arith.constant 0 : i32
    %c0_i32_1 = arith.constant 0 : i32
    return %c0_i32, %c0_i32_0 : i32, i32
  }
  func.func @transform_11(%arg0: i32) -> (i32, i32) {
    %c0_i32 = arith.constant 0 : i32
    %c0_i32_0 = arith.constant 0 : i32
    %c0_i32_1 = arith.constant 0 : i32
    return %c0_i32, %c0_i32_0 : i32, i32
  }
  func.func @transform_12(%arg0: i32) -> (i32, i32) {
    %c0_i32 = arith.constant 0 : i32
    %c0_i32_0 = arith.constant 0 : i32
    return %arg0, %c0_i32 : i32, i32
  }
  func.func @transform_13(%arg0: i32) -> (i32, i32) {
    %c0_i32 = arith.constant 0 : i32
    %c0_i32_0 = arith.constant 0 : i32
    return %arg0, %c0_i32 : i32, i32
  }
}

module attributes {stable_mosaic.version = 14 : i64} {
  func.func @body(%arg0: i32, %arg1: memref<1x2000x128xf32, #tpu.memory_space<vmem>>, %arg2: memref<1x2000x128xf32, #tpu.memory_space<vmem>>, %arg3: memref<2000x16xf32, #tpu.memory_space<vmem>>, %arg4: memref<2000x128xf32, #tpu.memory_space<vmem>>, %arg5: memref<128x128xf32, #tpu.memory_space<vmem>>, %arg6: memref<128x128xf32, #tpu.memory_space<vmem>>, %arg7: memref<1x128xf32, #tpu.memory_space<vmem>>, %arg8: memref<1x128xf32, #tpu.memory_space<vmem>>, %arg9: memref<1x128xf32, #tpu.memory_space<vmem>>, %arg10: memref<1x128xf32, #tpu.memory_space<vmem>>, %arg11: memref<1x128xf32, #tpu.memory_space<vmem>>, %arg12: memref<2000x128xf32, #tpu.memory_space<vmem>>) attributes {dimension_semantics = [#tpu.dimension_semantics<arbitrary>], iteration_bounds = array<i64: 5>, scalar_prefetch = 0 : i64, scratch_operands = 0 : i64, tpu.core_type = #tpu.core_type<tc>, window_params = [{transform_indices = @transform_0, window_bounds = array<i64: 1, 2000, 128>}, {transform_indices = @transform_1, window_bounds = array<i64: 1, 2000, 128>}, {transform_indices = @transform_2, window_bounds = array<i64: 2000, 16>}, {transform_indices = @transform_3, window_bounds = array<i64: 2000, 128>}, {pipeline_mode = #tpu.pipeline_mode<synchronous>, transform_indices = @transform_4, window_bounds = array<i64: 128, 128>}, {pipeline_mode = #tpu.pipeline_mode<synchronous>, transform_indices = @transform_5, window_bounds = array<i64: 128, 128>}, {pipeline_mode = #tpu.pipeline_mode<synchronous>, transform_indices = @transform_6, window_bounds = array<i64: 1, 128>}, {pipeline_mode = #tpu.pipeline_mode<synchronous>, transform_indices = @transform_7, window_bounds = array<i64: 1, 128>}, {pipeline_mode = #tpu.pipeline_mode<synchronous>, transform_indices = @transform_8, window_bounds = array<i64: 1, 128>}, {pipeline_mode = #tpu.pipeline_mode<synchronous>, transform_indices = @transform_9, window_bounds = array<i64: 1, 128>}, {pipeline_mode = #tpu.pipeline_mode<synchronous>, transform_indices = @transform_10, window_bounds = array<i64: 1, 128>}, {transform_indices = @transform_11, window_bounds = array<i64: 2000, 128>}]} {
    %get3A = arith.constant 0 : index
    %get3A_0 = arith.constant 0 : index
    %get3A_1 = arith.constant 0 : index
    %get3A_2 = vector.load %arg1[%get3A, %get3A_0, %get3A_1] : memref<1x2000x128xf32, #tpu.memory_space<vmem>>, vector<1x2000x128xf32>
    %get3A_3 = vector.shape_cast %get3A_2 : vector<1x2000x128xf32> to vector<2000x128xf32>
    %get3A_4 = arith.constant 0 : index
    %get3A_5 = arith.constant 0 : index
    %get3A_6 = arith.constant 0 : index
    %get3A_7 = vector.load %arg2[%get3A_4, %get3A_5, %get3A_6] : memref<1x2000x128xf32, #tpu.memory_space<vmem>>, vector<1x2000x128xf32>
    %get3A_8 = vector.shape_cast %get3A_7 : vector<1x2000x128xf32> to vector<2000x128xf32>
    %add3A = arith.addf %get3A_3, %get3A_8 : vector<2000x128xf32>
    %get3A_9 = arith.constant 0 : index
    %get3A_10 = arith.constant 0 : index
    %get3A_11 = vector.load %arg3[%get3A_9, %get3A_10] : memref<2000x16xf32, #tpu.memory_space<vmem>>, vector<2000x1xf32>
    %mul3A = vector.broadcast %get3A_11 : vector<2000x1xf32> to vector<2000x128xf32>
    %mul3A_12 = arith.mulf %add3A, %mul3A : vector<2000x128xf32>
    %get3A_13 = arith.constant 0 : index
    %get3A_14 = arith.constant 0 : index
    %get3A_15 = vector.load %arg5[%get3A_13, %get3A_14] : memref<128x128xf32, #tpu.memory_space<vmem>>, vector<128x128xf32>
    %dot_general3A = arith.constant dense<0.000000e+00> : vector<2000x128xf32>
    %dot_general3A_16 = tpu.matmul %mul3A_12, %get3A_15, %dot_general3A {dimension_numbers = #tpu.dot_dimension_numbers<[1], [1], [0], [0], [0, 0, 1, 0], [], []>, transpose_lhs_hint = false} : vector<2000x128xf32>, vector<128x128xf32>, vector<2000x128xf32> -> vector<2000x128xf32>
    %get3A_17 = arith.constant 0 : index
    %get3A_18 = arith.constant 0 : index
    %get3A_19 = vector.load %arg4[%get3A_17, %get3A_18] : memref<2000x128xf32, #tpu.memory_space<vmem>>, vector<2000x128xf32>
    %get3A_20 = arith.constant 0 : index
    %get3A_21 = arith.constant 0 : index
    %get3A_22 = vector.load %arg6[%get3A_20, %get3A_21] : memref<128x128xf32, #tpu.memory_space<vmem>>, vector<128x128xf32>
    %dot_general3A_23 = arith.constant dense<0.000000e+00> : vector<2000x128xf32>
    %dot_general3A_24 = tpu.matmul %get3A_19, %get3A_22, %dot_general3A_23 {dimension_numbers = #tpu.dot_dimension_numbers<[1], [1], [0], [0], [0, 0, 1, 0], [], []>, transpose_lhs_hint = false} : vector<2000x128xf32>, vector<128x128xf32>, vector<2000x128xf32> -> vector<2000x128xf32>
    %add3A_25 = arith.addf %dot_general3A_16, %dot_general3A_24 : vector<2000x128xf32>
    %get3A_26 = arith.constant 0 : index
    %get3A_27 = arith.constant 0 : index
    %get3A_28 = vector.load %arg7[%get3A_26, %get3A_27] : memref<1x128xf32, #tpu.memory_space<vmem>>, vector<1x128xf32>
    %add3A_29 = vector.broadcast %get3A_28 : vector<1x128xf32> to vector<2000x128xf32>
    %add3A_30 = arith.addf %add3A_25, %add3A_29 : vector<2000x128xf32>
    %get3A_31 = arith.constant 0 : index
    %get3A_32 = arith.constant 0 : index
    %get3A_33 = vector.load %arg10[%get3A_31, %get3A_32] : memref<1x128xf32, #tpu.memory_space<vmem>>, vector<1x128xf32>
    %sub3A = vector.broadcast %get3A_33 : vector<1x128xf32> to vector<2000x128xf32>
    %sub3A_34 = arith.subf %add3A_30, %sub3A : vector<2000x128xf32>
    %get3A_35 = arith.constant 0 : index
    %get3A_36 = arith.constant 0 : index
    %get3A_37 = vector.load %arg11[%get3A_35, %get3A_36] : memref<1x128xf32, #tpu.memory_space<vmem>>, vector<1x128xf32>
    %add3A_38 = arith.constant 9.99999974E-6 : f32
    %add3A_39 = vector.broadcast %add3A_38 : f32 to vector<1x128xf32>
    %add3A_40 = arith.addf %get3A_37, %add3A_39 : vector<1x128xf32>
    %rsqrt3A = math.rsqrt %add3A_40 : vector<1x128xf32>
    %mul3A_41 = vector.broadcast %rsqrt3A : vector<1x128xf32> to vector<2000x128xf32>
    %mul3A_42 = arith.mulf %sub3A_34, %mul3A_41 : vector<2000x128xf32>
    %get3A_43 = arith.constant 0 : index
    %get3A_44 = arith.constant 0 : index
    %get3A_45 = vector.load %arg8[%get3A_43, %get3A_44] : memref<1x128xf32, #tpu.memory_space<vmem>>, vector<1x128xf32>
    %mul3A_46 = vector.broadcast %get3A_45 : vector<1x128xf32> to vector<2000x128xf32>
    %mul3A_47 = arith.mulf %mul3A_42, %mul3A_46 : vector<2000x128xf32>
    %get3A_48 = arith.constant 0 : index
    %get3A_49 = arith.constant 0 : index
    %get3A_50 = vector.load %arg9[%get3A_48, %get3A_49] : memref<1x128xf32, #tpu.memory_space<vmem>>, vector<1x128xf32>
    %add3A_51 = vector.broadcast %get3A_50 : vector<1x128xf32> to vector<2000x128xf32>
    %add3A_52 = arith.addf %mul3A_47, %add3A_51 : vector<2000x128xf32>
    %max3A = arith.constant 0.000000e+00 : f32
    %max3A_53 = vector.broadcast %max3A : f32 to vector<2000x128xf32>
    %max3A_54 = arith.maximumf %add3A_52, %max3A_53 : vector<2000x128xf32>
    %swap3A = arith.constant 0 : index
    %swap3A_55 = arith.constant 0 : index
    %swap3A_56 = vector.load %arg12[%swap3A, %swap3A_55] : memref<2000x128xf32, #tpu.memory_space<vmem>>, vector<2000x128xf32>
    tpu.vector_store %arg12[%swap3A, %swap3A_55], %max3A_54 {strides = array<i32>} : memref<2000x128xf32, #tpu.memory_space<vmem>>, vector<2000x128xf32>,
    return
  }
  func.func @transform_0(%arg0: i32) -> (i32, i32, i32) {
    %c0_i32 = arith.constant 0 : i32
    %c0_i32_0 = arith.constant 0 : i32
    %c0_i32_1 = arith.constant 0 : i32
    return %c0_i32, %arg0, %c0_i32_0 : i32, i32, i32
  }
  func.func @transform_1(%arg0: i32) -> (i32, i32, i32) {
    %c1_i32 = arith.constant 1 : i32
    %c0_i32 = arith.constant 0 : i32
    %c0_i32_0 = arith.constant 0 : i32
    return %c1_i32, %arg0, %c0_i32 : i32, i32, i32
  }
  func.func @transform_2(%arg0: i32) -> (i32, i32) {
    %c0_i32 = arith.constant 0 : i32
    %c0_i32_0 = arith.constant 0 : i32
    return %arg0, %c0_i32 : i32, i32
  }
  func.func @transform_3(%arg0: i32) -> (i32, i32) {
    %c0_i32 = arith.constant 0 : i32
    %c0_i32_0 = arith.constant 0 : i32
    return %arg0, %c0_i32 : i32, i32
  }
  func.func @transform_4(%arg0: i32) -> (i32, i32) {
    %c0_i32 = arith.constant 0 : i32
    %c0_i32_0 = arith.constant 0 : i32
    %c0_i32_1 = arith.constant 0 : i32
    return %c0_i32, %c0_i32_0 : i32, i32
  }
  func.func @transform_5(%arg0: i32) -> (i32, i32) {
    %c0_i32 = arith.constant 0 : i32
    %c0_i32_0 = arith.constant 0 : i32
    %c0_i32_1 = arith.constant 0 : i32
    return %c0_i32, %c0_i32_0 : i32, i32
  }
  func.func @transform_6(%arg0: i32) -> (i32, i32) {
    %c0_i32 = arith.constant 0 : i32
    %c0_i32_0 = arith.constant 0 : i32
    %c0_i32_1 = arith.constant 0 : i32
    return %c0_i32, %c0_i32_0 : i32, i32
  }
  func.func @transform_7(%arg0: i32) -> (i32, i32) {
    %c0_i32 = arith.constant 0 : i32
    %c0_i32_0 = arith.constant 0 : i32
    %c0_i32_1 = arith.constant 0 : i32
    return %c0_i32, %c0_i32_0 : i32, i32
  }
  func.func @transform_8(%arg0: i32) -> (i32, i32) {
    %c0_i32 = arith.constant 0 : i32
    %c0_i32_0 = arith.constant 0 : i32
    %c0_i32_1 = arith.constant 0 : i32
    return %c0_i32, %c0_i32_0 : i32, i32
  }
  func.func @transform_9(%arg0: i32) -> (i32, i32) {
    %c0_i32 = arith.constant 0 : i32
    %c0_i32_0 = arith.constant 0 : i32
    %c0_i32_1 = arith.constant 0 : i32
    return %c0_i32, %c0_i32_0 : i32, i32
  }
  func.func @transform_10(%arg0: i32) -> (i32, i32) {
    %c0_i32 = arith.constant 0 : i32
    %c0_i32_0 = arith.constant 0 : i32
    %c0_i32_1 = arith.constant 0 : i32
    return %c0_i32, %c0_i32_0 : i32, i32
  }
  func.func @transform_11(%arg0: i32) -> (i32, i32) {
    %c0_i32 = arith.constant 0 : i32
    %c0_i32_0 = arith.constant 0 : i32
    return %arg0, %c0_i32 : i32, i32
  }
}

module attributes {stable_mosaic.version = 14 : i64} {
  func.func @body(%arg0: i32, %arg1: memref<1x2000x128xf32, #tpu.memory_space<vmem>>, %arg2: memref<1x2000x128xf32, #tpu.memory_space<vmem>>, %arg3: memref<2000x16xf32, #tpu.memory_space<vmem>>, %arg4: memref<2000x128xf32, #tpu.memory_space<vmem>>, %arg5: memref<128x128xf32, #tpu.memory_space<vmem>>, %arg6: memref<128x128xf32, #tpu.memory_space<vmem>>, %arg7: memref<1x128xf32, #tpu.memory_space<vmem>>, %arg8: memref<128x128xf32, #tpu.memory_space<vmem>>, %arg9: memref<128x128xf32, #tpu.memory_space<vmem>>, %arg10: memref<1x128xf32, #tpu.memory_space<vmem>>, %arg11: memref<2000x128xf32, #tpu.memory_space<vmem>>, %arg12: memref<2000x128xf32, #tpu.memory_space<vmem>>) attributes {dimension_semantics = [#tpu.dimension_semantics<arbitrary>], iteration_bounds = array<i64: 5>, scalar_prefetch = 0 : i64, scratch_operands = 0 : i64, tpu.core_type = #tpu.core_type<tc>, window_params = [{transform_indices = @transform_0, window_bounds = array<i64: 1, 2000, 128>}, {transform_indices = @transform_1, window_bounds = array<i64: 1, 2000, 128>}, {transform_indices = @transform_2, window_bounds = array<i64: 2000, 16>}, {transform_indices = @transform_3, window_bounds = array<i64: 2000, 128>}, {pipeline_mode = #tpu.pipeline_mode<synchronous>, transform_indices = @transform_4, window_bounds = array<i64: 128, 128>}, {pipeline_mode = #tpu.pipeline_mode<synchronous>, transform_indices = @transform_5, window_bounds = array<i64: 128, 128>}, {pipeline_mode = #tpu.pipeline_mode<synchronous>, transform_indices = @transform_6, window_bounds = array<i64: 1, 128>}, {pipeline_mode = #tpu.pipeline_mode<synchronous>, transform_indices = @transform_7, window_bounds = array<i64: 128, 128>}, {pipeline_mode = #tpu.pipeline_mode<synchronous>, transform_indices = @transform_8, window_bounds = array<i64: 128, 128>}, {pipeline_mode = #tpu.pipeline_mode<synchronous>, transform_indices = @transform_9, window_bounds = array<i64: 1, 128>}, {transform_indices = @transform_10, window_bounds = array<i64: 2000, 128>}, {transform_indices = @transform_11, window_bounds = array<i64: 2000, 128>}]} {
    %get3A = arith.constant 0 : index
    %get3A_0 = arith.constant 0 : index
    %get3A_1 = arith.constant 0 : index
    %get3A_2 = vector.load %arg1[%get3A, %get3A_0, %get3A_1] : memref<1x2000x128xf32, #tpu.memory_space<vmem>>, vector<1x2000x128xf32>
    %get3A_3 = vector.shape_cast %get3A_2 : vector<1x2000x128xf32> to vector<2000x128xf32>
    %get3A_4 = arith.constant 0 : index
    %get3A_5 = arith.constant 0 : index
    %get3A_6 = arith.constant 0 : index
    %get3A_7 = vector.load %arg2[%get3A_4, %get3A_5, %get3A_6] : memref<1x2000x128xf32, #tpu.memory_space<vmem>>, vector<1x2000x128xf32>
    %get3A_8 = vector.shape_cast %get3A_7 : vector<1x2000x128xf32> to vector<2000x128xf32>
    %add3A = arith.addf %get3A_3, %get3A_8 : vector<2000x128xf32>
    %get3A_9 = arith.constant 0 : index
    %get3A_10 = arith.constant 0 : index
    %get3A_11 = vector.load %arg3[%get3A_9, %get3A_10] : memref<2000x16xf32, #tpu.memory_space<vmem>>, vector<2000x1xf32>
    %mul3A = vector.broadcast %get3A_11 : vector<2000x1xf32> to vector<2000x128xf32>
    %mul3A_12 = arith.mulf %add3A, %mul3A : vector<2000x128xf32>
    %get3A_13 = arith.constant 0 : index
    %get3A_14 = arith.constant 0 : index
    %get3A_15 = vector.load %arg5[%get3A_13, %get3A_14] : memref<128x128xf32, #tpu.memory_space<vmem>>, vector<128x128xf32>
    %dot_general3A = arith.constant dense<0.000000e+00> : vector<2000x128xf32>
    %dot_general3A_16 = tpu.matmul %mul3A_12, %get3A_15, %dot_general3A {dimension_numbers = #tpu.dot_dimension_numbers<[1], [1], [0], [0], [0, 0, 1, 0], [], []>, transpose_lhs_hint = false} : vector<2000x128xf32>, vector<128x128xf32>, vector<2000x128xf32> -> vector<2000x128xf32>
    %get3A_17 = arith.constant 0 : index
    %get3A_18 = arith.constant 0 : index
    %get3A_19 = vector.load %arg4[%get3A_17, %get3A_18] : memref<2000x128xf32, #tpu.memory_space<vmem>>, vector<2000x128xf32>
    %get3A_20 = arith.constant 0 : index
    %get3A_21 = arith.constant 0 : index
    %get3A_22 = vector.load %arg6[%get3A_20, %get3A_21] : memref<128x128xf32, #tpu.memory_space<vmem>>, vector<128x128xf32>
    %dot_general3A_23 = arith.constant dense<0.000000e+00> : vector<2000x128xf32>
    %dot_general3A_24 = tpu.matmul %get3A_19, %get3A_22, %dot_general3A_23 {dimension_numbers = #tpu.dot_dimension_numbers<[1], [1], [0], [0], [0, 0, 1, 0], [], []>, transpose_lhs_hint = false} : vector<2000x128xf32>, vector<128x128xf32>, vector<2000x128xf32> -> vector<2000x128xf32>
    %add3A_25 = arith.addf %dot_general3A_16, %dot_general3A_24 : vector<2000x128xf32>
    %get3A_26 = arith.constant 0 : index
    %get3A_27 = arith.constant 0 : index
    %get3A_28 = vector.load %arg7[%get3A_26, %get3A_27] : memref<1x128xf32, #tpu.memory_space<vmem>>, vector<1x128xf32>
    %add3A_29 = vector.broadcast %get3A_28 : vector<1x128xf32> to vector<2000x128xf32>
    %add3A_30 = arith.addf %add3A_25, %add3A_29 : vector<2000x128xf32>
    %get3A_31 = arith.constant 0 : index
    %get3A_32 = arith.constant 0 : index
    %get3A_33 = vector.load %arg8[%get3A_31, %get3A_32] : memref<128x128xf32, #tpu.memory_space<vmem>>, vector<128x128xf32>
    %dot_general3A_34 = arith.constant dense<0.000000e+00> : vector<2000x128xf32>
    %dot_general3A_35 = tpu.matmul %add3A_30, %get3A_33, %dot_general3A_34 {dimension_numbers = #tpu.dot_dimension_numbers<[1], [1], [0], [0], [0, 0, 1, 0], [], []>, transpose_lhs_hint = false} : vector<2000x128xf32>, vector<128x128xf32>, vector<2000x128xf32> -> vector<2000x128xf32>
    %get3A_36 = arith.constant 0 : index
    %get3A_37 = arith.constant 0 : index
    %get3A_38 = vector.load %arg10[%get3A_36, %get3A_37] : memref<1x128xf32, #tpu.memory_space<vmem>>, vector<1x128xf32>
    %add3A_39 = vector.broadcast %get3A_38 : vector<1x128xf32> to vector<2000x128xf32>
    %add3A_40 = arith.addf %dot_general3A_35, %add3A_39 : vector<2000x128xf32>
    %swap3A = arith.constant 0 : index
    %swap3A_41 = arith.constant 0 : index
    %swap3A_42 = vector.load %arg11[%swap3A, %swap3A_41] : memref<2000x128xf32, #tpu.memory_space<vmem>>, vector<2000x128xf32>
    tpu.vector_store %arg11[%swap3A, %swap3A_41], %add3A_40 {strides = array<i32>} : memref<2000x128xf32, #tpu.memory_space<vmem>>, vector<2000x128xf32>,
    %get3A_43 = arith.constant 0 : index
    %get3A_44 = arith.constant 0 : index
    %get3A_45 = vector.load %arg9[%get3A_43, %get3A_44] : memref<128x128xf32, #tpu.memory_space<vmem>>, vector<128x128xf32>
    %dot_general3A_46 = arith.constant dense<0.000000e+00> : vector<2000x128xf32>
    %dot_general3A_47 = tpu.matmul %add3A_30, %get3A_45, %dot_general3A_46 {dimension_numbers = #tpu.dot_dimension_numbers<[1], [1], [0], [0], [0, 0, 1, 0], [], []>, transpose_lhs_hint = false} : vector<2000x128xf32>, vector<128x128xf32>, vector<2000x128xf32> -> vector<2000x128xf32>
    %swap3A_48 = arith.constant 0 : index
    %swap3A_49 = arith.constant 0 : index
    %swap3A_50 = vector.load %arg12[%swap3A_48, %swap3A_49] : memref<2000x128xf32, #tpu.memory_space<vmem>>, vector<2000x128xf32>
    tpu.vector_store %arg12[%swap3A_48, %swap3A_49], %dot_general3A_47 {strides = array<i32>} : memref<2000x128xf32, #tpu.memory_space<vmem>>, vector<2000x128xf32>,
    return
  }
  func.func @transform_0(%arg0: i32) -> (i32, i32, i32) {
    %c0_i32 = arith.constant 0 : i32
    %c0_i32_0 = arith.constant 0 : i32
    %c0_i32_1 = arith.constant 0 : i32
    return %c0_i32, %arg0, %c0_i32_0 : i32, i32, i32
  }
  func.func @transform_1(%arg0: i32) -> (i32, i32, i32) {
    %c1_i32 = arith.constant 1 : i32
    %c0_i32 = arith.constant 0 : i32
    %c0_i32_0 = arith.constant 0 : i32
    return %c1_i32, %arg0, %c0_i32 : i32, i32, i32
  }
  func.func @transform_2(%arg0: i32) -> (i32, i32) {
    %c0_i32 = arith.constant 0 : i32
    %c0_i32_0 = arith.constant 0 : i32
    return %arg0, %c0_i32 : i32, i32
  }
  func.func @transform_3(%arg0: i32) -> (i32, i32) {
    %c0_i32 = arith.constant 0 : i32
    %c0_i32_0 = arith.constant 0 : i32
    return %arg0, %c0_i32 : i32, i32
  }
  func.func @transform_4(%arg0: i32) -> (i32, i32) {
    %c0_i32 = arith.constant 0 : i32
    %c0_i32_0 = arith.constant 0 : i32
    %c0_i32_1 = arith.constant 0 : i32
    return %c0_i32, %c0_i32_0 : i32, i32
  }
  func.func @transform_5(%arg0: i32) -> (i32, i32) {
    %c0_i32 = arith.constant 0 : i32
    %c0_i32_0 = arith.constant 0 : i32
    %c0_i32_1 = arith.constant 0 : i32
    return %c0_i32, %c0_i32_0 : i32, i32
  }
  func.func @transform_6(%arg0: i32) -> (i32, i32) {
    %c0_i32 = arith.constant 0 : i32
    %c0_i32_0 = arith.constant 0 : i32
    %c0_i32_1 = arith.constant 0 : i32
    return %c0_i32, %c0_i32_0 : i32, i32
  }
  func.func @transform_7(%arg0: i32) -> (i32, i32) {
    %c0_i32 = arith.constant 0 : i32
    %c0_i32_0 = arith.constant 0 : i32
    %c0_i32_1 = arith.constant 0 : i32
    return %c0_i32, %c0_i32_0 : i32, i32
  }
  func.func @transform_8(%arg0: i32) -> (i32, i32) {
    %c0_i32 = arith.constant 0 : i32
    %c0_i32_0 = arith.constant 0 : i32
    %c0_i32_1 = arith.constant 0 : i32
    return %c0_i32, %c0_i32_0 : i32, i32
  }
  func.func @transform_9(%arg0: i32) -> (i32, i32) {
    %c0_i32 = arith.constant 0 : i32
    %c0_i32_0 = arith.constant 0 : i32
    %c0_i32_1 = arith.constant 0 : i32
    return %c0_i32, %c0_i32_0 : i32, i32
  }
  func.func @transform_10(%arg0: i32) -> (i32, i32) {
    %c0_i32 = arith.constant 0 : i32
    %c0_i32_0 = arith.constant 0 : i32
    return %arg0, %c0_i32 : i32, i32
  }
  func.func @transform_11(%arg0: i32) -> (i32, i32) {
    %c0_i32 = arith.constant 0 : i32
    %c0_i32_0 = arith.constant 0 : i32
    return %arg0, %c0_i32 : i32, i32
  }
}

module attributes {stable_mosaic.version = 14 : i64} {
  func.func @body(%arg0: i32, %arg1: memref<8192x128xf32, #tpu.memory_space<vmem>>, %arg2: memref<1x128xf32, #tpu.memory_space<vmem>>, %arg3: memref<1x1xf32, #tpu.memory_space<vmem>>, %arg4: memref<8192xf32, #tpu.memory_space<vmem>>) attributes {dimension_semantics = [#tpu.dimension_semantics<arbitrary>], iteration_bounds = array<i64: 25>, scalar_prefetch = 0 : i64, scratch_operands = 0 : i64, tpu.core_type = #tpu.core_type<tc>, window_params = [{transform_indices = @transform_0, window_bounds = array<i64: 8192, 128>}, {pipeline_mode = #tpu.pipeline_mode<synchronous>, transform_indices = @transform_1, window_bounds = array<i64: 1, 128>}, {pipeline_mode = #tpu.pipeline_mode<synchronous>, transform_indices = @transform_2, window_bounds = array<i64: 1, 1>}, {transform_indices = @transform_3, window_bounds = array<i64: 8192>}]} {
    %get3A = arith.constant 0 : index
    %get3A_0 = arith.constant 0 : index
    %get3A_1 = vector.load %arg1[%get3A, %get3A_0] : memref<8192x128xf32, #tpu.memory_space<vmem>>, vector<8192x128xf32>
    %max3A = arith.constant 0.000000e+00 : f32
    %max3A_2 = vector.broadcast %max3A : f32 to vector<8192x128xf32>
    %max3A_3 = arith.maximumf %get3A_1, %max3A_2 : vector<8192x128xf32>
    %get3A_4 = arith.constant 0 : index
    %get3A_5 = arith.constant 0 : index
    %get3A_6 = vector.load %arg2[%get3A_4, %get3A_5] : memref<1x128xf32, #tpu.memory_space<vmem>>, vector<1x128xf32>
    %mul3A = vector.broadcast %get3A_6 : vector<1x128xf32> to vector<8192x128xf32>
    %mul3A_7 = arith.mulf %max3A_3, %mul3A : vector<8192x128xf32>
    %reduce_sum3A = arith.constant dense<0.000000e+00> : vector<8192xf32>
    %reduce_sum3A_8 = vector.multi_reduction <add>, %mul3A_7, %reduce_sum3A [1] : vector<8192x128xf32> to vector<8192xf32>
    %get3A_9 = arith.constant 0 : index
    %get3A_10 = arith.constant 0 : index
    %get3A_11 = vector.load %arg3[%get3A_9, %get3A_10] : memref<1x1xf32, #tpu.memory_space<vmem>>, vector<1x1xf32>
    %get3A_12 = vector.extract %get3A_11[0, 0] : f32 from vector<1x1xf32>
    %add3A = vector.broadcast %get3A_12 : f32 to vector<8192xf32>
    %add3A_13 = arith.addf %reduce_sum3A_8, %add3A : vector<8192xf32>
    %swap3A = arith.constant 0 : index
    %swap3A_14 = vector.load %arg4[%swap3A] : memref<8192xf32, #tpu.memory_space<vmem>>, vector<8192xf32>
    tpu.vector_store %arg4[%swap3A], %add3A_13 {strides = array<i32>} : memref<8192xf32, #tpu.memory_space<vmem>>, vector<8192xf32>,
    return
  }
  func.func @transform_0(%arg0: i32) -> (i32, i32) {
    %c0_i32 = arith.constant 0 : i32
    %c0_i32_0 = arith.constant 0 : i32
    return %arg0, %c0_i32 : i32, i32
  }
  func.func @transform_1(%arg0: i32) -> (i32, i32) {
    %c0_i32 = arith.constant 0 : i32
    %c0_i32_0 = arith.constant 0 : i32
    %c0_i32_1 = arith.constant 0 : i32
    return %c0_i32, %c0_i32_0 : i32, i32
  }
  func.func @transform_2(%arg0: i32) -> (i32, i32) {
    %c0_i32 = arith.constant 0 : i32
    %c0_i32_0 = arith.constant 0 : i32
    %c0_i32_1 = arith.constant 0 : i32
    return %c0_i32, %c0_i32_0 : i32, i32
  }
  func.func @transform_3(%arg0: i32) -> i32 {
    %c0_i32 = arith.constant 0 : i32
    return %arg0 : i32
  }
}

</mosaic_0001>

<sc_bundles>
// kernel: kernel.11.cloned.1.call-start
scs
__scs_entry_jumppad:
0x0: {  	(pc) =	sbr.rel $0x88, $3  }
0x1: {  	(tag) =	ssettag $0x0;
	lr =	simm.s32 $0x1  }
0x2: {  	[smem:$0x3F89] =	sst lr;
	_ =	strace $0xD0000000  }
0x3: {  	_ = 	snop  }
0x4: {  	_ = 	snop  }
0x5: {  	_ = 	snop  }
0x6: {  	_ = 	snop  }
0x7: {  	_ = 	snop  }
__scs_overlays_trampoline_lowered:
0x8: {  	[smem:$0x3F98] =	sst s0  }
0x9: {  	[smem:$0x3F99] =	sst s1  }
0xa: {  	[smem:$0x3F9A] =	sst s2  }
0xb: {  	[smem:$0x3F9B] =	sst s3  }
0xc: {  	[smem:$0x3F9C] =	sst s4  }
0xd: {  	[smem:$0x3F9D] =	sst s5  }
0xe: {  	[smem:$0x3F9E] =	sst s6  }
0xf: {  	[smem:$0x3F9F] =	sst s7  }
0x10: {  	[smem:$0x3FA0] =	sst s8  }
0x11: {  	[smem:$0x3FA1] =	sst s9;
	s0 =	simm.s32 @!p0 $0x0  }
0x12: {  	s1 =	sld [smem:$0x3F87];
	s0 =	simm.s32 @p0 $0x1  }
0x13: {  	[smem:$0x3FA2] =	sst s0;
	s0 =	simm.s32 @!p1 $0x0  }
0x14: {  	s2 =	sld [smem:$0x3F86];
	s0 =	simm.s32 @p1 $0x1  }
0x15: {  	[smem:$0x3FA3] =	sst s0;
	s0 =	simm.s32 @!p2 $0x0  }
0x16: {  	s3 =	sld [smem:$0x3FDB];
	s0 =	simm.s32 @p2 $0x1  }
0x17: {  	s4 =	simm.s32 $0x1BF5;
	[smem:$0x3FA5] =	sst s0  }
0x18: {  	s0 =	sld [smem:$0x3F88];
	_ =	swait.ge [sflag:s4], $0x0  }
0x19: {  	s7 =	sld [smem:$0x3F89]  }
0x1a: {  	s8 =	sadd.s32 $0xFFFFE003, lr  }
0x1b: {  	s9 =	sadd.s32 $0xFFFFFEF7, lr;
	s5 =	simm.s32 $0xFFFFFFFF;
	p2 =	slt.u32 s8, $0xFFFFF086  }
0x1c: {  	p1 =	slt.u32 s9, $0xF7A;
	s5 =	simm.s32 @!p2 $0x0  }
0x1d: {  	s5 =	simm.s32 @p1 $0x1;
	p0 =	seq.s32 s7, s2  }
0x1e: {  	s7 =	smul.u32 @!p0 $0xF7A, s2;
	p2 =	seq.s32 @!p0 s5, $0x0  }
0x1f: {  	s9 =	smul.u32 $0xF7A, s1;
	s8 =	simm.s32 @!p0 $0x1BF5;
	p2 =	por !p2, p0  }
0x20: {  	[sflag:s8] =	ssyncset.s32 @!p0 $0xFFFFF086;
	s6 =	sadd.s32 @!p0 s3, s7;
	s7 =	simm.s32 @!p0 $0x108  }
0x21: {  	s3 =	sadd.s32 s3, s9;
	s6 =	sadd.s32 @!p0 $0x88, s6;
	s7 =	simm.s32 @p2 $0x1082  }
0x22: {  	[simem:s7], [sflag:s8] =	dma.local @!p0 [hbm:s6], $0xF7A  }
0x23: {  	s9 =	sor.u32 $0xD0000000, s2;
	s6 =	simm.s32 $0x108;
	_ =	swait.ge @!p0 [sflag:s8], $0x0  }
0x24: {  	s3 =	sadd.s32 $0x88, s3;
	s6 =	simm.s32 @!p1 $0x1082;
	[sflag:s4] =	ssyncset.s32 $0xFFFFF086  }
0x25: {  	[simem:s6], [sflag:s4] =	dma.local [hbm:s3], $0xF7A  }
0x26: {  	[smem:$0x3F89] =	sst s1;
	(tag) =	ssettag s2;
	_ =	strace s9  }
0x27: {  	s1 =	sld [smem:$0x3F99]  }
0x28: {  	s2 =	sld [smem:$0x3F9A]  }
0x29: {  	s4 =	sld [smem:$0x3F9C]  }
0x2a: {  	p0 =	seq.s32 s5, $0x0;
	s5 =	sld [smem:$0x3F9D]  }
0x2b: {  	s6 =	sld [smem:$0x3F9E]  }
0x2c: {  	s7 =	sld [smem:$0x3F9F]  }
0x2d: {  	s3 =	simm.s32 $0x108;
	s8 =	sld [smem:$0x3FA0]  }
0x2e: {  	s3 =	simm.s32 @!p0 $0x1082;
	s9 =	sld [smem:$0x3FA1]  }
0x2f: {  	lr =	sadd.s32 s0, s3;
	s0 =	sld [smem:$0x3F98]  }
0x30: {  	s3 =	sld [smem:$0x3F9B]  }
0x31: {  	[smem:$0x3FA4] =	sst s10  }
0x32: {  	s10 =	sld [smem:$0x3FA2];
	_ =	sdelay $0x3  }
0x33: {  	p0 =	seq.s32 s10, $0x1;
	s10 =	sld [smem:$0x3FA4];
	_ =	sdelay $0x3  }
0x34: {  	[smem:$0x3FA4] =	sst s10  }
0x35: {  	s10 =	sld [smem:$0x3FA3];
	_ =	sdelay $0x3  }
0x36: {  	p1 =	seq.s32 s10, $0x1;
	s10 =	sld [smem:$0x3FA4];
	_ =	sdelay $0x3  }
0x37: {  	[smem:$0x3FA4] =	sst s10  }
0x38: {  	s10 =	sld [smem:$0x3FA5]  }
0x39: {  	_ = 	snop;
	(pc) =	sbr.ind lr, $3  }
0x3a: {  	_ = 	snop  }
0x3b: {  	_ = 	snop  }
0x3c: {  	p2 =	seq.s32 s10, $0x1;
	s10 =	sld [smem:$0x3FA4]  }
0x3d: {  	_ =	shalt  }
0x3e: {  	_ =	shalt  }
0x3f: {  	_ =	shalt  }
0x40: {  	_ =	shalt  }
0x41: {  	_ =	shalt  }
0x42: {  	_ =	shalt  }
0x43: {  	_ =	shalt  }
0x44: {  	_ =	shalt  }
0x45: {  	_ =	shalt  }
0x46: {  	_ =	shalt  }
0x47: {  	_ =	shalt  }
0x48: {  	_ =	shalt  }
0x49: {  	_ =	shalt  }
0x4a: {  	_ =	shalt  }
0x4b: {  	_ =	shalt  }
0x4c: {  	_ =	shalt  }
0x4d: {  	_ =	shalt  }
0x4e: {  	_ =	shalt  }
0x4f: {  	_ =	shalt  }
0x50: {  	_ =	shalt  }
0x51: {  	_ =	shalt  }
0x52: {  	_ =	shalt  }
0x53: {  	_ =	shalt  }
0x54: {  	_ =	shalt  }
0x55: {  	_ =	shalt  }
0x56: {  	_ =	shalt  }
0x57: {  	_ =	shalt  }
0x58: {  	_ =	shalt  }
0x59: {  	_ =	shalt  }
0x5a: {  	_ =	shalt  }
0x5b: {  	_ =	shalt  }
0x5c: {  	_ =	shalt  }
0x5d: {  	_ =	shalt  }
0x5e: {  	_ =	shalt  }
0x5f: {  	_ =	shalt  }
0x60: {  	_ =	shalt  }
0x61: {  	_ =	shalt  }
0x62: {  	_ =	shalt  }
0x63: {  	_ =	shalt  }
0x64: {  	_ =	shalt  }
0x65: {  	_ =	shalt  }
0x66: {  	_ =	shalt  }
0x67: {  	_ =	shalt  }
0x68: {  	_ =	shalt  }
0x69: {  	_ =	shalt  }
0x6a: {  	_ =	shalt  }
0x6b: {  	_ =	shalt  }
0x6c: {  	_ =	shalt  }
0x6d: {  	_ =	shalt  }
0x6e: {  	_ =	shalt  }
0x6f: {  	_ =	shalt  }
0x70: {  	_ =	shalt  }
0x71: {  	_ =	shalt  }
0x72: {  	_ =	shalt  }
0x73: {  	_ =	shalt  }
0x74: {  	_ =	shalt  }
0x75: {  	_ =	shalt  }
0x76: {  	_ =	shalt  }
0x77: {  	_ =	shalt  }
0x78: {  	_ =	shalt  }
0x79: {  	_ =	shalt  }
0x7a: {  	_ =	shalt  }
0x7b: {  	_ =	shalt  }
0x7c: {  	_ =	shalt  }
0x7d: {  	_ =	shalt  }
0x7e: {  	_ =	shalt  }
0x7f: {  	_ =	shalt  }
0x80: {  	_ =	shalt  }
0x81: {  	_ =	shalt  }
0x82: {  	_ =	shalt  }
0x83: {  	_ =	shalt  }
0x84: {  	_ =	shalt  }
0x85: {  	_ =	shalt  }
0x86: {  	_ =	shalt  }
0x87: {  	_ =	shalt  }
.Lfunc_end0:
.L_simem_size_0:
called_computation_lowered:
.L_overlay_start_0:
0x88: {  	s2 =	sld [smem:$0x3FD9]  }
0x89: {  	s3 =	sld [smem:$0x3FFE];
	_ =	sdelay $0x1  }
0x8a: {  	s1 =	srdreg.scid  }
0x8b: {  	s0 =	sand.u32 $0x1, s1  }
0x8c: {  	s17 =	sshll.u32 s0, $0xA;
	s2 =	sadd.s32 s3, s2  }
0x8d: {  	s2 =	sadd.s32 s2, s17  }
0x8e: {  	[smem:$0x3FB0] =	sst s2  }
0x8f: {  	_ = 	snop  }
0x90: {  	(tm) =	ssettm $0x1  }
0x91: {  	s18 =	sld [smem:$0x3FFB];
	_ =	sdelay $0x3  }
0x92: {  	_ =	strace s18  }
0x93: {  	s2 =	sld [smem:$0x3FFC];
	_ =	sdelay $0x3  }
0x94: {  	_ =	strace s2  }
0x95: {  	s2 =	sld [smem:$0x3FFD];
	_ =	sdelay $0x3  }
0x96: {  	_ =	strace s2  }
0x97: {  	_ =	strace $0x8FFFFFFF  }
0x98: {  	s19 =	sld [smem:$0x3FDB];
	_ =	sdelay $0x1  }
0x99: {  	s20 =	simm.s32 $_scs_section_size  }
0x9a: {  	s4 =	simm.s32 $_size__tile_overlayer_lowered;
	s5 =	simm.s32 $_tile_overlayer_lowered  }
0x9b: {  	s6 =	simm.s32 $0x1BFF;
	s21 =	sshll.u32 s5, $0x1;
	s3 =	sadd.s32 s20, s19  }
0x9c: {  	s22 =	simm.s32 $0x0;
	s4 =	sshll.u32 s4, $0x1;
	s5 =	sadd.s32 s21, s3  }
0x9d: {  	[timem:s22], [sflag:s6] =	dma.local [hbm:s5], s4  }
0x9e: {  	_ =	swait.ge [sflag:s6], s4  }
0x9f: {  	s4 =	ssub.s32 $0x0, s4;
	[sflag:s6] =	ssyncset.done $0x0  }
0xa0: {  	[sflag:s6] =	ssyncadd.s32 s4;
	_ =	sdelay $0x1  }
0xa1: {  	s23 =	simm.s32 $0x1B8B  }
0xa2: {  	_ =	swait.ge [sflag:s23], $0x1  }
0xa3: {  	[sflag:s23] =	ssyncset.done $0x0  }
0xa4: {  	[sflag:s23] =	ssyncadd.s32 $0xFFFFFFFF  }
0xa5: {  	s4 =	sld [smem:$0x0]  }
0xa6: {  	s5 =	sand.u32 $0xFFFFFFFE, s1  }
0xa7: {  	p0 =	sne.s32 s1, s5  }
0xa8: {  	s5 =	sshll.u32 @p0 s5, $0xE  }
0xa9: {  	s5 =	sadd.s32 @p0 $0x11B8D, s5;
	s6 =	sshll.u32 @p0 s4, $0x11  }
0xaa: {  	s5 =	sor.u32 @p0 s6, s5  }
0xab: {  	[sflag:s5] =	ssyncadd.remote.s32 @p0 $0x1;
	_ =	sdelay $0x1  }
0xac: {  	s5 =	simm.s32 @p0 $0x1B8D  }
0xad: {  	_ =	swait.eq @p0 [sflag:s5], $0x1  }
0xae: {  	[sflag:s5] =	ssyncadd.s32 @p0 $0xFFFFFFFF  }
0xaf: {  	s6 =	sshll.u32 @!p0 s1, $0xE  }
0xb0: {  	s6 =	sor.u32 @!p0 $0x4000, s6;
	s5 =	simm.s32 @!p0 $0x1B8D  }
0xb1: {  	s4 =	sshll.u32 @!p0 s4, $0x11;
	s6 =	sadd.s32 @!p0 $0x11B8D, s6;
	_ =	swait.eq @!p0 [sflag:s5], $0x1  }
0xb2: {  	s4 =	sor.u32 @!p0 s4, s6;
	[sflag:s5] =	ssyncadd.s32 @!p0 $0xFFFFFFFF  }
0xb3: {  	s25 =	simm.s32 $0x1B8E;
	s24 =	sld [smem:$0x3FFE];
	[sflag:s4] =	ssyncadd.remote.s32 @!p0 $0x1  }
0xb4: {  	s26 =	simm.s32 $execute0_lowered;
	[smem:$0x3FD2] =	sst s25  }
0xb5: {  	s5 =	sshll.u32 s26, $0x1;
	_ =	strace $0x80000049;
	[dreg:$0x1] =	wrdreg $0xFFFFFFFF  }
0xb6: {  	s28 =	simm.s32 $_size_execute0_lowered;
	s3 =	sadd.s32 s3, s5;
	[dreg:$0x0] =	wrdreg $0x0  }
0xb7: {  	s5 =	sshll.u32 s28, $0x1;
	[dreg:$0x2] =	wrdreg s3  }
0xb8: {  	[dreg:$0x3] =	wrdreg s5  }
0xb9: {  	[dreg:$0x4] =	wrdreg $0xC0  }
0xba: {  	_ =	task [dreg:s22], $0x5FFFF  }
0xbb: {  	[dreg:$0x1] =	wrdreg $0xFFFFFFFF  }
0xbc: {  	[dreg:$0x0] =	wrdreg $0x60  }
0xbd: {  	[dreg:$0x2] =	wrdreg s24  }
0xbe: {  	[dreg:$0x3] =	wrdreg $0x38000  }
0xbf: {  	[dreg:$0x4] =	wrdreg $0x9  }
0xc0: {  	_ =	task.clear_ibuf [dreg:s22], $0x5FFFF;
	_ =	strace $0x90000049  }
0xc1: {  	s29 =	simm.s32 $0x9;
	_ =	strace $0x8000004B  }
0xc2: {  	_ =	swait.ge [sflag:s29], $0x1  }
0xc3: {  	[sflag:s29] =	ssyncadd.s32 $0xFFFFFFFF  }
0xc4: {  	_ =	strace $0x9000004B  }
0xc5: {  	_ =	sfence  }
0xc6: {  	s30 =	sld [smem:$0x0];
	_ =	sdelay $0x2  }
0xc7: {  	s31 =	sshll.u32 s1, $0xD;
	s1 =	sshrl.u32 s1, $0x2  }
0xc8: {  	s4 =	sand.u32 $0x4000, s31;
	s1 =	sadd.s32 s1, s30  }
0xc9: {  	s0 =	sor.u32 s4, s0;
	s1 =	sshll.u32 s1, $0x11  }
0xca: {  	s0 =	sor.u32 s1, s0  }
0xcb: {  	s0 =	sadd.s32 $0x8F2B, s0  }
0xcc: {  	[sflag:s0] =	ssyncadd.remote.s32 $0x1  }
0xcd: {  	_ =	sfence.sel $0xFFFF  }
0xce: {  	[dreg:$0x0] =	wrdreg $0xFFFFFFFF;
	(pc) =	sbr.abs _section_cstart, $3  }
0xcf: {  	[dreg:$0x1] =	wrdreg $0xFFFFFFFF  }
0xd0: {  	_ =	task.clear_ibuf [dreg:s22], $0x2FFFF;
	_ =	strace $0x9FFFFFFF  }
0xd1: {  	(tm) =	ssettm $0x7FFFFFFF  }
tec
execute0_lowered:
.L_overlay_start_1:
0x0: {  	(tag) =	ssettag $0x1  }
0x1: {  	s0 =	rddreg [dreg:$0x0]  }
0x2: {  	s2 =	rddreg [dreg:$0x1];
	s1 =	srdreg.scid  }
0x3: {  	s12 =	stileid.u32;
	s3 =	simm.s32 $0x0;
	s28 =	simm.s32 $0x2400  }
0x4: {  	s29 =	simm.s32 $0x9;
	s31 =	simm.s32 $0x40;
	s5 =	smul.u32 $0x5000, s12  }
0x5: {  	s30 =	simm.s32 $0x7;
	s1 =	sand.u32 $0x1, s1;
	s10 =	smul.u32 $0x1400, s12  }
0x6: {  	s4 =	sshll.u32 s12, $0x1;
	[smem:$0x7FF] =	sst s3;
	s26 =	smul.u32 $0x13A, s12  }
0x7: {  	s6 =	sadd.s32 $0x4E00, s0;
	s0 =	sadd.s32 $0x66C00, s0;
	s13 =	smul.u32 $0x138800, s1  }
0x8: {  	s4 =	sor.u32 s1, s4;
	s8 =	ssub.s32 $0x2, s1;
	s1 =	smul.u32 $0x9D, s1  }
0x9: {  	p0 =	sgt.u32 s12, $0x9;
	_ =	strace $0x8000004A;
	s7 =	smul.u32 $0x4E8, s4  }
0xa: {  	s9 =	smul.u32 $0x2740, s4;
	s11 =	sshrl.u32 s8, $0x1;
	s5 =	sshrl.u32 s5, $0x2  }
0xb: {  	s17 =	sadd.s32 $0x12C000, s10;
	s8 =	ssub.s32 s8, s11;
	s4 =	sadd.s32 s5, s2  }
0xc: {  	s19 =	sadd.s32 s13, s17;
	s20 =	sadd.s32 s17, s2;
	s1 =	sadd.s32 s1, s26  }
0xd: {  	s5 =	sadd.s32 s10, s13;
	s11 =	sadd.s32 $0x12C000, s4;
	s9 =	sshrl.u32 s9, $0x3  }
0xe: {  	s7 =	sadd.s32 s6, s7;
	[dreg:$0x6] =	wrdreg s20;
	s21 =	sshrl.u32 s19, $0x3  }
0xf: {  	s22 =	smax.u32 s8, $0x1;
	s23 =	sadd.s32 $0x14000, s4;
	s24 =	sadd.s32 $0x28000, s4  }
0x10: {  	s25 =	sadd.s32 $0x3C000, s4;
	s14 =	sadd.s32 $0x50000, s4;
	[dreg:$0x3] =	wrdreg s11  }
0x11: {  	s15 =	sadd.s32 $0x64000, s4;
	s16 =	sadd.s32 $0x78000, s4;
	[dreg:$0x4] =	wrdreg s7  }
0x12: {  	s17 =	sadd.s32 $0x8C000, s4;
	s19 =	sadd.s32 $0xB4000, s4;
	[dreg:$0x8] =	wrdreg s22  }
0x13: {  	s20 =	sadd.s32 $0xC8000, s4;
	s1 =	sshll.u32 s1, $0x3;
	[dreg:$0x9] =	wrdreg s23  }
0x14: {  	s5 =	sshrl.u32 s5, $0x3;
	s26 =	sadd.s32 $0x118000, s4;
	[dreg:$0xa] =	wrdreg s24  }
0x15: {  	s18 =	sadd.s32 s6, s9;
	[dreg:$0xb] =	wrdreg s25;
	s1 =	sadd.s32 s6, s1  }
0x16: {  	s22 =	sadd.s32 $0xF0000, s4;
	s23 =	sadd.s32 s5, s0;
	s24 =	sadd.s32 $0x104000, s4  }
0x17: {  	s5 =	simm.s32 $0x8;
	s6 =	simm.s32 $0x5;
	s7 =	sadd.s32 $0x8, s18  }
0x18: {  	s18 =	sadd.s32 $0xA0000, s4;
	s10 =	sadd.s32 $0x10, s1;
	s1 =	simm.s32 $0x6  }
0x19: {  	[dreg:$0x5] =	wrdreg s7;
	s7 =	sadd.s32 s0, s21;
	s21 =	sadd.s32 $0xDC000, s4  }
0x1a: {  	v0 =	vimm.f32 $0.0e+00;
	v1 =	vimm.f32 $1.000000000e+00;
	s0 =	simm.s32 $0x400;
	[dreg:$0x7] =	wrdreg s7;
	s7 =	simm.s32 $0x0  }
.LBB2_1:
0x1b: {  	s8 =	sand.u32 $0x7E00, s3  }
0x1c: {  	s9 =	sand.u32 $0x70, s3;
	s11 =	sshrl.u32 s8, $0x2  }
0x1d: {  	s8 =	simm.s32 $0x40;
	s11 =	sor.u32 s9, s11;
	s9 =	simm.s32 $0x0  }
.LBB2_2:
0x1e: {  	p1 =	sne.s32 s8, $0x4FC0  }
0x1f: {  	[tilespmem:s11+$0x2400] =	vst v0;
	s9 =	sadd.s32 $0x10, s9;
	s11 =	smov.u32 s8;
	s8 =	sadd.s32 $0x40, s8  }
.Ltmp0:
0x20: {  	(pc) =	sbr.rel @p1 .LBB2_2-.Ltmp0, $4  }
0x21: {  	_ = 	snop  }
0x22: {  	s11 =	sand.u32 $0x7E00, s11  }
0x23: {  	s25 =	sand.u32 $0x70, s9;
	s11 =	sshrl.u32 s11, $0x2  }
0x24: {  	s11 =	sor.u32 s25, s11  }
0x25: {  	[tilespmem:s11+$0x2400] =	vst v0  }
0x26: {  	[spmem:s4] =	stream.linear.scatter [tilespmem:s28], [sflag:$0x9], $0x1400, $0x38;
	[tilespmem:$0x17280] =	vst v63  }
0x27: {  	_ =	swait.ge [sflag:s29], $0x1400  }
0x28: {  	[sflag:s29] =	ssyncset.done $0x0  }
0x29: {  	s8 =	rddreg [dreg:$0x9];
	[sflag:s29] =	ssyncadd.s32 $0xFFFFEC00  }
0x2a: {  	[spmem:s8] =	stream.linear.scatter [tilespmem:s28], [sflag:$0x9], $0x1400, $0x38;
	[tilespmem:$0x17280] =	vst v63  }
0x2b: {  	_ =	swait.ge [sflag:s29], $0x1400  }
0x2c: {  	[sflag:s29] =	ssyncset.done $0x0  }
0x2d: {  	s11 =	rddreg [dreg:$0xa];
	[sflag:s29] =	ssyncadd.s32 $0xFFFFEC00  }
0x2e: {  	[spmem:s11] =	stream.linear.scatter [tilespmem:s28], [sflag:$0x9], $0x1400, $0x38;
	[tilespmem:$0x17280] =	vst v63  }
0x2f: {  	_ =	swait.ge [sflag:s29], $0x1400  }
0x30: {  	[sflag:s29] =	ssyncset.done $0x0  }
0x31: {  	s12 =	rddreg [dreg:$0xb];
	[sflag:s29] =	ssyncadd.s32 $0xFFFFEC00  }
0x32: {  	[spmem:s12] =	stream.linear.scatter [tilespmem:s28], [sflag:$0x9], $0x1400, $0x38;
	[tilespmem:$0x17280] =	vst v63  }
0x33: {  	_ =	swait.ge [sflag:s29], $0x1400  }
0x34: {  	[sflag:s29] =	ssyncset.done $0x0  }
0x35: {  	[sflag:s29] =	ssyncadd.s32 $0xFFFFEC00  }
0x36: {  	[spmem:s14] =	stream.linear.scatter [tilespmem:s28], [sflag:$0x9], $0x1400, $0x38;
	[tilespmem:$0x17280] =	vst v63  }
0x37: {  	_ =	swait.ge [sflag:s29], $0x1400  }
0x38: {  	[sflag:s29] =	ssyncset.done $0x0  }
0x39: {  	[sflag:s29] =	ssyncadd.s32 $0xFFFFEC00  }
0x3a: {  	[spmem:s15] =	stream.linear.scatter [tilespmem:s28], [sflag:$0x9], $0x1400, $0x38;
	[tilespmem:$0x17280] =	vst v63  }
0x3b: {  	_ =	swait.ge [sflag:s29], $0x1400  }
0x3c: {  	[sflag:s29] =	ssyncset.done $0x0  }
0x3d: {  	[sflag:s29] =	ssyncadd.s32 $0xFFFFEC00  }
0x3e: {  	[spmem:s16] =	stream.linear.scatter [tilespmem:s28], [sflag:$0x9], $0x1400, $0x38;
	[tilespmem:$0x17280] =	vst v63  }
0x3f: {  	_ =	swait.ge [sflag:s29], $0x1400  }
0x40: {  	[sflag:s29] =	ssyncset.done $0x0  }
0x41: {  	[sflag:s29] =	ssyncadd.s32 $0xFFFFEC00  }
0x42: {  	[spmem:s17] =	stream.linear.scatter [tilespmem:s28], [sflag:$0x9], $0x1400, $0x38;
	[tilespmem:$0x17280] =	vst v63  }
0x43: {  	_ =	swait.ge [sflag:s29], $0x1400  }
0x44: {  	[sflag:s29] =	ssyncset.done $0x0  }
0x45: {  	[sflag:s29] =	ssyncadd.s32 $0xFFFFEC00  }
0x46: {  	[spmem:s18] =	stream.linear.scatter [tilespmem:s28], [sflag:$0x9], $0x1400, $0x38;
	[tilespmem:$0x17280] =	vst v63  }
0x47: {  	_ =	swait.ge [sflag:s29], $0x1400  }
0x48: {  	[sflag:s29] =	ssyncset.done $0x0  }
0x49: {  	[sflag:s29] =	ssyncadd.s32 $0xFFFFEC00  }
0x4a: {  	[spmem:s19] =	stream.linear.scatter [tilespmem:s28], [sflag:$0x9], $0x1400, $0x38;
	[tilespmem:$0x17280] =	vst v63  }
0x4b: {  	_ =	swait.ge [sflag:s29], $0x1400  }
0x4c: {  	[sflag:s29] =	ssyncset.done $0x0  }
0x4d: {  	[sflag:s29] =	ssyncadd.s32 $0xFFFFEC00  }
0x4e: {  	[spmem:s20] =	stream.linear.scatter [tilespmem:s28], [sflag:$0x9], $0x1400, $0x38;
	[tilespmem:$0x17280] =	vst v63  }
0x4f: {  	_ =	swait.ge [sflag:s29], $0x1400  }
0x50: {  	[sflag:s29] =	ssyncset.done $0x0  }
0x51: {  	[sflag:s29] =	ssyncadd.s32 $0xFFFFEC00  }
0x52: {  	[spmem:s21] =	stream.linear.scatter [tilespmem:s28], [sflag:$0x9], $0x1400, $0x38;
	[tilespmem:$0x17280] =	vst v63  }
0x53: {  	_ =	swait.ge [sflag:s29], $0x1400  }
0x54: {  	[sflag:s29] =	ssyncset.done $0x0  }
0x55: {  	[sflag:s29] =	ssyncadd.s32 $0xFFFFEC00  }
0x56: {  	[spmem:s22] =	stream.linear.scatter [tilespmem:s28], [sflag:$0x9], $0x1400, $0x38;
	[tilespmem:$0x17280] =	vst v63  }
0x57: {  	_ =	swait.ge [sflag:s29], $0x1400  }
0x58: {  	[sflag:s29] =	ssyncset.done $0x0  }
0x59: {  	[sflag:s29] =	ssyncadd.s32 $0xFFFFEC00  }
0x5a: {  	[spmem:s24] =	stream.linear.scatter [tilespmem:s28], [sflag:$0x9], $0x1400, $0x38;
	[tilespmem:$0x17280] =	vst v63  }
0x5b: {  	_ =	swait.ge [sflag:s29], $0x1400  }
0x5c: {  	[sflag:s29] =	ssyncset.done $0x0  }
0x5d: {  	[sflag:s29] =	ssyncadd.s32 $0xFFFFEC00  }
0x5e: {  	[spmem:s26] =	stream.linear.scatter [tilespmem:s28], [sflag:$0x9], $0x1400, $0x38;
	[tilespmem:$0x17280] =	vst v63  }
0x5f: {  	_ =	swait.ge [sflag:s29], $0x1400  }
0x60: {  	[sflag:s29] =	ssyncset.done $0x0  }
0x61: {  	s8 =	simm.s32 @!p0 $0x2400;
	s9 =	rddreg [dreg:$0x3];
	[sflag:s29] =	ssyncadd.s32 $0xFFFFEC00  }
0x62: {  	[spmem:s9] =	stream.linear.scatter @!p0 [tilespmem:s8], [sflag:$0x9], $0x1400, $0x38;
	[tilespmem:$0x17280] =	vst v63  }
0x63: {  	s9 =	simm.s32 @!p0 $0x9;
	s8 =	simm.s32 $0x0  }
0x64: {  	_ =	swait.ge @!p0 [sflag:s9], $0x1400;
	s13 =	sand.u32 $0x7E00, s8  }
0x65: {  	s25 =	sand.u32 $0x70, s8;
	[sflag:s9] =	ssyncset.done @!p0 $0x0;
	s11 =	sshrl.u32 s13, $0x2  }
0x66: {  	[sflag:s9] =	ssyncadd.s32 @!p0 $0xFFFFEC00;
	s9 =	simm.s32 $0x40;
	s11 =	sor.u32 s25, s11  }
.LBB2_4:
0x67: {  	p1 =	sne.s32 s9, $0x7FC0  }
0x68: {  	[tilespmem:s11+$0x400] =	vst v1;
	s8 =	sadd.s32 $0x10, s8;
	s11 =	smov.u32 s9;
	s9 =	sadd.s32 $0x40, s9  }
.Ltmp1:
0x69: {  	(pc) =	sbr.rel @p1 .LBB2_4-.Ltmp1, $4  }
0x6a: {  	_ = 	snop  }
0x6b: {  	s11 =	sand.u32 $0x7E00, s11  }
0x6c: {  	s25 =	sand.u32 $0x70, s8;
	s11 =	sshrl.u32 s11, $0x2  }
0x6d: {  	s11 =	sor.u32 s25, s11  }
0x6e: {  	[tilespmem:s11+$0x400] =	vst v1  }
0x6f: {  	[bflag:$0x0] =	sbarrier.arrive $0xFFFF  }
0x70: {  	s8 =	simm.s32 $0x0;
	s9 =	rddreg [dreg:$0x4]  }
0x71: {  	[tilespmem:s8], [sflag:$0x1] =	stream.linear.gather [hbm4b:s9+s8], $0x40, $0x38;
	[tilespmem:$0x17280] =	vst v63  }
0x72: {  	s25 =	simm.s32 $0x80;
	s13 =	rddreg [dreg:$0x5]  }
0x73: {  	[tilespmem:s25], [sflag:$0x2] =	stream.linear.gather [hbm4b:s13+s8], $0x40, $0x38;
	[tilespmem:$0x17280] =	vst v63  }
0x74: {  	s9 =	simm.s32 $0x100;
	s25 =	smov.u32 s10  }
.LBB2_6:
0x75: {  	p1 =	sgt.u32 s8, $0x9A  }
0x76: {  	s11 =	sadd.s32 @!p1 $0x2, s8  }
0x77: {  	s12 =	sand.u32 @!p1 $0x380, s9;
	s11 =	sand.u32 @!p1 $0x3, s11  }
0x78: {  	s13 =	simm.s32 @!p1 $0x0;
	p2 =	slt.u32 @!p1 s8, $0x4;
	s11 =	sadd.s32 @!p1 $0x1, s11  }
0x79: {  	[tilespmem:s12], [sflag:s11] =	stream.linear.gather @!p1 [hbm4b:s25+s13], $0x40, $0x38;
	[tilespmem:$0x17280] =	vst v63  }
0x7a: {  	p1 =	por p1, !p2;
	s11 =	smov.u32 s8  }
0x7b: {  	s11 =	sand.u32 @p1 $0x3, s8  }
0x7c: {  	s12 =	sadd.s32 @p1 $0x5, s11  }
0x7d: {  	_ =	swait.ge @p1 [sflag:s12], $0x2000  }
0x7e: {  	s8 =	sadd.s32 $0x1, s8;
	[sflag:s12] =	ssyncset.done @p1 $0x0  }
0x7f: {  	[sflag:s12] =	ssyncadd.s32 @p1 $0xFFFFE000;
	p1 =	sne.s32 s8, $0x9D  }
.Ltmp2:
0x80: {  	s12 =	sadd.s32 $0x1, s11;
	(pc) =	sbr.rel @p1 .LBB2_6-.Ltmp2, $4  }
0x81: {  	s13 =	sadd.s32 $0xFFFFFF00, s9;
	_ =	swait.ge [sflag:s12], $0x40  }
0x82: {  	s25 =	sadd.s32 $0x8, s25;
	s9 =	sadd.s32 $0x80, s9;
	[sflag:s12] =	ssyncset.done $0x0  }
0x83: {  	s13 =	sand.u32 $0x380, s13;
	s11 =	sadd.s32 $0x5, s11;
	[sflag:s12] =	ssyncadd.s32 $0xFFFFFFC0  }
0x84: {  	[spmem:s2] =	stream.indirect.scatter.add.f32 [tilespmem:s0], [sflag:s11], $0x80, s13, s31, $0xb8;
	[tilespmem:$0x17280] =	vst v63  }
0x85: {  	_ =	swait.ge [sflag:s1], $0x2000  }
0x86: {  	[sflag:s1] =	ssyncset.done $0x0  }
0x87: {  	[sflag:s1] =	ssyncadd.s32 $0xFFFFE000  }
0x88: {  	_ =	swait.ge [sflag:s30], $0x2000  }
0x89: {  	[sflag:s30] =	ssyncset.done $0x0  }
0x8a: {  	[sflag:s30] =	ssyncadd.s32 $0xFFFFE000  }
0x8b: {  	_ =	swait.ge [sflag:s5], $0x2000  }
0x8c: {  	[sflag:s5] =	ssyncset.done $0x0  }
0x8d: {  	[sflag:s5] =	ssyncadd.s32 $0xFFFFE000  }
0x8e: {  	_ =	swait.ge [sflag:s6], $0x2000  }
0x8f: {  	[sflag:s6] =	ssyncset.done $0x0  }
0x90: {  	[sflag:s6] =	ssyncadd.s32 $0xFFFFE000  }
0x91: {  	[bflag:$0x0] =	sbarrier.arrive $0xFFFF  }
0x92: {  	[tilespmem:s28], [sflag:$0x9] =	stream.linear.gather [spmem:s4], $0x1400, $0x38;
	[tilespmem:$0x17280] =	vst v63  }
0x93: {  	_ =	swait.ge [sflag:s29], $0x1400  }
0x94: {  	[sflag:s29] =	ssyncset.done $0x0  }
0x95: {  	s8 =	sadd.s32 $0x0, s23;
	[sflag:s29] =	ssyncadd.s32 $0xFFFFEC00  }
0x96: {  	[hbm4b:s8+s3] =	stream.linear.scatter [tilespmem:s28], [sflag:$0x9], $0x1400, $0x38;
	[tilespmem:$0x17280] =	vst v63  }
0x97: {  	_ =	swait.ge [sflag:s29], $0x1400  }
0x98: {  	s9 =	smov.u32 s4;
	s8 =	simm.s32 $0x2800;
	[sflag:s29] =	ssyncset.done $0x0  }
.LBB2_8:
0x99: {  	p1 =	sne.s32 s8, $0x23000;
	[sflag:s29] =	ssyncadd.s32 $0xFFFFEC00;
	s9 =	sadd.s32 $0x14000, s9  }
0x9a: {  	[tilespmem:s28], [sflag:$0x9] =	stream.linear.gather [spmem:s9], $0x1400, $0x38;
	[tilespmem:$0x17280] =	vst v63  }
0x9b: {  	s11 =	smov.u32 s8;
	s8 =	sadd.s32 $0x2800, s8;
	_ =	swait.ge [sflag:s29], $0x1400  }
.Ltmp3:
0x9c: {  	[sflag:s29] =	ssyncset.done $0x0;
	(pc) =	sbr.rel @p1 .LBB2_8-.Ltmp3, $4  }
0x9d: {  	s11 =	sadd.s32 s11, s23;
	[sflag:s29] =	ssyncadd.s32 $0xFFFFEC00  }
0x9e: {  	[hbm4b:s11+s3] =	stream.linear.scatter [tilespmem:s28], [sflag:$0x9], $0x1400, $0x38;
	[tilespmem:$0x17280] =	vst v63  }
0x9f: {  	_ =	swait.ge [sflag:s29], $0x1400  }
0xa0: {  	[sflag:s29] =	ssyncset.done $0x0  }
0xa1: {  	[sflag:s29] =	ssyncadd.s32 $0xFFFFEC00;
	s8 =	simm.s32 @!p0 $0x2400;
	s9 =	rddreg [dreg:$0x6]  }
0xa2: {  	[tilespmem:s8], [sflag:$0x9] =	stream.linear.gather @!p0 [spmem:s9], $0x1400, $0x38;
	[tilespmem:$0x17280] =	vst v63  }
0xa3: {  	s9 =	simm.s32 @!p0 $0x9  }
0xa4: {  	_ =	swait.ge @!p0 [sflag:s9], $0x1400  }
0xa5: {  	[sflag:s9] =	ssyncset.done @!p0 $0x0  }
0xa6: {  	s11 =	simm.s32 @!p0 $0x0;
	s12 =	rddreg [dreg:$0x7];
	[sflag:s9] =	ssyncadd.s32 @!p0 $0xFFFFEC00  }
0xa7: {  	[hbm4b:s12+s11] =	stream.linear.scatter @!p0 [tilespmem:s8], [sflag:$0x9], $0x1400, $0x38;
	[tilespmem:$0x17280] =	vst v63  }
0xa8: {  	_ =	swait.ge @!p0 [sflag:s9], $0x1400  }
0xa9: {  	s7 =	sadd.s32 $0x1, s7;
	s25 =	rddreg [dreg:$0x8]  }
0xaa: {  	p1 =	sne.s32 s7, s25  }
.Ltmp4:
0xab: {  	_ = 	snop;
	(pc) =	sbr.rel @p1 .LBB2_1-.Ltmp4, $3  }
0xac: {  	_ =	sdelay $0x1  }
0xad: {  	[sflag:s9] =	ssyncset.done @!p0 $0x0  }
0xae: {  	[sflag:s9] =	ssyncadd.s32 @!p0 $0xFFFFEC00  }
0xaf: {  	_ =	sfence.sel $0x180000  }
0xb0: {  	[bflag:$0x0] =	sbarrier.arrive $0xFFFF  }
0xb1: {  	_ =	strace $0x9000004A  }
0xb2: {  	s0 =	stileid.u32;
	[bflag:$0x2] =	sbarrier.arrive $0xFFFF  }
0xb3: {  	p0 =	sne.s32 s0, $0x0;
	s0 =	rddreg [dreg:$0x2]  }
0xb4: {  	s0 =	sadd.s32 @!p0 $0x100000, s0  }
0xb5: {  	[sflag:s0] =	ssyncadd.tile.s32 @!p0 $0x1;
	_ =	shalt  }
.Lfunc_end2:
_tile_overlayer_lowered:
.L_overlay_start_2:
0xb6: {  	(tag) =	ssettag $0x2  }
0xb7: {  	s0 =	rddreg [dreg:$0x0];
	s2 =	stileid.u32  }
0xb8: {  	s1 =	rddreg [dreg:$0x1];
	p0 =	sne.s32 s2, $0x0  }
0xb9: {  	s3 =	rddreg [dreg:$0x2];
	[bflag:$0x3] =	sbarrier.arrive $0xFFFF;
	s2 =	simm.s32 @!p0 $0x1C09  }
0xba: {  	[timem:s3], [sflag:s2] =	dma.local @!p0 [hbm:s0], s1  }
0xbb: {  	s0 =	simm.s32 @!p0 $0x9  }
0xbc: {  	_ =	swait.ge @!p0 [sflag:s0], s1  }
0xbd: {  	s1 =	ssub.s32 @!p0 $0x0, s1;
	[sflag:s0] =	ssyncset.done @!p0 $0x0  }
0xbe: {  	[sflag:s0] =	ssyncadd.s32 @!p0 s1  }
0xbf: {  	[bflag:$0x3] =	sbarrier.arrive $0xFFFF  }
0xc0: {  	_ =	shalt  }

// kernel: kernel.14.cloned.1.call-start
scs
__scs_entry_jumppad:
0x0: {  	(pc) =	sbr.rel $0x88, $3  }
0x1: {  	(tag) =	ssettag $0x0;
	lr =	simm.s32 $0x1  }
0x2: {  	[smem:$0x3F89] =	sst lr;
	_ =	strace $0xD0000000  }
0x3: {  	_ = 	snop  }
0x4: {  	_ = 	snop  }
0x5: {  	_ = 	snop  }
0x6: {  	_ = 	snop  }
0x7: {  	_ = 	snop  }
__scs_overlays_trampoline_lowered:
0x8: {  	[smem:$0x3F98] =	sst s0  }
0x9: {  	[smem:$0x3F99] =	sst s1  }
0xa: {  	[smem:$0x3F9A] =	sst s2  }
0xb: {  	[smem:$0x3F9B] =	sst s3  }
0xc: {  	[smem:$0x3F9C] =	sst s4  }
0xd: {  	[smem:$0x3F9D] =	sst s5  }
0xe: {  	[smem:$0x3F9E] =	sst s6  }
0xf: {  	[smem:$0x3F9F] =	sst s7  }
0x10: {  	[smem:$0x3FA0] =	sst s8  }
0x11: {  	[smem:$0x3FA1] =	sst s9;
	s0 =	simm.s32 @!p0 $0x0  }
0x12: {  	s1 =	sld [smem:$0x3F87];
	s0 =	simm.s32 @p0 $0x1  }
0x13: {  	[smem:$0x3FA2] =	sst s0;
	s0 =	simm.s32 @!p1 $0x0  }
0x14: {  	s2 =	sld [smem:$0x3F86];
	s0 =	simm.s32 @p1 $0x1  }
0x15: {  	[smem:$0x3FA3] =	sst s0;
	s0 =	simm.s32 @!p2 $0x0  }
0x16: {  	s3 =	sld [smem:$0x3FDB];
	s0 =	simm.s32 @p2 $0x1  }
0x17: {  	s4 =	simm.s32 $0x1BF5;
	[smem:$0x3FA5] =	sst s0  }
0x18: {  	s0 =	sld [smem:$0x3F88];
	_ =	swait.ge [sflag:s4], $0x0  }
0x19: {  	s7 =	sld [smem:$0x3F89]  }
0x1a: {  	s8 =	sadd.s32 $0xFFFFE003, lr  }
0x1b: {  	s9 =	sadd.s32 $0xFFFFFEF7, lr;
	s5 =	simm.s32 $0xFFFFFFFF;
	p2 =	slt.u32 s8, $0xFFFFF086  }
0x1c: {  	p1 =	slt.u32 s9, $0xF7A;
	s5 =	simm.s32 @!p2 $0x0  }
0x1d: {  	s5 =	simm.s32 @p1 $0x1;
	p0 =	seq.s32 s7, s2  }
0x1e: {  	s7 =	smul.u32 @!p0 $0xF7A, s2;
	p2 =	seq.s32 @!p0 s5, $0x0  }
0x1f: {  	s9 =	smul.u32 $0xF7A, s1;
	s8 =	simm.s32 @!p0 $0x1BF5;
	p2 =	por !p2, p0  }
0x20: {  	[sflag:s8] =	ssyncset.s32 @!p0 $0xFFFFF086;
	s6 =	sadd.s32 @!p0 s3, s7;
	s7 =	simm.s32 @!p0 $0x108  }
0x21: {  	s3 =	sadd.s32 s3, s9;
	s6 =	sadd.s32 @!p0 $0x88, s6;
	s7 =	simm.s32 @p2 $0x1082  }
0x22: {  	[simem:s7], [sflag:s8] =	dma.local @!p0 [hbm:s6], $0xF7A  }
0x23: {  	s9 =	sor.u32 $0xD0000000, s2;
	s6 =	simm.s32 $0x108;
	_ =	swait.ge @!p0 [sflag:s8], $0x0  }
0x24: {  	s3 =	sadd.s32 $0x88, s3;
	s6 =	simm.s32 @!p1 $0x1082;
	[sflag:s4] =	ssyncset.s32 $0xFFFFF086  }
0x25: {  	[simem:s6], [sflag:s4] =	dma.local [hbm:s3], $0xF7A  }
0x26: {  	[smem:$0x3F89] =	sst s1;
	(tag) =	ssettag s2;
	_ =	strace s9  }
0x27: {  	s1 =	sld [smem:$0x3F99]  }
0x28: {  	s2 =	sld [smem:$0x3F9A]  }
0x29: {  	s4 =	sld [smem:$0x3F9C]  }
0x2a: {  	p0 =	seq.s32 s5, $0x0;
	s5 =	sld [smem:$0x3F9D]  }
0x2b: {  	s6 =	sld [smem:$0x3F9E]  }
0x2c: {  	s7 =	sld [smem:$0x3F9F]  }
0x2d: {  	s3 =	simm.s32 $0x108;
	s8 =	sld [smem:$0x3FA0]  }
0x2e: {  	s3 =	simm.s32 @!p0 $0x1082;
	s9 =	sld [smem:$0x3FA1]  }
0x2f: {  	lr =	sadd.s32 s0, s3;
	s0 =	sld [smem:$0x3F98]  }
0x30: {  	s3 =	sld [smem:$0x3F9B]  }
0x31: {  	[smem:$0x3FA4] =	sst s10  }
0x32: {  	s10 =	sld [smem:$0x3FA2];
	_ =	sdelay $0x3  }
0x33: {  	p0 =	seq.s32 s10, $0x1;
	s10 =	sld [smem:$0x3FA4];
	_ =	sdelay $0x3  }
0x34: {  	[smem:$0x3FA4] =	sst s10  }
0x35: {  	s10 =	sld [smem:$0x3FA3];
	_ =	sdelay $0x3  }
0x36: {  	p1 =	seq.s32 s10, $0x1;
	s10 =	sld [smem:$0x3FA4];
	_ =	sdelay $0x3  }
0x37: {  	[smem:$0x3FA4] =	sst s10  }
0x38: {  	s10 =	sld [smem:$0x3FA5]  }
0x39: {  	_ = 	snop;
	(pc) =	sbr.ind lr, $3  }
0x3a: {  	_ = 	snop  }
0x3b: {  	_ = 	snop  }
0x3c: {  	p2 =	seq.s32 s10, $0x1;
	s10 =	sld [smem:$0x3FA4]  }
0x3d: {  	_ =	shalt  }
0x3e: {  	_ =	shalt  }
0x3f: {  	_ =	shalt  }
0x40: {  	_ =	shalt  }
0x41: {  	_ =	shalt  }
0x42: {  	_ =	shalt  }
0x43: {  	_ =	shalt  }
0x44: {  	_ =	shalt  }
0x45: {  	_ =	shalt  }
0x46: {  	_ =	shalt  }
0x47: {  	_ =	shalt  }
0x48: {  	_ =	shalt  }
0x49: {  	_ =	shalt  }
0x4a: {  	_ =	shalt  }
0x4b: {  	_ =	shalt  }
0x4c: {  	_ =	shalt  }
0x4d: {  	_ =	shalt  }
0x4e: {  	_ =	shalt  }
0x4f: {  	_ =	shalt  }
0x50: {  	_ =	shalt  }
0x51: {  	_ =	shalt  }
0x52: {  	_ =	shalt  }
0x53: {  	_ =	shalt  }
0x54: {  	_ =	shalt  }
0x55: {  	_ =	shalt  }
0x56: {  	_ =	shalt  }
0x57: {  	_ =	shalt  }
0x58: {  	_ =	shalt  }
0x59: {  	_ =	shalt  }
0x5a: {  	_ =	shalt  }
0x5b: {  	_ =	shalt  }
0x5c: {  	_ =	shalt  }
0x5d: {  	_ =	shalt  }
0x5e: {  	_ =	shalt  }
0x5f: {  	_ =	shalt  }
0x60: {  	_ =	shalt  }
0x61: {  	_ =	shalt  }
0x62: {  	_ =	shalt  }
0x63: {  	_ =	shalt  }
0x64: {  	_ =	shalt  }
0x65: {  	_ =	shalt  }
0x66: {  	_ =	shalt  }
0x67: {  	_ =	shalt  }
0x68: {  	_ =	shalt  }
0x69: {  	_ =	shalt  }
0x6a: {  	_ =	shalt  }
0x6b: {  	_ =	shalt  }
0x6c: {  	_ =	shalt  }
0x6d: {  	_ =	shalt  }
0x6e: {  	_ =	shalt  }
0x6f: {  	_ =	shalt  }
0x70: {  	_ =	shalt  }
0x71: {  	_ =	shalt  }
0x72: {  	_ =	shalt  }
0x73: {  	_ =	shalt  }
0x74: {  	_ =	shalt  }
0x75: {  	_ =	shalt  }
0x76: {  	_ =	shalt  }
0x77: {  	_ =	shalt  }
0x78: {  	_ =	shalt  }
0x79: {  	_ =	shalt  }
0x7a: {  	_ =	shalt  }
0x7b: {  	_ =	shalt  }
0x7c: {  	_ =	shalt  }
0x7d: {  	_ =	shalt  }
0x7e: {  	_ =	shalt  }
0x7f: {  	_ =	shalt  }
0x80: {  	_ =	shalt  }
0x81: {  	_ =	shalt  }
0x82: {  	_ =	shalt  }
0x83: {  	_ =	shalt  }
0x84: {  	_ =	shalt  }
0x85: {  	_ =	shalt  }
0x86: {  	_ =	shalt  }
0x87: {  	_ =	shalt  }
.Lfunc_end0:
.L_simem_size_0:
called_computation.1_lowered:
.L_overlay_start_0:
0x88: {  	s2 =	sld [smem:$0x3FD9]  }
0x89: {  	s3 =	sld [smem:$0x3FFE];
	_ =	sdelay $0x1  }
0x8a: {  	s1 =	srdreg.scid  }
0x8b: {  	s0 =	sand.u32 $0x1, s1  }
0x8c: {  	s17 =	sshll.u32 s0, $0xA;
	s2 =	sadd.s32 s3, s2  }
0x8d: {  	s2 =	sadd.s32 s2, s17  }
0x8e: {  	[smem:$0x3FB0] =	sst s2  }
0x8f: {  	_ = 	snop  }
0x90: {  	s2 =	sld [smem:$0x3FC9];
	(tm) =	ssettm $0x1  }
0x91: {  	s18 =	sld [smem:$0x3FFB];
	_ =	sdelay $0x3  }
0x92: {  	_ =	strace s18  }
0x93: {  	s3 =	sld [smem:$0x3FFC];
	_ =	sdelay $0x3  }
0x94: {  	_ =	strace s3  }
0x95: {  	s3 =	sld [smem:$0x3FFD];
	_ =	sdelay $0x3  }
0x96: {  	_ =	strace s3  }
0x97: {  	_ =	strace $0x8FFFFFFF  }
0x98: {  	s19 =	sld [smem:$0x3FDB];
	_ =	sdelay $0x1  }
0x99: {  	s4 =	simm.s32 $_scs_section_size  }
0x9a: {  	s5 =	simm.s32 $_size__tile_overlayer_lowered;
	s6 =	simm.s32 $_tile_overlayer_lowered  }
0x9b: {  	s22 =	simm.s32 $0x1BFF;
	s21 =	sshll.u32 s6, $0x1;
	s3 =	sadd.s32 s4, s19  }
0x9c: {  	s7 =	simm.s32 $0x0;
	s20 =	sshll.u32 s5, $0x1;
	s5 =	sadd.s32 s21, s3  }
0x9d: {  	[timem:s7], [sflag:s22] =	dma.local [hbm:s5], s20  }
0x9e: {  	_ =	swait.ge [sflag:s22], s20  }
0x9f: {  	s4 =	ssub.s32 $0x0, s20;
	[sflag:s22] =	ssyncset.done $0x0  }
0xa0: {  	[sflag:s22] =	ssyncadd.s32 s4;
	_ =	sdelay $0x1  }
0xa1: {  	s23 =	simm.s32 $0x1B8B  }
0xa2: {  	_ =	swait.ge [sflag:s23], $0x1  }
0xa3: {  	[sflag:s23] =	ssyncset.done $0x0  }
0xa4: {  	s25 =	simm.s32 $0x1B8E;
	s24 =	sld [smem:$0x3FFE];
	[sflag:s23] =	ssyncadd.s32 $0xFFFFFFFF  }
0xa5: {  	s26 =	simm.s32 $execute0_lowered;
	[smem:$0x3FD2] =	sst s25  }
0xa6: {  	s5 =	sshll.u32 s26, $0x1;
	_ =	strace $0x80000046;
	[dreg:$0x1] =	wrdreg $0xFFFFFFFF  }
0xa7: {  	s28 =	simm.s32 $_size_execute0_lowered;
	s3 =	sadd.s32 s3, s5;
	[dreg:$0x0] =	wrdreg $0x0  }
0xa8: {  	s5 =	sshll.u32 s28, $0x1;
	[dreg:$0x2] =	wrdreg s3  }
0xa9: {  	[dreg:$0x3] =	wrdreg s5  }
0xaa: {  	[dreg:$0x4] =	wrdreg $0xC0  }
0xab: {  	_ =	task [dreg:s7], $0x5FFFF  }
0xac: {  	[dreg:$0x1] =	wrdreg $0xFFFFFFFF  }
0xad: {  	[dreg:$0x0] =	wrdreg $0x60  }
0xae: {  	[dreg:$0x2] =	wrdreg s2  }
0xaf: {  	[dreg:$0x3] =	wrdreg s24  }
0xb0: {  	[dreg:$0x4] =	wrdreg $0x9C000  }
0xb1: {  	[dreg:$0x5] =	wrdreg $0xA  }
0xb2: {  	_ =	task.clear_ibuf [dreg:s7], $0x6FFFF;
	_ =	strace $0x90000046  }
0xb3: {  	s29 =	simm.s32 $0xA;
	_ =	strace $0x80000048  }
0xb4: {  	_ =	swait.ge [sflag:s29], $0x1  }
0xb5: {  	[sflag:s29] =	ssyncadd.s32 $0xFFFFFFFF  }
0xb6: {  	_ =	strace $0x90000048  }
0xb7: {  	_ =	sfence  }
0xb8: {  	s30 =	sld [smem:$0x0];
	_ =	sdelay $0x2  }
0xb9: {  	s31 =	sshll.u32 s1, $0xD;
	s1 =	sshrl.u32 s1, $0x2  }
0xba: {  	s3 =	sand.u32 $0x4000, s31;
	s1 =	sadd.s32 s1, s30  }
0xbb: {  	s0 =	sor.u32 s3, s0;
	s1 =	sshll.u32 s1, $0x11  }
0xbc: {  	s0 =	sor.u32 s1, s0  }
0xbd: {  	s0 =	sadd.s32 $0x8F2B, s0  }
0xbe: {  	[sflag:s0] =	ssyncadd.remote.s32 $0x1  }
0xbf: {  	_ =	sfence.sel $0xFFFF  }
0xc0: {  	[dreg:$0x0] =	wrdreg $0xFFFFFFFF;
	(pc) =	sbr.abs _section_cstart, $3  }
0xc1: {  	[dreg:$0x1] =	wrdreg $0xFFFFFFFF  }
0xc2: {  	_ =	task.clear_ibuf [dreg:s7], $0x2FFFF;
	_ =	strace $0x9FFFFFFF  }
0xc3: {  	(tm) =	ssettm $0x7FFFFFFF  }
tec
execute0_lowered:
.L_overlay_start_1:
0x0: {  	(tag) =	ssettag $0x1  }
0x1: {  	s1 =	rddreg [dreg:$0x0]  }
0x2: {  	s0 =	rddreg [dreg:$0x1]  }
0x3: {  	s2 =	rddreg [dreg:$0x2];
	s3 =	simm.s32 $0x0;
	s5 =	srdreg.scid  }
0x4: {  	s14 =	stileid.u32;
	[smem:$0x7FF] =	sst s3  }
0x5: {  	s4 =	sadd.s32 $0xEC00, s0;
	s6 =	sadd.s32 $0x4E00, s0;
	s8 =	smul.u32 $0x5000, s14  }
0x6: {  	s7 =	sand.u32 $0x1, s5;
	s19 =	sshll.u32 s14, $0x1;
	s13 =	smul.u32 $0x13A, s14  }
0x7: {  	s0 =	sadd.s32 $0x18A00, s0;
	p0 =	sgt.u32 s14, $0x9;
	s24 =	smul.u32 $0x138800, s7  }
0x8: {  	s9 =	ssub.s32 $0x2, s7;
	s10 =	sor.u32 s7, s19;
	s7 =	smul.u32 $0x9D, s7  }
0x9: {  	_ =	strace $0x80000047;
	s20 =	sshrl.u32 s9, $0x1;
	s11 =	smul.u32 $0x2740, s10  }
0xa: {  	s8 =	sshrl.u32 s8, $0x2;
	s21 =	smul.u32 $0x4E8, s10;
	s9 =	ssub.s32 s9, s20  }
0xb: {  	s5 =	sadd.s32 s8, s2;
	s7 =	sadd.s32 s7, s13;
	s13 =	simm.s32 $0x0  }
0xc: {  	s22 =	sadd.s32 $0x12C000, s5;
	s23 =	sshrl.u32 s11, $0x3;
	s11 =	smul.u32 $0x1400, s14  }
0xd: {  	s12 =	sadd.s32 s4, s21;
	s8 =	sadd.s32 s6, s21;
	[dreg:$0x4] =	wrdreg s22  }
0xe: {  	s17 =	smax.u32 s9, $0x1;
	s18 =	sadd.s32 $0x14000, s5;
	[dreg:$0x5] =	wrdreg s12  }
0xf: {  	s19 =	sadd.s32 $0x28000, s5;
	s20 =	sadd.s32 $0x3C000, s5;
	[dreg:$0x6] =	wrdreg s8  }
0x10: {  	s21 =	sadd.s32 $0x50000, s5;
	s7 =	sshll.u32 s7, $0x3;
	[dreg:$0xb] =	wrdreg s17  }
0x11: {  	s28 =	sadd.s32 $0xDC000, s5;
	s29 =	sadd.s32 $0xF0000, s5;
	[dreg:$0xc] =	wrdreg s18  }
0x12: {  	s30 =	sadd.s32 $0x104000, s5;
	s31 =	sadd.s32 $0x118000, s5;
	[dreg:$0xd] =	wrdreg s19  }
0x13: {  	s9 =	simm.s32 $0xA;
	s10 =	sadd.s32 $0x8, s23;
	[dreg:$0xe] =	wrdreg s20  }
0x14: {  	[dreg:$0xf] =	wrdreg s21;
	s22 =	sadd.s32 $0x64000, s5;
	s23 =	sadd.s32 $0x78000, s5  }
0x15: {  	s7 =	sadd.s32 $0x10, s7;
	s12 =	simm.s32 $0x9;
	[dreg:$0x10] =	wrdreg s22  }
0x16: {  	s25 =	sadd.s32 s4, s10;
	s26 =	sadd.s32 $0x12C000, s11;
	[dreg:$0x11] =	wrdreg s23  }
0x17: {  	s10 =	sadd.s32 s6, s10;
	s4 =	sadd.s32 s7, s4;
	[dreg:$0x7] =	wrdreg s25  }
0x18: {  	s23 =	sadd.s32 $0xA0000, s5;
	[dreg:$0x8] =	wrdreg s10;
	s15 =	sadd.s32 s24, s26  }
0x19: {  	s8 =	sadd.s32 s26, s2;
	s24 =	sadd.s32 s11, s24;
	s25 =	sadd.s32 $0x8C000, s5  }
0x1a: {  	[dreg:$0x13] =	wrdreg s4;
	s4 =	simm.s32 $0xD;
	s10 =	simm.s32 $0xB  }
0x1b: {  	s11 =	simm.s32 $0xC;
	[dreg:$0x9] =	wrdreg s8;
	s16 =	sshrl.u32 s15, $0x3  }
0x1c: {  	[dreg:$0x12] =	wrdreg s25;
	s26 =	sshrl.u32 s24, $0x3;
	s25 =	sadd.s32 $0xB4000, s5  }
0x1d: {  	s8 =	sadd.s32 s0, s16;
	s16 =	sadd.s32 s7, s6;
	s24 =	sadd.s32 s26, s0  }
0x1e: {  	s26 =	sadd.s32 $0xC8000, s5;
	s0 =	simm.s32 $0x8800;
	s6 =	simm.s32 $0x40  }
0x1f: {  	v0 =	vimm.f32 $0.0e+00;
	s7 =	simm.s32 $0x8;
	[dreg:$0xa] =	wrdreg s8;
	s8 =	simm.s32 $0x5  }
.LBB2_1:
0x20: {  	s14 =	sand.u32 $0x7E00, s3  }
0x21: {  	s15 =	sand.u32 $0x70, s3;
	s18 =	sshrl.u32 s14, $0x2  }
0x22: {  	s14 =	simm.s32 $0x40;
	s18 =	sor.u32 s15, s18;
	s15 =	simm.s32 $0x0  }
.LBB2_2:
0x23: {  	p1 =	sne.s32 s14, $0x4FC0  }
0x24: {  	[tilespmem:s18+$0x8800] =	vst v0;
	s15 =	sadd.s32 $0x10, s15;
	s18 =	smov.u32 s14;
	s14 =	sadd.s32 $0x40, s14  }
.Ltmp0:
0x25: {  	(pc) =	sbr.rel @p1 .LBB2_2-.Ltmp0, $4  }
0x26: {  	_ = 	snop  }
0x27: {  	s18 =	sand.u32 $0x7E00, s18  }
0x28: {  	s21 =	sand.u32 $0x70, s15;
	s18 =	sshrl.u32 s18, $0x2  }
0x29: {  	s18 =	sor.u32 s21, s18  }
0x2a: {  	[tilespmem:s18+$0x8800] =	vst v0  }
0x2b: {  	[spmem:s5] =	stream.linear.scatter [tilespmem:s0], [sflag:$0xD], $0x1400, $0x38;
	[tilespmem:$0x1D680] =	vst v63  }
0x2c: {  	_ =	swait.ge [sflag:s4], $0x1400  }
0x2d: {  	[sflag:s4] =	ssyncset.done $0x0  }
0x2e: {  	s14 =	rddreg [dreg:$0xc];
	[sflag:s4] =	ssyncadd.s32 $0xFFFFEC00  }
0x2f: {  	[spmem:s14] =	stream.linear.scatter [tilespmem:s0], [sflag:$0xD], $0x1400, $0x38;
	[tilespmem:$0x1D680] =	vst v63  }
0x30: {  	_ =	swait.ge [sflag:s4], $0x1400  }
0x31: {  	[sflag:s4] =	ssyncset.done $0x0  }
0x32: {  	s18 =	rddreg [dreg:$0xd];
	[sflag:s4] =	ssyncadd.s32 $0xFFFFEC00  }
0x33: {  	[spmem:s18] =	stream.linear.scatter [tilespmem:s0], [sflag:$0xD], $0x1400, $0x38;
	[tilespmem:$0x1D680] =	vst v63  }
0x34: {  	_ =	swait.ge [sflag:s4], $0x1400  }
0x35: {  	[sflag:s4] =	ssyncset.done $0x0  }
0x36: {  	s19 =	rddreg [dreg:$0xe];
	[sflag:s4] =	ssyncadd.s32 $0xFFFFEC00  }
0x37: {  	[spmem:s19] =	stream.linear.scatter [tilespmem:s0], [sflag:$0xD], $0x1400, $0x38;
	[tilespmem:$0x1D680] =	vst v63  }
0x38: {  	_ =	swait.ge [sflag:s4], $0x1400  }
0x39: {  	[sflag:s4] =	ssyncset.done $0x0  }
0x3a: {  	s20 =	rddreg [dreg:$0xf];
	[sflag:s4] =	ssyncadd.s32 $0xFFFFEC00  }
0x3b: {  	[spmem:s20] =	stream.linear.scatter [tilespmem:s0], [sflag:$0xD], $0x1400, $0x38;
	[tilespmem:$0x1D680] =	vst v63  }
0x3c: {  	_ =	swait.ge [sflag:s4], $0x1400  }
0x3d: {  	[sflag:s4] =	ssyncset.done $0x0  }
0x3e: {  	s21 =	rddreg [dreg:$0x10];
	[sflag:s4] =	ssyncadd.s32 $0xFFFFEC00  }
0x3f: {  	[spmem:s21] =	stream.linear.scatter [tilespmem:s0], [sflag:$0xD], $0x1400, $0x38;
	[tilespmem:$0x1D680] =	vst v63  }
0x40: {  	_ =	swait.ge [sflag:s4], $0x1400  }
0x41: {  	[sflag:s4] =	ssyncset.done $0x0  }
0x42: {  	s22 =	rddreg [dreg:$0x11];
	[sflag:s4] =	ssyncadd.s32 $0xFFFFEC00  }
0x43: {  	[spmem:s22] =	stream.linear.scatter [tilespmem:s0], [sflag:$0xD], $0x1400, $0x38;
	[tilespmem:$0x1D680] =	vst v63  }
0x44: {  	_ =	swait.ge [sflag:s4], $0x1400  }
0x45: {  	[sflag:s4] =	ssyncset.done $0x0  }
0x46: {  	s15 =	rddreg [dreg:$0x12];
	[sflag:s4] =	ssyncadd.s32 $0xFFFFEC00  }
0x47: {  	[spmem:s15] =	stream.linear.scatter [tilespmem:s0], [sflag:$0xD], $0x1400, $0x38;
	[tilespmem:$0x1D680] =	vst v63  }
0x48: {  	_ =	swait.ge [sflag:s4], $0x1400  }
0x49: {  	[sflag:s4] =	ssyncset.done $0x0  }
0x4a: {  	[sflag:s4] =	ssyncadd.s32 $0xFFFFEC00  }
0x4b: {  	[spmem:s23] =	stream.linear.scatter [tilespmem:s0], [sflag:$0xD], $0x1400, $0x38;
	[tilespmem:$0x1D680] =	vst v63  }
0x4c: {  	_ =	swait.ge [sflag:s4], $0x1400  }
0x4d: {  	[sflag:s4] =	ssyncset.done $0x0  }
0x4e: {  	[sflag:s4] =	ssyncadd.s32 $0xFFFFEC00  }
0x4f: {  	[spmem:s25] =	stream.linear.scatter [tilespmem:s0], [sflag:$0xD], $0x1400, $0x38;
	[tilespmem:$0x1D680] =	vst v63  }
0x50: {  	_ =	swait.ge [sflag:s4], $0x1400  }
0x51: {  	[sflag:s4] =	ssyncset.done $0x0  }
0x52: {  	[sflag:s4] =	ssyncadd.s32 $0xFFFFEC00  }
0x53: {  	[spmem:s26] =	stream.linear.scatter [tilespmem:s0], [sflag:$0xD], $0x1400, $0x38;
	[tilespmem:$0x1D680] =	vst v63  }
0x54: {  	_ =	swait.ge [sflag:s4], $0x1400  }
0x55: {  	[sflag:s4] =	ssyncset.done $0x0  }
0x56: {  	[sflag:s4] =	ssyncadd.s32 $0xFFFFEC00  }
0x57: {  	[spmem:s28] =	stream.linear.scatter [tilespmem:s0], [sflag:$0xD], $0x1400, $0x38;
	[tilespmem:$0x1D680] =	vst v63  }
0x58: {  	_ =	swait.ge [sflag:s4], $0x1400  }
0x59: {  	[sflag:s4] =	ssyncset.done $0x0  }
0x5a: {  	[sflag:s4] =	ssyncadd.s32 $0xFFFFEC00  }
0x5b: {  	[spmem:s29] =	stream.linear.scatter [tilespmem:s0], [sflag:$0xD], $0x1400, $0x38;
	[tilespmem:$0x1D680] =	vst v63  }
0x5c: {  	_ =	swait.ge [sflag:s4], $0x1400  }
0x5d: {  	[sflag:s4] =	ssyncset.done $0x0  }
0x5e: {  	[sflag:s4] =	ssyncadd.s32 $0xFFFFEC00  }
0x5f: {  	[spmem:s30] =	stream.linear.scatter [tilespmem:s0], [sflag:$0xD], $0x1400, $0x38;
	[tilespmem:$0x1D680] =	vst v63  }
0x60: {  	_ =	swait.ge [sflag:s4], $0x1400  }
0x61: {  	[sflag:s4] =	ssyncset.done $0x0  }
0x62: {  	[sflag:s4] =	ssyncadd.s32 $0xFFFFEC00  }
0x63: {  	[spmem:s31] =	stream.linear.scatter [tilespmem:s0], [sflag:$0xD], $0x1400, $0x38;
	[tilespmem:$0x1D680] =	vst v63  }
0x64: {  	_ =	swait.ge [sflag:s4], $0x1400  }
0x65: {  	[sflag:s4] =	ssyncset.done $0x0  }
0x66: {  	s14 =	simm.s32 @!p0 $0x8800;
	s15 =	rddreg [dreg:$0x4];
	[sflag:s4] =	ssyncadd.s32 $0xFFFFEC00  }
0x67: {  	[spmem:s15] =	stream.linear.scatter @!p0 [tilespmem:s14], [sflag:$0xD], $0x1400, $0x38;
	[tilespmem:$0x1D680] =	vst v63  }
0x68: {  	s14 =	simm.s32 @!p0 $0xD  }
0x69: {  	_ =	swait.ge @!p0 [sflag:s14], $0x1400  }
0x6a: {  	[sflag:s14] =	ssyncset.done @!p0 $0x0  }
0x6b: {  	[sflag:s14] =	ssyncadd.s32 @!p0 $0xFFFFEC00  }
0x6c: {  	[bflag:$0x0] =	sbarrier.arrive $0xFFFF  }
0x6d: {  	s14 =	simm.s32 $0x0;
	s17 =	rddreg [dreg:$0x5]  }
0x6e: {  	[tilespmem:s14], [sflag:$0x1] =	stream.linear.gather [hbm4b:s17+s14], $0x40, $0x38;
	[tilespmem:$0x1D680] =	vst v63  }
0x6f: {  	s18 =	rddreg [dreg:$0x6];
	s17 =	simm.s32 $0x400  }
0x70: {  	[tilespmem:s17], [sflag:$0x1] =	stream.linear.gather [hbm4b:s18+s14], $0x40, $0x38;
	[tilespmem:$0x1D680] =	vst v63  }
0x71: {  	s20 =	simm.s32 $0x80;
	s19 =	rddreg [dreg:$0x7]  }
0x72: {  	[tilespmem:s20], [sflag:$0x2] =	stream.linear.gather [hbm4b:s19+s14], $0x40, $0x38;
	[tilespmem:$0x1D680] =	vst v63  }
0x73: {  	s22 =	simm.s32 $0x480;
	s21 =	rddreg [dreg:$0x8]  }
0x74: {  	[tilespmem:s22], [sflag:$0x2] =	stream.linear.gather [hbm4b:s21+s14], $0x40, $0x38;
	[tilespmem:$0x1D680] =	vst v63  }
0x75: {  	s15 =	simm.s32 $0xFFFFFF00;
	s22 =	smov.u32 s16;
	s21 =	rddreg [dreg:$0x13]  }
.LBB2_4:
0x76: {  	p1 =	sgt.u32 s14, $0x9A  }
0x77: {  	s18 =	sadd.s32 @!p1 $0x2, s14  }
0x78: {  	s19 =	sadd.s32 @!p1 $0x200, s15;
	s18 =	sand.u32 @!p1 $0x3, s18  }
0x79: {  	s20 =	simm.s32 @!p1 $0x0;
	s19 =	sand.u32 @!p1 $0x380, s19;
	s18 =	sadd.s32 @!p1 $0x1, s18  }
0x7a: {  	[tilespmem:s19], [sflag:s18] =	stream.linear.gather @!p1 [hbm4b:s21+s20], $0x40, $0x38;
	[tilespmem:$0x1D680] =	vst v63  }
0x7b: {  	p2 =	slt.u32 @!p1 s14, $0x4;
	s19 =	sor.u32 @!p1 $0x400, s19  }
0x7c: {  	[tilespmem:s19], [sflag:s18] =	stream.linear.gather @!p1 [hbm4b:s22+s20], $0x40, $0x38;
	[tilespmem:$0x1D680] =	vst v63  }
0x7d: {  	p1 =	por p1, !p2;
	s18 =	smov.u32 s14  }
0x7e: {  	s18 =	sand.u32 @p1 $0x3, s14  }
0x7f: {  	s19 =	sadd.s32 @p1 $0x9, s18  }
0x80: {  	_ =	swait.ge @p1 [sflag:s19], $0x2000  }
0x81: {  	[sflag:s19] =	ssyncset.done @p1 $0x0  }
0x82: {  	s20 =	sadd.s32 $0x1, s18;
	[sflag:s19] =	ssyncadd.s32 @p1 $0xFFFFE000  }
0x83: {  	_ =	swait.ge [sflag:s20], $0x40  }
0x84: {  	[sflag:s20] =	ssyncset.done $0x0  }
0x85: {  	[sflag:s20] =	ssyncadd.s32 $0xFFFFFFC0  }
0x86: {  	_ =	swait.ge [sflag:s20], $0x40  }
0x87: {  	s17 =	sshll.u32 s18, $0xD;
	s18 =	sadd.s32 $0x5, s18;
	[sflag:s20] =	ssyncset.done $0x0  }
0x88: {  	[sflag:s20] =	ssyncadd.s32 $0xFFFFFFC0;
	s20 =	sand.u32 $0x3FFFE000, s17;
	s17 =	sadd.s32 $0x100, s15  }
0x89: {  	p1 =	slt.u32 s14, $0x2;
	s19 =	sor.u32 $0x800, s20;
	s20 =	sand.u32 $0x380, s17  }
0x8a: {  	[tilespmem:s19], [sflag:s18] =	stream.indirect.gather [hbm4b:s1+s6], $0x80, s20, s6, $0xb8;
	[tilespmem:$0x1D680] =	vst v63  }
0x8b: {  	s18 =	sadd.s32 @!p1 $0xFFFFFFFE, s14  }
0x8c: {  	s18 =	sand.u32 @!p1 $0x3, s18  }
0x8d: {  	s19 =	sadd.s32 @!p1 $0x5, s18  }
0x8e: {  	_ =	swait.ge @!p1 [sflag:s19], $0x2000  }
0x8f: {  	s17 =	simm.s32 @!p1 $0x40;
	s14 =	sadd.s32 $0x1, s14;
	[sflag:s19] =	ssyncset.done @!p1 $0x0  }
0x90: {  	s20 =	sshll.u32 @!p1 s18, $0xD;
	[sflag:s19] =	ssyncadd.s32 @!p1 $0xFFFFE000;
	s19 =	sand.u32 @!p1 $0x380, s15  }
0x91: {  	s18 =	sadd.s32 @!p1 $0x9, s18;
	s20 =	sor.u32 @!p1 $0x800, s20;
	s19 =	sor.u32 @!p1 $0x400, s19  }
0x92: {  	[spmem:s2] =	stream.indirect.scatter.add.f32 @!p1 [tilespmem:s20], [sflag:s18], $0x80, s19, s17, $0xb8;
	[tilespmem:$0x1D680] =	vst v63  }
0x93: {  	p1 =	sne.s32 s14, $0x9D  }
.Ltmp1:
0x94: {  	_ = 	snop;
	(pc) =	sbr.rel @p1 .LBB2_4-.Ltmp1, $2  }
0x95: {  	_ =	sdelay $0x2  }
0x96: {  	s21 =	sadd.s32 $0x8, s21;
	s22 =	sadd.s32 $0x8, s22;
	s15 =	sadd.s32 $0x80, s15  }
0x97: {  	_ =	swait.ge [sflag:s7], $0x2000  }
0x98: {  	[sflag:s7] =	ssyncset.done $0x0  }
0x99: {  	s14 =	simm.s32 $0x580;
	s15 =	simm.s32 $0x6800;
	[sflag:s7] =	ssyncadd.s32 $0xFFFFE000  }
0x9a: {  	[spmem:s2] =	stream.indirect.scatter.add.f32 [tilespmem:s15], [sflag:$0xC], $0x80, s14, s6, $0xb8;
	[tilespmem:$0x1D680] =	vst v63  }
0x9b: {  	_ =	swait.ge [sflag:s8], $0x2000  }
0x9c: {  	[sflag:s8] =	ssyncset.done $0x0  }
0x9d: {  	s20 =	simm.s32 $0x600;
	s21 =	simm.s32 $0x800;
	[sflag:s8] =	ssyncadd.s32 $0xFFFFE000  }
0x9e: {  	[spmem:s2] =	stream.indirect.scatter.add.f32 [tilespmem:s21], [sflag:$0x9], $0x80, s20, s6, $0xb8;
	[tilespmem:$0x1D680] =	vst v63  }
0x9f: {  	_ =	swait.ge [sflag:s9], $0x2000  }
0xa0: {  	[sflag:s9] =	ssyncset.done $0x0  }
0xa1: {  	[sflag:s9] =	ssyncadd.s32 $0xFFFFE000  }
0xa2: {  	_ =	swait.ge [sflag:s10], $0x2000  }
0xa3: {  	[sflag:s10] =	ssyncset.done $0x0  }
0xa4: {  	[sflag:s10] =	ssyncadd.s32 $0xFFFFE000  }
0xa5: {  	_ =	swait.ge [sflag:s11], $0x2000  }
0xa6: {  	[sflag:s11] =	ssyncset.done $0x0  }
0xa7: {  	[sflag:s11] =	ssyncadd.s32 $0xFFFFE000  }
0xa8: {  	_ =	swait.ge [sflag:s12], $0x2000  }
0xa9: {  	[sflag:s12] =	ssyncset.done $0x0  }
0xaa: {  	[sflag:s12] =	ssyncadd.s32 $0xFFFFE000  }
0xab: {  	[bflag:$0x0] =	sbarrier.arrive $0xFFFF  }
0xac: {  	[tilespmem:s0], [sflag:$0xD] =	stream.linear.gather [spmem:s5], $0x1400, $0x38;
	[tilespmem:$0x1D680] =	vst v63  }
0xad: {  	_ =	swait.ge [sflag:s4], $0x1400  }
0xae: {  	[sflag:s4] =	ssyncset.done $0x0  }
0xaf: {  	s22 =	sadd.s32 $0x0, s24;
	[sflag:s4] =	ssyncadd.s32 $0xFFFFEC00  }
0xb0: {  	[hbm4b:s22+s3] =	stream.linear.scatter [tilespmem:s0], [sflag:$0xD], $0x1400, $0x38;
	[tilespmem:$0x1D680] =	vst v63  }
0xb1: {  	_ =	swait.ge [sflag:s4], $0x1400  }
0xb2: {  	s14 =	simm.s32 $0x2800;
	s15 =	smov.u32 s5;
	[sflag:s4] =	ssyncset.done $0x0  }
.LBB2_6:
0xb3: {  	p1 =	sne.s32 s14, $0x23000;
	[sflag:s4] =	ssyncadd.s32 $0xFFFFEC00;
	s15 =	sadd.s32 $0x14000, s15  }
0xb4: {  	[tilespmem:s0], [sflag:$0xD] =	stream.linear.gather [spmem:s15], $0x1400, $0x38;
	[tilespmem:$0x1D680] =	vst v63  }
0xb5: {  	s17 =	smov.u32 s14;
	s14 =	sadd.s32 $0x2800, s14;
	_ =	swait.ge [sflag:s4], $0x1400  }
.Ltmp2:
0xb6: {  	[sflag:s4] =	ssyncset.done $0x0;
	(pc) =	sbr.rel @p1 .LBB2_6-.Ltmp2, $4  }
0xb7: {  	s17 =	sadd.s32 s17, s24;
	[sflag:s4] =	ssyncadd.s32 $0xFFFFEC00  }
0xb8: {  	[hbm4b:s17+s3] =	stream.linear.scatter [tilespmem:s0], [sflag:$0xD], $0x1400, $0x38;
	[tilespmem:$0x1D680] =	vst v63  }
0xb9: {  	_ =	swait.ge [sflag:s4], $0x1400  }
0xba: {  	[sflag:s4] =	ssyncset.done $0x0  }
0xbb: {  	[sflag:s4] =	ssyncadd.s32 $0xFFFFEC00;
	s14 =	simm.s32 @!p0 $0x8800;
	s15 =	rddreg [dreg:$0x9]  }
0xbc: {  	[tilespmem:s14], [sflag:$0xD] =	stream.linear.gather @!p0 [spmem:s15], $0x1400, $0x38;
	[tilespmem:$0x1D680] =	vst v63  }
0xbd: {  	s15 =	simm.s32 @!p0 $0xD  }
0xbe: {  	_ =	swait.ge @!p0 [sflag:s15], $0x1400  }
0xbf: {  	[sflag:s15] =	ssyncset.done @!p0 $0x0  }
0xc0: {  	s17 =	simm.s32 @!p0 $0x0;
	s18 =	rddreg [dreg:$0xa];
	[sflag:s15] =	ssyncadd.s32 @!p0 $0xFFFFEC00  }
0xc1: {  	[hbm4b:s18+s17] =	stream.linear.scatter @!p0 [tilespmem:s14], [sflag:$0xD], $0x1400, $0x38;
	[tilespmem:$0x1D680] =	vst v63  }
0xc2: {  	_ =	swait.ge @!p0 [sflag:s15], $0x1400  }
0xc3: {  	s13 =	sadd.s32 $0x1, s13;
	s22 =	rddreg [dreg:$0xb]  }
0xc4: {  	p1 =	sne.s32 s13, s22  }
.Ltmp3:
0xc5: {  	_ = 	snop;
	(pc) =	sbr.rel @p1 .LBB2_1-.Ltmp3, $3  }
0xc6: {  	_ =	sdelay $0x1  }
0xc7: {  	[sflag:s15] =	ssyncset.done @!p0 $0x0  }
0xc8: {  	[sflag:s15] =	ssyncadd.s32 @!p0 $0xFFFFEC00  }
0xc9: {  	_ =	sfence.sel $0x180000  }
0xca: {  	[bflag:$0x0] =	sbarrier.arrive $0xFFFF  }
0xcb: {  	_ =	strace $0x90000047  }
0xcc: {  	s0 =	stileid.u32;
	[bflag:$0x2] =	sbarrier.arrive $0xFFFF  }
0xcd: {  	p0 =	sne.s32 s0, $0x0;
	s0 =	rddreg [dreg:$0x3]  }
0xce: {  	s0 =	sadd.s32 @!p0 $0x100000, s0  }
0xcf: {  	[sflag:s0] =	ssyncadd.tile.s32 @!p0 $0x1;
	_ =	shalt  }
.Lfunc_end2:
_tile_overlayer_lowered:
.L_overlay_start_2:
0xd0: {  	(tag) =	ssettag $0x2  }
0xd1: {  	s0 =	rddreg [dreg:$0x0];
	s2 =	stileid.u32  }
0xd2: {  	s1 =	rddreg [dreg:$0x1];
	p0 =	sne.s32 s2, $0x0  }
0xd3: {  	s3 =	rddreg [dreg:$0x2];
	[bflag:$0x3] =	sbarrier.arrive $0xFFFF;
	s2 =	simm.s32 @!p0 $0x1C0D  }
0xd4: {  	[timem:s3], [sflag:s2] =	dma.local @!p0 [hbm:s0], s1  }
0xd5: {  	s0 =	simm.s32 @!p0 $0xD  }
0xd6: {  	_ =	swait.ge @!p0 [sflag:s0], s1  }
0xd7: {  	s1 =	ssub.s32 @!p0 $0x0, s1;
	[sflag:s0] =	ssyncset.done @!p0 $0x0  }
0xd8: {  	[sflag:s0] =	ssyncadd.s32 @!p0 s1  }
0xd9: {  	[bflag:$0x3] =	sbarrier.arrive $0xFFFF  }
0xda: {  	_ =	shalt  }

// kernel: kernel.17.cloned.1.call-start
scs
__scs_entry_jumppad:
0x0: {  	(pc) =	sbr.rel $0x88, $3  }
0x1: {  	(tag) =	ssettag $0x0;
	lr =	simm.s32 $0x1  }
0x2: {  	[smem:$0x3F89] =	sst lr;
	_ =	strace $0xD0000000  }
0x3: {  	_ = 	snop  }
0x4: {  	_ = 	snop  }
0x5: {  	_ = 	snop  }
0x6: {  	_ = 	snop  }
0x7: {  	_ = 	snop  }
__scs_overlays_trampoline_lowered:
0x8: {  	[smem:$0x3F98] =	sst s0  }
0x9: {  	[smem:$0x3F99] =	sst s1  }
0xa: {  	[smem:$0x3F9A] =	sst s2  }
0xb: {  	[smem:$0x3F9B] =	sst s3  }
0xc: {  	[smem:$0x3F9C] =	sst s4  }
0xd: {  	[smem:$0x3F9D] =	sst s5  }
0xe: {  	[smem:$0x3F9E] =	sst s6  }
0xf: {  	[smem:$0x3F9F] =	sst s7  }
0x10: {  	[smem:$0x3FA0] =	sst s8  }
0x11: {  	[smem:$0x3FA1] =	sst s9;
	s0 =	simm.s32 @!p0 $0x0  }
0x12: {  	s1 =	sld [smem:$0x3F87];
	s0 =	simm.s32 @p0 $0x1  }
0x13: {  	[smem:$0x3FA2] =	sst s0;
	s0 =	simm.s32 @!p1 $0x0  }
0x14: {  	s2 =	sld [smem:$0x3F86];
	s0 =	simm.s32 @p1 $0x1  }
0x15: {  	[smem:$0x3FA3] =	sst s0;
	s0 =	simm.s32 @!p2 $0x0  }
0x16: {  	s3 =	sld [smem:$0x3FDB];
	s0 =	simm.s32 @p2 $0x1  }
0x17: {  	s4 =	simm.s32 $0x1BF5;
	[smem:$0x3FA5] =	sst s0  }
0x18: {  	s0 =	sld [smem:$0x3F88];
	_ =	swait.ge [sflag:s4], $0x0  }
0x19: {  	s7 =	sld [smem:$0x3F89]  }
0x1a: {  	s8 =	sadd.s32 $0xFFFFE003, lr  }
0x1b: {  	s9 =	sadd.s32 $0xFFFFFEF7, lr;
	s5 =	simm.s32 $0xFFFFFFFF;
	p2 =	slt.u32 s8, $0xFFFFF086  }
0x1c: {  	p1 =	slt.u32 s9, $0xF7A;
	s5 =	simm.s32 @!p2 $0x0  }
0x1d: {  	s5 =	simm.s32 @p1 $0x1;
	p0 =	seq.s32 s7, s2  }
0x1e: {  	s7 =	smul.u32 @!p0 $0xF7A, s2;
	p2 =	seq.s32 @!p0 s5, $0x0  }
0x1f: {  	s9 =	smul.u32 $0xF7A, s1;
	s8 =	simm.s32 @!p0 $0x1BF5;
	p2 =	por !p2, p0  }
0x20: {  	[sflag:s8] =	ssyncset.s32 @!p0 $0xFFFFF086;
	s6 =	sadd.s32 @!p0 s3, s7;
	s7 =	simm.s32 @!p0 $0x108  }
0x21: {  	s3 =	sadd.s32 s3, s9;
	s6 =	sadd.s32 @!p0 $0x88, s6;
	s7 =	simm.s32 @p2 $0x1082  }
0x22: {  	[simem:s7], [sflag:s8] =	dma.local @!p0 [hbm:s6], $0xF7A  }
0x23: {  	s9 =	sor.u32 $0xD0000000, s2;
	s6 =	simm.s32 $0x108;
	_ =	swait.ge @!p0 [sflag:s8], $0x0  }
0x24: {  	s3 =	sadd.s32 $0x88, s3;
	s6 =	simm.s32 @!p1 $0x1082;
	[sflag:s4] =	ssyncset.s32 $0xFFFFF086  }
0x25: {  	[simem:s6], [sflag:s4] =	dma.local [hbm:s3], $0xF7A  }
0x26: {  	[smem:$0x3F89] =	sst s1;
	(tag) =	ssettag s2;
	_ =	strace s9  }
0x27: {  	s1 =	sld [smem:$0x3F99]  }
0x28: {  	s2 =	sld [smem:$0x3F9A]  }
0x29: {  	s4 =	sld [smem:$0x3F9C]  }
0x2a: {  	p0 =	seq.s32 s5, $0x0;
	s5 =	sld [smem:$0x3F9D]  }
0x2b: {  	s6 =	sld [smem:$0x3F9E]  }
0x2c: {  	s7 =	sld [smem:$0x3F9F]  }
0x2d: {  	s3 =	simm.s32 $0x108;
	s8 =	sld [smem:$0x3FA0]  }
0x2e: {  	s3 =	simm.s32 @!p0 $0x1082;
	s9 =	sld [smem:$0x3FA1]  }
0x2f: {  	lr =	sadd.s32 s0, s3;
	s0 =	sld [smem:$0x3F98]  }
0x30: {  	s3 =	sld [smem:$0x3F9B]  }
0x31: {  	[smem:$0x3FA4] =	sst s10  }
0x32: {  	s10 =	sld [smem:$0x3FA2];
	_ =	sdelay $0x3  }
0x33: {  	p0 =	seq.s32 s10, $0x1;
	s10 =	sld [smem:$0x3FA4];
	_ =	sdelay $0x3  }
0x34: {  	[smem:$0x3FA4] =	sst s10  }
0x35: {  	s10 =	sld [smem:$0x3FA3];
	_ =	sdelay $0x3  }
0x36: {  	p1 =	seq.s32 s10, $0x1;
	s10 =	sld [smem:$0x3FA4];
	_ =	sdelay $0x3  }
0x37: {  	[smem:$0x3FA4] =	sst s10  }
0x38: {  	s10 =	sld [smem:$0x3FA5]  }
0x39: {  	_ = 	snop;
	(pc) =	sbr.ind lr, $3  }
0x3a: {  	_ = 	snop  }
0x3b: {  	_ = 	snop  }
0x3c: {  	p2 =	seq.s32 s10, $0x1;
	s10 =	sld [smem:$0x3FA4]  }
0x3d: {  	_ =	shalt  }
0x3e: {  	_ =	shalt  }
0x3f: {  	_ =	shalt  }
0x40: {  	_ =	shalt  }
0x41: {  	_ =	shalt  }
0x42: {  	_ =	shalt  }
0x43: {  	_ =	shalt  }
0x44: {  	_ =	shalt  }
0x45: {  	_ =	shalt  }
0x46: {  	_ =	shalt  }
0x47: {  	_ =	shalt  }
0x48: {  	_ =	shalt  }
0x49: {  	_ =	shalt  }
0x4a: {  	_ =	shalt  }
0x4b: {  	_ =	shalt  }
0x4c: {  	_ =	shalt  }
0x4d: {  	_ =	shalt  }
0x4e: {  	_ =	shalt  }
0x4f: {  	_ =	shalt  }
0x50: {  	_ =	shalt  }
0x51: {  	_ =	shalt  }
0x52: {  	_ =	shalt  }
0x53: {  	_ =	shalt  }
0x54: {  	_ =	shalt  }
0x55: {  	_ =	shalt  }
0x56: {  	_ =	shalt  }
0x57: {  	_ =	shalt  }
0x58: {  	_ =	shalt  }
0x59: {  	_ =	shalt  }
0x5a: {  	_ =	shalt  }
0x5b: {  	_ =	shalt  }
0x5c: {  	_ =	shalt  }
0x5d: {  	_ =	shalt  }
0x5e: {  	_ =	shalt  }
0x5f: {  	_ =	shalt  }
0x60: {  	_ =	shalt  }
0x61: {  	_ =	shalt  }
0x62: {  	_ =	shalt  }
0x63: {  	_ =	shalt  }
0x64: {  	_ =	shalt  }
0x65: {  	_ =	shalt  }
0x66: {  	_ =	shalt  }
0x67: {  	_ =	shalt  }
0x68: {  	_ =	shalt  }
0x69: {  	_ =	shalt  }
0x6a: {  	_ =	shalt  }
0x6b: {  	_ =	shalt  }
0x6c: {  	_ =	shalt  }
0x6d: {  	_ =	shalt  }
0x6e: {  	_ =	shalt  }
0x6f: {  	_ =	shalt  }
0x70: {  	_ =	shalt  }
0x71: {  	_ =	shalt  }
0x72: {  	_ =	shalt  }
0x73: {  	_ =	shalt  }
0x74: {  	_ =	shalt  }
0x75: {  	_ =	shalt  }
0x76: {  	_ =	shalt  }
0x77: {  	_ =	shalt  }
0x78: {  	_ =	shalt  }
0x79: {  	_ =	shalt  }
0x7a: {  	_ =	shalt  }
0x7b: {  	_ =	shalt  }
0x7c: {  	_ =	shalt  }
0x7d: {  	_ =	shalt  }
0x7e: {  	_ =	shalt  }
0x7f: {  	_ =	shalt  }
0x80: {  	_ =	shalt  }
0x81: {  	_ =	shalt  }
0x82: {  	_ =	shalt  }
0x83: {  	_ =	shalt  }
0x84: {  	_ =	shalt  }
0x85: {  	_ =	shalt  }
0x86: {  	_ =	shalt  }
0x87: {  	_ =	shalt  }
.Lfunc_end0:
.L_simem_size_0:
called_computation.2_lowered:
.L_overlay_start_0:
0x88: {  	s2 =	sld [smem:$0x3FD9]  }
0x89: {  	s3 =	sld [smem:$0x3FFE];
	_ =	sdelay $0x1  }
0x8a: {  	s1 =	srdreg.scid  }
0x8b: {  	s0 =	sand.u32 $0x1, s1  }
0x8c: {  	s16 =	sshll.u32 s0, $0xA;
	s2 =	sadd.s32 s3, s2  }
0x8d: {  	s2 =	sadd.s32 s2, s16  }
0x8e: {  	[smem:$0x3FB0] =	sst s2  }
0x8f: {  	_ = 	snop  }
0x90: {  	(tm) =	ssettm $0x1  }
0x91: {  	s17 =	sld [smem:$0x3FFB];
	_ =	sdelay $0x3  }
0x92: {  	_ =	strace s17  }
0x93: {  	s2 =	sld [smem:$0x3FFC];
	_ =	sdelay $0x3  }
0x94: {  	_ =	strace s2  }
0x95: {  	s2 =	sld [smem:$0x3FFD];
	_ =	sdelay $0x3  }
0x96: {  	_ =	strace s2  }
0x97: {  	_ =	strace $0x8FFFFFFF  }
0x98: {  	s18 =	sld [smem:$0x3FDB];
	_ =	sdelay $0x1  }
0x99: {  	s19 =	simm.s32 $_scs_section_size  }
0x9a: {  	s4 =	simm.s32 $_size__tile_overlayer_lowered;
	s5 =	simm.s32 $_tile_overlayer_lowered  }
0x9b: {  	s22 =	simm.s32 $0x1BFF;
	s21 =	sshll.u32 s5, $0x1;
	s2 =	sadd.s32 s19, s18  }
0x9c: {  	s6 =	simm.s32 $0x0;
	s20 =	sshll.u32 s4, $0x1;
	s4 =	sadd.s32 s21, s2  }
0x9d: {  	[timem:s6], [sflag:s22] =	dma.local [hbm:s4], s20  }
0x9e: {  	_ =	swait.ge [sflag:s22], s20  }
0x9f: {  	s3 =	ssub.s32 $0x0, s20;
	[sflag:s22] =	ssyncset.done $0x0  }
0xa0: {  	[sflag:s22] =	ssyncadd.s32 s3;
	_ =	sdelay $0x1  }
0xa1: {  	s23 =	simm.s32 $0x1B8B  }
0xa2: {  	_ =	swait.ge [sflag:s23], $0x1  }
0xa3: {  	[sflag:s23] =	ssyncset.done $0x0  }
0xa4: {  	s25 =	simm.s32 $0x1B8E;
	s24 =	sld [smem:$0x3FFE];
	[sflag:s23] =	ssyncadd.s32 $0xFFFFFFFF  }
0xa5: {  	s26 =	simm.s32 $execute0_lowered;
	[smem:$0x3FD2] =	sst s25  }
0xa6: {  	s4 =	sshll.u32 s26, $0x1;
	_ =	strace $0x8000004C;
	[dreg:$0x1] =	wrdreg $0xFFFFFFFF  }
0xa7: {  	s28 =	simm.s32 $_size_execute0_lowered;
	s2 =	sadd.s32 s2, s4;
	[dreg:$0x0] =	wrdreg $0x0  }
0xa8: {  	s4 =	sshll.u32 s28, $0x1;
	[dreg:$0x2] =	wrdreg s2  }
0xa9: {  	[dreg:$0x3] =	wrdreg s4  }
0xaa: {  	[dreg:$0x4] =	wrdreg $0xC0  }
0xab: {  	_ =	task [dreg:s6], $0x5FFFF  }
0xac: {  	[dreg:$0x1] =	wrdreg $0xFFFFFFFF  }
0xad: {  	[dreg:$0x0] =	wrdreg $0x60  }
0xae: {  	[dreg:$0x2] =	wrdreg s24  }
0xaf: {  	[dreg:$0x3] =	wrdreg $0x9C000  }
0xb0: {  	[dreg:$0x4] =	wrdreg $0x9  }
0xb1: {  	_ =	task.clear_ibuf [dreg:s6], $0x5FFFF;
	_ =	strace $0x9000004C  }
0xb2: {  	s29 =	simm.s32 $0x9;
	_ =	strace $0x8000004E  }
0xb3: {  	_ =	swait.ge [sflag:s29], $0x1  }
0xb4: {  	[sflag:s29] =	ssyncadd.s32 $0xFFFFFFFF  }
0xb5: {  	_ =	strace $0x9000004E  }
0xb6: {  	_ =	sfence  }
0xb7: {  	s30 =	sld [smem:$0x0];
	_ =	sdelay $0x2  }
0xb8: {  	s31 =	sshll.u32 s1, $0xD;
	s1 =	sshrl.u32 s1, $0x2  }
0xb9: {  	s3 =	sand.u32 $0x4000, s31;
	s1 =	sadd.s32 s1, s30  }
0xba: {  	s0 =	sor.u32 s3, s0;
	s1 =	sshll.u32 s1, $0x11  }
0xbb: {  	s0 =	sor.u32 s1, s0  }
0xbc: {  	s0 =	sadd.s32 $0x8F2B, s0  }
0xbd: {  	[sflag:s0] =	ssyncadd.remote.s32 $0x1  }
0xbe: {  	_ =	sfence.sel $0xFFFF  }
0xbf: {  	[dreg:$0x0] =	wrdreg $0xFFFFFFFF;
	(pc) =	sbr.abs _section_cstart, $3  }
0xc0: {  	[dreg:$0x1] =	wrdreg $0xFFFFFFFF  }
0xc1: {  	_ =	task.clear_ibuf [dreg:s6], $0x2FFFF;
	_ =	strace $0x9FFFFFFF  }
0xc2: {  	(tm) =	ssettm $0x7FFFFFFF  }
0xc3: {  	_ =	shalt  }
tec
execute0_lowered:
.L_overlay_start_1:
0x0: {  	(tag) =	ssettag $0x1  }
0x1: {  	s0 =	rddreg [dreg:$0x0]  }
0x2: {  	s1 =	rddreg [dreg:$0x1];
	s2 =	simm.s32 $0x0;
	s5 =	srdreg.scid  }
0x3: {  	s14 =	stileid.u32;
	[smem:$0x7FF] =	sst s2;
	s4 =	sadd.s32 $0x18A00, s0  }
0x4: {  	s3 =	sadd.s32 $0xEC00, s0;
	s6 =	sadd.s32 $0x4E00, s0;
	s8 =	smul.u32 $0x5000, s14  }
0x5: {  	s7 =	sand.u32 $0x1, s5;
	s19 =	sshll.u32 s14, $0x1;
	s13 =	smul.u32 $0x13A, s14  }
0x6: {  	s0 =	sadd.s32 $0x3FC00, s0;
	p0 =	sgt.u32 s14, $0x9;
	s24 =	smul.u32 $0x138800, s7  }
0x7: {  	s9 =	ssub.s32 $0x2, s7;
	s10 =	sor.u32 s7, s19;
	s7 =	smul.u32 $0x9D, s7  }
0x8: {  	_ =	strace $0x8000004D;
	s20 =	sshrl.u32 s9, $0x1;
	s11 =	smul.u32 $0x2740, s10  }
0x9: {  	s8 =	sshrl.u32 s8, $0x2;
	s21 =	smul.u32 $0x4E8, s10;
	s9 =	ssub.s32 s9, s20  }
0xa: {  	s5 =	sadd.s32 s8, s1;
	s7 =	sadd.s32 s7, s13;
	s13 =	simm.s32 $0x0  }
0xb: {  	s22 =	sadd.s32 $0x12C000, s5;
	s23 =	sshrl.u32 s11, $0x3;
	s11 =	smul.u32 $0x1400, s14  }
0xc: {  	s12 =	sadd.s32 s3, s21;
	s8 =	sadd.s32 s6, s21;
	[dreg:$0x3] =	wrdreg s22  }
0xd: {  	s17 =	smax.u32 s9, $0x1;
	s18 =	sadd.s32 $0x14000, s5;
	[dreg:$0x4] =	wrdreg s12  }
0xe: {  	s19 =	sadd.s32 $0x28000, s5;
	s20 =	sadd.s32 $0x3C000, s5;
	[dreg:$0x5] =	wrdreg s8  }
0xf: {  	s21 =	sadd.s32 $0x50000, s5;
	s7 =	sshll.u32 s7, $0x3;
	[dreg:$0xa] =	wrdreg s17  }
0x10: {  	s28 =	sadd.s32 $0xDC000, s5;
	s29 =	sadd.s32 $0xF0000, s5;
	[dreg:$0xb] =	wrdreg s18  }
0x11: {  	s30 =	sadd.s32 $0x104000, s5;
	s31 =	sadd.s32 $0x118000, s5;
	[dreg:$0xc] =	wrdreg s19  }
0x12: {  	s9 =	simm.s32 $0xA;
	s10 =	sadd.s32 $0x8, s23;
	[dreg:$0xd] =	wrdreg s20  }
0x13: {  	[dreg:$0xe] =	wrdreg s21;
	s22 =	sadd.s32 $0x64000, s5;
	s23 =	sadd.s32 $0x78000, s5  }
0x14: {  	s7 =	sadd.s32 $0x10, s7;
	s12 =	simm.s32 $0x9;
	[dreg:$0xf] =	wrdreg s22  }
0x15: {  	s25 =	sadd.s32 s3, s10;
	s26 =	sadd.s32 $0x12C000, s11;
	[dreg:$0x10] =	wrdreg s23  }
0x16: {  	s10 =	sadd.s32 s6, s10;
	s3 =	sadd.s32 s7, s3;
	[dreg:$0x6] =	wrdreg s25  }
0x17: {  	s23 =	sadd.s32 $0xA0000, s5;
	[dreg:$0x7] =	wrdreg s10;
	s15 =	sadd.s32 s24, s26  }
0x18: {  	s8 =	sadd.s32 s26, s1;
	s24 =	sadd.s32 s11, s24;
	s25 =	sadd.s32 $0x8C000, s5  }
0x19: {  	[dreg:$0x12] =	wrdreg s3;
	s3 =	simm.s32 $0xD;
	s10 =	simm.s32 $0xB  }
0x1a: {  	s11 =	simm.s32 $0xC;
	[dreg:$0x8] =	wrdreg s8;
	s16 =	sshrl.u32 s15, $0x3  }
0x1b: {  	[dreg:$0x11] =	wrdreg s25;
	s26 =	sshrl.u32 s24, $0x3;
	s25 =	sadd.s32 $0xB4000, s5  }
0x1c: {  	s8 =	sadd.s32 s0, s16;
	s16 =	sadd.s32 s7, s6;
	s24 =	sadd.s32 s26, s0  }
0x1d: {  	s26 =	sadd.s32 $0xC8000, s5;
	s0 =	simm.s32 $0x8800;
	s6 =	simm.s32 $0x40  }
0x1e: {  	v0 =	vimm.f32 $0.0e+00;
	s7 =	simm.s32 $0x8;
	[dreg:$0x9] =	wrdreg s8;
	s8 =	simm.s32 $0x5  }
.LBB2_1:
0x1f: {  	s14 =	sand.u32 $0x7E00, s2  }
0x20: {  	s15 =	sand.u32 $0x70, s2;
	s18 =	sshrl.u32 s14, $0x2  }
0x21: {  	s14 =	simm.s32 $0x40;
	s18 =	sor.u32 s15, s18;
	s15 =	simm.s32 $0x0  }
.LBB2_2:
0x22: {  	p1 =	sne.s32 s14, $0x4FC0  }
0x23: {  	[tilespmem:s18+$0x8800] =	vst v0;
	s15 =	sadd.s32 $0x10, s15;
	s18 =	smov.u32 s14;
	s14 =	sadd.s32 $0x40, s14  }
.Ltmp0:
0x24: {  	(pc) =	sbr.rel @p1 .LBB2_2-.Ltmp0, $4  }
0x25: {  	_ = 	snop  }
0x26: {  	s18 =	sand.u32 $0x7E00, s18  }
0x27: {  	s21 =	sand.u32 $0x70, s15;
	s18 =	sshrl.u32 s18, $0x2  }
0x28: {  	s18 =	sor.u32 s21, s18  }
0x29: {  	[tilespmem:s18+$0x8800] =	vst v0  }
0x2a: {  	[spmem:s5] =	stream.linear.scatter [tilespmem:s0], [sflag:$0xD], $0x1400, $0x38;
	[tilespmem:$0x1D680] =	vst v63  }
0x2b: {  	_ =	swait.ge [sflag:s3], $0x1400  }
0x2c: {  	[sflag:s3] =	ssyncset.done $0x0  }
0x2d: {  	s14 =	rddreg [dreg:$0xb];
	[sflag:s3] =	ssyncadd.s32 $0xFFFFEC00  }
0x2e: {  	[spmem:s14] =	stream.linear.scatter [tilespmem:s0], [sflag:$0xD], $0x1400, $0x38;
	[tilespmem:$0x1D680] =	vst v63  }
0x2f: {  	_ =	swait.ge [sflag:s3], $0x1400  }
0x30: {  	[sflag:s3] =	ssyncset.done $0x0  }
0x31: {  	s18 =	rddreg [dreg:$0xc];
	[sflag:s3] =	ssyncadd.s32 $0xFFFFEC00  }
0x32: {  	[spmem:s18] =	stream.linear.scatter [tilespmem:s0], [sflag:$0xD], $0x1400, $0x38;
	[tilespmem:$0x1D680] =	vst v63  }
0x33: {  	_ =	swait.ge [sflag:s3], $0x1400  }
0x34: {  	[sflag:s3] =	ssyncset.done $0x0  }
0x35: {  	s19 =	rddreg [dreg:$0xd];
	[sflag:s3] =	ssyncadd.s32 $0xFFFFEC00  }
0x36: {  	[spmem:s19] =	stream.linear.scatter [tilespmem:s0], [sflag:$0xD], $0x1400, $0x38;
	[tilespmem:$0x1D680] =	vst v63  }
0x37: {  	_ =	swait.ge [sflag:s3], $0x1400  }
0x38: {  	[sflag:s3] =	ssyncset.done $0x0  }
0x39: {  	s20 =	rddreg [dreg:$0xe];
	[sflag:s3] =	ssyncadd.s32 $0xFFFFEC00  }
0x3a: {  	[spmem:s20] =	stream.linear.scatter [tilespmem:s0], [sflag:$0xD], $0x1400, $0x38;
	[tilespmem:$0x1D680] =	vst v63  }
0x3b: {  	_ =	swait.ge [sflag:s3], $0x1400  }
0x3c: {  	[sflag:s3] =	ssyncset.done $0x0  }
0x3d: {  	s21 =	rddreg [dreg:$0xf];
	[sflag:s3] =	ssyncadd.s32 $0xFFFFEC00  }
0x3e: {  	[spmem:s21] =	stream.linear.scatter [tilespmem:s0], [sflag:$0xD], $0x1400, $0x38;
	[tilespmem:$0x1D680] =	vst v63  }
0x3f: {  	_ =	swait.ge [sflag:s3], $0x1400  }
0x40: {  	[sflag:s3] =	ssyncset.done $0x0  }
0x41: {  	s22 =	rddreg [dreg:$0x10];
	[sflag:s3] =	ssyncadd.s32 $0xFFFFEC00  }
0x42: {  	[spmem:s22] =	stream.linear.scatter [tilespmem:s0], [sflag:$0xD], $0x1400, $0x38;
	[tilespmem:$0x1D680] =	vst v63  }
0x43: {  	_ =	swait.ge [sflag:s3], $0x1400  }
0x44: {  	[sflag:s3] =	ssyncset.done $0x0  }
0x45: {  	s15 =	rddreg [dreg:$0x11];
	[sflag:s3] =	ssyncadd.s32 $0xFFFFEC00  }
0x46: {  	[spmem:s15] =	stream.linear.scatter [tilespmem:s0], [sflag:$0xD], $0x1400, $0x38;
	[tilespmem:$0x1D680] =	vst v63  }
0x47: {  	_ =	swait.ge [sflag:s3], $0x1400  }
0x48: {  	[sflag:s3] =	ssyncset.done $0x0  }
0x49: {  	[sflag:s3] =	ssyncadd.s32 $0xFFFFEC00  }
0x4a: {  	[spmem:s23] =	stream.linear.scatter [tilespmem:s0], [sflag:$0xD], $0x1400, $0x38;
	[tilespmem:$0x1D680] =	vst v63  }
0x4b: {  	_ =	swait.ge [sflag:s3], $0x1400  }
0x4c: {  	[sflag:s3] =	ssyncset.done $0x0  }
0x4d: {  	[sflag:s3] =	ssyncadd.s32 $0xFFFFEC00  }
0x4e: {  	[spmem:s25] =	stream.linear.scatter [tilespmem:s0], [sflag:$0xD], $0x1400, $0x38;
	[tilespmem:$0x1D680] =	vst v63  }
0x4f: {  	_ =	swait.ge [sflag:s3], $0x1400  }
0x50: {  	[sflag:s3] =	ssyncset.done $0x0  }
0x51: {  	[sflag:s3] =	ssyncadd.s32 $0xFFFFEC00  }
0x52: {  	[spmem:s26] =	stream.linear.scatter [tilespmem:s0], [sflag:$0xD], $0x1400, $0x38;
	[tilespmem:$0x1D680] =	vst v63  }
0x53: {  	_ =	swait.ge [sflag:s3], $0x1400  }
0x54: {  	[sflag:s3] =	ssyncset.done $0x0  }
0x55: {  	[sflag:s3] =	ssyncadd.s32 $0xFFFFEC00  }
0x56: {  	[spmem:s28] =	stream.linear.scatter [tilespmem:s0], [sflag:$0xD], $0x1400, $0x38;
	[tilespmem:$0x1D680] =	vst v63  }
0x57: {  	_ =	swait.ge [sflag:s3], $0x1400  }
0x58: {  	[sflag:s3] =	ssyncset.done $0x0  }
0x59: {  	[sflag:s3] =	ssyncadd.s32 $0xFFFFEC00  }
0x5a: {  	[spmem:s29] =	stream.linear.scatter [tilespmem:s0], [sflag:$0xD], $0x1400, $0x38;
	[tilespmem:$0x1D680] =	vst v63  }
0x5b: {  	_ =	swait.ge [sflag:s3], $0x1400  }
0x5c: {  	[sflag:s3] =	ssyncset.done $0x0  }
0x5d: {  	[sflag:s3] =	ssyncadd.s32 $0xFFFFEC00  }
0x5e: {  	[spmem:s30] =	stream.linear.scatter [tilespmem:s0], [sflag:$0xD], $0x1400, $0x38;
	[tilespmem:$0x1D680] =	vst v63  }
0x5f: {  	_ =	swait.ge [sflag:s3], $0x1400  }
0x60: {  	[sflag:s3] =	ssyncset.done $0x0  }
0x61: {  	[sflag:s3] =	ssyncadd.s32 $0xFFFFEC00  }
0x62: {  	[spmem:s31] =	stream.linear.scatter [tilespmem:s0], [sflag:$0xD], $0x1400, $0x38;
	[tilespmem:$0x1D680] =	vst v63  }
0x63: {  	_ =	swait.ge [sflag:s3], $0x1400  }
0x64: {  	[sflag:s3] =	ssyncset.done $0x0  }
0x65: {  	s14 =	simm.s32 @!p0 $0x8800;
	s15 =	rddreg [dreg:$0x3];
	[sflag:s3] =	ssyncadd.s32 $0xFFFFEC00  }
0x66: {  	[spmem:s15] =	stream.linear.scatter @!p0 [tilespmem:s14], [sflag:$0xD], $0x1400, $0x38;
	[tilespmem:$0x1D680] =	vst v63  }
0x67: {  	s14 =	simm.s32 @!p0 $0xD  }
0x68: {  	_ =	swait.ge @!p0 [sflag:s14], $0x1400  }
0x69: {  	[sflag:s14] =	ssyncset.done @!p0 $0x0  }
0x6a: {  	[sflag:s14] =	ssyncadd.s32 @!p0 $0xFFFFEC00  }
0x6b: {  	[bflag:$0x0] =	sbarrier.arrive $0xFFFF  }
0x6c: {  	s14 =	simm.s32 $0x0;
	s17 =	rddreg [dreg:$0x4]  }
0x6d: {  	[tilespmem:s14], [sflag:$0x1] =	stream.linear.gather [hbm4b:s17+s14], $0x40, $0x38;
	[tilespmem:$0x1D680] =	vst v63  }
0x6e: {  	s18 =	rddreg [dreg:$0x5];
	s17 =	simm.s32 $0x400  }
0x6f: {  	[tilespmem:s17], [sflag:$0x1] =	stream.linear.gather [hbm4b:s18+s14], $0x40, $0x38;
	[tilespmem:$0x1D680] =	vst v63  }
0x70: {  	s20 =	simm.s32 $0x80;
	s19 =	rddreg [dreg:$0x6]  }
0x71: {  	[tilespmem:s20], [sflag:$0x2] =	stream.linear.gather [hbm4b:s19+s14], $0x40, $0x38;
	[tilespmem:$0x1D680] =	vst v63  }
0x72: {  	s22 =	simm.s32 $0x480;
	s21 =	rddreg [dreg:$0x7]  }
0x73: {  	[tilespmem:s22], [sflag:$0x2] =	stream.linear.gather [hbm4b:s21+s14], $0x40, $0x38;
	[tilespmem:$0x1D680] =	vst v63  }
0x74: {  	s15 =	simm.s32 $0xFFFFFF00;
	s22 =	smov.u32 s16;
	s21 =	rddreg [dreg:$0x12]  }
.LBB2_4:
0x75: {  	p1 =	sgt.u32 s14, $0x9A  }
0x76: {  	s18 =	sadd.s32 @!p1 $0x2, s14  }
0x77: {  	s19 =	sadd.s32 @!p1 $0x200, s15;
	s18 =	sand.u32 @!p1 $0x3, s18  }
0x78: {  	s20 =	simm.s32 @!p1 $0x0;
	s19 =	sand.u32 @!p1 $0x380, s19;
	s18 =	sadd.s32 @!p1 $0x1, s18  }
0x79: {  	[tilespmem:s19], [sflag:s18] =	stream.linear.gather @!p1 [hbm4b:s21+s20], $0x40, $0x38;
	[tilespmem:$0x1D680] =	vst v63  }
0x7a: {  	p2 =	slt.u32 @!p1 s14, $0x4;
	s19 =	sor.u32 @!p1 $0x400, s19  }
0x7b: {  	[tilespmem:s19], [sflag:s18] =	stream.linear.gather @!p1 [hbm4b:s22+s20], $0x40, $0x38;
	[tilespmem:$0x1D680] =	vst v63  }
0x7c: {  	p1 =	por p1, !p2;
	s18 =	smov.u32 s14  }
0x7d: {  	s18 =	sand.u32 @p1 $0x3, s14  }
0x7e: {  	s19 =	sadd.s32 @p1 $0x9, s18  }
0x7f: {  	_ =	swait.ge @p1 [sflag:s19], $0x2000  }
0x80: {  	[sflag:s19] =	ssyncset.done @p1 $0x0  }
0x81: {  	s20 =	sadd.s32 $0x1, s18;
	[sflag:s19] =	ssyncadd.s32 @p1 $0xFFFFE000  }
0x82: {  	_ =	swait.ge [sflag:s20], $0x40  }
0x83: {  	[sflag:s20] =	ssyncset.done $0x0  }
0x84: {  	[sflag:s20] =	ssyncadd.s32 $0xFFFFFFC0  }
0x85: {  	_ =	swait.ge [sflag:s20], $0x40  }
0x86: {  	s17 =	sshll.u32 s18, $0xD;
	s18 =	sadd.s32 $0x5, s18;
	[sflag:s20] =	ssyncset.done $0x0  }
0x87: {  	[sflag:s20] =	ssyncadd.s32 $0xFFFFFFC0;
	s20 =	sand.u32 $0x3FFFE000, s17;
	s17 =	sadd.s32 $0x100, s15  }
0x88: {  	p1 =	slt.u32 s14, $0x2;
	s19 =	sor.u32 $0x800, s20;
	s20 =	sand.u32 $0x380, s17  }
0x89: {  	[tilespmem:s19], [sflag:s18] =	stream.indirect.gather [hbm4b:s4+s6], $0x80, s20, s6, $0xb8;
	[tilespmem:$0x1D680] =	vst v63  }
0x8a: {  	s18 =	sadd.s32 @!p1 $0xFFFFFFFE, s14  }
0x8b: {  	s18 =	sand.u32 @!p1 $0x3, s18  }
0x8c: {  	s19 =	sadd.s32 @!p1 $0x5, s18  }
0x8d: {  	_ =	swait.ge @!p1 [sflag:s19], $0x2000  }
0x8e: {  	s17 =	simm.s32 @!p1 $0x40;
	s14 =	sadd.s32 $0x1, s14;
	[sflag:s19] =	ssyncset.done @!p1 $0x0  }
0x8f: {  	s20 =	sshll.u32 @!p1 s18, $0xD;
	[sflag:s19] =	ssyncadd.s32 @!p1 $0xFFFFE000;
	s19 =	sand.u32 @!p1 $0x380, s15  }
0x90: {  	s18 =	sadd.s32 @!p1 $0x9, s18;
	s20 =	sor.u32 @!p1 $0x800, s20;
	s19 =	sor.u32 @!p1 $0x400, s19  }
0x91: {  	[spmem:s1] =	stream.indirect.scatter.add.f32 @!p1 [tilespmem:s20], [sflag:s18], $0x80, s19, s17, $0xb8;
	[tilespmem:$0x1D680] =	vst v63  }
0x92: {  	p1 =	sne.s32 s14, $0x9D  }
.Ltmp1:
0x93: {  	_ = 	snop;
	(pc) =	sbr.rel @p1 .LBB2_4-.Ltmp1, $2  }
0x94: {  	_ =	sdelay $0x2  }
0x95: {  	s21 =	sadd.s32 $0x8, s21;
	s22 =	sadd.s32 $0x8, s22;
	s15 =	sadd.s32 $0x80, s15  }
0x96: {  	_ =	swait.ge [sflag:s7], $0x2000  }
0x97: {  	[sflag:s7] =	ssyncset.done $0x0  }
0x98: {  	s14 =	simm.s32 $0x580;
	s15 =	simm.s32 $0x6800;
	[sflag:s7] =	ssyncadd.s32 $0xFFFFE000  }
0x99: {  	[spmem:s1] =	stream.indirect.scatter.add.f32 [tilespmem:s15], [sflag:$0xC], $0x80, s14, s6, $0xb8;
	[tilespmem:$0x1D680] =	vst v63  }
0x9a: {  	_ =	swait.ge [sflag:s8], $0x2000  }
0x9b: {  	[sflag:s8] =	ssyncset.done $0x0  }
0x9c: {  	s20 =	simm.s32 $0x600;
	s21 =	simm.s32 $0x800;
	[sflag:s8] =	ssyncadd.s32 $0xFFFFE000  }
0x9d: {  	[spmem:s1] =	stream.indirect.scatter.add.f32 [tilespmem:s21], [sflag:$0x9], $0x80, s20, s6, $0xb8;
	[tilespmem:$0x1D680] =	vst v63  }
0x9e: {  	_ =	swait.ge [sflag:s9], $0x2000  }
0x9f: {  	[sflag:s9] =	ssyncset.done $0x0  }
0xa0: {  	[sflag:s9] =	ssyncadd.s32 $0xFFFFE000  }
0xa1: {  	_ =	swait.ge [sflag:s10], $0x2000  }
0xa2: {  	[sflag:s10] =	ssyncset.done $0x0  }
0xa3: {  	[sflag:s10] =	ssyncadd.s32 $0xFFFFE000  }
0xa4: {  	_ =	swait.ge [sflag:s11], $0x2000  }
0xa5: {  	[sflag:s11] =	ssyncset.done $0x0  }
0xa6: {  	[sflag:s11] =	ssyncadd.s32 $0xFFFFE000  }
0xa7: {  	_ =	swait.ge [sflag:s12], $0x2000  }
0xa8: {  	[sflag:s12] =	ssyncset.done $0x0  }
0xa9: {  	[sflag:s12] =	ssyncadd.s32 $0xFFFFE000  }
0xaa: {  	[bflag:$0x0] =	sbarrier.arrive $0xFFFF  }
0xab: {  	[tilespmem:s0], [sflag:$0xD] =	stream.linear.gather [spmem:s5], $0x1400, $0x38;
	[tilespmem:$0x1D680] =	vst v63  }
0xac: {  	_ =	swait.ge [sflag:s3], $0x1400  }
0xad: {  	[sflag:s3] =	ssyncset.done $0x0  }
0xae: {  	s22 =	sadd.s32 $0x0, s24;
	[sflag:s3] =	ssyncadd.s32 $0xFFFFEC00  }
0xaf: {  	[hbm4b:s22+s2] =	stream.linear.scatter [tilespmem:s0], [sflag:$0xD], $0x1400, $0x38;
	[tilespmem:$0x1D680] =	vst v63  }
0xb0: {  	_ =	swait.ge [sflag:s3], $0x1400  }
0xb1: {  	s14 =	simm.s32 $0x2800;
	s15 =	smov.u32 s5;
	[sflag:s3] =	ssyncset.done $0x0  }
.LBB2_6:
0xb2: {  	p1 =	sne.s32 s14, $0x23000;
	[sflag:s3] =	ssyncadd.s32 $0xFFFFEC00;
	s15 =	sadd.s32 $0x14000, s15  }
0xb3: {  	[tilespmem:s0], [sflag:$0xD] =	stream.linear.gather [spmem:s15], $0x1400, $0x38;
	[tilespmem:$0x1D680] =	vst v63  }
0xb4: {  	s17 =	smov.u32 s14;
	s14 =	sadd.s32 $0x2800, s14;
	_ =	swait.ge [sflag:s3], $0x1400  }
.Ltmp2:
0xb5: {  	[sflag:s3] =	ssyncset.done $0x0;
	(pc) =	sbr.rel @p1 .LBB2_6-.Ltmp2, $4  }
0xb6: {  	s17 =	sadd.s32 s17, s24;
	[sflag:s3] =	ssyncadd.s32 $0xFFFFEC00  }
0xb7: {  	[hbm4b:s17+s2] =	stream.linear.scatter [tilespmem:s0], [sflag:$0xD], $0x1400, $0x38;
	[tilespmem:$0x1D680] =	vst v63  }
0xb8: {  	_ =	swait.ge [sflag:s3], $0x1400  }
0xb9: {  	[sflag:s3] =	ssyncset.done $0x0  }
0xba: {  	[sflag:s3] =	ssyncadd.s32 $0xFFFFEC00;
	s14 =	simm.s32 @!p0 $0x8800;
	s15 =	rddreg [dreg:$0x8]  }
0xbb: {  	[tilespmem:s14], [sflag:$0xD] =	stream.linear.gather @!p0 [spmem:s15], $0x1400, $0x38;
	[tilespmem:$0x1D680] =	vst v63  }
0xbc: {  	s15 =	simm.s32 @!p0 $0xD  }
0xbd: {  	_ =	swait.ge @!p0 [sflag:s15], $0x1400  }
0xbe: {  	[sflag:s15] =	ssyncset.done @!p0 $0x0  }
0xbf: {  	s17 =	simm.s32 @!p0 $0x0;
	s18 =	rddreg [dreg:$0x9];
	[sflag:s15] =	ssyncadd.s32 @!p0 $0xFFFFEC00  }
0xc0: {  	[hbm4b:s18+s17] =	stream.linear.scatter @!p0 [tilespmem:s14], [sflag:$0xD], $0x1400, $0x38;
	[tilespmem:$0x1D680] =	vst v63  }
0xc1: {  	_ =	swait.ge @!p0 [sflag:s15], $0x1400  }
0xc2: {  	s13 =	sadd.s32 $0x1, s13;
	s22 =	rddreg [dreg:$0xa]  }
0xc3: {  	p1 =	sne.s32 s13, s22  }
.Ltmp3:
0xc4: {  	_ = 	snop;
	(pc) =	sbr.rel @p1 .LBB2_1-.Ltmp3, $3  }
0xc5: {  	_ =	sdelay $0x1  }
0xc6: {  	[sflag:s15] =	ssyncset.done @!p0 $0x0  }
0xc7: {  	[sflag:s15] =	ssyncadd.s32 @!p0 $0xFFFFEC00  }
0xc8: {  	_ =	sfence.sel $0x180000  }
0xc9: {  	[bflag:$0x0] =	sbarrier.arrive $0xFFFF  }
0xca: {  	_ =	strace $0x9000004D  }
0xcb: {  	s0 =	stileid.u32;
	[bflag:$0x2] =	sbarrier.arrive $0xFFFF  }
0xcc: {  	p0 =	sne.s32 s0, $0x0;
	s0 =	rddreg [dreg:$0x2]  }
0xcd: {  	s0 =	sadd.s32 @!p0 $0x100000, s0  }
0xce: {  	[sflag:s0] =	ssyncadd.tile.s32 @!p0 $0x1;
	_ =	shalt  }
.Lfunc_end2:
_tile_overlayer_lowered:
.L_overlay_start_2:
0xcf: {  	(tag) =	ssettag $0x2  }
0xd0: {  	s0 =	rddreg [dreg:$0x0];
	s2 =	stileid.u32  }
0xd1: {  	s1 =	rddreg [dreg:$0x1];
	p0 =	sne.s32 s2, $0x0  }
0xd2: {  	s3 =	rddreg [dreg:$0x2];
	[bflag:$0x3] =	sbarrier.arrive $0xFFFF;
	s2 =	simm.s32 @!p0 $0x1C0D  }
0xd3: {  	[timem:s3], [sflag:s2] =	dma.local @!p0 [hbm:s0], s1  }
0xd4: {  	s0 =	simm.s32 @!p0 $0xD  }
0xd5: {  	_ =	swait.ge @!p0 [sflag:s0], s1  }
0xd6: {  	s1 =	ssub.s32 @!p0 $0x0, s1;
	[sflag:s0] =	ssyncset.done @!p0 $0x0  }
0xd7: {  	[sflag:s0] =	ssyncadd.s32 @!p0 s1  }
0xd8: {  	[bflag:$0x3] =	sbarrier.arrive $0xFFFF  }
0xd9: {  	_ =	shalt  }

// kernel: kernel.20.cloned.1.call-start
scs
__scs_entry_jumppad:
0x0: {  	(pc) =	sbr.rel $0x88, $3  }
0x1: {  	(tag) =	ssettag $0x0;
	lr =	simm.s32 $0x1  }
0x2: {  	[smem:$0x3F89] =	sst lr;
	_ =	strace $0xD0000000  }
0x3: {  	_ = 	snop  }
0x4: {  	_ = 	snop  }
0x5: {  	_ = 	snop  }
0x6: {  	_ = 	snop  }
0x7: {  	_ = 	snop  }
__scs_overlays_trampoline_lowered:
0x8: {  	[smem:$0x3F98] =	sst s0  }
0x9: {  	[smem:$0x3F99] =	sst s1  }
0xa: {  	[smem:$0x3F9A] =	sst s2  }
0xb: {  	[smem:$0x3F9B] =	sst s3  }
0xc: {  	[smem:$0x3F9C] =	sst s4  }
0xd: {  	[smem:$0x3F9D] =	sst s5  }
0xe: {  	[smem:$0x3F9E] =	sst s6  }
0xf: {  	[smem:$0x3F9F] =	sst s7  }
0x10: {  	[smem:$0x3FA0] =	sst s8  }
0x11: {  	[smem:$0x3FA1] =	sst s9;
	s0 =	simm.s32 @!p0 $0x0  }
0x12: {  	s1 =	sld [smem:$0x3F87];
	s0 =	simm.s32 @p0 $0x1  }
0x13: {  	[smem:$0x3FA2] =	sst s0;
	s0 =	simm.s32 @!p1 $0x0  }
0x14: {  	s2 =	sld [smem:$0x3F86];
	s0 =	simm.s32 @p1 $0x1  }
0x15: {  	[smem:$0x3FA3] =	sst s0;
	s0 =	simm.s32 @!p2 $0x0  }
0x16: {  	s3 =	sld [smem:$0x3FDB];
	s0 =	simm.s32 @p2 $0x1  }
0x17: {  	s4 =	simm.s32 $0x1BF5;
	[smem:$0x3FA5] =	sst s0  }
0x18: {  	s0 =	sld [smem:$0x3F88];
	_ =	swait.ge [sflag:s4], $0x0  }
0x19: {  	s7 =	sld [smem:$0x3F89]  }
0x1a: {  	s8 =	sadd.s32 $0xFFFFE003, lr  }
0x1b: {  	s9 =	sadd.s32 $0xFFFFFEF7, lr;
	s5 =	simm.s32 $0xFFFFFFFF;
	p2 =	slt.u32 s8, $0xFFFFF086  }
0x1c: {  	p1 =	slt.u32 s9, $0xF7A;
	s5 =	simm.s32 @!p2 $0x0  }
0x1d: {  	s5 =	simm.s32 @p1 $0x1;
	p0 =	seq.s32 s7, s2  }
0x1e: {  	s7 =	smul.u32 @!p0 $0xF7A, s2;
	p2 =	seq.s32 @!p0 s5, $0x0  }
0x1f: {  	s9 =	smul.u32 $0xF7A, s1;
	s8 =	simm.s32 @!p0 $0x1BF5;
	p2 =	por !p2, p0  }
0x20: {  	[sflag:s8] =	ssyncset.s32 @!p0 $0xFFFFF086;
	s6 =	sadd.s32 @!p0 s3, s7;
	s7 =	simm.s32 @!p0 $0x108  }
0x21: {  	s3 =	sadd.s32 s3, s9;
	s6 =	sadd.s32 @!p0 $0x88, s6;
	s7 =	simm.s32 @p2 $0x1082  }
0x22: {  	[simem:s7], [sflag:s8] =	dma.local @!p0 [hbm:s6], $0xF7A  }
0x23: {  	s9 =	sor.u32 $0xD0000000, s2;
	s6 =	simm.s32 $0x108;
	_ =	swait.ge @!p0 [sflag:s8], $0x0  }
0x24: {  	s3 =	sadd.s32 $0x88, s3;
	s6 =	simm.s32 @!p1 $0x1082;
	[sflag:s4] =	ssyncset.s32 $0xFFFFF086  }
0x25: {  	[simem:s6], [sflag:s4] =	dma.local [hbm:s3], $0xF7A  }
0x26: {  	[smem:$0x3F89] =	sst s1;
	(tag) =	ssettag s2;
	_ =	strace s9  }
0x27: {  	s1 =	sld [smem:$0x3F99]  }
0x28: {  	s2 =	sld [smem:$0x3F9A]  }
0x29: {  	s4 =	sld [smem:$0x3F9C]  }
0x2a: {  	p0 =	seq.s32 s5, $0x0;
	s5 =	sld [smem:$0x3F9D]  }
0x2b: {  	s6 =	sld [smem:$0x3F9E]  }
0x2c: {  	s7 =	sld [smem:$0x3F9F]  }
0x2d: {  	s3 =	simm.s32 $0x108;
	s8 =	sld [smem:$0x3FA0]  }
0x2e: {  	s3 =	simm.s32 @!p0 $0x1082;
	s9 =	sld [smem:$0x3FA1]  }
0x2f: {  	lr =	sadd.s32 s0, s3;
	s0 =	sld [smem:$0x3F98]  }
0x30: {  	s3 =	sld [smem:$0x3F9B]  }
0x31: {  	[smem:$0x3FA4] =	sst s10  }
0x32: {  	s10 =	sld [smem:$0x3FA2];
	_ =	sdelay $0x3  }
0x33: {  	p0 =	seq.s32 s10, $0x1;
	s10 =	sld [smem:$0x3FA4];
	_ =	sdelay $0x3  }
0x34: {  	[smem:$0x3FA4] =	sst s10  }
0x35: {  	s10 =	sld [smem:$0x3FA3];
	_ =	sdelay $0x3  }
0x36: {  	p1 =	seq.s32 s10, $0x1;
	s10 =	sld [smem:$0x3FA4];
	_ =	sdelay $0x3  }
0x37: {  	[smem:$0x3FA4] =	sst s10  }
0x38: {  	s10 =	sld [smem:$0x3FA5]  }
0x39: {  	_ = 	snop;
	(pc) =	sbr.ind lr, $3  }
0x3a: {  	_ = 	snop  }
0x3b: {  	_ = 	snop  }
0x3c: {  	p2 =	seq.s32 s10, $0x1;
	s10 =	sld [smem:$0x3FA4]  }
0x3d: {  	_ =	shalt  }
0x3e: {  	_ =	shalt  }
0x3f: {  	_ =	shalt  }
0x40: {  	_ =	shalt  }
0x41: {  	_ =	shalt  }
0x42: {  	_ =	shalt  }
0x43: {  	_ =	shalt  }
0x44: {  	_ =	shalt  }
0x45: {  	_ =	shalt  }
0x46: {  	_ =	shalt  }
0x47: {  	_ =	shalt  }
0x48: {  	_ =	shalt  }
0x49: {  	_ =	shalt  }
0x4a: {  	_ =	shalt  }
0x4b: {  	_ =	shalt  }
0x4c: {  	_ =	shalt  }
0x4d: {  	_ =	shalt  }
0x4e: {  	_ =	shalt  }
0x4f: {  	_ =	shalt  }
0x50: {  	_ =	shalt  }
0x51: {  	_ =	shalt  }
0x52: {  	_ =	shalt  }
0x53: {  	_ =	shalt  }
0x54: {  	_ =	shalt  }
0x55: {  	_ =	shalt  }
0x56: {  	_ =	shalt  }
0x57: {  	_ =	shalt  }
0x58: {  	_ =	shalt  }
0x59: {  	_ =	shalt  }
0x5a: {  	_ =	shalt  }
0x5b: {  	_ =	shalt  }
0x5c: {  	_ =	shalt  }
0x5d: {  	_ =	shalt  }
0x5e: {  	_ =	shalt  }
0x5f: {  	_ =	shalt  }
0x60: {  	_ =	shalt  }
0x61: {  	_ =	shalt  }
0x62: {  	_ =	shalt  }
0x63: {  	_ =	shalt  }
0x64: {  	_ =	shalt  }
0x65: {  	_ =	shalt  }
0x66: {  	_ =	shalt  }
0x67: {  	_ =	shalt  }
0x68: {  	_ =	shalt  }
0x69: {  	_ =	shalt  }
0x6a: {  	_ =	shalt  }
0x6b: {  	_ =	shalt  }
0x6c: {  	_ =	shalt  }
0x6d: {  	_ =	shalt  }
0x6e: {  	_ =	shalt  }
0x6f: {  	_ =	shalt  }
0x70: {  	_ =	shalt  }
0x71: {  	_ =	shalt  }
0x72: {  	_ =	shalt  }
0x73: {  	_ =	shalt  }
0x74: {  	_ =	shalt  }
0x75: {  	_ =	shalt  }
0x76: {  	_ =	shalt  }
0x77: {  	_ =	shalt  }
0x78: {  	_ =	shalt  }
0x79: {  	_ =	shalt  }
0x7a: {  	_ =	shalt  }
0x7b: {  	_ =	shalt  }
0x7c: {  	_ =	shalt  }
0x7d: {  	_ =	shalt  }
0x7e: {  	_ =	shalt  }
0x7f: {  	_ =	shalt  }
0x80: {  	_ =	shalt  }
0x81: {  	_ =	shalt  }
0x82: {  	_ =	shalt  }
0x83: {  	_ =	shalt  }
0x84: {  	_ =	shalt  }
0x85: {  	_ =	shalt  }
0x86: {  	_ =	shalt  }
0x87: {  	_ =	shalt  }
.Lfunc_end0:
.L_simem_size_0:
called_computation.3_lowered:
.L_overlay_start_0:
0x88: {  	s2 =	sld [smem:$0x3FD9]  }
0x89: {  	s3 =	sld [smem:$0x3FFE];
	_ =	sdelay $0x1  }
0x8a: {  	s1 =	srdreg.scid  }
0x8b: {  	s0 =	sand.u32 $0x1, s1  }
0x8c: {  	s16 =	sshll.u32 s0, $0xA;
	s2 =	sadd.s32 s3, s2  }
0x8d: {  	s2 =	sadd.s32 s2, s16  }
0x8e: {  	[smem:$0x3FB0] =	sst s2  }
0x8f: {  	_ = 	snop  }
0x90: {  	(tm) =	ssettm $0x1  }
0x91: {  	s17 =	sld [smem:$0x3FFB];
	_ =	sdelay $0x3  }
0x92: {  	_ =	strace s17  }
0x93: {  	s2 =	sld [smem:$0x3FFC];
	_ =	sdelay $0x3  }
0x94: {  	_ =	strace s2  }
0x95: {  	s2 =	sld [smem:$0x3FFD];
	_ =	sdelay $0x3  }
0x96: {  	_ =	strace s2  }
0x97: {  	_ =	strace $0x8FFFFFFF  }
0x98: {  	s18 =	sld [smem:$0x3FDB];
	_ =	sdelay $0x1  }
0x99: {  	s19 =	simm.s32 $_scs_section_size  }
0x9a: {  	s4 =	simm.s32 $_size__tile_overlayer_lowered;
	s5 =	simm.s32 $_tile_overlayer_lowered  }
0x9b: {  	s22 =	simm.s32 $0x1BFF;
	s21 =	sshll.u32 s5, $0x1;
	s2 =	sadd.s32 s19, s18  }
0x9c: {  	s6 =	simm.s32 $0x0;
	s20 =	sshll.u32 s4, $0x1;
	s4 =	sadd.s32 s21, s2  }
0x9d: {  	[timem:s6], [sflag:s22] =	dma.local [hbm:s4], s20  }
0x9e: {  	_ =	swait.ge [sflag:s22], s20  }
0x9f: {  	s3 =	ssub.s32 $0x0, s20;
	[sflag:s22] =	ssyncset.done $0x0  }
0xa0: {  	[sflag:s22] =	ssyncadd.s32 s3;
	_ =	sdelay $0x1  }
0xa1: {  	s23 =	simm.s32 $0x1B8B  }
0xa2: {  	_ =	swait.ge [sflag:s23], $0x1  }
0xa3: {  	[sflag:s23] =	ssyncset.done $0x0  }
0xa4: {  	s25 =	simm.s32 $0x1B8E;
	s24 =	sld [smem:$0x3FFE];
	[sflag:s23] =	ssyncadd.s32 $0xFFFFFFFF  }
0xa5: {  	s26 =	simm.s32 $execute0_lowered;
	[smem:$0x3FD2] =	sst s25  }
0xa6: {  	s4 =	sshll.u32 s26, $0x1;
	_ =	strace $0x8000004F;
	[dreg:$0x1] =	wrdreg $0xFFFFFFFF  }
0xa7: {  	s28 =	simm.s32 $_size_execute0_lowered;
	s2 =	sadd.s32 s2, s4;
	[dreg:$0x0] =	wrdreg $0x0  }
0xa8: {  	s4 =	sshll.u32 s28, $0x1;
	[dreg:$0x2] =	wrdreg s2  }
0xa9: {  	[dreg:$0x3] =	wrdreg s4  }
0xaa: {  	[dreg:$0x4] =	wrdreg $0xC0  }
0xab: {  	_ =	task [dreg:s6], $0x5FFFF  }
0xac: {  	[dreg:$0x1] =	wrdreg $0xFFFFFFFF  }
0xad: {  	[dreg:$0x0] =	wrdreg $0x60  }
0xae: {  	[dreg:$0x2] =	wrdreg s24  }
0xaf: {  	[dreg:$0x3] =	wrdreg $0x9C000  }
0xb0: {  	[dreg:$0x4] =	wrdreg $0x9  }
0xb1: {  	_ =	task.clear_ibuf [dreg:s6], $0x5FFFF;
	_ =	strace $0x9000004F  }
0xb2: {  	s29 =	simm.s32 $0x9;
	_ =	strace $0x80000051  }
0xb3: {  	_ =	swait.ge [sflag:s29], $0x1  }
0xb4: {  	[sflag:s29] =	ssyncadd.s32 $0xFFFFFFFF  }
0xb5: {  	_ =	strace $0x90000051  }
0xb6: {  	_ =	sfence  }
0xb7: {  	s30 =	sld [smem:$0x0];
	_ =	sdelay $0x2  }
0xb8: {  	s31 =	sshll.u32 s1, $0xD;
	s1 =	sshrl.u32 s1, $0x2  }
0xb9: {  	s3 =	sand.u32 $0x4000, s31;
	s1 =	sadd.s32 s1, s30  }
0xba: {  	s0 =	sor.u32 s3, s0;
	s1 =	sshll.u32 s1, $0x11  }
0xbb: {  	s0 =	sor.u32 s1, s0  }
0xbc: {  	s0 =	sadd.s32 $0x8F2B, s0  }
0xbd: {  	[sflag:s0] =	ssyncadd.remote.s32 $0x1  }
0xbe: {  	_ =	sfence.sel $0xFFFF  }
0xbf: {  	[dreg:$0x0] =	wrdreg $0xFFFFFFFF;
	(pc) =	sbr.abs _section_cstart, $3  }
0xc0: {  	[dreg:$0x1] =	wrdreg $0xFFFFFFFF  }
0xc1: {  	_ =	task.clear_ibuf [dreg:s6], $0x2FFFF;
	_ =	strace $0x9FFFFFFF  }
0xc2: {  	(tm) =	ssettm $0x7FFFFFFF  }
0xc3: {  	_ =	shalt  }
tec
execute0_lowered:
.L_overlay_start_1:
0x0: {  	(tag) =	ssettag $0x1  }
0x1: {  	s0 =	rddreg [dreg:$0x0]  }
0x2: {  	s1 =	rddreg [dreg:$0x1];
	s2 =	simm.s32 $0x0;
	s5 =	srdreg.scid  }
0x3: {  	s14 =	stileid.u32;
	[smem:$0x7FF] =	sst s2;
	s4 =	sadd.s32 $0x18A00, s0  }
0x4: {  	s3 =	sadd.s32 $0xEC00, s0;
	s6 =	sadd.s32 $0x4E00, s0;
	s8 =	smul.u32 $0x5000, s14  }
0x5: {  	s7 =	sand.u32 $0x1, s5;
	s19 =	sshll.u32 s14, $0x1;
	s13 =	smul.u32 $0x13A, s14  }
0x6: {  	s0 =	sadd.s32 $0x3FC00, s0;
	p0 =	sgt.u32 s14, $0x9;
	s24 =	smul.u32 $0x138800, s7  }
0x7: {  	s9 =	ssub.s32 $0x2, s7;
	s10 =	sor.u32 s7, s19;
	s7 =	smul.u32 $0x9D, s7  }
0x8: {  	_ =	strace $0x80000050;
	s20 =	sshrl.u32 s9, $0x1;
	s11 =	smul.u32 $0x2740, s10  }
0x9: {  	s8 =	sshrl.u32 s8, $0x2;
	s21 =	smul.u32 $0x4E8, s10;
	s9 =	ssub.s32 s9, s20  }
0xa: {  	s5 =	sadd.s32 s8, s1;
	s7 =	sadd.s32 s7, s13;
	s13 =	simm.s32 $0x0  }
0xb: {  	s22 =	sadd.s32 $0x12C000, s5;
	s23 =	sshrl.u32 s11, $0x3;
	s11 =	smul.u32 $0x1400, s14  }
0xc: {  	s12 =	sadd.s32 s3, s21;
	s8 =	sadd.s32 s6, s21;
	[dreg:$0x3] =	wrdreg s22  }
0xd: {  	s17 =	smax.u32 s9, $0x1;
	s18 =	sadd.s32 $0x14000, s5;
	[dreg:$0x4] =	wrdreg s12  }
0xe: {  	s19 =	sadd.s32 $0x28000, s5;
	s20 =	sadd.s32 $0x3C000, s5;
	[dreg:$0x5] =	wrdreg s8  }
0xf: {  	s21 =	sadd.s32 $0x50000, s5;
	s7 =	sshll.u32 s7, $0x3;
	[dreg:$0xa] =	wrdreg s17  }
0x10: {  	s28 =	sadd.s32 $0xDC000, s5;
	s29 =	sadd.s32 $0xF0000, s5;
	[dreg:$0xb] =	wrdreg s18  }
0x11: {  	s30 =	sadd.s32 $0x104000, s5;
	s31 =	sadd.s32 $0x118000, s5;
	[dreg:$0xc] =	wrdreg s19  }
0x12: {  	s9 =	simm.s32 $0xA;
	s10 =	sadd.s32 $0x8, s23;
	[dreg:$0xd] =	wrdreg s20  }
0x13: {  	[dreg:$0xe] =	wrdreg s21;
	s22 =	sadd.s32 $0x64000, s5;
	s23 =	sadd.s32 $0x78000, s5  }
0x14: {  	s7 =	sadd.s32 $0x10, s7;
	s12 =	simm.s32 $0x9;
	[dreg:$0xf] =	wrdreg s22  }
0x15: {  	s25 =	sadd.s32 s3, s10;
	s26 =	sadd.s32 $0x12C000, s11;
	[dreg:$0x10] =	wrdreg s23  }
0x16: {  	s10 =	sadd.s32 s6, s10;
	s3 =	sadd.s32 s7, s3;
	[dreg:$0x6] =	wrdreg s25  }
0x17: {  	s23 =	sadd.s32 $0xA0000, s5;
	[dreg:$0x7] =	wrdreg s10;
	s15 =	sadd.s32 s24, s26  }
0x18: {  	s8 =	sadd.s32 s26, s1;
	s24 =	sadd.s32 s11, s24;
	s25 =	sadd.s32 $0x8C000, s5  }
0x19: {  	[dreg:$0x12] =	wrdreg s3;
	s3 =	simm.s32 $0xD;
	s10 =	simm.s32 $0xB  }
0x1a: {  	s11 =	simm.s32 $0xC;
	[dreg:$0x8] =	wrdreg s8;
	s16 =	sshrl.u32 s15, $0x3  }
0x1b: {  	[dreg:$0x11] =	wrdreg s25;
	s26 =	sshrl.u32 s24, $0x3;
	s25 =	sadd.s32 $0xB4000, s5  }
0x1c: {  	s8 =	sadd.s32 s0, s16;
	s16 =	sadd.s32 s7, s6;
	s24 =	sadd.s32 s26, s0  }
0x1d: {  	s26 =	sadd.s32 $0xC8000, s5;
	s0 =	simm.s32 $0x8800;
	s6 =	simm.s32 $0x40  }
0x1e: {  	v0 =	vimm.f32 $0.0e+00;
	s7 =	simm.s32 $0x8;
	[dreg:$0x9] =	wrdreg s8;
	s8 =	simm.s32 $0x5  }
.LBB2_1:
0x1f: {  	s14 =	sand.u32 $0x7E00, s2  }
0x20: {  	s15 =	sand.u32 $0x70, s2;
	s18 =	sshrl.u32 s14, $0x2  }
0x21: {  	s14 =	simm.s32 $0x40;
	s18 =	sor.u32 s15, s18;
	s15 =	simm.s32 $0x0  }
.LBB2_2:
0x22: {  	p1 =	sne.s32 s14, $0x4FC0  }
0x23: {  	[tilespmem:s18+$0x8800] =	vst v0;
	s15 =	sadd.s32 $0x10, s15;
	s18 =	smov.u32 s14;
	s14 =	sadd.s32 $0x40, s14  }
.Ltmp0:
0x24: {  	(pc) =	sbr.rel @p1 .LBB2_2-.Ltmp0, $4  }
0x25: {  	_ = 	snop  }
0x26: {  	s18 =	sand.u32 $0x7E00, s18  }
0x27: {  	s21 =	sand.u32 $0x70, s15;
	s18 =	sshrl.u32 s18, $0x2  }
0x28: {  	s18 =	sor.u32 s21, s18  }
0x29: {  	[tilespmem:s18+$0x8800] =	vst v0  }
0x2a: {  	[spmem:s5] =	stream.linear.scatter [tilespmem:s0], [sflag:$0xD], $0x1400, $0x38;
	[tilespmem:$0x1D680] =	vst v63  }
0x2b: {  	_ =	swait.ge [sflag:s3], $0x1400  }
0x2c: {  	[sflag:s3] =	ssyncset.done $0x0  }
0x2d: {  	s14 =	rddreg [dreg:$0xb];
	[sflag:s3] =	ssyncadd.s32 $0xFFFFEC00  }
0x2e: {  	[spmem:s14] =	stream.linear.scatter [tilespmem:s0], [sflag:$0xD], $0x1400, $0x38;
	[tilespmem:$0x1D680] =	vst v63  }
0x2f: {  	_ =	swait.ge [sflag:s3], $0x1400  }
0x30: {  	[sflag:s3] =	ssyncset.done $0x0  }
0x31: {  	s18 =	rddreg [dreg:$0xc];
	[sflag:s3] =	ssyncadd.s32 $0xFFFFEC00  }
0x32: {  	[spmem:s18] =	stream.linear.scatter [tilespmem:s0], [sflag:$0xD], $0x1400, $0x38;
	[tilespmem:$0x1D680] =	vst v63  }
0x33: {  	_ =	swait.ge [sflag:s3], $0x1400  }
0x34: {  	[sflag:s3] =	ssyncset.done $0x0  }
0x35: {  	s19 =	rddreg [dreg:$0xd];
	[sflag:s3] =	ssyncadd.s32 $0xFFFFEC00  }
0x36: {  	[spmem:s19] =	stream.linear.scatter [tilespmem:s0], [sflag:$0xD], $0x1400, $0x38;
	[tilespmem:$0x1D680] =	vst v63  }
0x37: {  	_ =	swait.ge [sflag:s3], $0x1400  }
0x38: {  	[sflag:s3] =	ssyncset.done $0x0  }
0x39: {  	s20 =	rddreg [dreg:$0xe];
	[sflag:s3] =	ssyncadd.s32 $0xFFFFEC00  }
0x3a: {  	[spmem:s20] =	stream.linear.scatter [tilespmem:s0], [sflag:$0xD], $0x1400, $0x38;
	[tilespmem:$0x1D680] =	vst v63  }
0x3b: {  	_ =	swait.ge [sflag:s3], $0x1400  }
0x3c: {  	[sflag:s3] =	ssyncset.done $0x0  }
0x3d: {  	s21 =	rddreg [dreg:$0xf];
	[sflag:s3] =	ssyncadd.s32 $0xFFFFEC00  }
0x3e: {  	[spmem:s21] =	stream.linear.scatter [tilespmem:s0], [sflag:$0xD], $0x1400, $0x38;
	[tilespmem:$0x1D680] =	vst v63  }
0x3f: {  	_ =	swait.ge [sflag:s3], $0x1400  }
0x40: {  	[sflag:s3] =	ssyncset.done $0x0  }
0x41: {  	s22 =	rddreg [dreg:$0x10];
	[sflag:s3] =	ssyncadd.s32 $0xFFFFEC00  }
0x42: {  	[spmem:s22] =	stream.linear.scatter [tilespmem:s0], [sflag:$0xD], $0x1400, $0x38;
	[tilespmem:$0x1D680] =	vst v63  }
0x43: {  	_ =	swait.ge [sflag:s3], $0x1400  }
0x44: {  	[sflag:s3] =	ssyncset.done $0x0  }
0x45: {  	s15 =	rddreg [dreg:$0x11];
	[sflag:s3] =	ssyncadd.s32 $0xFFFFEC00  }
0x46: {  	[spmem:s15] =	stream.linear.scatter [tilespmem:s0], [sflag:$0xD], $0x1400, $0x38;
	[tilespmem:$0x1D680] =	vst v63  }
0x47: {  	_ =	swait.ge [sflag:s3], $0x1400  }
0x48: {  	[sflag:s3] =	ssyncset.done $0x0  }
0x49: {  	[sflag:s3] =	ssyncadd.s32 $0xFFFFEC00  }
0x4a: {  	[spmem:s23] =	stream.linear.scatter [tilespmem:s0], [sflag:$0xD], $0x1400, $0x38;
	[tilespmem:$0x1D680] =	vst v63  }
0x4b: {  	_ =	swait.ge [sflag:s3], $0x1400  }
0x4c: {  	[sflag:s3] =	ssyncset.done $0x0  }
0x4d: {  	[sflag:s3] =	ssyncadd.s32 $0xFFFFEC00  }
0x4e: {  	[spmem:s25] =	stream.linear.scatter [tilespmem:s0], [sflag:$0xD], $0x1400, $0x38;
	[tilespmem:$0x1D680] =	vst v63  }
0x4f: {  	_ =	swait.ge [sflag:s3], $0x1400  }
0x50: {  	[sflag:s3] =	ssyncset.done $0x0  }
0x51: {  	[sflag:s3] =	ssyncadd.s32 $0xFFFFEC00  }
0x52: {  	[spmem:s26] =	stream.linear.scatter [tilespmem:s0], [sflag:$0xD], $0x1400, $0x38;
	[tilespmem:$0x1D680] =	vst v63  }
0x53: {  	_ =	swait.ge [sflag:s3], $0x1400  }
0x54: {  	[sflag:s3] =	ssyncset.done $0x0  }
0x55: {  	[sflag:s3] =	ssyncadd.s32 $0xFFFFEC00  }
0x56: {  	[spmem:s28] =	stream.linear.scatter [tilespmem:s0], [sflag:$0xD], $0x1400, $0x38;
	[tilespmem:$0x1D680] =	vst v63  }
0x57: {  	_ =	swait.ge [sflag:s3], $0x1400  }
0x58: {  	[sflag:s3] =	ssyncset.done $0x0  }
0x59: {  	[sflag:s3] =	ssyncadd.s32 $0xFFFFEC00  }
0x5a: {  	[spmem:s29] =	stream.linear.scatter [tilespmem:s0], [sflag:$0xD], $0x1400, $0x38;
	[tilespmem:$0x1D680] =	vst v63  }
0x5b: {  	_ =	swait.ge [sflag:s3], $0x1400  }
0x5c: {  	[sflag:s3] =	ssyncset.done $0x0  }
0x5d: {  	[sflag:s3] =	ssyncadd.s32 $0xFFFFEC00  }
0x5e: {  	[spmem:s30] =	stream.linear.scatter [tilespmem:s0], [sflag:$0xD], $0x1400, $0x38;
	[tilespmem:$0x1D680] =	vst v63  }
0x5f: {  	_ =	swait.ge [sflag:s3], $0x1400  }
0x60: {  	[sflag:s3] =	ssyncset.done $0x0  }
0x61: {  	[sflag:s3] =	ssyncadd.s32 $0xFFFFEC00  }
0x62: {  	[spmem:s31] =	stream.linear.scatter [tilespmem:s0], [sflag:$0xD], $0x1400, $0x38;
	[tilespmem:$0x1D680] =	vst v63  }
0x63: {  	_ =	swait.ge [sflag:s3], $0x1400  }
0x64: {  	[sflag:s3] =	ssyncset.done $0x0  }
0x65: {  	s14 =	simm.s32 @!p0 $0x8800;
	s15 =	rddreg [dreg:$0x3];
	[sflag:s3] =	ssyncadd.s32 $0xFFFFEC00  }
0x66: {  	[spmem:s15] =	stream.linear.scatter @!p0 [tilespmem:s14], [sflag:$0xD], $0x1400, $0x38;
	[tilespmem:$0x1D680] =	vst v63  }
0x67: {  	s14 =	simm.s32 @!p0 $0xD  }
0x68: {  	_ =	swait.ge @!p0 [sflag:s14], $0x1400  }
0x69: {  	[sflag:s14] =	ssyncset.done @!p0 $0x0  }
0x6a: {  	[sflag:s14] =	ssyncadd.s32 @!p0 $0xFFFFEC00  }
0x6b: {  	[bflag:$0x0] =	sbarrier.arrive $0xFFFF  }
0x6c: {  	s14 =	simm.s32 $0x0;
	s17 =	rddreg [dreg:$0x4]  }
0x6d: {  	[tilespmem:s14], [sflag:$0x1] =	stream.linear.gather [hbm4b:s17+s14], $0x40, $0x38;
	[tilespmem:$0x1D680] =	vst v63  }
0x6e: {  	s18 =	rddreg [dreg:$0x5];
	s17 =	simm.s32 $0x400  }
0x6f: {  	[tilespmem:s17], [sflag:$0x1] =	stream.linear.gather [hbm4b:s18+s14], $0x40, $0x38;
	[tilespmem:$0x1D680] =	vst v63  }
0x70: {  	s20 =	simm.s32 $0x80;
	s19 =	rddreg [dreg:$0x6]  }
0x71: {  	[tilespmem:s20], [sflag:$0x2] =	stream.linear.gather [hbm4b:s19+s14], $0x40, $0x38;
	[tilespmem:$0x1D680] =	vst v63  }
0x72: {  	s22 =	simm.s32 $0x480;
	s21 =	rddreg [dreg:$0x7]  }
0x73: {  	[tilespmem:s22], [sflag:$0x2] =	stream.linear.gather [hbm4b:s21+s14], $0x40, $0x38;
	[tilespmem:$0x1D680] =	vst v63  }
0x74: {  	s15 =	simm.s32 $0xFFFFFF00;
	s22 =	smov.u32 s16;
	s21 =	rddreg [dreg:$0x12]  }
.LBB2_4:
0x75: {  	p1 =	sgt.u32 s14, $0x9A  }
0x76: {  	s18 =	sadd.s32 @!p1 $0x2, s14  }
0x77: {  	s19 =	sadd.s32 @!p1 $0x200, s15;
	s18 =	sand.u32 @!p1 $0x3, s18  }
0x78: {  	s20 =	simm.s32 @!p1 $0x0;
	s19 =	sand.u32 @!p1 $0x380, s19;
	s18 =	sadd.s32 @!p1 $0x1, s18  }
0x79: {  	[tilespmem:s19], [sflag:s18] =	stream.linear.gather @!p1 [hbm4b:s21+s20], $0x40, $0x38;
	[tilespmem:$0x1D680] =	vst v63  }
0x7a: {  	p2 =	slt.u32 @!p1 s14, $0x4;
	s19 =	sor.u32 @!p1 $0x400, s19  }
0x7b: {  	[tilespmem:s19], [sflag:s18] =	stream.linear.gather @!p1 [hbm4b:s22+s20], $0x40, $0x38;
	[tilespmem:$0x1D680] =	vst v63  }
0x7c: {  	p1 =	por p1, !p2;
	s18 =	smov.u32 s14  }
0x7d: {  	s18 =	sand.u32 @p1 $0x3, s14  }
0x7e: {  	s19 =	sadd.s32 @p1 $0x9, s18  }
0x7f: {  	_ =	swait.ge @p1 [sflag:s19], $0x2000  }
0x80: {  	[sflag:s19] =	ssyncset.done @p1 $0x0  }
0x81: {  	s20 =	sadd.s32 $0x1, s18;
	[sflag:s19] =	ssyncadd.s32 @p1 $0xFFFFE000  }
0x82: {  	_ =	swait.ge [sflag:s20], $0x40  }
0x83: {  	[sflag:s20] =	ssyncset.done $0x0  }
0x84: {  	[sflag:s20] =	ssyncadd.s32 $0xFFFFFFC0  }
0x85: {  	_ =	swait.ge [sflag:s20], $0x40  }
0x86: {  	s17 =	sshll.u32 s18, $0xD;
	s18 =	sadd.s32 $0x5, s18;
	[sflag:s20] =	ssyncset.done $0x0  }
0x87: {  	[sflag:s20] =	ssyncadd.s32 $0xFFFFFFC0;
	s20 =	sand.u32 $0x3FFFE000, s17;
	s17 =	sadd.s32 $0x100, s15  }
0x88: {  	p1 =	slt.u32 s14, $0x2;
	s19 =	sor.u32 $0x800, s20;
	s20 =	sand.u32 $0x380, s17  }
0x89: {  	[tilespmem:s19], [sflag:s18] =	stream.indirect.gather [hbm4b:s4+s6], $0x80, s20, s6, $0xb8;
	[tilespmem:$0x1D680] =	vst v63  }
0x8a: {  	s18 =	sadd.s32 @!p1 $0xFFFFFFFE, s14  }
0x8b: {  	s18 =	sand.u32 @!p1 $0x3, s18  }
0x8c: {  	s19 =	sadd.s32 @!p1 $0x5, s18  }
0x8d: {  	_ =	swait.ge @!p1 [sflag:s19], $0x2000  }
0x8e: {  	s17 =	simm.s32 @!p1 $0x40;
	s14 =	sadd.s32 $0x1, s14;
	[sflag:s19] =	ssyncset.done @!p1 $0x0  }
0x8f: {  	s20 =	sshll.u32 @!p1 s18, $0xD;
	[sflag:s19] =	ssyncadd.s32 @!p1 $0xFFFFE000;
	s19 =	sand.u32 @!p1 $0x380, s15  }
0x90: {  	s18 =	sadd.s32 @!p1 $0x9, s18;
	s20 =	sor.u32 @!p1 $0x800, s20;
	s19 =	sor.u32 @!p1 $0x400, s19  }
0x91: {  	[spmem:s1] =	stream.indirect.scatter.add.f32 @!p1 [tilespmem:s20], [sflag:s18], $0x80, s19, s17, $0xb8;
	[tilespmem:$0x1D680] =	vst v63  }
0x92: {  	p1 =	sne.s32 s14, $0x9D  }
.Ltmp1:
0x93: {  	_ = 	snop;
	(pc) =	sbr.rel @p1 .LBB2_4-.Ltmp1, $2  }
0x94: {  	_ =	sdelay $0x2  }
0x95: {  	s21 =	sadd.s32 $0x8, s21;
	s22 =	sadd.s32 $0x8, s22;
	s15 =	sadd.s32 $0x80, s15  }
0x96: {  	_ =	swait.ge [sflag:s7], $0x2000  }
0x97: {  	[sflag:s7] =	ssyncset.done $0x0  }
0x98: {  	s14 =	simm.s32 $0x580;
	s15 =	simm.s32 $0x6800;
	[sflag:s7] =	ssyncadd.s32 $0xFFFFE000  }
0x99: {  	[spmem:s1] =	stream.indirect.scatter.add.f32 [tilespmem:s15], [sflag:$0xC], $0x80, s14, s6, $0xb8;
	[tilespmem:$0x1D680] =	vst v63  }
0x9a: {  	_ =	swait.ge [sflag:s8], $0x2000  }
0x9b: {  	[sflag:s8] =	ssyncset.done $0x0  }
0x9c: {  	s20 =	simm.s32 $0x600;
	s21 =	simm.s32 $0x800;
	[sflag:s8] =	ssyncadd.s32 $0xFFFFE000  }
0x9d: {  	[spmem:s1] =	stream.indirect.scatter.add.f32 [tilespmem:s21], [sflag:$0x9], $0x80, s20, s6, $0xb8;
	[tilespmem:$0x1D680] =	vst v63  }
0x9e: {  	_ =	swait.ge [sflag:s9], $0x2000  }
0x9f: {  	[sflag:s9] =	ssyncset.done $0x0  }
0xa0: {  	[sflag:s9] =	ssyncadd.s32 $0xFFFFE000  }
0xa1: {  	_ =	swait.ge [sflag:s10], $0x2000  }
0xa2: {  	[sflag:s10] =	ssyncset.done $0x0  }
0xa3: {  	[sflag:s10] =	ssyncadd.s32 $0xFFFFE000  }
0xa4: {  	_ =	swait.ge [sflag:s11], $0x2000  }
0xa5: {  	[sflag:s11] =	ssyncset.done $0x0  }
0xa6: {  	[sflag:s11] =	ssyncadd.s32 $0xFFFFE000  }
0xa7: {  	_ =	swait.ge [sflag:s12], $0x2000  }
0xa8: {  	[sflag:s12] =	ssyncset.done $0x0  }
0xa9: {  	[sflag:s12] =	ssyncadd.s32 $0xFFFFE000  }
0xaa: {  	[bflag:$0x0] =	sbarrier.arrive $0xFFFF  }
0xab: {  	[tilespmem:s0], [sflag:$0xD] =	stream.linear.gather [spmem:s5], $0x1400, $0x38;
	[tilespmem:$0x1D680] =	vst v63  }
0xac: {  	_ =	swait.ge [sflag:s3], $0x1400  }
0xad: {  	[sflag:s3] =	ssyncset.done $0x0  }
0xae: {  	s22 =	sadd.s32 $0x0, s24;
	[sflag:s3] =	ssyncadd.s32 $0xFFFFEC00  }
0xaf: {  	[hbm4b:s22+s2] =	stream.linear.scatter [tilespmem:s0], [sflag:$0xD], $0x1400, $0x38;
	[tilespmem:$0x1D680] =	vst v63  }
0xb0: {  	_ =	swait.ge [sflag:s3], $0x1400  }
0xb1: {  	s14 =	simm.s32 $0x2800;
	s15 =	smov.u32 s5;
	[sflag:s3] =	ssyncset.done $0x0  }
.LBB2_6:
0xb2: {  	p1 =	sne.s32 s14, $0x23000;
	[sflag:s3] =	ssyncadd.s32 $0xFFFFEC00;
	s15 =	sadd.s32 $0x14000, s15  }
0xb3: {  	[tilespmem:s0], [sflag:$0xD] =	stream.linear.gather [spmem:s15], $0x1400, $0x38;
	[tilespmem:$0x1D680] =	vst v63  }
0xb4: {  	s17 =	smov.u32 s14;
	s14 =	sadd.s32 $0x2800, s14;
	_ =	swait.ge [sflag:s3], $0x1400  }
.Ltmp2:
0xb5: {  	[sflag:s3] =	ssyncset.done $0x0;
	(pc) =	sbr.rel @p1 .LBB2_6-.Ltmp2, $4  }
0xb6: {  	s17 =	sadd.s32 s17, s24;
	[sflag:s3] =	ssyncadd.s32 $0xFFFFEC00  }
0xb7: {  	[hbm4b:s17+s2] =	stream.linear.scatter [tilespmem:s0], [sflag:$0xD], $0x1400, $0x38;
	[tilespmem:$0x1D680] =	vst v63  }
0xb8: {  	_ =	swait.ge [sflag:s3], $0x1400  }
0xb9: {  	[sflag:s3] =	ssyncset.done $0x0  }
0xba: {  	[sflag:s3] =	ssyncadd.s32 $0xFFFFEC00;
	s14 =	simm.s32 @!p0 $0x8800;
	s15 =	rddreg [dreg:$0x8]  }
0xbb: {  	[tilespmem:s14], [sflag:$0xD] =	stream.linear.gather @!p0 [spmem:s15], $0x1400, $0x38;
	[tilespmem:$0x1D680] =	vst v63  }
0xbc: {  	s15 =	simm.s32 @!p0 $0xD  }
0xbd: {  	_ =	swait.ge @!p0 [sflag:s15], $0x1400  }
0xbe: {  	[sflag:s15] =	ssyncset.done @!p0 $0x0  }
0xbf: {  	s17 =	simm.s32 @!p0 $0x0;
	s18 =	rddreg [dreg:$0x9];
	[sflag:s15] =	ssyncadd.s32 @!p0 $0xFFFFEC00  }
0xc0: {  	[hbm4b:s18+s17] =	stream.linear.scatter @!p0 [tilespmem:s14], [sflag:$0xD], $0x1400, $0x38;
	[tilespmem:$0x1D680] =	vst v63  }
0xc1: {  	_ =	swait.ge @!p0 [sflag:s15], $0x1400  }
0xc2: {  	s13 =	sadd.s32 $0x1, s13;
	s22 =	rddreg [dreg:$0xa]  }
0xc3: {  	p1 =	sne.s32 s13, s22  }
.Ltmp3:
0xc4: {  	_ = 	snop;
	(pc) =	sbr.rel @p1 .LBB2_1-.Ltmp3, $3  }
0xc5: {  	_ =	sdelay $0x1  }
0xc6: {  	[sflag:s15] =	ssyncset.done @!p0 $0x0  }
0xc7: {  	[sflag:s15] =	ssyncadd.s32 @!p0 $0xFFFFEC00  }
0xc8: {  	_ =	sfence.sel $0x180000  }
0xc9: {  	[bflag:$0x0] =	sbarrier.arrive $0xFFFF  }
0xca: {  	_ =	strace $0x90000050  }
0xcb: {  	s0 =	stileid.u32;
	[bflag:$0x2] =	sbarrier.arrive $0xFFFF  }
0xcc: {  	p0 =	sne.s32 s0, $0x0;
	s0 =	rddreg [dreg:$0x2]  }
0xcd: {  	s0 =	sadd.s32 @!p0 $0x100000, s0  }
0xce: {  	[sflag:s0] =	ssyncadd.tile.s32 @!p0 $0x1;
	_ =	shalt  }
.Lfunc_end2:
_tile_overlayer_lowered:
.L_overlay_start_2:
0xcf: {  	(tag) =	ssettag $0x2  }
0xd0: {  	s0 =	rddreg [dreg:$0x0];
	s2 =	stileid.u32  }
0xd1: {  	s1 =	rddreg [dreg:$0x1];
	p0 =	sne.s32 s2, $0x0  }
0xd2: {  	s3 =	rddreg [dreg:$0x2];
	[bflag:$0x3] =	sbarrier.arrive $0xFFFF;
	s2 =	simm.s32 @!p0 $0x1C0D  }
0xd3: {  	[timem:s3], [sflag:s2] =	dma.local @!p0 [hbm:s0], s1  }
0xd4: {  	s0 =	simm.s32 @!p0 $0xD  }
0xd5: {  	_ =	swait.ge @!p0 [sflag:s0], s1  }
0xd6: {  	s1 =	ssub.s32 @!p0 $0x0, s1;
	[sflag:s0] =	ssyncset.done @!p0 $0x0  }
0xd7: {  	[sflag:s0] =	ssyncadd.s32 @!p0 s1  }
0xd8: {  	[bflag:$0x3] =	sbarrier.arrive $0xFFFF  }
0xd9: {  	_ =	shalt  }

// kernel: kernel.23.cloned.1.call-start
scs
__scs_entry_jumppad:
0x0: {  	(pc) =	sbr.rel $0x88, $3  }
0x1: {  	(tag) =	ssettag $0x0;
	lr =	simm.s32 $0x1  }
0x2: {  	[smem:$0x3F89] =	sst lr;
	_ =	strace $0xD0000000  }
0x3: {  	_ = 	snop  }
0x4: {  	_ = 	snop  }
0x5: {  	_ = 	snop  }
0x6: {  	_ = 	snop  }
0x7: {  	_ = 	snop  }
__scs_overlays_trampoline_lowered:
0x8: {  	[smem:$0x3F98] =	sst s0  }
0x9: {  	[smem:$0x3F99] =	sst s1  }
0xa: {  	[smem:$0x3F9A] =	sst s2  }
0xb: {  	[smem:$0x3F9B] =	sst s3  }
0xc: {  	[smem:$0x3F9C] =	sst s4  }
0xd: {  	[smem:$0x3F9D] =	sst s5  }
0xe: {  	[smem:$0x3F9E] =	sst s6  }
0xf: {  	[smem:$0x3F9F] =	sst s7  }
0x10: {  	[smem:$0x3FA0] =	sst s8  }
0x11: {  	[smem:$0x3FA1] =	sst s9;
	s0 =	simm.s32 @!p0 $0x0  }
0x12: {  	s1 =	sld [smem:$0x3F87];
	s0 =	simm.s32 @p0 $0x1  }
0x13: {  	[smem:$0x3FA2] =	sst s0;
	s0 =	simm.s32 @!p1 $0x0  }
0x14: {  	s2 =	sld [smem:$0x3F86];
	s0 =	simm.s32 @p1 $0x1  }
0x15: {  	[smem:$0x3FA3] =	sst s0;
	s0 =	simm.s32 @!p2 $0x0  }
0x16: {  	s3 =	sld [smem:$0x3FDB];
	s0 =	simm.s32 @p2 $0x1  }
0x17: {  	s4 =	simm.s32 $0x1BF5;
	[smem:$0x3FA5] =	sst s0  }
0x18: {  	s0 =	sld [smem:$0x3F88];
	_ =	swait.ge [sflag:s4], $0x0  }
0x19: {  	s7 =	sld [smem:$0x3F89]  }
0x1a: {  	s8 =	sadd.s32 $0xFFFFE003, lr  }
0x1b: {  	s9 =	sadd.s32 $0xFFFFFEF7, lr;
	s5 =	simm.s32 $0xFFFFFFFF;
	p2 =	slt.u32 s8, $0xFFFFF086  }
0x1c: {  	p1 =	slt.u32 s9, $0xF7A;
	s5 =	simm.s32 @!p2 $0x0  }
0x1d: {  	s5 =	simm.s32 @p1 $0x1;
	p0 =	seq.s32 s7, s2  }
0x1e: {  	s7 =	smul.u32 @!p0 $0xF7A, s2;
	p2 =	seq.s32 @!p0 s5, $0x0  }
0x1f: {  	s9 =	smul.u32 $0xF7A, s1;
	s8 =	simm.s32 @!p0 $0x1BF5;
	p2 =	por !p2, p0  }
0x20: {  	[sflag:s8] =	ssyncset.s32 @!p0 $0xFFFFF086;
	s6 =	sadd.s32 @!p0 s3, s7;
	s7 =	simm.s32 @!p0 $0x108  }
0x21: {  	s3 =	sadd.s32 s3, s9;
	s6 =	sadd.s32 @!p0 $0x88, s6;
	s7 =	simm.s32 @p2 $0x1082  }
0x22: {  	[simem:s7], [sflag:s8] =	dma.local @!p0 [hbm:s6], $0xF7A  }
0x23: {  	s9 =	sor.u32 $0xD0000000, s2;
	s6 =	simm.s32 $0x108;
	_ =	swait.ge @!p0 [sflag:s8], $0x0  }
0x24: {  	s3 =	sadd.s32 $0x88, s3;
	s6 =	simm.s32 @!p1 $0x1082;
	[sflag:s4] =	ssyncset.s32 $0xFFFFF086  }
0x25: {  	[simem:s6], [sflag:s4] =	dma.local [hbm:s3], $0xF7A  }
0x26: {  	[smem:$0x3F89] =	sst s1;
	(tag) =	ssettag s2;
	_ =	strace s9  }
0x27: {  	s1 =	sld [smem:$0x3F99]  }
0x28: {  	s2 =	sld [smem:$0x3F9A]  }
0x29: {  	s4 =	sld [smem:$0x3F9C]  }
0x2a: {  	p0 =	seq.s32 s5, $0x0;
	s5 =	sld [smem:$0x3F9D]  }
0x2b: {  	s6 =	sld [smem:$0x3F9E]  }
0x2c: {  	s7 =	sld [smem:$0x3F9F]  }
0x2d: {  	s3 =	simm.s32 $0x108;
	s8 =	sld [smem:$0x3FA0]  }
0x2e: {  	s3 =	simm.s32 @!p0 $0x1082;
	s9 =	sld [smem:$0x3FA1]  }
0x2f: {  	lr =	sadd.s32 s0, s3;
	s0 =	sld [smem:$0x3F98]  }
0x30: {  	s3 =	sld [smem:$0x3F9B]  }
0x31: {  	[smem:$0x3FA4] =	sst s10  }
0x32: {  	s10 =	sld [smem:$0x3FA2];
	_ =	sdelay $0x3  }
0x33: {  	p0 =	seq.s32 s10, $0x1;
	s10 =	sld [smem:$0x3FA4];
	_ =	sdelay $0x3  }
0x34: {  	[smem:$0x3FA4] =	sst s10  }
0x35: {  	s10 =	sld [smem:$0x3FA3];
	_ =	sdelay $0x3  }
0x36: {  	p1 =	seq.s32 s10, $0x1;
	s10 =	sld [smem:$0x3FA4];
	_ =	sdelay $0x3  }
0x37: {  	[smem:$0x3FA4] =	sst s10  }
0x38: {  	s10 =	sld [smem:$0x3FA5]  }
0x39: {  	_ = 	snop;
	(pc) =	sbr.ind lr, $3  }
0x3a: {  	_ = 	snop  }
0x3b: {  	_ = 	snop  }
0x3c: {  	p2 =	seq.s32 s10, $0x1;
	s10 =	sld [smem:$0x3FA4]  }
0x3d: {  	_ =	shalt  }
0x3e: {  	_ =	shalt  }
0x3f: {  	_ =	shalt  }
0x40: {  	_ =	shalt  }
0x41: {  	_ =	shalt  }
0x42: {  	_ =	shalt  }
0x43: {  	_ =	shalt  }
0x44: {  	_ =	shalt  }
0x45: {  	_ =	shalt  }
0x46: {  	_ =	shalt  }
0x47: {  	_ =	shalt  }
0x48: {  	_ =	shalt  }
0x49: {  	_ =	shalt  }
0x4a: {  	_ =	shalt  }
0x4b: {  	_ =	shalt  }
0x4c: {  	_ =	shalt  }
0x4d: {  	_ =	shalt  }
0x4e: {  	_ =	shalt  }
0x4f: {  	_ =	shalt  }
0x50: {  	_ =	shalt  }
0x51: {  	_ =	shalt  }
0x52: {  	_ =	shalt  }
0x53: {  	_ =	shalt  }
0x54: {  	_ =	shalt  }
0x55: {  	_ =	shalt  }
0x56: {  	_ =	shalt  }
0x57: {  	_ =	shalt  }
0x58: {  	_ =	shalt  }
0x59: {  	_ =	shalt  }
0x5a: {  	_ =	shalt  }
0x5b: {  	_ =	shalt  }
0x5c: {  	_ =	shalt  }
0x5d: {  	_ =	shalt  }
0x5e: {  	_ =	shalt  }
0x5f: {  	_ =	shalt  }
0x60: {  	_ =	shalt  }
0x61: {  	_ =	shalt  }
0x62: {  	_ =	shalt  }
0x63: {  	_ =	shalt  }
0x64: {  	_ =	shalt  }
0x65: {  	_ =	shalt  }
0x66: {  	_ =	shalt  }
0x67: {  	_ =	shalt  }
0x68: {  	_ =	shalt  }
0x69: {  	_ =	shalt  }
0x6a: {  	_ =	shalt  }
0x6b: {  	_ =	shalt  }
0x6c: {  	_ =	shalt  }
0x6d: {  	_ =	shalt  }
0x6e: {  	_ =	shalt  }
0x6f: {  	_ =	shalt  }
0x70: {  	_ =	shalt  }
0x71: {  	_ =	shalt  }
0x72: {  	_ =	shalt  }
0x73: {  	_ =	shalt  }
0x74: {  	_ =	shalt  }
0x75: {  	_ =	shalt  }
0x76: {  	_ =	shalt  }
0x77: {  	_ =	shalt  }
0x78: {  	_ =	shalt  }
0x79: {  	_ =	shalt  }
0x7a: {  	_ =	shalt  }
0x7b: {  	_ =	shalt  }
0x7c: {  	_ =	shalt  }
0x7d: {  	_ =	shalt  }
0x7e: {  	_ =	shalt  }
0x7f: {  	_ =	shalt  }
0x80: {  	_ =	shalt  }
0x81: {  	_ =	shalt  }
0x82: {  	_ =	shalt  }
0x83: {  	_ =	shalt  }
0x84: {  	_ =	shalt  }
0x85: {  	_ =	shalt  }
0x86: {  	_ =	shalt  }
0x87: {  	_ =	shalt  }
.Lfunc_end0:
.L_simem_size_0:
called_computation.4_lowered:
.L_overlay_start_0:
0x88: {  	s2 =	sld [smem:$0x3FD9]  }
0x89: {  	s3 =	sld [smem:$0x3FFE];
	_ =	sdelay $0x1  }
0x8a: {  	s1 =	srdreg.scid  }
0x8b: {  	s0 =	sand.u32 $0x1, s1  }
0x8c: {  	s16 =	sshll.u32 s0, $0xA;
	s2 =	sadd.s32 s3, s2  }
0x8d: {  	s2 =	sadd.s32 s2, s16  }
0x8e: {  	[smem:$0x3FB0] =	sst s2  }
0x8f: {  	_ = 	snop  }
0x90: {  	(tm) =	ssettm $0x1  }
0x91: {  	s17 =	sld [smem:$0x3FFB];
	_ =	sdelay $0x3  }
0x92: {  	_ =	strace s17  }
0x93: {  	s2 =	sld [smem:$0x3FFC];
	_ =	sdelay $0x3  }
0x94: {  	_ =	strace s2  }
0x95: {  	s2 =	sld [smem:$0x3FFD];
	_ =	sdelay $0x3  }
0x96: {  	_ =	strace s2  }
0x97: {  	_ =	strace $0x8FFFFFFF  }
0x98: {  	s18 =	sld [smem:$0x3FDB];
	_ =	sdelay $0x1  }
0x99: {  	s19 =	simm.s32 $_scs_section_size  }
0x9a: {  	s4 =	simm.s32 $_size__tile_overlayer_lowered;
	s5 =	simm.s32 $_tile_overlayer_lowered  }
0x9b: {  	s22 =	simm.s32 $0x1BFF;
	s21 =	sshll.u32 s5, $0x1;
	s2 =	sadd.s32 s19, s18  }
0x9c: {  	s6 =	simm.s32 $0x0;
	s20 =	sshll.u32 s4, $0x1;
	s4 =	sadd.s32 s21, s2  }
0x9d: {  	[timem:s6], [sflag:s22] =	dma.local [hbm:s4], s20  }
0x9e: {  	_ =	swait.ge [sflag:s22], s20  }
0x9f: {  	s3 =	ssub.s32 $0x0, s20;
	[sflag:s22] =	ssyncset.done $0x0  }
0xa0: {  	[sflag:s22] =	ssyncadd.s32 s3;
	_ =	sdelay $0x1  }
0xa1: {  	s23 =	simm.s32 $0x1B8B  }
0xa2: {  	_ =	swait.ge [sflag:s23], $0x1  }
0xa3: {  	[sflag:s23] =	ssyncset.done $0x0  }
0xa4: {  	s25 =	simm.s32 $0x1B8E;
	s24 =	sld [smem:$0x3FFE];
	[sflag:s23] =	ssyncadd.s32 $0xFFFFFFFF  }
0xa5: {  	s26 =	simm.s32 $execute0_lowered;
	[smem:$0x3FD2] =	sst s25  }
0xa6: {  	s4 =	sshll.u32 s26, $0x1;
	_ =	strace $0x80000052;
	[dreg:$0x1] =	wrdreg $0xFFFFFFFF  }
0xa7: {  	s28 =	simm.s32 $_size_execute0_lowered;
	s2 =	sadd.s32 s2, s4;
	[dreg:$0x0] =	wrdreg $0x0  }
0xa8: {  	s4 =	sshll.u32 s28, $0x1;
	[dreg:$0x2] =	wrdreg s2  }
0xa9: {  	[dreg:$0x3] =	wrdreg s4  }
0xaa: {  	[dreg:$0x4] =	wrdreg $0xC0  }
0xab: {  	_ =	task [dreg:s6], $0x5FFFF  }
0xac: {  	[dreg:$0x1] =	wrdreg $0xFFFFFFFF  }
0xad: {  	[dreg:$0x0] =	wrdreg $0x60  }
0xae: {  	[dreg:$0x2] =	wrdreg s24  }
0xaf: {  	[dreg:$0x3] =	wrdreg $0x9  }
0xb0: {  	_ =	task.clear_ibuf [dreg:s6], $0x4FFFF;
	_ =	strace $0x90000052  }
0xb1: {  	s29 =	simm.s32 $0x9;
	_ =	strace $0x80000054  }
0xb2: {  	_ =	swait.ge [sflag:s29], $0x1  }
0xb3: {  	[sflag:s29] =	ssyncadd.s32 $0xFFFFFFFF  }
0xb4: {  	_ =	strace $0x90000054  }
0xb5: {  	_ =	sfence  }
0xb6: {  	s30 =	sld [smem:$0x0];
	_ =	sdelay $0x2  }
0xb7: {  	s31 =	sshll.u32 s1, $0xD;
	s1 =	sshrl.u32 s1, $0x2  }
0xb8: {  	s3 =	sand.u32 $0x4000, s31;
	s1 =	sadd.s32 s1, s30  }
0xb9: {  	s0 =	sor.u32 s3, s0;
	s1 =	sshll.u32 s1, $0x11  }
0xba: {  	s0 =	sor.u32 s1, s0  }
0xbb: {  	s0 =	sadd.s32 $0x8F2B, s0  }
0xbc: {  	[sflag:s0] =	ssyncadd.remote.s32 $0x1  }
0xbd: {  	_ =	sfence.sel $0xFFFF  }
0xbe: {  	[dreg:$0x0] =	wrdreg $0xFFFFFFFF;
	(pc) =	sbr.abs _section_cstart, $3  }
0xbf: {  	[dreg:$0x1] =	wrdreg $0xFFFFFFFF  }
0xc0: {  	_ =	task.clear_ibuf [dreg:s6], $0x2FFFF;
	_ =	strace $0x9FFFFFFF  }
0xc1: {  	(tm) =	ssettm $0x7FFFFFFF  }
tec
execute0_lowered:
.L_overlay_start_1:
0x0: {  	(tag) =	ssettag $0x1  }
0x1: {  	s0 =	rddreg [dreg:$0x0]  }
0x2: {  	s2 =	simm.s32 $0x0;
	s1 =	srdreg.scid;
	s16 =	stileid.u32  }
0x3: {  	s18 =	simm.s32 $0x50;
	s19 =	simm.s32 $0x8;
	s21 =	simm.s32 $0x8000  }
0x4: {  	s22 =	simm.s32 $0xB;
	s24 =	simm.s32 $0xC;
	s28 =	simm.s32 $0xF  }
0x5: {  	s29 =	simm.s32 $0x10;
	s30 =	simm.s32 $0x0;
	s14 =	smul.u32 $0xA00, s16  }
0x6: {  	s1 =	sand.u32 $0x1, s1;
	s5 =	sshll.u32 s16, $0x1;
	s16 =	smul.u32 $0x14, s16  }
0x7: {  	[smem:$0x7FF] =	sst s2;
	s3 =	sadd.s32 $0x4E00, s0;
	s15 =	smul.u32 $0x500, s1  }
0x8: {  	s5 =	sor.u32 s1, s5;
	s6 =	ssub.s32 $0x2, s1;
	s1 =	smul.u32 $0xA, s1  }
0x9: {  	s4 =	sadd.s32 $0x2C000, s0;
	s12 =	sadd.s32 $0x94200, s0;
	s7 =	smul.u32 $0xA, s5  }
0xa: {  	s13 =	sadd.s32 $0x8DE00, s0;
	s0 =	sadd.s32 $0x9A600, s0;
	s9 =	smul.u32 $0x50, s5  }
0xb: {  	_ =	strace $0x80000053;
	s8 =	sshrl.u32 s6, $0x1;
	s25 =	smul.u32 $0x2800, s5  }
0xc: {  	s11 =	ssub.s32 s6, s8;
	s26 =	sadd.s32 s12, s7;
	s6 =	sadd.s32 s13, s7  }
0xd: {  	s31 =	sshrl.u32 s9, $0x3;
	s8 =	sshrl.u32 s25, $0x3;
	s11 =	smax.u32 s11, $0x1  }
0xe: {  	s25 =	simm.s32 $0xD;
	[dreg:$0x2] =	wrdreg s26;
	s9 =	sadd.s32 $0x140, s31  }
0xf: {  	s10 =	sadd.s32 s0, s8;
	s0 =	sadd.s32 s14, s0;
	s26 =	simm.s32 $0xE  }
0x10: {  	s7 =	sadd.s32 s12, s9;
	s8 =	sadd.s32 s13, s9;
	s9 =	sadd.s32 $0x30C000, s10  }
0x11: {  	s10 =	sadd.s32 $0x316000, s10;
	s12 =	sadd.s32 s16, s12;
	s13 =	sadd.s32 s16, s13  }
0x12: {  	s0 =	sadd.s32 s15, s0;
	s12 =	sadd.s32 s1, s12;
	s13 =	sadd.s32 s1, s13  }
0x13: {  	s1 =	sadd.s32 $0xFFFEC000, s0;
	s0 =	sadd.s32 $0x280, s12;
	s14 =	sadd.s32 $0x280, s13  }
.LBB2_1:
0x14: {  	s5 =	rddreg [dreg:$0x2]  }
0x15: {  	[tilespmem:s2], [sflag:$0x1] =	stream.linear.gather [hbm4b:s5+s2], $0x50, $0x38;
	[tilespmem:$0xA800] =	vst v63  }
0x16: {  	s17 =	simm.s32 $0x400;
	s20 =	simm.s32 $0x80  }
0x17: {  	[tilespmem:s17], [sflag:$0x1] =	stream.linear.gather [hbm4b:s6+s2], $0x50, $0x38;
	[tilespmem:$0xA800] =	vst v63  }
0x18: {  	s23 =	simm.s32 $0x480;
	s16 =	simm.s32 $0xFFFFFF80;
	s31 =	smov.u32 s14  }
0x19: {  	[tilespmem:s20], [sflag:$0x2] =	stream.linear.gather [hbm4b:s7+s2], $0x50, $0x38;
	[tilespmem:$0xA800] =	vst v63  }
0x1a: {  	s13 =	smov.u32 s0;
	s12 =	smov.u32 s1;
	s15 =	simm.s32 $0x0  }
0x1b: {  	[tilespmem:s23], [sflag:$0x2] =	stream.linear.gather [hbm4b:s8+s2], $0x50, $0x38;
	[tilespmem:$0xA800] =	vst v63  }
.LBB2_2:
0x1c: {  	p0 =	sgt.u32 s15, $0x4D  }
0x1d: {  	s17 =	sadd.s32 @!p0 $0x2, s15  }
0x1e: {  	s20 =	sadd.s32 @!p0 $0x180, s16;
	s17 =	sand.u32 @!p0 $0x3, s17  }
0x1f: {  	s23 =	simm.s32 @!p0 $0x0;
	s20 =	sand.u32 @!p0 $0x380, s20;
	s17 =	sadd.s32 @!p0 $0x1, s17  }
0x20: {  	[tilespmem:s20], [sflag:s17] =	stream.linear.gather @!p0 [hbm4b:s13+s23], $0x50, $0x38;
	[tilespmem:$0xA800] =	vst v63  }
0x21: {  	p1 =	slt.u32 @!p0 s15, $0x4;
	s20 =	sor.u32 @!p0 $0x400, s20  }
0x22: {  	[tilespmem:s20], [sflag:s17] =	stream.linear.gather @!p0 [hbm4b:s31+s23], $0x50, $0x38;
	[tilespmem:$0xA800] =	vst v63  }
0x23: {  	p0 =	por p0, !p1;
	s17 =	smov.u32 s15  }
0x24: {  	s17 =	sand.u32 @p0 $0x3, s15  }
0x25: {  	s20 =	sadd.s32 @p0 $0xD, s17  }
0x26: {  	_ =	swait.ge @p0 [sflag:s20], $0x2800  }
0x27: {  	[sflag:s20] =	ssyncset.done @p0 $0x0  }
0x28: {  	s23 =	sadd.s32 $0x1, s17;
	[sflag:s20] =	ssyncadd.s32 @p0 $0xFFFFD800  }
0x29: {  	_ =	swait.ge [sflag:s23], $0x50  }
0x2a: {  	[sflag:s23] =	ssyncset.done $0x0  }
0x2b: {  	[sflag:s23] =	ssyncadd.s32 $0xFFFFFFB0  }
0x2c: {  	s5 =	smul.u32 $0xA000, s17;
	_ =	swait.ge [sflag:s23], $0x50  }
0x2d: {  	s17 =	sadd.s32 $0x5, s17;
	[sflag:s23] =	ssyncset.done $0x0  }
0x2e: {  	s5 =	sshra.s32 s5, $0x2;
	[sflag:s23] =	ssyncadd.s32 $0xFFFFFFB0;
	s23 =	sadd.s32 $0x80, s16  }
0x2f: {  	s20 =	sadd.s32 $0x800, s5;
	p0 =	seq.s32 s15, $0x0;
	s5 =	sand.u32 $0x380, s23  }
0x30: {  	[tilespmem:s20], [sflag:s17] =	stream.indirect.gather [hbm4b:s3+s18], $0x80, s5, s18, $0xb8;
	[tilespmem:$0xA800] =	vst v63  }
0x31: {  	s5 =	sadd.s32 @!p0 $0xFFFFFFFF, s15  }
0x32: {  	s5 =	sand.u32 @!p0 $0x3, s5  }
0x33: {  	s16 =	sand.u32 @!p0 $0x380, s16;
	s17 =	smul.u32 @!p0 $0xA000, s5;
	s20 =	sadd.s32 @!p0 $0x5, s5  }
0x34: {  	p1 =	seq.s32 @!p0 s15, $0x1;
	s16 =	sor.u32 @!p0 $0x400, s16;
	_ =	swait.ge @!p0 [sflag:s20], $0x2800  }
0x35: {  	s5 =	sadd.s32 @!p0 $0x9, s5;
	s17 =	sshrl.u32 @!p0 s17, $0x2;
	[sflag:s20] =	ssyncset.done @!p0 $0x0  }
0x36: {  	s17 =	sadd.s32 @!p0 $0x800, s17;
	[sflag:s20] =	ssyncadd.s32 @!p0 $0xFFFFD800;
	s20 =	simm.s32 @!p0 $0x50  }
0x37: {  	[tilespmem:s17], [sflag:s5] =	stream.indirect.gather.add.f32 @!p0 [hbm:s4], $0x80, s16, s20, $0xb8;
	[tilespmem:$0xA800] =	vst v63  }
0x38: {  	p0 =	por p1, p0  }
0x39: {  	s5 =	sadd.s32 @!p0 $0xFFFFFFFE, s15  }
0x3a: {  	s5 =	sand.u32 @!p0 $0x3, s5  }
0x3b: {  	s16 =	sadd.s32 @!p0 $0x9, s5  }
0x3c: {  	s17 =	smul.u32 @!p0 $0xA000, s5;
	_ =	swait.ge @!p0 [sflag:s16], $0x2800  }
0x3d: {  	[sflag:s16] =	ssyncset.done @!p0 $0x0  }
0x3e: {  	s15 =	sadd.s32 $0x1, s15;
	[sflag:s16] =	ssyncadd.s32 @!p0 $0xFFFFD800;
	s16 =	sshrl.u32 @!p0 s17, $0x2  }
0x3f: {  	s5 =	sadd.s32 @!p0 $0xD, s5;
	s17 =	simm.s32 @!p0 $0x0;
	s16 =	sadd.s32 @!p0 $0x800, s16  }
0x40: {  	[hbm4b:s12+s17] =	stream.linear.scatter @!p0 [tilespmem:s16], [sflag:s5], $0x2800, $0x38;
	[tilespmem:$0xA800] =	vst v63  }
0x41: {  	p0 =	sne.s32 s15, $0x50  }
.Ltmp0:
0x42: {  	_ = 	snop;
	(pc) =	sbr.rel @p0 .LBB2_2-.Ltmp0, $3  }
0x43: {  	_ =	sdelay $0x1  }
0x44: {  	s13 =	sadd.s32 $0x140, s13  }
0x45: {  	s31 =	sadd.s32 $0x140, s31;
	s12 =	sadd.s32 $0xA000, s12;
	s16 =	smov.u32 s23  }
0x46: {  	_ =	swait.ge [sflag:s19], $0x2800  }
0x47: {  	[sflag:s19] =	ssyncset.done $0x0  }
0x48: {  	s5 =	simm.s32 $0x780;
	[sflag:s19] =	ssyncadd.s32 $0xFFFFD800  }
0x49: {  	[tilespmem:s21], [sflag:$0xC] =	stream.indirect.gather.add.f32 [hbm:s4], $0x80, s5, s18, $0xb8;
	[tilespmem:$0xA800] =	vst v63  }
0x4a: {  	_ =	swait.ge [sflag:s22], $0x2800  }
0x4b: {  	[sflag:s22] =	ssyncset.done $0x0  }
0x4c: {  	s31 =	simm.s32 $0x5800;
	[sflag:s22] =	ssyncadd.s32 $0xFFFFD800  }
0x4d: {  	[hbm4b:s9+s2] =	stream.linear.scatter [tilespmem:s31], [sflag:$0xF], $0x2800, $0x38;
	[tilespmem:$0xA800] =	vst v63  }
0x4e: {  	_ =	swait.ge [sflag:s24], $0x2800  }
0x4f: {  	[sflag:s24] =	ssyncset.done $0x0  }
0x50: {  	[sflag:s24] =	ssyncadd.s32 $0xFFFFD800  }
0x51: {  	[hbm4b:s10+s2] =	stream.linear.scatter [tilespmem:s21], [sflag:$0x10], $0x2800, $0x38;
	[tilespmem:$0xA800] =	vst v63  }
0x52: {  	_ =	swait.ge [sflag:s25], $0x2800  }
0x53: {  	[sflag:s25] =	ssyncset.done $0x0  }
0x54: {  	[sflag:s25] =	ssyncadd.s32 $0xFFFFD800  }
0x55: {  	_ =	swait.ge [sflag:s26], $0x2800  }
0x56: {  	[sflag:s26] =	ssyncset.done $0x0  }
0x57: {  	s30 =	sadd.s32 $0x1, s30;
	[sflag:s26] =	ssyncadd.s32 $0xFFFFD800  }
0x58: {  	p0 =	sne.s32 s30, s11;
	_ =	swait.ge [sflag:s28], $0x2800  }
.Ltmp1:
0x59: {  	[sflag:s28] =	ssyncset.done $0x0;
	(pc) =	sbr.rel @p0 .LBB2_1-.Ltmp1, $4  }
0x5a: {  	[sflag:s28] =	ssyncadd.s32 $0xFFFFD800  }
0x5b: {  	_ =	swait.ge [sflag:s29], $0x2800  }
0x5c: {  	[sflag:s29] =	ssyncset.done $0x0  }
0x5d: {  	[sflag:s29] =	ssyncadd.s32 $0xFFFFD800  }
0x5e: {  	_ =	sfence.sel $0x180000  }
0x5f: {  	[bflag:$0x0] =	sbarrier.arrive $0xFFFF  }
0x60: {  	_ =	strace $0x90000053  }
0x61: {  	s0 =	stileid.u32;
	[bflag:$0x2] =	sbarrier.arrive $0xFFFF  }
0x62: {  	p0 =	sne.s32 s0, $0x0;
	s0 =	rddreg [dreg:$0x1]  }
0x63: {  	s0 =	sadd.s32 @!p0 $0x100000, s0  }
0x64: {  	[sflag:s0] =	ssyncadd.tile.s32 @!p0 $0x1;
	_ =	shalt  }
.Lfunc_end2:
_tile_overlayer_lowered:
.L_overlay_start_2:
0x65: {  	(tag) =	ssettag $0x2  }
0x66: {  	s0 =	rddreg [dreg:$0x0];
	s2 =	stileid.u32  }
0x67: {  	s1 =	rddreg [dreg:$0x1];
	p0 =	sne.s32 s2, $0x0  }
0x68: {  	s3 =	rddreg [dreg:$0x2];
	[bflag:$0x3] =	sbarrier.arrive $0xFFFF;
	s2 =	simm.s32 @!p0 $0x1C11  }
0x69: {  	[timem:s3], [sflag:s2] =	dma.local @!p0 [hbm:s0], s1  }
0x6a: {  	s0 =	simm.s32 @!p0 $0x11  }
0x6b: {  	_ =	swait.ge @!p0 [sflag:s0], s1  }
0x6c: {  	s1 =	ssub.s32 @!p0 $0x0, s1;
	[sflag:s0] =	ssyncset.done @!p0 $0x0  }
0x6d: {  	[sflag:s0] =	ssyncadd.s32 @!p0 s1  }
0x6e: {  	[bflag:$0x3] =	sbarrier.arrive $0xFFFF  }
0x6f: {  	_ =	shalt  }

</sc_bundles>
